<compile_context>
chip_gen: v7x
topology: tpu7x:2x2x1
jax: 0.10.2.dev20260603
libtpu: 0.0.44.dev20260713+nightly
codegen_flags: <defaults>
</compile_context>

<pallas_src>
import functools

import jax
import jax.numpy as jnp
from jax import lax
from jax.experimental import pallas as pl
from jax.experimental.pallas import tpu as pltpu
from jax.experimental.pallas import tpu_sc as plsc

N = 10000
E = 160000
F = 256
FH = 128
NC = 2
NS = 16
NW = NC * NS
NPAD = 10016
ACC_ROWS = 10240

_mesh = plsc.VectorSubcoreMesh(
    core_axis_name="c", subcore_axis_name="s", num_cores=NC, num_subcores=NS)


_DEG_CH = 640
_DEG_NCH = 6 * E // _DEG_CH
_DEG_PER_ARR = E // _DEG_CH
_DEG_ITERS = (_DEG_NCH + NW - 1) // NW


@functools.partial(
    pl.kernel,
    out_type=jax.ShapeDtypeStruct((NW, 6 * NPAD), jnp.float32),
    mesh=_mesh,
    compiler_params=pltpu.CompilerParams(needs_layout_passes=False, use_tc_tiling_on_sc=False),
    scratch_types=[
        pltpu.VMEM((6 * NPAD,), jnp.float32),
        pltpu.VMEM((_DEG_CH,), jnp.int32),
    ],
)
def _deg_kernel(edges, out, hist, idxbuf):
    cid = lax.axis_index("c")
    sid = lax.axis_index("s")
    wid = sid * NC + cid

    zeros16 = jnp.zeros((16,), jnp.float32)

    def zero_body(k, _):
        hist[pl.ds(k * 16, 16)] = zeros16
        return _
    lax.fori_loop(0, 6 * NPAD // 16, zero_body, None)

    ones16 = jnp.ones((16,), jnp.float32)

    def chunk_body(r, _):
        c = wid + r * NW

        @pl.when(c < _DEG_NCH)
        def _():
            a = c // _DEG_PER_ARR
            off = a * NPAD
            pltpu.sync_copy(edges.at[pl.ds(c * _DEG_CH, _DEG_CH)], idxbuf)

            def scat_body(k, _):
                v = idxbuf[pl.ds(k * 16, 16)] + off
                plsc.addupdate_scatter(hist, [v], ones16)
                return _
            lax.fori_loop(0, _DEG_CH // 16, scat_body, None)
        return _
    lax.fori_loop(0, _DEG_ITERS, chunk_body, None)

    pltpu.sync_copy(hist, out.at[wid])



_CH = 80
_EPT = E // NS
_NCH = _EPT // _CH
_ZROWS = ACC_ROWS // NS
_WROWS = N // NS


@functools.partial(
    pl.kernel,
    out_type=jax.ShapeDtypeStruct((3 * 2 * N, FH), jnp.float32),
    mesh=_mesh,
    compiler_params=pltpu.CompilerParams(needs_layout_passes=False, use_tc_tiling_on_sc=False),
    scratch_types=[
        pltpu.VMEM_SHARED((ACC_ROWS, FH), jnp.float32),
        pltpu.VMEM((64, FH), jnp.float32),
        pltpu.VMEM((_CH,), jnp.int32),
        pltpu.VMEM((_CH,), jnp.int32),
        pltpu.VMEM((_CH,), jnp.int32),
        pltpu.VMEM((_CH,), jnp.int32),
        pltpu.VMEM((_CH, FH), jnp.float32),
        pltpu.VMEM((_CH, FH), jnp.float32),
        pltpu.SemaphoreType.DMA,
        pltpu.SemaphoreType.DMA,
    ],
)
def _spmm_kernel(hsrc, edges, agg, acc, zbuf, sidx0, sidx1, didx0, didx1,
                 rows0, rows1, sem0, sem1):
    cid = lax.axis_index("c")
    sid = lax.axis_index("s")
    sidxs = (sidx0, sidx1)
    didxs = (didx0, didx1)
    rows = (rows0, rows1)
    sems = (sem0, sem1)

    zeros16 = jnp.zeros((16,), jnp.float32)

    def zfill(k, _):
        for r in range(64):
            zbuf[r, pl.ds(k * 16, 16)] = zeros16
        return _
    lax.fori_loop(0, FH // 16, zfill, None)

    for s in range(3):
        row_off = s * 2 * N + cid * N
        sbase = 2 * s * E + sid * _EPT
        dbase = (2 * s + 1) * E + sid * _EPT

        def zero_acc(r, _):
            pltpu.sync_copy(zbuf, acc.at[pl.ds(sid * _ZROWS + r * 64, 64)])
            return _
        lax.fori_loop(0, _ZROWS // 64, zero_acc, None)
        plsc.subcore_barrier()

        def load_and_fire(i, b):
            sb, db, rb, smb = sidxs[b], didxs[b], rows[b], sems[b]
            pltpu.sync_copy(edges.at[pl.ds(sbase + i * _CH, _CH)], sb)
            for j in range(_CH // 16):
                v = sb[pl.ds(j * 16, 16)]
                sb[pl.ds(j * 16, 16)] = v + row_off
            pltpu.sync_copy(edges.at[pl.ds(dbase + i * _CH, _CH)], db)
            pltpu.async_copy(hsrc.at[sb], rb, smb)

        def drain_and_scatter(b):
            sb, db, rb, smb = sidxs[b], didxs[b], rows[b], sems[b]
            pltpu.make_async_copy(hsrc.at[sb], rb, smb).wait()
            pltpu.sync_copy(rb, acc.at[db], add=True)

        load_and_fire(0, 0)
        load_and_fire(1, 1)

        def pair_body(k, _):
            for b in range(2):
                i = 2 * k + b
                drain_and_scatter(b)

                @pl.when(i + 2 < _NCH)
                def _():
                    load_and_fire(i + 2, b)
            return _
        lax.fori_loop(0, _NCH // 2, pair_body, None)
        drain_and_scatter(0)

        plsc.subcore_barrier()
        pltpu.sync_copy(
            acc.at[pl.ds(sid * _WROWS, _WROWS)],
            agg.at[pl.ds(row_off + sid * _WROWS, _WROWS)])
        plsc.subcore_barrier()



_B = 1000
_NB = N // _B


def _norms_body(hp_ref, out_ref):
    deg = jnp.sum(hp_ref[...], axis=0)
    norm = jnp.where(deg > 0, lax.rsqrt(deg), 0.0)
    out_ref[...] = norm[:, :N].reshape(3, 2, N)


def _h1_body(x_ref, w1_ref, nrm_ref, out_ref):
    xw = jnp.dot(x_ref[...], w1_ref[...], preferred_element_type=jnp.float32)
    for s in range(3):
        h = xw * nrm_ref[s, :, 0][:, None]
        out_ref[s, 0] = h[:, :FH]
        out_ref[s, 1] = h[:, FH:]


def _post1_body(agg_ref, nrm_ref, w2_ref, b1_ref, out_ref):
    aggv = jnp.concatenate([agg_ref[0, 0], agg_ref[0, 1]], axis=1)
    nin = nrm_ref[0, :, 1][:, None]
    nout = nrm_ref[0, :, 0][:, None]
    h = jnp.maximum(aggv * nin + b1_ref[...], 0.0) * nout
    hw = jnp.dot(h, w2_ref[...], preferred_element_type=jnp.float32)
    out_ref[0, 0] = hw[:, :FH]
    out_ref[0, 1] = hw[:, FH:]


def _post2_body(agg_ref, nrm_ref, b2_ref, out_ref):
    aggv = jnp.concatenate([agg_ref[0, 0], agg_ref[0, 1]], axis=1)
    nin = nrm_ref[0, :, 1][:, None]
    out_ref[0] = aggv * nin + b2_ref[...]


_norms_call = pl.pallas_call(
    _norms_body,
    out_shape=jax.ShapeDtypeStruct((3, 2, N), jnp.float32),
)

_h1_call = pl.pallas_call(
    _h1_body,
    grid=(_NB,),
    in_specs=[
        pl.BlockSpec((_B, F), lambda i: (i, 0)),
        pl.BlockSpec((F, F), lambda i: (0, 0)),
        pl.BlockSpec((3, _B, 2), lambda i: (0, i, 0)),
    ],
    out_specs=pl.BlockSpec((3, 2, _B, FH), lambda i: (0, 0, i, 0)),
    out_shape=jax.ShapeDtypeStruct((3, 2, N, FH), jnp.float32),
)

_post1_call = pl.pallas_call(
    _post1_body,
    grid=(3, _NB),
    in_specs=[
        pl.BlockSpec((1, 2, _B, FH), lambda s, i: (s, 0, i, 0)),
        pl.BlockSpec((1, _B, 2), lambda s, i: (s, i, 0)),
        pl.BlockSpec((F, F), lambda s, i: (0, 0)),
        pl.BlockSpec((F,), lambda s, i: (0,)),
    ],
    out_specs=pl.BlockSpec((1, 2, _B, FH), lambda s, i: (s, 0, i, 0)),
    out_shape=jax.ShapeDtypeStruct((3, 2, N, FH), jnp.float32),
)

_post2_call = pl.pallas_call(
    _post2_body,
    grid=(3, _NB),
    in_specs=[
        pl.BlockSpec((1, 2, _B, FH), lambda s, i: (s, 0, i, 0)),
        pl.BlockSpec((1, _B, 2), lambda s, i: (s, i, 0)),
        pl.BlockSpec((F,), lambda s, i: (0,)),
    ],
    out_specs=pl.BlockSpec((1, _B, F), lambda s, i: (s, i, 0)),
    out_shape=jax.ShapeDtypeStruct((3, N, F), jnp.float32),
)


def kernel(x, edge_index0, edge_index1, edge_index2, W1, b1, W2, b2):
    edges = jnp.concatenate([
        edge_index0.astype(jnp.int32),
        edge_index1.astype(jnp.int32),
        edge_index2.astype(jnp.int32),
    ], axis=0).reshape(-1)

    hp = _deg_kernel(edges).reshape(NW, 6, NPAD)
    norms = _norms_call(hp).transpose(0, 2, 1)
    h1 = _h1_call(x, W1, norms)
    agg1 = _spmm_kernel(h1.reshape(6 * N, FH), edges)
    h2 = _post1_call(agg1.reshape(3, 2, N, FH), norms, W2, b1)
    agg2 = _spmm_kernel(h2.reshape(6 * N, FH), edges)
    return _post2_call(agg2.reshape(3, 2, N, FH), norms, b2)

# --- scband reference (transcript-rebuilt; emitter-appended) ---
"""Pipeline reference for scband-dyn-gcnmodel-87763361727279 (READ-ONLY COPY).

The authoritative reference and input builder live on the scoring server;
editing this copy changes nothing except your own understanding.
"""

import jax, jax.numpy as jnp
import numpy as np

N_NODES = 10000
N_EDGES = 160000
IN_FEATS = 256
H_FEATS = 256
LOOKBACK = 3


def setup_inputs(seed: int = 0) -> dict:
    key = jax.random.key(seed)
    ks = jax.random.split(key, 10)
    x = jax.random.normal(ks[0], (N_NODES, IN_FEATS), dtype=jnp.float32)
    edge_index0 = jax.random.randint(ks[1], (2, N_EDGES), 0, N_NODES, dtype=jnp.int64) if jax.config.jax_enable_x64 else jax.random.randint(ks[1], (2, N_EDGES), 0, N_NODES).astype(jnp.int32)
    edge_index1 = jax.random.randint(ks[2], (2, N_EDGES), 0, N_NODES).astype(edge_index0.dtype)
    edge_index2 = jax.random.randint(ks[3], (2, N_EDGES), 0, N_NODES).astype(edge_index0.dtype)
    W1 = jax.random.normal(ks[4], (IN_FEATS, H_FEATS), dtype=jnp.float32) * (1.0 / np.sqrt(IN_FEATS))
    b1 = jnp.zeros((H_FEATS,), dtype=jnp.float32)
    W2 = jax.random.normal(ks[5], (H_FEATS, H_FEATS), dtype=jnp.float32) * (1.0 / np.sqrt(H_FEATS))
    b2 = jnp.zeros((H_FEATS,), dtype=jnp.float32)
    return {"x": x, "edge_index0": edge_index0, "edge_index1": edge_index1,
            "edge_index2": edge_index2, "W1": W1, "b1": b1, "W2": W2, "b2": b2}


def _gcn_conv(x, src, dst, W, b, n_nodes):
    # DGL GraphConv with norm='both':
    # h = D_in^{-1/2} A (D_out^{-1/2} X) W + b
    ones = jnp.ones((src.shape[0],), dtype=x.dtype)
    deg_out = jnp.zeros((n_nodes,), dtype=x.dtype).at[src].add(ones)
    deg_in = jnp.zeros((n_nodes,), dtype=x.dtype).at[dst].add(ones)
    norm_out = jnp.where(deg_out > 0, deg_out ** -0.5, 0.0)
    norm_in = jnp.where(deg_in > 0, deg_in ** -0.5, 0.0)
    h = x * norm_out[:, None]
    h = h @ W
    agg = jnp.zeros((n_nodes, W.shape[1]), dtype=x.dtype).at[dst].add(h[src])
    agg = agg * norm_in[:, None]
    return agg + b


def reference(x, edge_index0, edge_index1, edge_index2, W1, b1, W2, b2):
    n = x.shape[0]
    h_list = []
    for ei in (edge_index0, edge_index1, edge_index2):
        src, dst = ei[0], ei[1]
        h = _gcn_conv(x, src, dst, W1, b1, n)
        h = jax.nn.relu(h)
        h = _gcn_conv(h, src, dst, W2, b2, n)
        h_list.append(h)
    return jnp.stack(h_list, axis=0)

if __name__ == "__main__":
    import jax
    _d = setup_inputs()
    print(jax.jit(kernel)(*tuple(_d.values())))

</pallas_src>

<mosaic_0001>
#map = affine_map<(d0, d1) -> (0, 0)>
#map1 = affine_map<(d0, d1) -> (0)>
module attributes {stable_mosaic.version = 14 : i64} {
  func.func @_spmm_kernel(%arg0: i32, %arg1: i32, %arg2: memref<60000x128xf32, #tpu.memory_space<hbm>>, %arg3: memref<960000xi32, #tpu.memory_space<hbm>>, %arg4: memref<60000x128xf32, #tpu.memory_space<hbm>>, %arg5: memref<10240x128xf32, #tpu.memory_space<vmem_shared>>, %arg6: memref<64x128xf32, #tpu.memory_space<vmem>>, %arg7: memref<80xi32, #tpu.memory_space<vmem>>, %arg8: memref<80xi32, #tpu.memory_space<vmem>>, %arg9: memref<80xi32, #tpu.memory_space<vmem>>, %arg10: memref<80xi32, #tpu.memory_space<vmem>>, %arg11: memref<80x128xf32, #tpu.memory_space<vmem>>, %arg12: memref<80x128xf32, #tpu.memory_space<vmem>>, %arg13: memref<!tpu.dma_semaphore, #tpu.memory_space<semaphore_mem>>, %arg14: memref<!tpu.dma_semaphore, #tpu.memory_space<semaphore_mem>>) attributes {dimension_semantics = [#tpu.dimension_semantics<core_parallel>, #tpu.dimension_semantics<subcore_parallel>], iteration_bounds = array<i64: 2, 16>, scalar_prefetch = 0 : i64, scratch_operands = 10 : i64, tpu.core_type = #tpu.core_type<sc_vector_subcore>, window_params = [{transform_indices = #map}, {transform_indices = #map1}, {transform_indices = #map}]} {
    %broadcast_in_dim3A = arith.constant 0.000000e+00 : f32
    %broadcast_in_dim3A_0 = vector.broadcast %broadcast_in_dim3A : f32 to vector<16xf32>
    %scan3A = arith.constant 0 : i32
    %scan3A_1 = arith.constant 8 : i32
    %scan3A_2 = arith.addi %scan3A, %scan3A_1 : i32
    %scan3A_3 = arith.constant 1 : i32
    scf.for %scan3A_319 = %scan3A to %scan3A_2 step %scan3A_3  : i32 {
      %mul3A_320 = arith.constant 16 : i32
      %mul3A_321 = arith.muli %scan3A_319, %mul3A_320 : i32
      %swap3A_322 = arith.constant 0 : i32
      %swap3A_323 = arith.index_cast %swap3A_322 : i32 to index
      %swap3A_324 = arith.index_cast %mul3A_321 : i32 to index
      %swap3A_325 = tpu.vector_load %arg6[%swap3A_323, %swap3A_324] {strides = array<i32>} : memref<64x128xf32, #tpu.memory_space<vmem>>, vector<16xf32>,
      tpu.vector_store %arg6[%swap3A_323, %swap3A_324], %broadcast_in_dim3A_0 {strides = array<i32>} : memref<64x128xf32, #tpu.memory_space<vmem>>, vector<16xf32>,
      %mul3A_326 = arith.constant 16 : i32
      %mul3A_327 = arith.muli %scan3A_319, %mul3A_326 : i32
      %swap3A_328 = arith.constant 1 : i32
      %swap3A_329 = arith.index_cast %swap3A_328 : i32 to index
      %swap3A_330 = arith.index_cast %mul3A_327 : i32 to index
      %swap3A_331 = tpu.vector_load %arg6[%swap3A_329, %swap3A_330] {strides = array<i32>} : memref<64x128xf32, #tpu.memory_space<vmem>>, vector<16xf32>,
      tpu.vector_store %arg6[%swap3A_329, %swap3A_330], %broadcast_in_dim3A_0 {strides = array<i32>} : memref<64x128xf32, #tpu.memory_space<vmem>>, vector<16xf32>,
      %mul3A_332 = arith.constant 16 : i32
      %mul3A_333 = arith.muli %scan3A_319, %mul3A_332 : i32
      %swap3A_334 = arith.constant 2 : i32
      %swap3A_335 = arith.index_cast %swap3A_334 : i32 to index
      %swap3A_336 = arith.index_cast %mul3A_333 : i32 to index
      %swap3A_337 = tpu.vector_load %arg6[%swap3A_335, %swap3A_336] {strides = array<i32>} : memref<64x128xf32, #tpu.memory_space<vmem>>, vector<16xf32>,
      tpu.vector_store %arg6[%swap3A_335, %swap3A_336], %broadcast_in_dim3A_0 {strides = array<i32>} : memref<64x128xf32, #tpu.memory_space<vmem>>, vector<16xf32>,
      %mul3A_338 = arith.constant 16 : i32
      %mul3A_339 = arith.muli %scan3A_319, %mul3A_338 : i32
      %swap3A_340 = arith.constant 3 : i32
      %swap3A_341 = arith.index_cast %swap3A_340 : i32 to index
      %swap3A_342 = arith.index_cast %mul3A_339 : i32 to index
      %swap3A_343 = tpu.vector_load %arg6[%swap3A_341, %swap3A_342] {strides = array<i32>} : memref<64x128xf32, #tpu.memory_space<vmem>>, vector<16xf32>,
      tpu.vector_store %arg6[%swap3A_341, %swap3A_342], %broadcast_in_dim3A_0 {strides = array<i32>} : memref<64x128xf32, #tpu.memory_space<vmem>>, vector<16xf32>,
      %mul3A_344 = arith.constant 16 : i32
      %mul3A_345 = arith.muli %scan3A_319, %mul3A_344 : i32
      %swap3A_346 = arith.constant 4 : i32
      %swap3A_347 = arith.index_cast %swap3A_346 : i32 to index
      %swap3A_348 = arith.index_cast %mul3A_345 : i32 to index
      %swap3A_349 = tpu.vector_load %arg6[%swap3A_347, %swap3A_348] {strides = array<i32>} : memref<64x128xf32, #tpu.memory_space<vmem>>, vector<16xf32>,
      tpu.vector_store %arg6[%swap3A_347, %swap3A_348], %broadcast_in_dim3A_0 {strides = array<i32>} : memref<64x128xf32, #tpu.memory_space<vmem>>, vector<16xf32>,
      %mul3A_350 = arith.constant 16 : i32
      %mul3A_351 = arith.muli %scan3A_319, %mul3A_350 : i32
      %swap3A_352 = arith.constant 5 : i32
      %swap3A_353 = arith.index_cast %swap3A_352 : i32 to index
      %swap3A_354 = arith.index_cast %mul3A_351 : i32 to index
      %swap3A_355 = tpu.vector_load %arg6[%swap3A_353, %swap3A_354] {strides = array<i32>} : memref<64x128xf32, #tpu.memory_space<vmem>>, vector<16xf32>,
      tpu.vector_store %arg6[%swap3A_353, %swap3A_354], %broadcast_in_dim3A_0 {strides = array<i32>} : memref<64x128xf32, #tpu.memory_space<vmem>>, vector<16xf32>,
      %mul3A_356 = arith.constant 16 : i32
      %mul3A_357 = arith.muli %scan3A_319, %mul3A_356 : i32
      %swap3A_358 = arith.constant 6 : i32
      %swap3A_359 = arith.index_cast %swap3A_358 : i32 to index
      %swap3A_360 = arith.index_cast %mul3A_357 : i32 to index
      %swap3A_361 = tpu.vector_load %arg6[%swap3A_359, %swap3A_360] {strides = array<i32>} : memref<64x128xf32, #tpu.memory_space<vmem>>, vector<16xf32>,
      tpu.vector_store %arg6[%swap3A_359, %swap3A_360], %broadcast_in_dim3A_0 {strides = array<i32>} : memref<64x128xf32, #tpu.memory_space<vmem>>, vector<16xf32>,
      %mul3A_362 = arith.constant 16 : i32
      %mul3A_363 = arith.muli %scan3A_319, %mul3A_362 : i32
      %swap3A_364 = arith.constant 7 : i32
      %swap3A_365 = arith.index_cast %swap3A_364 : i32 to index
      %swap3A_366 = arith.index_cast %mul3A_363 : i32 to index
      %swap3A_367 = tpu.vector_load %arg6[%swap3A_365, %swap3A_366] {strides = array<i32>} : memref<64x128xf32, #tpu.memory_space<vmem>>, vector<16xf32>,
      tpu.vector_store %arg6[%swap3A_365, %swap3A_366], %broadcast_in_dim3A_0 {strides = array<i32>} : memref<64x128xf32, #tpu.memory_space<vmem>>, vector<16xf32>,
      %mul3A_368 = arith.constant 16 : i32
      %mul3A_369 = arith.muli %scan3A_319, %mul3A_368 : i32
      %swap3A_370 = arith.constant 8 : i32
      %swap3A_371 = arith.index_cast %swap3A_370 : i32 to index
      %swap3A_372 = arith.index_cast %mul3A_369 : i32 to index
      %swap3A_373 = tpu.vector_load %arg6[%swap3A_371, %swap3A_372] {strides = array<i32>} : memref<64x128xf32, #tpu.memory_space<vmem>>, vector<16xf32>,
      tpu.vector_store %arg6[%swap3A_371, %swap3A_372], %broadcast_in_dim3A_0 {strides = array<i32>} : memref<64x128xf32, #tpu.memory_space<vmem>>, vector<16xf32>,
      %mul3A_374 = arith.constant 16 : i32
      %mul3A_375 = arith.muli %scan3A_319, %mul3A_374 : i32
      %swap3A_376 = arith.constant 9 : i32
      %swap3A_377 = arith.index_cast %swap3A_376 : i32 to index
      %swap3A_378 = arith.index_cast %mul3A_375 : i32 to index
      %swap3A_379 = tpu.vector_load %arg6[%swap3A_377, %swap3A_378] {strides = array<i32>} : memref<64x128xf32, #tpu.memory_space<vmem>>, vector<16xf32>,
      tpu.vector_store %arg6[%swap3A_377, %swap3A_378], %broadcast_in_dim3A_0 {strides = array<i32>} : memref<64x128xf32, #tpu.memory_space<vmem>>, vector<16xf32>,
      %mul3A_380 = arith.constant 16 : i32
      %mul3A_381 = arith.muli %scan3A_319, %mul3A_380 : i32
      %swap3A_382 = arith.constant 10 : i32
      %swap3A_383 = arith.index_cast %swap3A_382 : i32 to index
      %swap3A_384 = arith.index_cast %mul3A_381 : i32 to index
      %swap3A_385 = tpu.vector_load %arg6[%swap3A_383, %swap3A_384] {strides = array<i32>} : memref<64x128xf32, #tpu.memory_space<vmem>>, vector<16xf32>,
      tpu.vector_store %arg6[%swap3A_383, %swap3A_384], %broadcast_in_dim3A_0 {strides = array<i32>} : memref<64x128xf32, #tpu.memory_space<vmem>>, vector<16xf32>,
      %mul3A_386 = arith.constant 16 : i32
      %mul3A_387 = arith.muli %scan3A_319, %mul3A_386 : i32
      %swap3A_388 = arith.constant 11 : i32
      %swap3A_389 = arith.index_cast %swap3A_388 : i32 to index
      %swap3A_390 = arith.index_cast %mul3A_387 : i32 to index
      %swap3A_391 = tpu.vector_load %arg6[%swap3A_389, %swap3A_390] {strides = array<i32>} : memref<64x128xf32, #tpu.memory_space<vmem>>, vector<16xf32>,
      tpu.vector_store %arg6[%swap3A_389, %swap3A_390], %broadcast_in_dim3A_0 {strides = array<i32>} : memref<64x128xf32, #tpu.memory_space<vmem>>, vector<16xf32>,
      %mul3A_392 = arith.constant 16 : i32
      %mul3A_393 = arith.muli %scan3A_319, %mul3A_392 : i32
      %swap3A_394 = arith.constant 12 : i32
      %swap3A_395 = arith.index_cast %swap3A_394 : i32 to index
      %swap3A_396 = arith.index_cast %mul3A_393 : i32 to index
      %swap3A_397 = tpu.vector_load %arg6[%swap3A_395, %swap3A_396] {strides = array<i32>} : memref<64x128xf32, #tpu.memory_space<vmem>>, vector<16xf32>,
      tpu.vector_store %arg6[%swap3A_395, %swap3A_396], %broadcast_in_dim3A_0 {strides = array<i32>} : memref<64x128xf32, #tpu.memory_space<vmem>>, vector<16xf32>,
      %mul3A_398 = arith.constant 16 : i32
      %mul3A_399 = arith.muli %scan3A_319, %mul3A_398 : i32
      %swap3A_400 = arith.constant 13 : i32
      %swap3A_401 = arith.index_cast %swap3A_400 : i32 to index
      %swap3A_402 = arith.index_cast %mul3A_399 : i32 to index
      %swap3A_403 = tpu.vector_load %arg6[%swap3A_401, %swap3A_402] {strides = array<i32>} : memref<64x128xf32, #tpu.memory_space<vmem>>, vector<16xf32>,
      tpu.vector_store %arg6[%swap3A_401, %swap3A_402], %broadcast_in_dim3A_0 {strides = array<i32>} : memref<64x128xf32, #tpu.memory_space<vmem>>, vector<16xf32>,
      %mul3A_404 = arith.constant 16 : i32
      %mul3A_405 = arith.muli %scan3A_319, %mul3A_404 : i32
      %swap3A_406 = arith.constant 14 : i32
      %swap3A_407 = arith.index_cast %swap3A_406 : i32 to index
      %swap3A_408 = arith.index_cast %mul3A_405 : i32 to index
      %swap3A_409 = tpu.vector_load %arg6[%swap3A_407, %swap3A_408] {strides = array<i32>} : memref<64x128xf32, #tpu.memory_space<vmem>>, vector<16xf32>,
      tpu.vector_store %arg6[%swap3A_407, %swap3A_408], %broadcast_in_dim3A_0 {strides = array<i32>} : memref<64x128xf32, #tpu.memory_space<vmem>>, vector<16xf32>,
      %mul3A_410 = arith.constant 16 : i32
      %mul3A_411 = arith.muli %scan3A_319, %mul3A_410 : i32
      %swap3A_412 = arith.constant 15 : i32
      %swap3A_413 = arith.index_cast %swap3A_412 : i32 to index
      %swap3A_414 = arith.index_cast %mul3A_411 : i32 to index
      %swap3A_415 = tpu.vector_load %arg6[%swap3A_413, %swap3A_414] {strides = array<i32>} : memref<64x128xf32, #tpu.memory_space<vmem>>, vector<16xf32>,
      tpu.vector_store %arg6[%swap3A_413, %swap3A_414], %broadcast_in_dim3A_0 {strides = array<i32>} : memref<64x128xf32, #tpu.memory_space<vmem>>, vector<16xf32>,
      %mul3A_416 = arith.constant 16 : i32
      %mul3A_417 = arith.muli %scan3A_319, %mul3A_416 : i32
      %swap3A_418 = arith.constant 16 : i32
      %swap3A_419 = arith.index_cast %swap3A_418 : i32 to index
      %swap3A_420 = arith.index_cast %mul3A_417 : i32 to index
      %swap3A_421 = tpu.vector_load %arg6[%swap3A_419, %swap3A_420] {strides = array<i32>} : memref<64x128xf32, #tpu.memory_space<vmem>>, vector<16xf32>,
      tpu.vector_store %arg6[%swap3A_419, %swap3A_420], %broadcast_in_dim3A_0 {strides = array<i32>} : memref<64x128xf32, #tpu.memory_space<vmem>>, vector<16xf32>,
      %mul3A_422 = arith.constant 16 : i32
      %mul3A_423 = arith.muli %scan3A_319, %mul3A_422 : i32
      %swap3A_424 = arith.constant 17 : i32
      %swap3A_425 = arith.index_cast %swap3A_424 : i32 to index
      %swap3A_426 = arith.index_cast %mul3A_423 : i32 to index
      %swap3A_427 = tpu.vector_load %arg6[%swap3A_425, %swap3A_426] {strides = array<i32>} : memref<64x128xf32, #tpu.memory_space<vmem>>, vector<16xf32>,
      tpu.vector_store %arg6[%swap3A_425, %swap3A_426], %broadcast_in_dim3A_0 {strides = array<i32>} : memref<64x128xf32, #tpu.memory_space<vmem>>, vector<16xf32>,
      %mul3A_428 = arith.constant 16 : i32
      %mul3A_429 = arith.muli %scan3A_319, %mul3A_428 : i32
      %swap3A_430 = arith.constant 18 : i32
      %swap3A_431 = arith.index_cast %swap3A_430 : i32 to index
      %swap3A_432 = arith.index_cast %mul3A_429 : i32 to index
      %swap3A_433 = tpu.vector_load %arg6[%swap3A_431, %swap3A_432] {strides = array<i32>} : memref<64x128xf32, #tpu.memory_space<vmem>>, vector<16xf32>,
      tpu.vector_store %arg6[%swap3A_431, %swap3A_432], %broadcast_in_dim3A_0 {strides = array<i32>} : memref<64x128xf32, #tpu.memory_space<vmem>>, vector<16xf32>,
      %mul3A_434 = arith.constant 16 : i32
      %mul3A_435 = arith.muli %scan3A_319, %mul3A_434 : i32
      %swap3A_436 = arith.constant 19 : i32
      %swap3A_437 = arith.index_cast %swap3A_436 : i32 to index
      %swap3A_438 = arith.index_cast %mul3A_435 : i32 to index
      %swap3A_439 = tpu.vector_load %arg6[%swap3A_437, %swap3A_438] {strides = array<i32>} : memref<64x128xf32, #tpu.memory_space<vmem>>, vector<16xf32>,
      tpu.vector_store %arg6[%swap3A_437, %swap3A_438], %broadcast_in_dim3A_0 {strides = array<i32>} : memref<64x128xf32, #tpu.memory_space<vmem>>, vector<16xf32>,
      %mul3A_440 = arith.constant 16 : i32
      %mul3A_441 = arith.muli %scan3A_319, %mul3A_440 : i32
      %swap3A_442 = arith.constant 20 : i32
      %swap3A_443 = arith.index_cast %swap3A_442 : i32 to index
      %swap3A_444 = arith.index_cast %mul3A_441 : i32 to index
      %swap3A_445 = tpu.vector_load %arg6[%swap3A_443, %swap3A_444] {strides = array<i32>} : memref<64x128xf32, #tpu.memory_space<vmem>>, vector<16xf32>,
      tpu.vector_store %arg6[%swap3A_443, %swap3A_444], %broadcast_in_dim3A_0 {strides = array<i32>} : memref<64x128xf32, #tpu.memory_space<vmem>>, vector<16xf32>,
      %mul3A_446 = arith.constant 16 : i32
      %mul3A_447 = arith.muli %scan3A_319, %mul3A_446 : i32
      %swap3A_448 = arith.constant 21 : i32
      %swap3A_449 = arith.index_cast %swap3A_448 : i32 to index
      %swap3A_450 = arith.index_cast %mul3A_447 : i32 to index
      %swap3A_451 = tpu.vector_load %arg6[%swap3A_449, %swap3A_450] {strides = array<i32>} : memref<64x128xf32, #tpu.memory_space<vmem>>, vector<16xf32>,
      tpu.vector_store %arg6[%swap3A_449, %swap3A_450], %broadcast_in_dim3A_0 {strides = array<i32>} : memref<64x128xf32, #tpu.memory_space<vmem>>, vector<16xf32>,
      %mul3A_452 = arith.constant 16 : i32
      %mul3A_453 = arith.muli %scan3A_319, %mul3A_452 : i32
      %swap3A_454 = arith.constant 22 : i32
      %swap3A_455 = arith.index_cast %swap3A_454 : i32 to index
      %swap3A_456 = arith.index_cast %mul3A_453 : i32 to index
      %swap3A_457 = tpu.vector_load %arg6[%swap3A_455, %swap3A_456] {strides = array<i32>} : memref<64x128xf32, #tpu.memory_space<vmem>>, vector<16xf32>,
      tpu.vector_store %arg6[%swap3A_455, %swap3A_456], %broadcast_in_dim3A_0 {strides = array<i32>} : memref<64x128xf32, #tpu.memory_space<vmem>>, vector<16xf32>,
      %mul3A_458 = arith.constant 16 : i32
      %mul3A_459 = arith.muli %scan3A_319, %mul3A_458 : i32
      %swap3A_460 = arith.constant 23 : i32
      %swap3A_461 = arith.index_cast %swap3A_460 : i32 to index
      %swap3A_462 = arith.index_cast %mul3A_459 : i32 to index
      %swap3A_463 = tpu.vector_load %arg6[%swap3A_461, %swap3A_462] {strides = array<i32>} : memref<64x128xf32, #tpu.memory_space<vmem>>, vector<16xf32>,
      tpu.vector_store %arg6[%swap3A_461, %swap3A_462], %broadcast_in_dim3A_0 {strides = array<i32>} : memref<64x128xf32, #tpu.memory_space<vmem>>, vector<16xf32>,
      %mul3A_464 = arith.constant 16 : i32
      %mul3A_465 = arith.muli %scan3A_319, %mul3A_464 : i32
      %swap3A_466 = arith.constant 24 : i32
      %swap3A_467 = arith.index_cast %swap3A_466 : i32 to index
      %swap3A_468 = arith.index_cast %mul3A_465 : i32 to index
      %swap3A_469 = tpu.vector_load %arg6[%swap3A_467, %swap3A_468] {strides = array<i32>} : memref<64x128xf32, #tpu.memory_space<vmem>>, vector<16xf32>,
      tpu.vector_store %arg6[%swap3A_467, %swap3A_468], %broadcast_in_dim3A_0 {strides = array<i32>} : memref<64x128xf32, #tpu.memory_space<vmem>>, vector<16xf32>,
      %mul3A_470 = arith.constant 16 : i32
      %mul3A_471 = arith.muli %scan3A_319, %mul3A_470 : i32
      %swap3A_472 = arith.constant 25 : i32
      %swap3A_473 = arith.index_cast %swap3A_472 : i32 to index
      %swap3A_474 = arith.index_cast %mul3A_471 : i32 to index
      %swap3A_475 = tpu.vector_load %arg6[%swap3A_473, %swap3A_474] {strides = array<i32>} : memref<64x128xf32, #tpu.memory_space<vmem>>, vector<16xf32>,
      tpu.vector_store %arg6[%swap3A_473, %swap3A_474], %broadcast_in_dim3A_0 {strides = array<i32>} : memref<64x128xf32, #tpu.memory_space<vmem>>, vector<16xf32>,
      %mul3A_476 = arith.constant 16 : i32
      %mul3A_477 = arith.muli %scan3A_319, %mul3A_476 : i32
      %swap3A_478 = arith.constant 26 : i32
      %swap3A_479 = arith.index_cast %swap3A_478 : i32 to index
      %swap3A_480 = arith.index_cast %mul3A_477 : i32 to index
      %swap3A_481 = tpu.vector_load %arg6[%swap3A_479, %swap3A_480] {strides = array<i32>} : memref<64x128xf32, #tpu.memory_space<vmem>>, vector<16xf32>,
      tpu.vector_store %arg6[%swap3A_479, %swap3A_480], %broadcast_in_dim3A_0 {strides = array<i32>} : memref<64x128xf32, #tpu.memory_space<vmem>>, vector<16xf32>,
      %mul3A_482 = arith.constant 16 : i32
      %mul3A_483 = arith.muli %scan3A_319, %mul3A_482 : i32
      %swap3A_484 = arith.constant 27 : i32
      %swap3A_485 = arith.index_cast %swap3A_484 : i32 to index
      %swap3A_486 = arith.index_cast %mul3A_483 : i32 to index
      %swap3A_487 = tpu.vector_load %arg6[%swap3A_485, %swap3A_486] {strides = array<i32>} : memref<64x128xf32, #tpu.memory_space<vmem>>, vector<16xf32>,
      tpu.vector_store %arg6[%swap3A_485, %swap3A_486], %broadcast_in_dim3A_0 {strides = array<i32>} : memref<64x128xf32, #tpu.memory_space<vmem>>, vector<16xf32>,
      %mul3A_488 = arith.constant 16 : i32
      %mul3A_489 = arith.muli %scan3A_319, %mul3A_488 : i32
      %swap3A_490 = arith.constant 28 : i32
      %swap3A_491 = arith.index_cast %swap3A_490 : i32 to index
      %swap3A_492 = arith.index_cast %mul3A_489 : i32 to index
      %swap3A_493 = tpu.vector_load %arg6[%swap3A_491, %swap3A_492] {strides = array<i32>} : memref<64x128xf32, #tpu.memory_space<vmem>>, vector<16xf32>,
      tpu.vector_store %arg6[%swap3A_491, %swap3A_492], %broadcast_in_dim3A_0 {strides = array<i32>} : memref<64x128xf32, #tpu.memory_space<vmem>>, vector<16xf32>,
      %mul3A_494 = arith.constant 16 : i32
      %mul3A_495 = arith.muli %scan3A_319, %mul3A_494 : i32
      %swap3A_496 = arith.constant 29 : i32
      %swap3A_497 = arith.index_cast %swap3A_496 : i32 to index
      %swap3A_498 = arith.index_cast %mul3A_495 : i32 to index
      %swap3A_499 = tpu.vector_load %arg6[%swap3A_497, %swap3A_498] {strides = array<i32>} : memref<64x128xf32, #tpu.memory_space<vmem>>, vector<16xf32>,
      tpu.vector_store %arg6[%swap3A_497, %swap3A_498], %broadcast_in_dim3A_0 {strides = array<i32>} : memref<64x128xf32, #tpu.memory_space<vmem>>, vector<16xf32>,
      %mul3A_500 = arith.constant 16 : i32
      %mul3A_501 = arith.muli %scan3A_319, %mul3A_500 : i32
      %swap3A_502 = arith.constant 30 : i32
      %swap3A_503 = arith.index_cast %swap3A_502 : i32 to index
      %swap3A_504 = arith.index_cast %mul3A_501 : i32 to index
      %swap3A_505 = tpu.vector_load %arg6[%swap3A_503, %swap3A_504] {strides = array<i32>} : memref<64x128xf32, #tpu.memory_space<vmem>>, vector<16xf32>,
      tpu.vector_store %arg6[%swap3A_503, %swap3A_504], %broadcast_in_dim3A_0 {strides = array<i32>} : memref<64x128xf32, #tpu.memory_space<vmem>>, vector<16xf32>,
      %mul3A_506 = arith.constant 16 : i32
      %mul3A_507 = arith.muli %scan3A_319, %mul3A_506 : i32
      %swap3A_508 = arith.constant 31 : i32
      %swap3A_509 = arith.index_cast %swap3A_508 : i32 to index
      %swap3A_510 = arith.index_cast %mul3A_507 : i32 to index
      %swap3A_511 = tpu.vector_load %arg6[%swap3A_509, %swap3A_510] {strides = array<i32>} : memref<64x128xf32, #tpu.memory_space<vmem>>, vector<16xf32>,
      tpu.vector_store %arg6[%swap3A_509, %swap3A_510], %broadcast_in_dim3A_0 {strides = array<i32>} : memref<64x128xf32, #tpu.memory_space<vmem>>, vector<16xf32>,
      %mul3A_512 = arith.constant 16 : i32
      %mul3A_513 = arith.muli %scan3A_319, %mul3A_512 : i32
      %swap3A_514 = arith.constant 32 : i32
      %swap3A_515 = arith.index_cast %swap3A_514 : i32 to index
      %swap3A_516 = arith.index_cast %mul3A_513 : i32 to index
      %swap3A_517 = tpu.vector_load %arg6[%swap3A_515, %swap3A_516] {strides = array<i32>} : memref<64x128xf32, #tpu.memory_space<vmem>>, vector<16xf32>,
      tpu.vector_store %arg6[%swap3A_515, %swap3A_516], %broadcast_in_dim3A_0 {strides = array<i32>} : memref<64x128xf32, #tpu.memory_space<vmem>>, vector<16xf32>,
      %mul3A_518 = arith.constant 16 : i32
      %mul3A_519 = arith.muli %scan3A_319, %mul3A_518 : i32
      %swap3A_520 = arith.constant 33 : i32
      %swap3A_521 = arith.index_cast %swap3A_520 : i32 to index
      %swap3A_522 = arith.index_cast %mul3A_519 : i32 to index
      %swap3A_523 = tpu.vector_load %arg6[%swap3A_521, %swap3A_522] {strides = array<i32>} : memref<64x128xf32, #tpu.memory_space<vmem>>, vector<16xf32>,
      tpu.vector_store %arg6[%swap3A_521, %swap3A_522], %broadcast_in_dim3A_0 {strides = array<i32>} : memref<64x128xf32, #tpu.memory_space<vmem>>, vector<16xf32>,
      %mul3A_524 = arith.constant 16 : i32
      %mul3A_525 = arith.muli %scan3A_319, %mul3A_524 : i32
      %swap3A_526 = arith.constant 34 : i32
      %swap3A_527 = arith.index_cast %swap3A_526 : i32 to index
      %swap3A_528 = arith.index_cast %mul3A_525 : i32 to index
      %swap3A_529 = tpu.vector_load %arg6[%swap3A_527, %swap3A_528] {strides = array<i32>} : memref<64x128xf32, #tpu.memory_space<vmem>>, vector<16xf32>,
      tpu.vector_store %arg6[%swap3A_527, %swap3A_528], %broadcast_in_dim3A_0 {strides = array<i32>} : memref<64x128xf32, #tpu.memory_space<vmem>>, vector<16xf32>,
      %mul3A_530 = arith.constant 16 : i32
      %mul3A_531 = arith.muli %scan3A_319, %mul3A_530 : i32
      %swap3A_532 = arith.constant 35 : i32
      %swap3A_533 = arith.index_cast %swap3A_532 : i32 to index
      %swap3A_534 = arith.index_cast %mul3A_531 : i32 to index
      %swap3A_535 = tpu.vector_load %arg6[%swap3A_533, %swap3A_534] {strides = array<i32>} : memref<64x128xf32, #tpu.memory_space<vmem>>, vector<16xf32>,
      tpu.vector_store %arg6[%swap3A_533, %swap3A_534], %broadcast_in_dim3A_0 {strides = array<i32>} : memref<64x128xf32, #tpu.memory_space<vmem>>, vector<16xf32>,
      %mul3A_536 = arith.constant 16 : i32
      %mul3A_537 = arith.muli %scan3A_319, %mul3A_536 : i32
      %swap3A_538 = arith.constant 36 : i32
      %swap3A_539 = arith.index_cast %swap3A_538 : i32 to index
      %swap3A_540 = arith.index_cast %mul3A_537 : i32 to index
      %swap3A_541 = tpu.vector_load %arg6[%swap3A_539, %swap3A_540] {strides = array<i32>} : memref<64x128xf32, #tpu.memory_space<vmem>>, vector<16xf32>,
      tpu.vector_store %arg6[%swap3A_539, %swap3A_540], %broadcast_in_dim3A_0 {strides = array<i32>} : memref<64x128xf32, #tpu.memory_space<vmem>>, vector<16xf32>,
      %mul3A_542 = arith.constant 16 : i32
      %mul3A_543 = arith.muli %scan3A_319, %mul3A_542 : i32
      %swap3A_544 = arith.constant 37 : i32
      %swap3A_545 = arith.index_cast %swap3A_544 : i32 to index
      %swap3A_546 = arith.index_cast %mul3A_543 : i32 to index
      %swap3A_547 = tpu.vector_load %arg6[%swap3A_545, %swap3A_546] {strides = array<i32>} : memref<64x128xf32, #tpu.memory_space<vmem>>, vector<16xf32>,
      tpu.vector_store %arg6[%swap3A_545, %swap3A_546], %broadcast_in_dim3A_0 {strides = array<i32>} : memref<64x128xf32, #tpu.memory_space<vmem>>, vector<16xf32>,
      %mul3A_548 = arith.constant 16 : i32
      %mul3A_549 = arith.muli %scan3A_319, %mul3A_548 : i32
      %swap3A_550 = arith.constant 38 : i32
      %swap3A_551 = arith.index_cast %swap3A_550 : i32 to index
      %swap3A_552 = arith.index_cast %mul3A_549 : i32 to index
      %swap3A_553 = tpu.vector_load %arg6[%swap3A_551, %swap3A_552] {strides = array<i32>} : memref<64x128xf32, #tpu.memory_space<vmem>>, vector<16xf32>,
      tpu.vector_store %arg6[%swap3A_551, %swap3A_552], %broadcast_in_dim3A_0 {strides = array<i32>} : memref<64x128xf32, #tpu.memory_space<vmem>>, vector<16xf32>,
      %mul3A_554 = arith.constant 16 : i32
      %mul3A_555 = arith.muli %scan3A_319, %mul3A_554 : i32
      %swap3A_556 = arith.constant 39 : i32
      %swap3A_557 = arith.index_cast %swap3A_556 : i32 to index
      %swap3A_558 = arith.index_cast %mul3A_555 : i32 to index
      %swap3A_559 = tpu.vector_load %arg6[%swap3A_557, %swap3A_558] {strides = array<i32>} : memref<64x128xf32, #tpu.memory_space<vmem>>, vector<16xf32>,
      tpu.vector_store %arg6[%swap3A_557, %swap3A_558], %broadcast_in_dim3A_0 {strides = array<i32>} : memref<64x128xf32, #tpu.memory_space<vmem>>, vector<16xf32>,
      %mul3A_560 = arith.constant 16 : i32
      %mul3A_561 = arith.muli %scan3A_319, %mul3A_560 : i32
      %swap3A_562 = arith.constant 40 : i32
      %swap3A_563 = arith.index_cast %swap3A_562 : i32 to index
      %swap3A_564 = arith.index_cast %mul3A_561 : i32 to index
      %swap3A_565 = tpu.vector_load %arg6[%swap3A_563, %swap3A_564] {strides = array<i32>} : memref<64x128xf32, #tpu.memory_space<vmem>>, vector<16xf32>,
      tpu.vector_store %arg6[%swap3A_563, %swap3A_564], %broadcast_in_dim3A_0 {strides = array<i32>} : memref<64x128xf32, #tpu.memory_space<vmem>>, vector<16xf32>,
      %mul3A_566 = arith.constant 16 : i32
      %mul3A_567 = arith.muli %scan3A_319, %mul3A_566 : i32
      %swap3A_568 = arith.constant 41 : i32
      %swap3A_569 = arith.index_cast %swap3A_568 : i32 to index
      %swap3A_570 = arith.index_cast %mul3A_567 : i32 to index
      %swap3A_571 = tpu.vector_load %arg6[%swap3A_569, %swap3A_570] {strides = array<i32>} : memref<64x128xf32, #tpu.memory_space<vmem>>, vector<16xf32>,
      tpu.vector_store %arg6[%swap3A_569, %swap3A_570], %broadcast_in_dim3A_0 {strides = array<i32>} : memref<64x128xf32, #tpu.memory_space<vmem>>, vector<16xf32>,
      %mul3A_572 = arith.constant 16 : i32
      %mul3A_573 = arith.muli %scan3A_319, %mul3A_572 : i32
      %swap3A_574 = arith.constant 42 : i32
      %swap3A_575 = arith.index_cast %swap3A_574 : i32 to index
      %swap3A_576 = arith.index_cast %mul3A_573 : i32 to index
      %swap3A_577 = tpu.vector_load %arg6[%swap3A_575, %swap3A_576] {strides = array<i32>} : memref<64x128xf32, #tpu.memory_space<vmem>>, vector<16xf32>,
      tpu.vector_store %arg6[%swap3A_575, %swap3A_576], %broadcast_in_dim3A_0 {strides = array<i32>} : memref<64x128xf32, #tpu.memory_space<vmem>>, vector<16xf32>,
      %mul3A_578 = arith.constant 16 : i32
      %mul3A_579 = arith.muli %scan3A_319, %mul3A_578 : i32
      %swap3A_580 = arith.constant 43 : i32
      %swap3A_581 = arith.index_cast %swap3A_580 : i32 to index
      %swap3A_582 = arith.index_cast %mul3A_579 : i32 to index
      %swap3A_583 = tpu.vector_load %arg6[%swap3A_581, %swap3A_582] {strides = array<i32>} : memref<64x128xf32, #tpu.memory_space<vmem>>, vector<16xf32>,
      tpu.vector_store %arg6[%swap3A_581, %swap3A_582], %broadcast_in_dim3A_0 {strides = array<i32>} : memref<64x128xf32, #tpu.memory_space<vmem>>, vector<16xf32>,
      %mul3A_584 = arith.constant 16 : i32
      %mul3A_585 = arith.muli %scan3A_319, %mul3A_584 : i32
      %swap3A_586 = arith.constant 44 : i32
      %swap3A_587 = arith.index_cast %swap3A_586 : i32 to index
      %swap3A_588 = arith.index_cast %mul3A_585 : i32 to index
      %swap3A_589 = tpu.vector_load %arg6[%swap3A_587, %swap3A_588] {strides = array<i32>} : memref<64x128xf32, #tpu.memory_space<vmem>>, vector<16xf32>,
      tpu.vector_store %arg6[%swap3A_587, %swap3A_588], %broadcast_in_dim3A_0 {strides = array<i32>} : memref<64x128xf32, #tpu.memory_space<vmem>>, vector<16xf32>,
      %mul3A_590 = arith.constant 16 : i32
      %mul3A_591 = arith.muli %scan3A_319, %mul3A_590 : i32
      %swap3A_592 = arith.constant 45 : i32
      %swap3A_593 = arith.index_cast %swap3A_592 : i32 to index
      %swap3A_594 = arith.index_cast %mul3A_591 : i32 to index
      %swap3A_595 = tpu.vector_load %arg6[%swap3A_593, %swap3A_594] {strides = array<i32>} : memref<64x128xf32, #tpu.memory_space<vmem>>, vector<16xf32>,
      tpu.vector_store %arg6[%swap3A_593, %swap3A_594], %broadcast_in_dim3A_0 {strides = array<i32>} : memref<64x128xf32, #tpu.memory_space<vmem>>, vector<16xf32>,
      %mul3A_596 = arith.constant 16 : i32
      %mul3A_597 = arith.muli %scan3A_319, %mul3A_596 : i32
      %swap3A_598 = arith.constant 46 : i32
      %swap3A_599 = arith.index_cast %swap3A_598 : i32 to index
      %swap3A_600 = arith.index_cast %mul3A_597 : i32 to index
      %swap3A_601 = tpu.vector_load %arg6[%swap3A_599, %swap3A_600] {strides = array<i32>} : memref<64x128xf32, #tpu.memory_space<vmem>>, vector<16xf32>,
      tpu.vector_store %arg6[%swap3A_599, %swap3A_600], %broadcast_in_dim3A_0 {strides = array<i32>} : memref<64x128xf32, #tpu.memory_space<vmem>>, vector<16xf32>,
      %mul3A_602 = arith.constant 16 : i32
      %mul3A_603 = arith.muli %scan3A_319, %mul3A_602 : i32
      %swap3A_604 = arith.constant 47 : i32
      %swap3A_605 = arith.index_cast %swap3A_604 : i32 to index
      %swap3A_606 = arith.index_cast %mul3A_603 : i32 to index
      %swap3A_607 = tpu.vector_load %arg6[%swap3A_605, %swap3A_606] {strides = array<i32>} : memref<64x128xf32, #tpu.memory_space<vmem>>, vector<16xf32>,
      tpu.vector_store %arg6[%swap3A_605, %swap3A_606], %broadcast_in_dim3A_0 {strides = array<i32>} : memref<64x128xf32, #tpu.memory_space<vmem>>, vector<16xf32>,
      %mul3A_608 = arith.constant 16 : i32
      %mul3A_609 = arith.muli %scan3A_319, %mul3A_608 : i32
      %swap3A_610 = arith.constant 48 : i32
      %swap3A_611 = arith.index_cast %swap3A_610 : i32 to index
      %swap3A_612 = arith.index_cast %mul3A_609 : i32 to index
      %swap3A_613 = tpu.vector_load %arg6[%swap3A_611, %swap3A_612] {strides = array<i32>} : memref<64x128xf32, #tpu.memory_space<vmem>>, vector<16xf32>,
      tpu.vector_store %arg6[%swap3A_611, %swap3A_612], %broadcast_in_dim3A_0 {strides = array<i32>} : memref<64x128xf32, #tpu.memory_space<vmem>>, vector<16xf32>,
      %mul3A_614 = arith.constant 16 : i32
      %mul3A_615 = arith.muli %scan3A_319, %mul3A_614 : i32
      %swap3A_616 = arith.constant 49 : i32
      %swap3A_617 = arith.index_cast %swap3A_616 : i32 to index
      %swap3A_618 = arith.index_cast %mul3A_615 : i32 to index
      %swap3A_619 = tpu.vector_load %arg6[%swap3A_617, %swap3A_618] {strides = array<i32>} : memref<64x128xf32, #tpu.memory_space<vmem>>, vector<16xf32>,
      tpu.vector_store %arg6[%swap3A_617, %swap3A_618], %broadcast_in_dim3A_0 {strides = array<i32>} : memref<64x128xf32, #tpu.memory_space<vmem>>, vector<16xf32>,
      %mul3A_620 = arith.constant 16 : i32
      %mul3A_621 = arith.muli %scan3A_319, %mul3A_620 : i32
      %swap3A_622 = arith.constant 50 : i32
      %swap3A_623 = arith.index_cast %swap3A_622 : i32 to index
      %swap3A_624 = arith.index_cast %mul3A_621 : i32 to index
      %swap3A_625 = tpu.vector_load %arg6[%swap3A_623, %swap3A_624] {strides = array<i32>} : memref<64x128xf32, #tpu.memory_space<vmem>>, vector<16xf32>,
      tpu.vector_store %arg6[%swap3A_623, %swap3A_624], %broadcast_in_dim3A_0 {strides = array<i32>} : memref<64x128xf32, #tpu.memory_space<vmem>>, vector<16xf32>,
      %mul3A_626 = arith.constant 16 : i32
      %mul3A_627 = arith.muli %scan3A_319, %mul3A_626 : i32
      %swap3A_628 = arith.constant 51 : i32
      %swap3A_629 = arith.index_cast %swap3A_628 : i32 to index
      %swap3A_630 = arith.index_cast %mul3A_627 : i32 to index
      %swap3A_631 = tpu.vector_load %arg6[%swap3A_629, %swap3A_630] {strides = array<i32>} : memref<64x128xf32, #tpu.memory_space<vmem>>, vector<16xf32>,
      tpu.vector_store %arg6[%swap3A_629, %swap3A_630], %broadcast_in_dim3A_0 {strides = array<i32>} : memref<64x128xf32, #tpu.memory_space<vmem>>, vector<16xf32>,
      %mul3A_632 = arith.constant 16 : i32
      %mul3A_633 = arith.muli %scan3A_319, %mul3A_632 : i32
      %swap3A_634 = arith.constant 52 : i32
      %swap3A_635 = arith.index_cast %swap3A_634 : i32 to index
      %swap3A_636 = arith.index_cast %mul3A_633 : i32 to index
      %swap3A_637 = tpu.vector_load %arg6[%swap3A_635, %swap3A_636] {strides = array<i32>} : memref<64x128xf32, #tpu.memory_space<vmem>>, vector<16xf32>,
      tpu.vector_store %arg6[%swap3A_635, %swap3A_636], %broadcast_in_dim3A_0 {strides = array<i32>} : memref<64x128xf32, #tpu.memory_space<vmem>>, vector<16xf32>,
      %mul3A_638 = arith.constant 16 : i32
      %mul3A_639 = arith.muli %scan3A_319, %mul3A_638 : i32
      %swap3A_640 = arith.constant 53 : i32
      %swap3A_641 = arith.index_cast %swap3A_640 : i32 to index
      %swap3A_642 = arith.index_cast %mul3A_639 : i32 to index
      %swap3A_643 = tpu.vector_load %arg6[%swap3A_641, %swap3A_642] {strides = array<i32>} : memref<64x128xf32, #tpu.memory_space<vmem>>, vector<16xf32>,
      tpu.vector_store %arg6[%swap3A_641, %swap3A_642], %broadcast_in_dim3A_0 {strides = array<i32>} : memref<64x128xf32, #tpu.memory_space<vmem>>, vector<16xf32>,
      %mul3A_644 = arith.constant 16 : i32
      %mul3A_645 = arith.muli %scan3A_319, %mul3A_644 : i32
      %swap3A_646 = arith.constant 54 : i32
      %swap3A_647 = arith.index_cast %swap3A_646 : i32 to index
      %swap3A_648 = arith.index_cast %mul3A_645 : i32 to index
      %swap3A_649 = tpu.vector_load %arg6[%swap3A_647, %swap3A_648] {strides = array<i32>} : memref<64x128xf32, #tpu.memory_space<vmem>>, vector<16xf32>,
      tpu.vector_store %arg6[%swap3A_647, %swap3A_648], %broadcast_in_dim3A_0 {strides = array<i32>} : memref<64x128xf32, #tpu.memory_space<vmem>>, vector<16xf32>,
      %mul3A_650 = arith.constant 16 : i32
      %mul3A_651 = arith.muli %scan3A_319, %mul3A_650 : i32
      %swap3A_652 = arith.constant 55 : i32
      %swap3A_653 = arith.index_cast %swap3A_652 : i32 to index
      %swap3A_654 = arith.index_cast %mul3A_651 : i32 to index
      %swap3A_655 = tpu.vector_load %arg6[%swap3A_653, %swap3A_654] {strides = array<i32>} : memref<64x128xf32, #tpu.memory_space<vmem>>, vector<16xf32>,
      tpu.vector_store %arg6[%swap3A_653, %swap3A_654], %broadcast_in_dim3A_0 {strides = array<i32>} : memref<64x128xf32, #tpu.memory_space<vmem>>, vector<16xf32>,
      %mul3A_656 = arith.constant 16 : i32
      %mul3A_657 = arith.muli %scan3A_319, %mul3A_656 : i32
      %swap3A_658 = arith.constant 56 : i32
      %swap3A_659 = arith.index_cast %swap3A_658 : i32 to index
      %swap3A_660 = arith.index_cast %mul3A_657 : i32 to index
      %swap3A_661 = tpu.vector_load %arg6[%swap3A_659, %swap3A_660] {strides = array<i32>} : memref<64x128xf32, #tpu.memory_space<vmem>>, vector<16xf32>,
      tpu.vector_store %arg6[%swap3A_659, %swap3A_660], %broadcast_in_dim3A_0 {strides = array<i32>} : memref<64x128xf32, #tpu.memory_space<vmem>>, vector<16xf32>,
      %mul3A_662 = arith.constant 16 : i32
      %mul3A_663 = arith.muli %scan3A_319, %mul3A_662 : i32
      %swap3A_664 = arith.constant 57 : i32
      %swap3A_665 = arith.index_cast %swap3A_664 : i32 to index
      %swap3A_666 = arith.index_cast %mul3A_663 : i32 to index
      %swap3A_667 = tpu.vector_load %arg6[%swap3A_665, %swap3A_666] {strides = array<i32>} : memref<64x128xf32, #tpu.memory_space<vmem>>, vector<16xf32>,
      tpu.vector_store %arg6[%swap3A_665, %swap3A_666], %broadcast_in_dim3A_0 {strides = array<i32>} : memref<64x128xf32, #tpu.memory_space<vmem>>, vector<16xf32>,
      %mul3A_668 = arith.constant 16 : i32
      %mul3A_669 = arith.muli %scan3A_319, %mul3A_668 : i32
      %swap3A_670 = arith.constant 58 : i32
      %swap3A_671 = arith.index_cast %swap3A_670 : i32 to index
      %swap3A_672 = arith.index_cast %mul3A_669 : i32 to index
      %swap3A_673 = tpu.vector_load %arg6[%swap3A_671, %swap3A_672] {strides = array<i32>} : memref<64x128xf32, #tpu.memory_space<vmem>>, vector<16xf32>,
      tpu.vector_store %arg6[%swap3A_671, %swap3A_672], %broadcast_in_dim3A_0 {strides = array<i32>} : memref<64x128xf32, #tpu.memory_space<vmem>>, vector<16xf32>,
      %mul3A_674 = arith.constant 16 : i32
      %mul3A_675 = arith.muli %scan3A_319, %mul3A_674 : i32
      %swap3A_676 = arith.constant 59 : i32
      %swap3A_677 = arith.index_cast %swap3A_676 : i32 to index
      %swap3A_678 = arith.index_cast %mul3A_675 : i32 to index
      %swap3A_679 = tpu.vector_load %arg6[%swap3A_677, %swap3A_678] {strides = array<i32>} : memref<64x128xf32, #tpu.memory_space<vmem>>, vector<16xf32>,
      tpu.vector_store %arg6[%swap3A_677, %swap3A_678], %broadcast_in_dim3A_0 {strides = array<i32>} : memref<64x128xf32, #tpu.memory_space<vmem>>, vector<16xf32>,
      %mul3A_680 = arith.constant 16 : i32
      %mul3A_681 = arith.muli %scan3A_319, %mul3A_680 : i32
      %swap3A_682 = arith.constant 60 : i32
      %swap3A_683 = arith.index_cast %swap3A_682 : i32 to index
      %swap3A_684 = arith.index_cast %mul3A_681 : i32 to index
      %swap3A_685 = tpu.vector_load %arg6[%swap3A_683, %swap3A_684] {strides = array<i32>} : memref<64x128xf32, #tpu.memory_space<vmem>>, vector<16xf32>,
      tpu.vector_store %arg6[%swap3A_683, %swap3A_684], %broadcast_in_dim3A_0 {strides = array<i32>} : memref<64x128xf32, #tpu.memory_space<vmem>>, vector<16xf32>,
      %mul3A_686 = arith.constant 16 : i32
      %mul3A_687 = arith.muli %scan3A_319, %mul3A_686 : i32
      %swap3A_688 = arith.constant 61 : i32
      %swap3A_689 = arith.index_cast %swap3A_688 : i32 to index
      %swap3A_690 = arith.index_cast %mul3A_687 : i32 to index
      %swap3A_691 = tpu.vector_load %arg6[%swap3A_689, %swap3A_690] {strides = array<i32>} : memref<64x128xf32, #tpu.memory_space<vmem>>, vector<16xf32>,
      tpu.vector_store %arg6[%swap3A_689, %swap3A_690], %broadcast_in_dim3A_0 {strides = array<i32>} : memref<64x128xf32, #tpu.memory_space<vmem>>, vector<16xf32>,
      %mul3A_692 = arith.constant 16 : i32
      %mul3A_693 = arith.muli %scan3A_319, %mul3A_692 : i32
      %swap3A_694 = arith.constant 62 : i32
      %swap3A_695 = arith.index_cast %swap3A_694 : i32 to index
      %swap3A_696 = arith.index_cast %mul3A_693 : i32 to index
      %swap3A_697 = tpu.vector_load %arg6[%swap3A_695, %swap3A_696] {strides = array<i32>} : memref<64x128xf32, #tpu.memory_space<vmem>>, vector<16xf32>,
      tpu.vector_store %arg6[%swap3A_695, %swap3A_696], %broadcast_in_dim3A_0 {strides = array<i32>} : memref<64x128xf32, #tpu.memory_space<vmem>>, vector<16xf32>,
      %mul3A_698 = arith.constant 16 : i32
      %mul3A_699 = arith.muli %scan3A_319, %mul3A_698 : i32
      %swap3A_700 = arith.constant 63 : i32
      %swap3A_701 = arith.index_cast %swap3A_700 : i32 to index
      %swap3A_702 = arith.index_cast %mul3A_699 : i32 to index
      %swap3A_703 = tpu.vector_load %arg6[%swap3A_701, %swap3A_702] {strides = array<i32>} : memref<64x128xf32, #tpu.memory_space<vmem>>, vector<16xf32>,
      tpu.vector_store %arg6[%swap3A_701, %swap3A_702], %broadcast_in_dim3A_0 {strides = array<i32>} : memref<64x128xf32, #tpu.memory_space<vmem>>, vector<16xf32>,
    }
    %scan3A_4 = arith.constant 8 : i32
    %mul3A = arith.constant 10000 : i32
    %mul3A_5 = arith.muli %arg0, %mul3A : i32
    %add3A = arith.constant 0 : i32
    %add3A_6 = arith.addi %add3A, %mul3A_5 : i32
    %mul3A_7 = arith.constant 10000 : i32
    %mul3A_8 = arith.muli %arg1, %mul3A_7 : i32
    %add3A_9 = arith.constant 0 : i32
    %add3A_10 = arith.addi %add3A_9, %mul3A_8 : i32
    %mul3A_11 = arith.constant 10000 : i32
    %mul3A_12 = arith.muli %arg1, %mul3A_11 : i32
    %add3A_13 = arith.constant 160000 : i32
    %add3A_14 = arith.addi %add3A_13, %mul3A_12 : i32
    %scan3A_15 = arith.constant 0 : i32
    %scan3A_16 = arith.constant 10 : i32
    %scan3A_17 = arith.addi %scan3A_15, %scan3A_16 : i32
    %scan3A_18 = arith.constant 1 : i32
    scf.for %scan3A_319 = %scan3A_15 to %scan3A_17 step %scan3A_18  : i32 {
      %mul3A_320 = arith.constant 640 : i32
      %mul3A_321 = arith.muli %arg1, %mul3A_320 : i32
      %mul3A_322 = arith.constant 64 : i32
      %mul3A_323 = arith.muli %scan3A_319, %mul3A_322 : i32
      %add3A_324 = arith.addi %mul3A_321, %mul3A_323 : i32
      "tpu.region"() ({
        %run_scoped3A = tpu.sem_alloc : memref<!tpu.dma_semaphore, #tpu.memory_space<semaphore_mem>>
        %dma_start3A_325 = arith.constant 0 : i32
        %dma_start3A_326 = tpu.memref_slice %arg5[%add3A_324, %dma_start3A_325] : memref<10240x128xf32, #tpu.memory_space<vmem_shared>> -> memref<64x128xf32, #tpu.memory_space<vmem_shared>>
        %dma_start3A_327 = arith.constant 0 : i32
        %dma_start3A_328 = tpu.memref_slice %arg5[%add3A_324, %dma_start3A_327] : memref<10240x128xf32, #tpu.memory_space<vmem_shared>> -> memref<64x128xf32, #tpu.memory_space<vmem_shared>>
        tpu.enqueue_dma source(%arg6 : memref<64x128xf32, #tpu.memory_space<vmem>>) target(%dma_start3A_328 : memref<64x128xf32, #tpu.memory_space<vmem_shared>>) target_semaphore(%run_scoped3A : memref<!tpu.dma_semaphore, #tpu.memory_space<semaphore_mem>>)
        %dma_wait3A_329 = arith.constant 0 : i32
        %dma_wait3A_330 = tpu.memref_slice %arg5[%add3A_324, %dma_wait3A_329] : memref<10240x128xf32, #tpu.memory_space<vmem_shared>> -> memref<64x128xf32, #tpu.memory_space<vmem_shared>>
        %dma_wait3A_331 = arith.constant 0 : i32
        %dma_wait3A_332 = tpu.memref_slice %arg5[%add3A_324, %dma_wait3A_331] : memref<10240x128xf32, #tpu.memory_space<vmem_shared>> -> memref<64x128xf32, #tpu.memory_space<vmem_shared>>
        tpu.wait_dma2 semaphore(%run_scoped3A : memref<!tpu.dma_semaphore, #tpu.memory_space<semaphore_mem>>) src(%arg6 : memref<64x128xf32, #tpu.memory_space<vmem>>) dst(%dma_wait3A_332 : memref<64x128xf32, #tpu.memory_space<vmem_shared>>)
        tpu.yield
      }) : () -> ()
    }
    %scan3A_19 = arith.constant 10 : i32
    %barrier3A = arith.constant 0 : index
    tpu.barrier barrier_id(%barrier3A)
    %add3A_20 = arith.constant 0 : i32
    %add3A_21 = arith.addi %add3A_10, %add3A_20 : i32
    "tpu.region"() ({
      %run_scoped3A = tpu.sem_alloc : memref<!tpu.dma_semaphore, #tpu.memory_space<semaphore_mem>>
      %dma_start3A_319 = tpu.memref_slice %arg3[%add3A_21] : memref<960000xi32, #tpu.memory_space<hbm>> -> memref<80xi32, #tpu.memory_space<hbm>>
      %dma_start3A_320 = tpu.memref_slice %arg3[%add3A_21] : memref<960000xi32, #tpu.memory_space<hbm>> -> memref<80xi32, #tpu.memory_space<hbm>>
      tpu.enqueue_dma source(%dma_start3A_320 : memref<80xi32, #tpu.memory_space<hbm>>) target(%arg7 : memref<80xi32, #tpu.memory_space<vmem>>) target_semaphore(%run_scoped3A : memref<!tpu.dma_semaphore, #tpu.memory_space<semaphore_mem>>)
      %dma_wait3A_321 = tpu.memref_slice %arg3[%add3A_21] : memref<960000xi32, #tpu.memory_space<hbm>> -> memref<80xi32, #tpu.memory_space<hbm>>
      %dma_wait3A_322 = tpu.memref_slice %arg3[%add3A_21] : memref<960000xi32, #tpu.memory_space<hbm>> -> memref<80xi32, #tpu.memory_space<hbm>>
      tpu.wait_dma2 semaphore(%run_scoped3A : memref<!tpu.dma_semaphore, #tpu.memory_space<semaphore_mem>>) src(%dma_wait3A_322 : memref<80xi32, #tpu.memory_space<hbm>>) dst(%arg7 : memref<80xi32, #tpu.memory_space<vmem>>)
      tpu.yield
    }) : () -> ()
    %get3A = arith.constant 0 : index
    %get3A_22 = tpu.vector_load %arg7[%get3A] {strides = array<i32>} : memref<80xi32, #tpu.memory_space<vmem>>, vector<16xi32>,
    %add3A_23 = vector.broadcast %add3A_6 : i32 to vector<16xi32>
    %add3A_24 = arith.addi %get3A_22, %add3A_23 : vector<16xi32>
    %swap3A = arith.constant 0 : index
    %swap3A_25 = tpu.vector_load %arg7[%swap3A] {strides = array<i32>} : memref<80xi32, #tpu.memory_space<vmem>>, vector<16xi32>,
    tpu.vector_store %arg7[%swap3A], %add3A_24 {strides = array<i32>} : memref<80xi32, #tpu.memory_space<vmem>>, vector<16xi32>,
    %get3A_26 = arith.constant 16 : index
    %get3A_27 = tpu.vector_load %arg7[%get3A_26] {strides = array<i32>} : memref<80xi32, #tpu.memory_space<vmem>>, vector<16xi32>,
    %add3A_28 = vector.broadcast %add3A_6 : i32 to vector<16xi32>
    %add3A_29 = arith.addi %get3A_27, %add3A_28 : vector<16xi32>
    %swap3A_30 = arith.constant 16 : index
    %swap3A_31 = tpu.vector_load %arg7[%swap3A_30] {strides = array<i32>} : memref<80xi32, #tpu.memory_space<vmem>>, vector<16xi32>,
    tpu.vector_store %arg7[%swap3A_30], %add3A_29 {strides = array<i32>} : memref<80xi32, #tpu.memory_space<vmem>>, vector<16xi32>,
    %get3A_32 = arith.constant 32 : index
    %get3A_33 = tpu.vector_load %arg7[%get3A_32] {strides = array<i32>} : memref<80xi32, #tpu.memory_space<vmem>>, vector<16xi32>,
    %add3A_34 = vector.broadcast %add3A_6 : i32 to vector<16xi32>
    %add3A_35 = arith.addi %get3A_33, %add3A_34 : vector<16xi32>
    %swap3A_36 = arith.constant 32 : index
    %swap3A_37 = tpu.vector_load %arg7[%swap3A_36] {strides = array<i32>} : memref<80xi32, #tpu.memory_space<vmem>>, vector<16xi32>,
    tpu.vector_store %arg7[%swap3A_36], %add3A_35 {strides = array<i32>} : memref<80xi32, #tpu.memory_space<vmem>>, vector<16xi32>,
    %get3A_38 = arith.constant 48 : index
    %get3A_39 = tpu.vector_load %arg7[%get3A_38] {strides = array<i32>} : memref<80xi32, #tpu.memory_space<vmem>>, vector<16xi32>,
    %add3A_40 = vector.broadcast %add3A_6 : i32 to vector<16xi32>
    %add3A_41 = arith.addi %get3A_39, %add3A_40 : vector<16xi32>
    %swap3A_42 = arith.constant 48 : index
    %swap3A_43 = tpu.vector_load %arg7[%swap3A_42] {strides = array<i32>} : memref<80xi32, #tpu.memory_space<vmem>>, vector<16xi32>,
    tpu.vector_store %arg7[%swap3A_42], %add3A_41 {strides = array<i32>} : memref<80xi32, #tpu.memory_space<vmem>>, vector<16xi32>,
    %get3A_44 = arith.constant 64 : index
    %get3A_45 = tpu.vector_load %arg7[%get3A_44] {strides = array<i32>} : memref<80xi32, #tpu.memory_space<vmem>>, vector<16xi32>,
    %add3A_46 = vector.broadcast %add3A_6 : i32 to vector<16xi32>
    %add3A_47 = arith.addi %get3A_45, %add3A_46 : vector<16xi32>
    %swap3A_48 = arith.constant 64 : index
    %swap3A_49 = tpu.vector_load %arg7[%swap3A_48] {strides = array<i32>} : memref<80xi32, #tpu.memory_space<vmem>>, vector<16xi32>,
    tpu.vector_store %arg7[%swap3A_48], %add3A_47 {strides = array<i32>} : memref<80xi32, #tpu.memory_space<vmem>>, vector<16xi32>,
    %add3A_50 = arith.constant 0 : i32
    %add3A_51 = arith.addi %add3A_14, %add3A_50 : i32
    "tpu.region"() ({
      %run_scoped3A = tpu.sem_alloc : memref<!tpu.dma_semaphore, #tpu.memory_space<semaphore_mem>>
      %dma_start3A_319 = tpu.memref_slice %arg3[%add3A_51] : memref<960000xi32, #tpu.memory_space<hbm>> -> memref<80xi32, #tpu.memory_space<hbm>>
      %dma_start3A_320 = tpu.memref_slice %arg3[%add3A_51] : memref<960000xi32, #tpu.memory_space<hbm>> -> memref<80xi32, #tpu.memory_space<hbm>>
      tpu.enqueue_dma source(%dma_start3A_320 : memref<80xi32, #tpu.memory_space<hbm>>) target(%arg9 : memref<80xi32, #tpu.memory_space<vmem>>) target_semaphore(%run_scoped3A : memref<!tpu.dma_semaphore, #tpu.memory_space<semaphore_mem>>)
      %dma_wait3A_321 = tpu.memref_slice %arg3[%add3A_51] : memref<960000xi32, #tpu.memory_space<hbm>> -> memref<80xi32, #tpu.memory_space<hbm>>
      %dma_wait3A_322 = tpu.memref_slice %arg3[%add3A_51] : memref<960000xi32, #tpu.memory_space<hbm>> -> memref<80xi32, #tpu.memory_space<hbm>>
      tpu.wait_dma2 semaphore(%run_scoped3A : memref<!tpu.dma_semaphore, #tpu.memory_space<semaphore_mem>>) src(%dma_wait3A_322 : memref<80xi32, #tpu.memory_space<hbm>>) dst(%arg9 : memref<80xi32, #tpu.memory_space<vmem>>)
      tpu.yield
    }) : () -> ()
    %dma_start3A = arith.constant 0 : i32
    %dma_start3A_52 = arith.constant 0 : i32
    %dma_start3A_53 = tpu.memref_slice %arg2[%dma_start3A, %dma_start3A_52] : memref<60000x128xf32, #tpu.memory_space<hbm>> -> memref<60000x128xf32, #tpu.memory_space<hbm>>
    tpu.enqueue_indirect_dma source(%dma_start3A_53 : memref<60000x128xf32, #tpu.memory_space<hbm>>) target(%arg11 : memref<80x128xf32, #tpu.memory_space<vmem>>) offsets(%arg7 : memref<80xi32, #tpu.memory_space<vmem>>) semaphore(%arg13 : memref<!tpu.dma_semaphore, #tpu.memory_space<semaphore_mem>>)
    %add3A_54 = arith.constant 80 : i32
    %add3A_55 = arith.addi %add3A_10, %add3A_54 : i32
    "tpu.region"() ({
      %run_scoped3A = tpu.sem_alloc : memref<!tpu.dma_semaphore, #tpu.memory_space<semaphore_mem>>
      %dma_start3A_319 = tpu.memref_slice %arg3[%add3A_55] : memref<960000xi32, #tpu.memory_space<hbm>> -> memref<80xi32, #tpu.memory_space<hbm>>
      %dma_start3A_320 = tpu.memref_slice %arg3[%add3A_55] : memref<960000xi32, #tpu.memory_space<hbm>> -> memref<80xi32, #tpu.memory_space<hbm>>
      tpu.enqueue_dma source(%dma_start3A_320 : memref<80xi32, #tpu.memory_space<hbm>>) target(%arg8 : memref<80xi32, #tpu.memory_space<vmem>>) target_semaphore(%run_scoped3A : memref<!tpu.dma_semaphore, #tpu.memory_space<semaphore_mem>>)
      %dma_wait3A_321 = tpu.memref_slice %arg3[%add3A_55] : memref<960000xi32, #tpu.memory_space<hbm>> -> memref<80xi32, #tpu.memory_space<hbm>>
      %dma_wait3A_322 = tpu.memref_slice %arg3[%add3A_55] : memref<960000xi32, #tpu.memory_space<hbm>> -> memref<80xi32, #tpu.memory_space<hbm>>
      tpu.wait_dma2 semaphore(%run_scoped3A : memref<!tpu.dma_semaphore, #tpu.memory_space<semaphore_mem>>) src(%dma_wait3A_322 : memref<80xi32, #tpu.memory_space<hbm>>) dst(%arg8 : memref<80xi32, #tpu.memory_space<vmem>>)
      tpu.yield
    }) : () -> ()
    %get3A_56 = arith.constant 0 : index
    %get3A_57 = tpu.vector_load %arg8[%get3A_56] {strides = array<i32>} : memref<80xi32, #tpu.memory_space<vmem>>, vector<16xi32>,
    %add3A_58 = vector.broadcast %add3A_6 : i32 to vector<16xi32>
    %add3A_59 = arith.addi %get3A_57, %add3A_58 : vector<16xi32>
    %swap3A_60 = arith.constant 0 : index
    %swap3A_61 = tpu.vector_load %arg8[%swap3A_60] {strides = array<i32>} : memref<80xi32, #tpu.memory_space<vmem>>, vector<16xi32>,
    tpu.vector_store %arg8[%swap3A_60], %add3A_59 {strides = array<i32>} : memref<80xi32, #tpu.memory_space<vmem>>, vector<16xi32>,
    %get3A_62 = arith.constant 16 : index
    %get3A_63 = tpu.vector_load %arg8[%get3A_62] {strides = array<i32>} : memref<80xi32, #tpu.memory_space<vmem>>, vector<16xi32>,
    %add3A_64 = vector.broadcast %add3A_6 : i32 to vector<16xi32>
    %add3A_65 = arith.addi %get3A_63, %add3A_64 : vector<16xi32>
    %swap3A_66 = arith.constant 16 : index
    %swap3A_67 = tpu.vector_load %arg8[%swap3A_66] {strides = array<i32>} : memref<80xi32, #tpu.memory_space<vmem>>, vector<16xi32>,
    tpu.vector_store %arg8[%swap3A_66], %add3A_65 {strides = array<i32>} : memref<80xi32, #tpu.memory_space<vmem>>, vector<16xi32>,
    %get3A_68 = arith.constant 32 : index
    %get3A_69 = tpu.vector_load %arg8[%get3A_68] {strides = array<i32>} : memref<80xi32, #tpu.memory_space<vmem>>, vector<16xi32>,
    %add3A_70 = vector.broadcast %add3A_6 : i32 to vector<16xi32>
    %add3A_71 = arith.addi %get3A_69, %add3A_70 : vector<16xi32>
    %swap3A_72 = arith.constant 32 : index
    %swap3A_73 = tpu.vector_load %arg8[%swap3A_72] {strides = array<i32>} : memref<80xi32, #tpu.memory_space<vmem>>, vector<16xi32>,
    tpu.vector_store %arg8[%swap3A_72], %add3A_71 {strides = array<i32>} : memref<80xi32, #tpu.memory_space<vmem>>, vector<16xi32>,
    %get3A_74 = arith.constant 48 : index
    %get3A_75 = tpu.vector_load %arg8[%get3A_74] {strides = array<i32>} : memref<80xi32, #tpu.memory_space<vmem>>, vector<16xi32>,
    %add3A_76 = vector.broadcast %add3A_6 : i32 to vector<16xi32>
    %add3A_77 = arith.addi %get3A_75, %add3A_76 : vector<16xi32>
    %swap3A_78 = arith.constant 48 : index
    %swap3A_79 = tpu.vector_load %arg8[%swap3A_78] {strides = array<i32>} : memref<80xi32, #tpu.memory_space<vmem>>, vector<16xi32>,
    tpu.vector_store %arg8[%swap3A_78], %add3A_77 {strides = array<i32>} : memref<80xi32, #tpu.memory_space<vmem>>, vector<16xi32>,
    %get3A_80 = arith.constant 64 : index
    %get3A_81 = tpu.vector_load %arg8[%get3A_80] {strides = array<i32>} : memref<80xi32, #tpu.memory_space<vmem>>, vector<16xi32>,
    %add3A_82 = vector.broadcast %add3A_6 : i32 to vector<16xi32>
    %add3A_83 = arith.addi %get3A_81, %add3A_82 : vector<16xi32>
    %swap3A_84 = arith.constant 64 : index
    %swap3A_85 = tpu.vector_load %arg8[%swap3A_84] {strides = array<i32>} : memref<80xi32, #tpu.memory_space<vmem>>, vector<16xi32>,
    tpu.vector_store %arg8[%swap3A_84], %add3A_83 {strides = array<i32>} : memref<80xi32, #tpu.memory_space<vmem>>, vector<16xi32>,
    %add3A_86 = arith.constant 80 : i32
    %add3A_87 = arith.addi %add3A_14, %add3A_86 : i32
    "tpu.region"() ({
      %run_scoped3A = tpu.sem_alloc : memref<!tpu.dma_semaphore, #tpu.memory_space<semaphore_mem>>
      %dma_start3A_319 = tpu.memref_slice %arg3[%add3A_87] : memref<960000xi32, #tpu.memory_space<hbm>> -> memref<80xi32, #tpu.memory_space<hbm>>
      %dma_start3A_320 = tpu.memref_slice %arg3[%add3A_87] : memref<960000xi32, #tpu.memory_space<hbm>> -> memref<80xi32, #tpu.memory_space<hbm>>
      tpu.enqueue_dma source(%dma_start3A_320 : memref<80xi32, #tpu.memory_space<hbm>>) target(%arg10 : memref<80xi32, #tpu.memory_space<vmem>>) target_semaphore(%run_scoped3A : memref<!tpu.dma_semaphore, #tpu.memory_space<semaphore_mem>>)
      %dma_wait3A_321 = tpu.memref_slice %arg3[%add3A_87] : memref<960000xi32, #tpu.memory_space<hbm>> -> memref<80xi32, #tpu.memory_space<hbm>>
      %dma_wait3A_322 = tpu.memref_slice %arg3[%add3A_87] : memref<960000xi32, #tpu.memory_space<hbm>> -> memref<80xi32, #tpu.memory_space<hbm>>
      tpu.wait_dma2 semaphore(%run_scoped3A : memref<!tpu.dma_semaphore, #tpu.memory_space<semaphore_mem>>) src(%dma_wait3A_322 : memref<80xi32, #tpu.memory_space<hbm>>) dst(%arg10 : memref<80xi32, #tpu.memory_space<vmem>>)
      tpu.yield
    }) : () -> ()
    %dma_start3A_88 = arith.constant 0 : i32
    %dma_start3A_89 = arith.constant 0 : i32
    %dma_start3A_90 = tpu.memref_slice %arg2[%dma_start3A_88, %dma_start3A_89] : memref<60000x128xf32, #tpu.memory_space<hbm>> -> memref<60000x128xf32, #tpu.memory_space<hbm>>
    tpu.enqueue_indirect_dma source(%dma_start3A_90 : memref<60000x128xf32, #tpu.memory_space<hbm>>) target(%arg12 : memref<80x128xf32, #tpu.memory_space<vmem>>) offsets(%arg8 : memref<80xi32, #tpu.memory_space<vmem>>) semaphore(%arg14 : memref<!tpu.dma_semaphore, #tpu.memory_space<semaphore_mem>>)
    %scan3A_91 = arith.constant 0 : i32
    %scan3A_92 = arith.constant 62 : i32
    %scan3A_93 = arith.addi %scan3A_91, %scan3A_92 : i32
    %scan3A_94 = arith.constant 1 : i32
    scf.for %scan3A_319 = %scan3A_91 to %scan3A_93 step %scan3A_94  : i32 {
      %mul3A_320 = arith.constant 2 : i32
      %mul3A_321 = arith.muli %mul3A_320, %scan3A_319 : i32
      %add3A_322 = arith.constant 0 : i32
      %add3A_323 = arith.addi %mul3A_321, %add3A_322 : i32
      %dma_wait3A_324 = arith.constant 0 : i32
      %dma_wait3A_325 = arith.constant 0 : i32
      %dma_wait3A_326 = tpu.memref_slice %arg2[%dma_wait3A_324, %dma_wait3A_325] : memref<60000x128xf32, #tpu.memory_space<hbm>> -> memref<60000x128xf32, #tpu.memory_space<hbm>>
      tpu.wait_indirect_dma semaphore(%arg13 : memref<!tpu.dma_semaphore, #tpu.memory_space<semaphore_mem>>) src(%dma_wait3A_326 : memref<60000x128xf32, #tpu.memory_space<hbm>>) dst(%arg11 : memref<80x128xf32, #tpu.memory_space<vmem>>)
      "tpu.region"() ({
        %run_scoped3A = tpu.sem_alloc : memref<!tpu.dma_semaphore, #tpu.memory_space<semaphore_mem>>
        %dma_start3A_345 = arith.constant 0 : i32
        %dma_start3A_346 = arith.constant 0 : i32
        %dma_start3A_347 = tpu.memref_slice %arg5[%dma_start3A_345, %dma_start3A_346] : memref<10240x128xf32, #tpu.memory_space<vmem_shared>> -> memref<10240x128xf32, #tpu.memory_space<vmem_shared>>
        tpu.enqueue_indirect_dma source(%arg11 : memref<80x128xf32, #tpu.memory_space<vmem>>) target(%dma_start3A_347 : memref<10240x128xf32, #tpu.memory_space<vmem_shared>>) offsets(%arg9 : memref<80xi32, #tpu.memory_space<vmem>>) semaphore(%run_scoped3A : memref<!tpu.dma_semaphore, #tpu.memory_space<semaphore_mem>>) {add = true}
        %dma_wait3A_348 = arith.constant 0 : i32
        %dma_wait3A_349 = arith.constant 0 : i32
        %dma_wait3A_350 = tpu.memref_slice %arg5[%dma_wait3A_348, %dma_wait3A_349] : memref<10240x128xf32, #tpu.memory_space<vmem_shared>> -> memref<10240x128xf32, #tpu.memory_space<vmem_shared>>
        tpu.wait_indirect_dma semaphore(%run_scoped3A : memref<!tpu.dma_semaphore, #tpu.memory_space<semaphore_mem>>) src(%arg11 : memref<80x128xf32, #tpu.memory_space<vmem>>) dst(%dma_wait3A_350 : memref<10240x128xf32, #tpu.memory_space<vmem_shared>>)
        tpu.yield
      }) : () -> ()
      %add3A_327 = arith.constant 2 : i32
      %add3A_328 = arith.addi %add3A_323, %add3A_327 : i32
      %lt3A = arith.constant 125 : i32
      %lt3A_329 = arith.cmpi slt, %add3A_328, %lt3A : i32
      %convert_element_type3A = arith.extui %lt3A_329 : i1 to i32
      %cond3A = arith.constant 0 : i32
      %cond3A_330 = arith.cmpi ne, %convert_element_type3A, %cond3A : i32
      scf.if %cond3A_330 {
        %add3A_345 = arith.constant 2 : i32
        %add3A_346 = arith.addi %add3A_323, %add3A_345 : i32
        %mul3A_347 = arith.constant 80 : i32
        %mul3A_348 = arith.muli %add3A_346, %mul3A_347 : i32
        %add3A_349 = arith.addi %add3A_10, %mul3A_348 : i32
        "tpu.region"() ({
          %run_scoped3A = tpu.sem_alloc : memref<!tpu.dma_semaphore, #tpu.memory_space<semaphore_mem>>
          %dma_start3A_386 = tpu.memref_slice %arg3[%add3A_349] : memref<960000xi32, #tpu.memory_space<hbm>> -> memref<80xi32, #tpu.memory_space<hbm>>
          %dma_start3A_387 = tpu.memref_slice %arg3[%add3A_349] : memref<960000xi32, #tpu.memory_space<hbm>> -> memref<80xi32, #tpu.memory_space<hbm>>
          tpu.enqueue_dma source(%dma_start3A_387 : memref<80xi32, #tpu.memory_space<hbm>>) target(%arg7 : memref<80xi32, #tpu.memory_space<vmem>>) target_semaphore(%run_scoped3A : memref<!tpu.dma_semaphore, #tpu.memory_space<semaphore_mem>>)
          %dma_wait3A_388 = tpu.memref_slice %arg3[%add3A_349] : memref<960000xi32, #tpu.memory_space<hbm>> -> memref<80xi32, #tpu.memory_space<hbm>>
          %dma_wait3A_389 = tpu.memref_slice %arg3[%add3A_349] : memref<960000xi32, #tpu.memory_space<hbm>> -> memref<80xi32, #tpu.memory_space<hbm>>
          tpu.wait_dma2 semaphore(%run_scoped3A : memref<!tpu.dma_semaphore, #tpu.memory_space<semaphore_mem>>) src(%dma_wait3A_389 : memref<80xi32, #tpu.memory_space<hbm>>) dst(%arg7 : memref<80xi32, #tpu.memory_space<vmem>>)
          tpu.yield
        }) : () -> ()
        %get3A_350 = arith.constant 0 : index
        %get3A_351 = tpu.vector_load %arg7[%get3A_350] {strides = array<i32>} : memref<80xi32, #tpu.memory_space<vmem>>, vector<16xi32>,
        %add3A_352 = vector.broadcast %add3A_6 : i32 to vector<16xi32>
        %add3A_353 = arith.addi %get3A_351, %add3A_352 : vector<16xi32>
        %swap3A_354 = arith.constant 0 : index
        %swap3A_355 = tpu.vector_load %arg7[%swap3A_354] {strides = array<i32>} : memref<80xi32, #tpu.memory_space<vmem>>, vector<16xi32>,
        tpu.vector_store %arg7[%swap3A_354], %add3A_353 {strides = array<i32>} : memref<80xi32, #tpu.memory_space<vmem>>, vector<16xi32>,
        %get3A_356 = arith.constant 16 : index
        %get3A_357 = tpu.vector_load %arg7[%get3A_356] {strides = array<i32>} : memref<80xi32, #tpu.memory_space<vmem>>, vector<16xi32>,
        %add3A_358 = vector.broadcast %add3A_6 : i32 to vector<16xi32>
        %add3A_359 = arith.addi %get3A_357, %add3A_358 : vector<16xi32>
        %swap3A_360 = arith.constant 16 : index
        %swap3A_361 = tpu.vector_load %arg7[%swap3A_360] {strides = array<i32>} : memref<80xi32, #tpu.memory_space<vmem>>, vector<16xi32>,
        tpu.vector_store %arg7[%swap3A_360], %add3A_359 {strides = array<i32>} : memref<80xi32, #tpu.memory_space<vmem>>, vector<16xi32>,
        %get3A_362 = arith.constant 32 : index
        %get3A_363 = tpu.vector_load %arg7[%get3A_362] {strides = array<i32>} : memref<80xi32, #tpu.memory_space<vmem>>, vector<16xi32>,
        %add3A_364 = vector.broadcast %add3A_6 : i32 to vector<16xi32>
        %add3A_365 = arith.addi %get3A_363, %add3A_364 : vector<16xi32>
        %swap3A_366 = arith.constant 32 : index
        %swap3A_367 = tpu.vector_load %arg7[%swap3A_366] {strides = array<i32>} : memref<80xi32, #tpu.memory_space<vmem>>, vector<16xi32>,
        tpu.vector_store %arg7[%swap3A_366], %add3A_365 {strides = array<i32>} : memref<80xi32, #tpu.memory_space<vmem>>, vector<16xi32>,
        %get3A_368 = arith.constant 48 : index
        %get3A_369 = tpu.vector_load %arg7[%get3A_368] {strides = array<i32>} : memref<80xi32, #tpu.memory_space<vmem>>, vector<16xi32>,
        %add3A_370 = vector.broadcast %add3A_6 : i32 to vector<16xi32>
        %add3A_371 = arith.addi %get3A_369, %add3A_370 : vector<16xi32>
        %swap3A_372 = arith.constant 48 : index
        %swap3A_373 = tpu.vector_load %arg7[%swap3A_372] {strides = array<i32>} : memref<80xi32, #tpu.memory_space<vmem>>, vector<16xi32>,
        tpu.vector_store %arg7[%swap3A_372], %add3A_371 {strides = array<i32>} : memref<80xi32, #tpu.memory_space<vmem>>, vector<16xi32>,
        %get3A_374 = arith.constant 64 : index
        %get3A_375 = tpu.vector_load %arg7[%get3A_374] {strides = array<i32>} : memref<80xi32, #tpu.memory_space<vmem>>, vector<16xi32>,
        %add3A_376 = vector.broadcast %add3A_6 : i32 to vector<16xi32>
        %add3A_377 = arith.addi %get3A_375, %add3A_376 : vector<16xi32>
        %swap3A_378 = arith.constant 64 : index
        %swap3A_379 = tpu.vector_load %arg7[%swap3A_378] {strides = array<i32>} : memref<80xi32, #tpu.memory_space<vmem>>, vector<16xi32>,
        tpu.vector_store %arg7[%swap3A_378], %add3A_377 {strides = array<i32>} : memref<80xi32, #tpu.memory_space<vmem>>, vector<16xi32>,
        %mul3A_380 = arith.constant 80 : i32
        %mul3A_381 = arith.muli %add3A_346, %mul3A_380 : i32
        %add3A_382 = arith.addi %add3A_14, %mul3A_381 : i32
        "tpu.region"() ({
          %run_scoped3A = tpu.sem_alloc : memref<!tpu.dma_semaphore, #tpu.memory_space<semaphore_mem>>
          %dma_start3A_386 = tpu.memref_slice %arg3[%add3A_382] : memref<960000xi32, #tpu.memory_space<hbm>> -> memref<80xi32, #tpu.memory_space<hbm>>
          %dma_start3A_387 = tpu.memref_slice %arg3[%add3A_382] : memref<960000xi32, #tpu.memory_space<hbm>> -> memref<80xi32, #tpu.memory_space<hbm>>
          tpu.enqueue_dma source(%dma_start3A_387 : memref<80xi32, #tpu.memory_space<hbm>>) target(%arg9 : memref<80xi32, #tpu.memory_space<vmem>>) target_semaphore(%run_scoped3A : memref<!tpu.dma_semaphore, #tpu.memory_space<semaphore_mem>>)
          %dma_wait3A_388 = tpu.memref_slice %arg3[%add3A_382] : memref<960000xi32, #tpu.memory_space<hbm>> -> memref<80xi32, #tpu.memory_space<hbm>>
          %dma_wait3A_389 = tpu.memref_slice %arg3[%add3A_382] : memref<960000xi32, #tpu.memory_space<hbm>> -> memref<80xi32, #tpu.memory_space<hbm>>
          tpu.wait_dma2 semaphore(%run_scoped3A : memref<!tpu.dma_semaphore, #tpu.memory_space<semaphore_mem>>) src(%dma_wait3A_389 : memref<80xi32, #tpu.memory_space<hbm>>) dst(%arg9 : memref<80xi32, #tpu.memory_space<vmem>>)
          tpu.yield
        }) : () -> ()
        %dma_start3A_383 = arith.constant 0 : i32
        %dma_start3A_384 = arith.constant 0 : i32
        %dma_start3A_385 = tpu.memref_slice %arg2[%dma_start3A_383, %dma_start3A_384] : memref<60000x128xf32, #tpu.memory_space<hbm>> -> memref<60000x128xf32, #tpu.memory_space<hbm>>
        tpu.enqueue_indirect_dma source(%dma_start3A_385 : memref<60000x128xf32, #tpu.memory_space<hbm>>) target(%arg11 : memref<80x128xf32, #tpu.memory_space<vmem>>) offsets(%arg7 : memref<80xi32, #tpu.memory_space<vmem>>) semaphore(%arg13 : memref<!tpu.dma_semaphore, #tpu.memory_space<semaphore_mem>>)
      } else {
      }
      %mul3A_331 = arith.constant 2 : i32
      %mul3A_332 = arith.muli %mul3A_331, %scan3A_319 : i32
      %add3A_333 = arith.constant 1 : i32
      %add3A_334 = arith.addi %mul3A_332, %add3A_333 : i32
      %dma_wait3A_335 = arith.constant 0 : i32
      %dma_wait3A_336 = arith.constant 0 : i32
      %dma_wait3A_337 = tpu.memref_slice %arg2[%dma_wait3A_335, %dma_wait3A_336] : memref<60000x128xf32, #tpu.memory_space<hbm>> -> memref<60000x128xf32, #tpu.memory_space<hbm>>
      tpu.wait_indirect_dma semaphore(%arg14 : memref<!tpu.dma_semaphore, #tpu.memory_space<semaphore_mem>>) src(%dma_wait3A_337 : memref<60000x128xf32, #tpu.memory_space<hbm>>) dst(%arg12 : memref<80x128xf32, #tpu.memory_space<vmem>>)
      "tpu.region"() ({
        %run_scoped3A = tpu.sem_alloc : memref<!tpu.dma_semaphore, #tpu.memory_space<semaphore_mem>>
        %dma_start3A_345 = arith.constant 0 : i32
        %dma_start3A_346 = arith.constant 0 : i32
        %dma_start3A_347 = tpu.memref_slice %arg5[%dma_start3A_345, %dma_start3A_346] : memref<10240x128xf32, #tpu.memory_space<vmem_shared>> -> memref<10240x128xf32, #tpu.memory_space<vmem_shared>>
        tpu.enqueue_indirect_dma source(%arg12 : memref<80x128xf32, #tpu.memory_space<vmem>>) target(%dma_start3A_347 : memref<10240x128xf32, #tpu.memory_space<vmem_shared>>) offsets(%arg10 : memref<80xi32, #tpu.memory_space<vmem>>) semaphore(%run_scoped3A : memref<!tpu.dma_semaphore, #tpu.memory_space<semaphore_mem>>) {add = true}
        %dma_wait3A_348 = arith.constant 0 : i32
        %dma_wait3A_349 = arith.constant 0 : i32
        %dma_wait3A_350 = tpu.memref_slice %arg5[%dma_wait3A_348, %dma_wait3A_349] : memref<10240x128xf32, #tpu.memory_space<vmem_shared>> -> memref<10240x128xf32, #tpu.memory_space<vmem_shared>>
        tpu.wait_indirect_dma semaphore(%run_scoped3A : memref<!tpu.dma_semaphore, #tpu.memory_space<semaphore_mem>>) src(%arg12 : memref<80x128xf32, #tpu.memory_space<vmem>>) dst(%dma_wait3A_350 : memref<10240x128xf32, #tpu.memory_space<vmem_shared>>)
        tpu.yield
      }) : () -> ()
      %add3A_338 = arith.constant 2 : i32
      %add3A_339 = arith.addi %add3A_334, %add3A_338 : i32
      %lt3A_340 = arith.constant 125 : i32
      %lt3A_341 = arith.cmpi slt, %add3A_339, %lt3A_340 : i32
      %convert_element_type3A_342 = arith.extui %lt3A_341 : i1 to i32
      %cond3A_343 = arith.constant 0 : i32
      %cond3A_344 = arith.cmpi ne, %convert_element_type3A_342, %cond3A_343 : i32
      scf.if %cond3A_344 {
        %add3A_345 = arith.constant 2 : i32
        %add3A_346 = arith.addi %add3A_334, %add3A_345 : i32
        %mul3A_347 = arith.constant 80 : i32
        %mul3A_348 = arith.muli %add3A_346, %mul3A_347 : i32
        %add3A_349 = arith.addi %add3A_10, %mul3A_348 : i32
        "tpu.region"() ({
          %run_scoped3A = tpu.sem_alloc : memref<!tpu.dma_semaphore, #tpu.memory_space<semaphore_mem>>
          %dma_start3A_386 = tpu.memref_slice %arg3[%add3A_349] : memref<960000xi32, #tpu.memory_space<hbm>> -> memref<80xi32, #tpu.memory_space<hbm>>
          %dma_start3A_387 = tpu.memref_slice %arg3[%add3A_349] : memref<960000xi32, #tpu.memory_space<hbm>> -> memref<80xi32, #tpu.memory_space<hbm>>
          tpu.enqueue_dma source(%dma_start3A_387 : memref<80xi32, #tpu.memory_space<hbm>>) target(%arg8 : memref<80xi32, #tpu.memory_space<vmem>>) target_semaphore(%run_scoped3A : memref<!tpu.dma_semaphore, #tpu.memory_space<semaphore_mem>>)
          %dma_wait3A_388 = tpu.memref_slice %arg3[%add3A_349] : memref<960000xi32, #tpu.memory_space<hbm>> -> memref<80xi32, #tpu.memory_space<hbm>>
          %dma_wait3A_389 = tpu.memref_slice %arg3[%add3A_349] : memref<960000xi32, #tpu.memory_space<hbm>> -> memref<80xi32, #tpu.memory_space<hbm>>
          tpu.wait_dma2 semaphore(%run_scoped3A : memref<!tpu.dma_semaphore, #tpu.memory_space<semaphore_mem>>) src(%dma_wait3A_389 : memref<80xi32, #tpu.memory_space<hbm>>) dst(%arg8 : memref<80xi32, #tpu.memory_space<vmem>>)
          tpu.yield
        }) : () -> ()
        %get3A_350 = arith.constant 0 : index
        %get3A_351 = tpu.vector_load %arg8[%get3A_350] {strides = array<i32>} : memref<80xi32, #tpu.memory_space<vmem>>, vector<16xi32>,
        %add3A_352 = vector.broadcast %add3A_6 : i32 to vector<16xi32>
        %add3A_353 = arith.addi %get3A_351, %add3A_352 : vector<16xi32>
        %swap3A_354 = arith.constant 0 : index
        %swap3A_355 = tpu.vector_load %arg8[%swap3A_354] {strides = array<i32>} : memref<80xi32, #tpu.memory_space<vmem>>, vector<16xi32>,
        tpu.vector_store %arg8[%swap3A_354], %add3A_353 {strides = array<i32>} : memref<80xi32, #tpu.memory_space<vmem>>, vector<16xi32>,
        %get3A_356 = arith.constant 16 : index
        %get3A_357 = tpu.vector_load %arg8[%get3A_356] {strides = array<i32>} : memref<80xi32, #tpu.memory_space<vmem>>, vector<16xi32>,
        %add3A_358 = vector.broadcast %add3A_6 : i32 to vector<16xi32>
        %add3A_359 = arith.addi %get3A_357, %add3A_358 : vector<16xi32>
        %swap3A_360 = arith.constant 16 : index
        %swap3A_361 = tpu.vector_load %arg8[%swap3A_360] {strides = array<i32>} : memref<80xi32, #tpu.memory_space<vmem>>, vector<16xi32>,
        tpu.vector_store %arg8[%swap3A_360], %add3A_359 {strides = array<i32>} : memref<80xi32, #tpu.memory_space<vmem>>, vector<16xi32>,
        %get3A_362 = arith.constant 32 : index
        %get3A_363 = tpu.vector_load %arg8[%get3A_362] {strides = array<i32>} : memref<80xi32, #tpu.memory_space<vmem>>, vector<16xi32>,
        %add3A_364 = vector.broadcast %add3A_6 : i32 to vector<16xi32>
        %add3A_365 = arith.addi %get3A_363, %add3A_364 : vector<16xi32>
        %swap3A_366 = arith.constant 32 : index
        %swap3A_367 = tpu.vector_load %arg8[%swap3A_366] {strides = array<i32>} : memref<80xi32, #tpu.memory_space<vmem>>, vector<16xi32>,
        tpu.vector_store %arg8[%swap3A_366], %add3A_365 {strides = array<i32>} : memref<80xi32, #tpu.memory_space<vmem>>, vector<16xi32>,
        %get3A_368 = arith.constant 48 : index
        %get3A_369 = tpu.vector_load %arg8[%get3A_368] {strides = array<i32>} : memref<80xi32, #tpu.memory_space<vmem>>, vector<16xi32>,
        %add3A_370 = vector.broadcast %add3A_6 : i32 to vector<16xi32>
        %add3A_371 = arith.addi %get3A_369, %add3A_370 : vector<16xi32>
        %swap3A_372 = arith.constant 48 : index
        %swap3A_373 = tpu.vector_load %arg8[%swap3A_372] {strides = array<i32>} : memref<80xi32, #tpu.memory_space<vmem>>, vector<16xi32>,
        tpu.vector_store %arg8[%swap3A_372], %add3A_371 {strides = array<i32>} : memref<80xi32, #tpu.memory_space<vmem>>, vector<16xi32>,
        %get3A_374 = arith.constant 64 : index
        %get3A_375 = tpu.vector_load %arg8[%get3A_374] {strides = array<i32>} : memref<80xi32, #tpu.memory_space<vmem>>, vector<16xi32>,
        %add3A_376 = vector.broadcast %add3A_6 : i32 to vector<16xi32>
        %add3A_377 = arith.addi %get3A_375, %add3A_376 : vector<16xi32>
        %swap3A_378 = arith.constant 64 : index
        %swap3A_379 = tpu.vector_load %arg8[%swap3A_378] {strides = array<i32>} : memref<80xi32, #tpu.memory_space<vmem>>, vector<16xi32>,
        tpu.vector_store %arg8[%swap3A_378], %add3A_377 {strides = array<i32>} : memref<80xi32, #tpu.memory_space<vmem>>, vector<16xi32>,
        %mul3A_380 = arith.constant 80 : i32
        %mul3A_381 = arith.muli %add3A_346, %mul3A_380 : i32
        %add3A_382 = arith.addi %add3A_14, %mul3A_381 : i32
        "tpu.region"() ({
          %run_scoped3A = tpu.sem_alloc : memref<!tpu.dma_semaphore, #tpu.memory_space<semaphore_mem>>
          %dma_start3A_386 = tpu.memref_slice %arg3[%add3A_382] : memref<960000xi32, #tpu.memory_space<hbm>> -> memref<80xi32, #tpu.memory_space<hbm>>
          %dma_start3A_387 = tpu.memref_slice %arg3[%add3A_382] : memref<960000xi32, #tpu.memory_space<hbm>> -> memref<80xi32, #tpu.memory_space<hbm>>
          tpu.enqueue_dma source(%dma_start3A_387 : memref<80xi32, #tpu.memory_space<hbm>>) target(%arg10 : memref<80xi32, #tpu.memory_space<vmem>>) target_semaphore(%run_scoped3A : memref<!tpu.dma_semaphore, #tpu.memory_space<semaphore_mem>>)
          %dma_wait3A_388 = tpu.memref_slice %arg3[%add3A_382] : memref<960000xi32, #tpu.memory_space<hbm>> -> memref<80xi32, #tpu.memory_space<hbm>>
          %dma_wait3A_389 = tpu.memref_slice %arg3[%add3A_382] : memref<960000xi32, #tpu.memory_space<hbm>> -> memref<80xi32, #tpu.memory_space<hbm>>
          tpu.wait_dma2 semaphore(%run_scoped3A : memref<!tpu.dma_semaphore, #tpu.memory_space<semaphore_mem>>) src(%dma_wait3A_389 : memref<80xi32, #tpu.memory_space<hbm>>) dst(%arg10 : memref<80xi32, #tpu.memory_space<vmem>>)
          tpu.yield
        }) : () -> ()
        %dma_start3A_383 = arith.constant 0 : i32
        %dma_start3A_384 = arith.constant 0 : i32
        %dma_start3A_385 = tpu.memref_slice %arg2[%dma_start3A_383, %dma_start3A_384] : memref<60000x128xf32, #tpu.memory_space<hbm>> -> memref<60000x128xf32, #tpu.memory_space<hbm>>
        tpu.enqueue_indirect_dma source(%dma_start3A_385 : memref<60000x128xf32, #tpu.memory_space<hbm>>) target(%arg12 : memref<80x128xf32, #tpu.memory_space<vmem>>) offsets(%arg8 : memref<80xi32, #tpu.memory_space<vmem>>) semaphore(%arg14 : memref<!tpu.dma_semaphore, #tpu.memory_space<semaphore_mem>>)
      } else {
      }
    }
    %scan3A_95 = arith.constant 62 : i32
    %dma_wait3A = arith.constant 0 : i32
    %dma_wait3A_96 = arith.constant 0 : i32
    %dma_wait3A_97 = tpu.memref_slice %arg2[%dma_wait3A, %dma_wait3A_96] : memref<60000x128xf32, #tpu.memory_space<hbm>> -> memref<60000x128xf32, #tpu.memory_space<hbm>>
    tpu.wait_indirect_dma semaphore(%arg13 : memref<!tpu.dma_semaphore, #tpu.memory_space<semaphore_mem>>) src(%dma_wait3A_97 : memref<60000x128xf32, #tpu.memory_space<hbm>>) dst(%arg11 : memref<80x128xf32, #tpu.memory_space<vmem>>)
    "tpu.region"() ({
      %run_scoped3A = tpu.sem_alloc : memref<!tpu.dma_semaphore, #tpu.memory_space<semaphore_mem>>
      %dma_start3A_319 = arith.constant 0 : i32
      %dma_start3A_320 = arith.constant 0 : i32
      %dma_start3A_321 = tpu.memref_slice %arg5[%dma_start3A_319, %dma_start3A_320] : memref<10240x128xf32, #tpu.memory_space<vmem_shared>> -> memref<10240x128xf32, #tpu.memory_space<vmem_shared>>
      tpu.enqueue_indirect_dma source(%arg11 : memref<80x128xf32, #tpu.memory_space<vmem>>) target(%dma_start3A_321 : memref<10240x128xf32, #tpu.memory_space<vmem_shared>>) offsets(%arg9 : memref<80xi32, #tpu.memory_space<vmem>>) semaphore(%run_scoped3A : memref<!tpu.dma_semaphore, #tpu.memory_space<semaphore_mem>>) {add = true}
      %dma_wait3A_322 = arith.constant 0 : i32
      %dma_wait3A_323 = arith.constant 0 : i32
      %dma_wait3A_324 = tpu.memref_slice %arg5[%dma_wait3A_322, %dma_wait3A_323] : memref<10240x128xf32, #tpu.memory_space<vmem_shared>> -> memref<10240x128xf32, #tpu.memory_space<vmem_shared>>
      tpu.wait_indirect_dma semaphore(%run_scoped3A : memref<!tpu.dma_semaphore, #tpu.memory_space<semaphore_mem>>) src(%arg11 : memref<80x128xf32, #tpu.memory_space<vmem>>) dst(%dma_wait3A_324 : memref<10240x128xf32, #tpu.memory_space<vmem_shared>>)
      tpu.yield
    }) : () -> ()
    %barrier3A_98 = arith.constant 0 : index
    tpu.barrier barrier_id(%barrier3A_98)
    %mul3A_99 = arith.constant 625 : i32
    %mul3A_100 = arith.muli %arg1, %mul3A_99 : i32
    %mul3A_101 = arith.constant 625 : i32
    %mul3A_102 = arith.muli %arg1, %mul3A_101 : i32
    %add3A_103 = arith.addi %add3A_6, %mul3A_102 : i32
    "tpu.region"() ({
      %run_scoped3A = tpu.sem_alloc : memref<!tpu.dma_semaphore, #tpu.memory_space<semaphore_mem>>
      %dma_start3A_319 = arith.constant 0 : i32
      %dma_start3A_320 = tpu.memref_slice %arg4[%add3A_103, %dma_start3A_319] : memref<60000x128xf32, #tpu.memory_space<hbm>> -> memref<625x128xf32, #tpu.memory_space<hbm>>
      %dma_start3A_321 = arith.constant 0 : i32
      %dma_start3A_322 = tpu.memref_slice %arg5[%mul3A_100, %dma_start3A_321] : memref<10240x128xf32, #tpu.memory_space<vmem_shared>> -> memref<625x128xf32, #tpu.memory_space<vmem_shared>>
      tpu.enqueue_dma source(%dma_start3A_322 : memref<625x128xf32, #tpu.memory_space<vmem_shared>>) target(%dma_start3A_320 : memref<625x128xf32, #tpu.memory_space<hbm>>) target_semaphore(%run_scoped3A : memref<!tpu.dma_semaphore, #tpu.memory_space<semaphore_mem>>)
      %dma_wait3A_323 = arith.constant 0 : i32
      %dma_wait3A_324 = tpu.memref_slice %arg4[%add3A_103, %dma_wait3A_323] : memref<60000x128xf32, #tpu.memory_space<hbm>> -> memref<625x128xf32, #tpu.memory_space<hbm>>
      %dma_wait3A_325 = arith.constant 0 : i32
      %dma_wait3A_326 = tpu.memref_slice %arg5[%mul3A_100, %dma_wait3A_325] : memref<10240x128xf32, #tpu.memory_space<vmem_shared>> -> memref<625x128xf32, #tpu.memory_space<vmem_shared>>
      tpu.wait_dma2 semaphore(%run_scoped3A : memref<!tpu.dma_semaphore, #tpu.memory_space<semaphore_mem>>) src(%dma_wait3A_326 : memref<625x128xf32, #tpu.memory_space<vmem_shared>>) dst(%dma_wait3A_324 : memref<625x128xf32, #tpu.memory_space<hbm>>)
      tpu.yield
    }) : () -> ()
    %barrier3A_104 = arith.constant 0 : index
    tpu.barrier barrier_id(%barrier3A_104)
    %mul3A_105 = arith.constant 10000 : i32
    %mul3A_106 = arith.muli %arg0, %mul3A_105 : i32
    %add3A_107 = arith.constant 20000 : i32
    %add3A_108 = arith.addi %add3A_107, %mul3A_106 : i32
    %mul3A_109 = arith.constant 10000 : i32
    %mul3A_110 = arith.muli %arg1, %mul3A_109 : i32
    %add3A_111 = arith.constant 320000 : i32
    %add3A_112 = arith.addi %add3A_111, %mul3A_110 : i32
    %mul3A_113 = arith.constant 10000 : i32
    %mul3A_114 = arith.muli %arg1, %mul3A_113 : i32
    %add3A_115 = arith.constant 480000 : i32
    %add3A_116 = arith.addi %add3A_115, %mul3A_114 : i32
    %scan3A_117 = arith.constant 0 : i32
    %scan3A_118 = arith.constant 10 : i32
    %scan3A_119 = arith.addi %scan3A_117, %scan3A_118 : i32
    %scan3A_120 = arith.constant 1 : i32
    scf.for %scan3A_319 = %scan3A_117 to %scan3A_119 step %scan3A_120  : i32 {
      %mul3A_320 = arith.constant 640 : i32
      %mul3A_321 = arith.muli %arg1, %mul3A_320 : i32
      %mul3A_322 = arith.constant 64 : i32
      %mul3A_323 = arith.muli %scan3A_319, %mul3A_322 : i32
      %add3A_324 = arith.addi %mul3A_321, %mul3A_323 : i32
      "tpu.region"() ({
        %run_scoped3A = tpu.sem_alloc : memref<!tpu.dma_semaphore, #tpu.memory_space<semaphore_mem>>
        %dma_start3A_325 = arith.constant 0 : i32
        %dma_start3A_326 = tpu.memref_slice %arg5[%add3A_324, %dma_start3A_325] : memref<10240x128xf32, #tpu.memory_space<vmem_shared>> -> memref<64x128xf32, #tpu.memory_space<vmem_shared>>
        %dma_start3A_327 = arith.constant 0 : i32
        %dma_start3A_328 = tpu.memref_slice %arg5[%add3A_324, %dma_start3A_327] : memref<10240x128xf32, #tpu.memory_space<vmem_shared>> -> memref<64x128xf32, #tpu.memory_space<vmem_shared>>
        tpu.enqueue_dma source(%arg6 : memref<64x128xf32, #tpu.memory_space<vmem>>) target(%dma_start3A_328 : memref<64x128xf32, #tpu.memory_space<vmem_shared>>) target_semaphore(%run_scoped3A : memref<!tpu.dma_semaphore, #tpu.memory_space<semaphore_mem>>)
        %dma_wait3A_329 = arith.constant 0 : i32
        %dma_wait3A_330 = tpu.memref_slice %arg5[%add3A_324, %dma_wait3A_329] : memref<10240x128xf32, #tpu.memory_space<vmem_shared>> -> memref<64x128xf32, #tpu.memory_space<vmem_shared>>
        %dma_wait3A_331 = arith.constant 0 : i32
        %dma_wait3A_332 = tpu.memref_slice %arg5[%add3A_324, %dma_wait3A_331] : memref<10240x128xf32, #tpu.memory_space<vmem_shared>> -> memref<64x128xf32, #tpu.memory_space<vmem_shared>>
        tpu.wait_dma2 semaphore(%run_scoped3A : memref<!tpu.dma_semaphore, #tpu.memory_space<semaphore_mem>>) src(%arg6 : memref<64x128xf32, #tpu.memory_space<vmem>>) dst(%dma_wait3A_332 : memref<64x128xf32, #tpu.memory_space<vmem_shared>>)
        tpu.yield
      }) : () -> ()
    }
    %scan3A_121 = arith.constant 10 : i32
    %barrier3A_122 = arith.constant 0 : index
    tpu.barrier barrier_id(%barrier3A_122)
    %add3A_123 = arith.constant 0 : i32
    %add3A_124 = arith.addi %add3A_112, %add3A_123 : i32
    "tpu.region"() ({
      %run_scoped3A = tpu.sem_alloc : memref<!tpu.dma_semaphore, #tpu.memory_space<semaphore_mem>>
      %dma_start3A_319 = tpu.memref_slice %arg3[%add3A_124] : memref<960000xi32, #tpu.memory_space<hbm>> -> memref<80xi32, #tpu.memory_space<hbm>>
      %dma_start3A_320 = tpu.memref_slice %arg3[%add3A_124] : memref<960000xi32, #tpu.memory_space<hbm>> -> memref<80xi32, #tpu.memory_space<hbm>>
      tpu.enqueue_dma source(%dma_start3A_320 : memref<80xi32, #tpu.memory_space<hbm>>) target(%arg7 : memref<80xi32, #tpu.memory_space<vmem>>) target_semaphore(%run_scoped3A : memref<!tpu.dma_semaphore, #tpu.memory_space<semaphore_mem>>)
      %dma_wait3A_321 = tpu.memref_slice %arg3[%add3A_124] : memref<960000xi32, #tpu.memory_space<hbm>> -> memref<80xi32, #tpu.memory_space<hbm>>
      %dma_wait3A_322 = tpu.memref_slice %arg3[%add3A_124] : memref<960000xi32, #tpu.memory_space<hbm>> -> memref<80xi32, #tpu.memory_space<hbm>>
      tpu.wait_dma2 semaphore(%run_scoped3A : memref<!tpu.dma_semaphore, #tpu.memory_space<semaphore_mem>>) src(%dma_wait3A_322 : memref<80xi32, #tpu.memory_space<hbm>>) dst(%arg7 : memref<80xi32, #tpu.memory_space<vmem>>)
      tpu.yield
    }) : () -> ()
    %get3A_125 = arith.constant 0 : index
    %get3A_126 = tpu.vector_load %arg7[%get3A_125] {strides = array<i32>} : memref<80xi32, #tpu.memory_space<vmem>>, vector<16xi32>,
    %add3A_127 = vector.broadcast %add3A_108 : i32 to vector<16xi32>
    %add3A_128 = arith.addi %get3A_126, %add3A_127 : vector<16xi32>
    %swap3A_129 = arith.constant 0 : index
    %swap3A_130 = tpu.vector_load %arg7[%swap3A_129] {strides = array<i32>} : memref<80xi32, #tpu.memory_space<vmem>>, vector<16xi32>,
    tpu.vector_store %arg7[%swap3A_129], %add3A_128 {strides = array<i32>} : memref<80xi32, #tpu.memory_space<vmem>>, vector<16xi32>,
    %get3A_131 = arith.constant 16 : index
    %get3A_132 = tpu.vector_load %arg7[%get3A_131] {strides = array<i32>} : memref<80xi32, #tpu.memory_space<vmem>>, vector<16xi32>,
    %add3A_133 = vector.broadcast %add3A_108 : i32 to vector<16xi32>
    %add3A_134 = arith.addi %get3A_132, %add3A_133 : vector<16xi32>
    %swap3A_135 = arith.constant 16 : index
    %swap3A_136 = tpu.vector_load %arg7[%swap3A_135] {strides = array<i32>} : memref<80xi32, #tpu.memory_space<vmem>>, vector<16xi32>,
    tpu.vector_store %arg7[%swap3A_135], %add3A_134 {strides = array<i32>} : memref<80xi32, #tpu.memory_space<vmem>>, vector<16xi32>,
    %get3A_137 = arith.constant 32 : index
    %get3A_138 = tpu.vector_load %arg7[%get3A_137] {strides = array<i32>} : memref<80xi32, #tpu.memory_space<vmem>>, vector<16xi32>,
    %add3A_139 = vector.broadcast %add3A_108 : i32 to vector<16xi32>
    %add3A_140 = arith.addi %get3A_138, %add3A_139 : vector<16xi32>
    %swap3A_141 = arith.constant 32 : index
    %swap3A_142 = tpu.vector_load %arg7[%swap3A_141] {strides = array<i32>} : memref<80xi32, #tpu.memory_space<vmem>>, vector<16xi32>,
    tpu.vector_store %arg7[%swap3A_141], %add3A_140 {strides = array<i32>} : memref<80xi32, #tpu.memory_space<vmem>>, vector<16xi32>,
    %get3A_143 = arith.constant 48 : index
    %get3A_144 = tpu.vector_load %arg7[%get3A_143] {strides = array<i32>} : memref<80xi32, #tpu.memory_space<vmem>>, vector<16xi32>,
    %add3A_145 = vector.broadcast %add3A_108 : i32 to vector<16xi32>
    %add3A_146 = arith.addi %get3A_144, %add3A_145 : vector<16xi32>
    %swap3A_147 = arith.constant 48 : index
    %swap3A_148 = tpu.vector_load %arg7[%swap3A_147] {strides = array<i32>} : memref<80xi32, #tpu.memory_space<vmem>>, vector<16xi32>,
    tpu.vector_store %arg7[%swap3A_147], %add3A_146 {strides = array<i32>} : memref<80xi32, #tpu.memory_space<vmem>>, vector<16xi32>,
    %get3A_149 = arith.constant 64 : index
    %get3A_150 = tpu.vector_load %arg7[%get3A_149] {strides = array<i32>} : memref<80xi32, #tpu.memory_space<vmem>>, vector<16xi32>,
    %add3A_151 = vector.broadcast %add3A_108 : i32 to vector<16xi32>
    %add3A_152 = arith.addi %get3A_150, %add3A_151 : vector<16xi32>
    %swap3A_153 = arith.constant 64 : index
    %swap3A_154 = tpu.vector_load %arg7[%swap3A_153] {strides = array<i32>} : memref<80xi32, #tpu.memory_space<vmem>>, vector<16xi32>,
    tpu.vector_store %arg7[%swap3A_153], %add3A_152 {strides = array<i32>} : memref<80xi32, #tpu.memory_space<vmem>>, vector<16xi32>,
    %add3A_155 = arith.constant 0 : i32
    %add3A_156 = arith.addi %add3A_116, %add3A_155 : i32
    "tpu.region"() ({
      %run_scoped3A = tpu.sem_alloc : memref<!tpu.dma_semaphore, #tpu.memory_space<semaphore_mem>>
      %dma_start3A_319 = tpu.memref_slice %arg3[%add3A_156] : memref<960000xi32, #tpu.memory_space<hbm>> -> memref<80xi32, #tpu.memory_space<hbm>>
      %dma_start3A_320 = tpu.memref_slice %arg3[%add3A_156] : memref<960000xi32, #tpu.memory_space<hbm>> -> memref<80xi32, #tpu.memory_space<hbm>>
      tpu.enqueue_dma source(%dma_start3A_320 : memref<80xi32, #tpu.memory_space<hbm>>) target(%arg9 : memref<80xi32, #tpu.memory_space<vmem>>) target_semaphore(%run_scoped3A : memref<!tpu.dma_semaphore, #tpu.memory_space<semaphore_mem>>)
      %dma_wait3A_321 = tpu.memref_slice %arg3[%add3A_156] : memref<960000xi32, #tpu.memory_space<hbm>> -> memref<80xi32, #tpu.memory_space<hbm>>
      %dma_wait3A_322 = tpu.memref_slice %arg3[%add3A_156] : memref<960000xi32, #tpu.memory_space<hbm>> -> memref<80xi32, #tpu.memory_space<hbm>>
      tpu.wait_dma2 semaphore(%run_scoped3A : memref<!tpu.dma_semaphore, #tpu.memory_space<semaphore_mem>>) src(%dma_wait3A_322 : memref<80xi32, #tpu.memory_space<hbm>>) dst(%arg9 : memref<80xi32, #tpu.memory_space<vmem>>)
      tpu.yield
    }) : () -> ()
    %dma_start3A_157 = arith.constant 0 : i32
    %dma_start3A_158 = arith.constant 0 : i32
    %dma_start3A_159 = tpu.memref_slice %arg2[%dma_start3A_157, %dma_start3A_158] : memref<60000x128xf32, #tpu.memory_space<hbm>> -> memref<60000x128xf32, #tpu.memory_space<hbm>>
    tpu.enqueue_indirect_dma source(%dma_start3A_159 : memref<60000x128xf32, #tpu.memory_space<hbm>>) target(%arg11 : memref<80x128xf32, #tpu.memory_space<vmem>>) offsets(%arg7 : memref<80xi32, #tpu.memory_space<vmem>>) semaphore(%arg13 : memref<!tpu.dma_semaphore, #tpu.memory_space<semaphore_mem>>)
    %add3A_160 = arith.constant 80 : i32
    %add3A_161 = arith.addi %add3A_112, %add3A_160 : i32
    "tpu.region"() ({
      %run_scoped3A = tpu.sem_alloc : memref<!tpu.dma_semaphore, #tpu.memory_space<semaphore_mem>>
      %dma_start3A_319 = tpu.memref_slice %arg3[%add3A_161] : memref<960000xi32, #tpu.memory_space<hbm>> -> memref<80xi32, #tpu.memory_space<hbm>>
      %dma_start3A_320 = tpu.memref_slice %arg3[%add3A_161] : memref<960000xi32, #tpu.memory_space<hbm>> -> memref<80xi32, #tpu.memory_space<hbm>>
      tpu.enqueue_dma source(%dma_start3A_320 : memref<80xi32, #tpu.memory_space<hbm>>) target(%arg8 : memref<80xi32, #tpu.memory_space<vmem>>) target_semaphore(%run_scoped3A : memref<!tpu.dma_semaphore, #tpu.memory_space<semaphore_mem>>)
      %dma_wait3A_321 = tpu.memref_slice %arg3[%add3A_161] : memref<960000xi32, #tpu.memory_space<hbm>> -> memref<80xi32, #tpu.memory_space<hbm>>
      %dma_wait3A_322 = tpu.memref_slice %arg3[%add3A_161] : memref<960000xi32, #tpu.memory_space<hbm>> -> memref<80xi32, #tpu.memory_space<hbm>>
      tpu.wait_dma2 semaphore(%run_scoped3A : memref<!tpu.dma_semaphore, #tpu.memory_space<semaphore_mem>>) src(%dma_wait3A_322 : memref<80xi32, #tpu.memory_space<hbm>>) dst(%arg8 : memref<80xi32, #tpu.memory_space<vmem>>)
      tpu.yield
    }) : () -> ()
    %get3A_162 = arith.constant 0 : index
    %get3A_163 = tpu.vector_load %arg8[%get3A_162] {strides = array<i32>} : memref<80xi32, #tpu.memory_space<vmem>>, vector<16xi32>,
    %add3A_164 = vector.broadcast %add3A_108 : i32 to vector<16xi32>
    %add3A_165 = arith.addi %get3A_163, %add3A_164 : vector<16xi32>
    %swap3A_166 = arith.constant 0 : index
    %swap3A_167 = tpu.vector_load %arg8[%swap3A_166] {strides = array<i32>} : memref<80xi32, #tpu.memory_space<vmem>>, vector<16xi32>,
    tpu.vector_store %arg8[%swap3A_166], %add3A_165 {strides = array<i32>} : memref<80xi32, #tpu.memory_space<vmem>>, vector<16xi32>,
    %get3A_168 = arith.constant 16 : index
    %get3A_169 = tpu.vector_load %arg8[%get3A_168] {strides = array<i32>} : memref<80xi32, #tpu.memory_space<vmem>>, vector<16xi32>,
    %add3A_170 = vector.broadcast %add3A_108 : i32 to vector<16xi32>
    %add3A_171 = arith.addi %get3A_169, %add3A_170 : vector<16xi32>
    %swap3A_172 = arith.constant 16 : index
    %swap3A_173 = tpu.vector_load %arg8[%swap3A_172] {strides = array<i32>} : memref<80xi32, #tpu.memory_space<vmem>>, vector<16xi32>,
    tpu.vector_store %arg8[%swap3A_172], %add3A_171 {strides = array<i32>} : memref<80xi32, #tpu.memory_space<vmem>>, vector<16xi32>,
    %get3A_174 = arith.constant 32 : index
    %get3A_175 = tpu.vector_load %arg8[%get3A_174] {strides = array<i32>} : memref<80xi32, #tpu.memory_space<vmem>>, vector<16xi32>,
    %add3A_176 = vector.broadcast %add3A_108 : i32 to vector<16xi32>
    %add3A_177 = arith.addi %get3A_175, %add3A_176 : vector<16xi32>
    %swap3A_178 = arith.constant 32 : index
    %swap3A_179 = tpu.vector_load %arg8[%swap3A_178] {strides = array<i32>} : memref<80xi32, #tpu.memory_space<vmem>>, vector<16xi32>,
    tpu.vector_store %arg8[%swap3A_178], %add3A_177 {strides = array<i32>} : memref<80xi32, #tpu.memory_space<vmem>>, vector<16xi32>,
    %get3A_180 = arith.constant 48 : index
    %get3A_181 = tpu.vector_load %arg8[%get3A_180] {strides = array<i32>} : memref<80xi32, #tpu.memory_space<vmem>>, vector<16xi32>,
    %add3A_182 = vector.broadcast %add3A_108 : i32 to vector<16xi32>
    %add3A_183 = arith.addi %get3A_181, %add3A_182 : vector<16xi32>
    %swap3A_184 = arith.constant 48 : index
    %swap3A_185 = tpu.vector_load %arg8[%swap3A_184] {strides = array<i32>} : memref<80xi32, #tpu.memory_space<vmem>>, vector<16xi32>,
    tpu.vector_store %arg8[%swap3A_184], %add3A_183 {strides = array<i32>} : memref<80xi32, #tpu.memory_space<vmem>>, vector<16xi32>,
    %get3A_186 = arith.constant 64 : index
    %get3A_187 = tpu.vector_load %arg8[%get3A_186] {strides = array<i32>} : memref<80xi32, #tpu.memory_space<vmem>>, vector<16xi32>,
    %add3A_188 = vector.broadcast %add3A_108 : i32 to vector<16xi32>
    %add3A_189 = arith.addi %get3A_187, %add3A_188 : vector<16xi32>
    %swap3A_190 = arith.constant 64 : index
    %swap3A_191 = tpu.vector_load %arg8[%swap3A_190] {strides = array<i32>} : memref<80xi32, #tpu.memory_space<vmem>>, vector<16xi32>,
    tpu.vector_store %arg8[%swap3A_190], %add3A_189 {strides = array<i32>} : memref<80xi32, #tpu.memory_space<vmem>>, vector<16xi32>,
    %add3A_192 = arith.constant 80 : i32
    %add3A_193 = arith.addi %add3A_116, %add3A_192 : i32
    "tpu.region"() ({
      %run_scoped3A = tpu.sem_alloc : memref<!tpu.dma_semaphore, #tpu.memory_space<semaphore_mem>>
      %dma_start3A_319 = tpu.memref_slice %arg3[%add3A_193] : memref<960000xi32, #tpu.memory_space<hbm>> -> memref<80xi32, #tpu.memory_space<hbm>>
      %dma_start3A_320 = tpu.memref_slice %arg3[%add3A_193] : memref<960000xi32, #tpu.memory_space<hbm>> -> memref<80xi32, #tpu.memory_space<hbm>>
      tpu.enqueue_dma source(%dma_start3A_320 : memref<80xi32, #tpu.memory_space<hbm>>) target(%arg10 : memref<80xi32, #tpu.memory_space<vmem>>) target_semaphore(%run_scoped3A : memref<!tpu.dma_semaphore, #tpu.memory_space<semaphore_mem>>)
      %dma_wait3A_321 = tpu.memref_slice %arg3[%add3A_193] : memref<960000xi32, #tpu.memory_space<hbm>> -> memref<80xi32, #tpu.memory_space<hbm>>
      %dma_wait3A_322 = tpu.memref_slice %arg3[%add3A_193] : memref<960000xi32, #tpu.memory_space<hbm>> -> memref<80xi32, #tpu.memory_space<hbm>>
      tpu.wait_dma2 semaphore(%run_scoped3A : memref<!tpu.dma_semaphore, #tpu.memory_space<semaphore_mem>>) src(%dma_wait3A_322 : memref<80xi32, #tpu.memory_space<hbm>>) dst(%arg10 : memref<80xi32, #tpu.memory_space<vmem>>)
      tpu.yield
    }) : () -> ()
    %dma_start3A_194 = arith.constant 0 : i32
    %dma_start3A_195 = arith.constant 0 : i32
    %dma_start3A_196 = tpu.memref_slice %arg2[%dma_start3A_194, %dma_start3A_195] : memref<60000x128xf32, #tpu.memory_space<hbm>> -> memref<60000x128xf32, #tpu.memory_space<hbm>>
    tpu.enqueue_indirect_dma source(%dma_start3A_196 : memref<60000x128xf32, #tpu.memory_space<hbm>>) target(%arg12 : memref<80x128xf32, #tpu.memory_space<vmem>>) offsets(%arg8 : memref<80xi32, #tpu.memory_space<vmem>>) semaphore(%arg14 : memref<!tpu.dma_semaphore, #tpu.memory_space<semaphore_mem>>)
    %scan3A_197 = arith.constant 0 : i32
    %scan3A_198 = arith.constant 62 : i32
    %scan3A_199 = arith.addi %scan3A_197, %scan3A_198 : i32
    %scan3A_200 = arith.constant 1 : i32
    scf.for %scan3A_319 = %scan3A_197 to %scan3A_199 step %scan3A_200  : i32 {
      %mul3A_320 = arith.constant 2 : i32
      %mul3A_321 = arith.muli %mul3A_320, %scan3A_319 : i32
      %add3A_322 = arith.constant 0 : i32
      %add3A_323 = arith.addi %mul3A_321, %add3A_322 : i32
      %dma_wait3A_324 = arith.constant 0 : i32
      %dma_wait3A_325 = arith.constant 0 : i32
      %dma_wait3A_326 = tpu.memref_slice %arg2[%dma_wait3A_324, %dma_wait3A_325] : memref<60000x128xf32, #tpu.memory_space<hbm>> -> memref<60000x128xf32, #tpu.memory_space<hbm>>
      tpu.wait_indirect_dma semaphore(%arg13 : memref<!tpu.dma_semaphore, #tpu.memory_space<semaphore_mem>>) src(%dma_wait3A_326 : memref<60000x128xf32, #tpu.memory_space<hbm>>) dst(%arg11 : memref<80x128xf32, #tpu.memory_space<vmem>>)
      "tpu.region"() ({
        %run_scoped3A = tpu.sem_alloc : memref<!tpu.dma_semaphore, #tpu.memory_space<semaphore_mem>>
        %dma_start3A_345 = arith.constant 0 : i32
        %dma_start3A_346 = arith.constant 0 : i32
        %dma_start3A_347 = tpu.memref_slice %arg5[%dma_start3A_345, %dma_start3A_346] : memref<10240x128xf32, #tpu.memory_space<vmem_shared>> -> memref<10240x128xf32, #tpu.memory_space<vmem_shared>>
        tpu.enqueue_indirect_dma source(%arg11 : memref<80x128xf32, #tpu.memory_space<vmem>>) target(%dma_start3A_347 : memref<10240x128xf32, #tpu.memory_space<vmem_shared>>) offsets(%arg9 : memref<80xi32, #tpu.memory_space<vmem>>) semaphore(%run_scoped3A : memref<!tpu.dma_semaphore, #tpu.memory_space<semaphore_mem>>) {add = true}
        %dma_wait3A_348 = arith.constant 0 : i32
        %dma_wait3A_349 = arith.constant 0 : i32
        %dma_wait3A_350 = tpu.memref_slice %arg5[%dma_wait3A_348, %dma_wait3A_349] : memref<10240x128xf32, #tpu.memory_space<vmem_shared>> -> memref<10240x128xf32, #tpu.memory_space<vmem_shared>>
        tpu.wait_indirect_dma semaphore(%run_scoped3A : memref<!tpu.dma_semaphore, #tpu.memory_space<semaphore_mem>>) src(%arg11 : memref<80x128xf32, #tpu.memory_space<vmem>>) dst(%dma_wait3A_350 : memref<10240x128xf32, #tpu.memory_space<vmem_shared>>)
        tpu.yield
      }) : () -> ()
      %add3A_327 = arith.constant 2 : i32
      %add3A_328 = arith.addi %add3A_323, %add3A_327 : i32
      %lt3A = arith.constant 125 : i32
      %lt3A_329 = arith.cmpi slt, %add3A_328, %lt3A : i32
      %convert_element_type3A = arith.extui %lt3A_329 : i1 to i32
      %cond3A = arith.constant 0 : i32
      %cond3A_330 = arith.cmpi ne, %convert_element_type3A, %cond3A : i32
      scf.if %cond3A_330 {
        %add3A_345 = arith.constant 2 : i32
        %add3A_346 = arith.addi %add3A_323, %add3A_345 : i32
        %mul3A_347 = arith.constant 80 : i32
        %mul3A_348 = arith.muli %add3A_346, %mul3A_347 : i32
        %add3A_349 = arith.addi %add3A_112, %mul3A_348 : i32
        "tpu.region"() ({
          %run_scoped3A = tpu.sem_alloc : memref<!tpu.dma_semaphore, #tpu.memory_space<semaphore_mem>>
          %dma_start3A_386 = tpu.memref_slice %arg3[%add3A_349] : memref<960000xi32, #tpu.memory_space<hbm>> -> memref<80xi32, #tpu.memory_space<hbm>>
          %dma_start3A_387 = tpu.memref_slice %arg3[%add3A_349] : memref<960000xi32, #tpu.memory_space<hbm>> -> memref<80xi32, #tpu.memory_space<hbm>>
          tpu.enqueue_dma source(%dma_start3A_387 : memref<80xi32, #tpu.memory_space<hbm>>) target(%arg7 : memref<80xi32, #tpu.memory_space<vmem>>) target_semaphore(%run_scoped3A : memref<!tpu.dma_semaphore, #tpu.memory_space<semaphore_mem>>)
          %dma_wait3A_388 = tpu.memref_slice %arg3[%add3A_349] : memref<960000xi32, #tpu.memory_space<hbm>> -> memref<80xi32, #tpu.memory_space<hbm>>
          %dma_wait3A_389 = tpu.memref_slice %arg3[%add3A_349] : memref<960000xi32, #tpu.memory_space<hbm>> -> memref<80xi32, #tpu.memory_space<hbm>>
          tpu.wait_dma2 semaphore(%run_scoped3A : memref<!tpu.dma_semaphore, #tpu.memory_space<semaphore_mem>>) src(%dma_wait3A_389 : memref<80xi32, #tpu.memory_space<hbm>>) dst(%arg7 : memref<80xi32, #tpu.memory_space<vmem>>)
          tpu.yield
        }) : () -> ()
        %get3A_350 = arith.constant 0 : index
        %get3A_351 = tpu.vector_load %arg7[%get3A_350] {strides = array<i32>} : memref<80xi32, #tpu.memory_space<vmem>>, vector<16xi32>,
        %add3A_352 = vector.broadcast %add3A_108 : i32 to vector<16xi32>
        %add3A_353 = arith.addi %get3A_351, %add3A_352 : vector<16xi32>
        %swap3A_354 = arith.constant 0 : index
        %swap3A_355 = tpu.vector_load %arg7[%swap3A_354] {strides = array<i32>} : memref<80xi32, #tpu.memory_space<vmem>>, vector<16xi32>,
        tpu.vector_store %arg7[%swap3A_354], %add3A_353 {strides = array<i32>} : memref<80xi32, #tpu.memory_space<vmem>>, vector<16xi32>,
        %get3A_356 = arith.constant 16 : index
        %get3A_357 = tpu.vector_load %arg7[%get3A_356] {strides = array<i32>} : memref<80xi32, #tpu.memory_space<vmem>>, vector<16xi32>,
        %add3A_358 = vector.broadcast %add3A_108 : i32 to vector<16xi32>
        %add3A_359 = arith.addi %get3A_357, %add3A_358 : vector<16xi32>
        %swap3A_360 = arith.constant 16 : index
        %swap3A_361 = tpu.vector_load %arg7[%swap3A_360] {strides = array<i32>} : memref<80xi32, #tpu.memory_space<vmem>>, vector<16xi32>,
        tpu.vector_store %arg7[%swap3A_360], %add3A_359 {strides = array<i32>} : memref<80xi32, #tpu.memory_space<vmem>>, vector<16xi32>,
        %get3A_362 = arith.constant 32 : index
        %get3A_363 = tpu.vector_load %arg7[%get3A_362] {strides = array<i32>} : memref<80xi32, #tpu.memory_space<vmem>>, vector<16xi32>,
        %add3A_364 = vector.broadcast %add3A_108 : i32 to vector<16xi32>
        %add3A_365 = arith.addi %get3A_363, %add3A_364 : vector<16xi32>
        %swap3A_366 = arith.constant 32 : index
        %swap3A_367 = tpu.vector_load %arg7[%swap3A_366] {strides = array<i32>} : memref<80xi32, #tpu.memory_space<vmem>>, vector<16xi32>,
        tpu.vector_store %arg7[%swap3A_366], %add3A_365 {strides = array<i32>} : memref<80xi32, #tpu.memory_space<vmem>>, vector<16xi32>,
        %get3A_368 = arith.constant 48 : index
        %get3A_369 = tpu.vector_load %arg7[%get3A_368] {strides = array<i32>} : memref<80xi32, #tpu.memory_space<vmem>>, vector<16xi32>,
        %add3A_370 = vector.broadcast %add3A_108 : i32 to vector<16xi32>
        %add3A_371 = arith.addi %get3A_369, %add3A_370 : vector<16xi32>
        %swap3A_372 = arith.constant 48 : index
        %swap3A_373 = tpu.vector_load %arg7[%swap3A_372] {strides = array<i32>} : memref<80xi32, #tpu.memory_space<vmem>>, vector<16xi32>,
        tpu.vector_store %arg7[%swap3A_372], %add3A_371 {strides = array<i32>} : memref<80xi32, #tpu.memory_space<vmem>>, vector<16xi32>,
        %get3A_374 = arith.constant 64 : index
        %get3A_375 = tpu.vector_load %arg7[%get3A_374] {strides = array<i32>} : memref<80xi32, #tpu.memory_space<vmem>>, vector<16xi32>,
        %add3A_376 = vector.broadcast %add3A_108 : i32 to vector<16xi32>
        %add3A_377 = arith.addi %get3A_375, %add3A_376 : vector<16xi32>
        %swap3A_378 = arith.constant 64 : index
        %swap3A_379 = tpu.vector_load %arg7[%swap3A_378] {strides = array<i32>} : memref<80xi32, #tpu.memory_space<vmem>>, vector<16xi32>,
        tpu.vector_store %arg7[%swap3A_378], %add3A_377 {strides = array<i32>} : memref<80xi32, #tpu.memory_space<vmem>>, vector<16xi32>,
        %mul3A_380 = arith.constant 80 : i32
        %mul3A_381 = arith.muli %add3A_346, %mul3A_380 : i32
        %add3A_382 = arith.addi %add3A_116, %mul3A_381 : i32
        "tpu.region"() ({
          %run_scoped3A = tpu.sem_alloc : memref<!tpu.dma_semaphore, #tpu.memory_space<semaphore_mem>>
          %dma_start3A_386 = tpu.memref_slice %arg3[%add3A_382] : memref<960000xi32, #tpu.memory_space<hbm>> -> memref<80xi32, #tpu.memory_space<hbm>>
          %dma_start3A_387 = tpu.memref_slice %arg3[%add3A_382] : memref<960000xi32, #tpu.memory_space<hbm>> -> memref<80xi32, #tpu.memory_space<hbm>>
          tpu.enqueue_dma source(%dma_start3A_387 : memref<80xi32, #tpu.memory_space<hbm>>) target(%arg9 : memref<80xi32, #tpu.memory_space<vmem>>) target_semaphore(%run_scoped3A : memref<!tpu.dma_semaphore, #tpu.memory_space<semaphore_mem>>)
          %dma_wait3A_388 = tpu.memref_slice %arg3[%add3A_382] : memref<960000xi32, #tpu.memory_space<hbm>> -> memref<80xi32, #tpu.memory_space<hbm>>
          %dma_wait3A_389 = tpu.memref_slice %arg3[%add3A_382] : memref<960000xi32, #tpu.memory_space<hbm>> -> memref<80xi32, #tpu.memory_space<hbm>>
          tpu.wait_dma2 semaphore(%run_scoped3A : memref<!tpu.dma_semaphore, #tpu.memory_space<semaphore_mem>>) src(%dma_wait3A_389 : memref<80xi32, #tpu.memory_space<hbm>>) dst(%arg9 : memref<80xi32, #tpu.memory_space<vmem>>)
          tpu.yield
        }) : () -> ()
        %dma_start3A_383 = arith.constant 0 : i32
        %dma_start3A_384 = arith.constant 0 : i32
        %dma_start3A_385 = tpu.memref_slice %arg2[%dma_start3A_383, %dma_start3A_384] : memref<60000x128xf32, #tpu.memory_space<hbm>> -> memref<60000x128xf32, #tpu.memory_space<hbm>>
        tpu.enqueue_indirect_dma source(%dma_start3A_385 : memref<60000x128xf32, #tpu.memory_space<hbm>>) target(%arg11 : memref<80x128xf32, #tpu.memory_space<vmem>>) offsets(%arg7 : memref<80xi32, #tpu.memory_space<vmem>>) semaphore(%arg13 : memref<!tpu.dma_semaphore, #tpu.memory_space<semaphore_mem>>)
      } else {
      }
      %mul3A_331 = arith.constant 2 : i32
      %mul3A_332 = arith.muli %mul3A_331, %scan3A_319 : i32
      %add3A_333 = arith.constant 1 : i32
      %add3A_334 = arith.addi %mul3A_332, %add3A_333 : i32
      %dma_wait3A_335 = arith.constant 0 : i32
      %dma_wait3A_336 = arith.constant 0 : i32
      %dma_wait3A_337 = tpu.memref_slice %arg2[%dma_wait3A_335, %dma_wait3A_336] : memref<60000x128xf32, #tpu.memory_space<hbm>> -> memref<60000x128xf32, #tpu.memory_space<hbm>>
      tpu.wait_indirect_dma semaphore(%arg14 : memref<!tpu.dma_semaphore, #tpu.memory_space<semaphore_mem>>) src(%dma_wait3A_337 : memref<60000x128xf32, #tpu.memory_space<hbm>>) dst(%arg12 : memref<80x128xf32, #tpu.memory_space<vmem>>)
      "tpu.region"() ({
        %run_scoped3A = tpu.sem_alloc : memref<!tpu.dma_semaphore, #tpu.memory_space<semaphore_mem>>
        %dma_start3A_345 = arith.constant 0 : i32
        %dma_start3A_346 = arith.constant 0 : i32
        %dma_start3A_347 = tpu.memref_slice %arg5[%dma_start3A_345, %dma_start3A_346] : memref<10240x128xf32, #tpu.memory_space<vmem_shared>> -> memref<10240x128xf32, #tpu.memory_space<vmem_shared>>
        tpu.enqueue_indirect_dma source(%arg12 : memref<80x128xf32, #tpu.memory_space<vmem>>) target(%dma_start3A_347 : memref<10240x128xf32, #tpu.memory_space<vmem_shared>>) offsets(%arg10 : memref<80xi32, #tpu.memory_space<vmem>>) semaphore(%run_scoped3A : memref<!tpu.dma_semaphore, #tpu.memory_space<semaphore_mem>>) {add = true}
        %dma_wait3A_348 = arith.constant 0 : i32
        %dma_wait3A_349 = arith.constant 0 : i32
        %dma_wait3A_350 = tpu.memref_slice %arg5[%dma_wait3A_348, %dma_wait3A_349] : memref<10240x128xf32, #tpu.memory_space<vmem_shared>> -> memref<10240x128xf32, #tpu.memory_space<vmem_shared>>
        tpu.wait_indirect_dma semaphore(%run_scoped3A : memref<!tpu.dma_semaphore, #tpu.memory_space<semaphore_mem>>) src(%arg12 : memref<80x128xf32, #tpu.memory_space<vmem>>) dst(%dma_wait3A_350 : memref<10240x128xf32, #tpu.memory_space<vmem_shared>>)
        tpu.yield
      }) : () -> ()
      %add3A_338 = arith.constant 2 : i32
      %add3A_339 = arith.addi %add3A_334, %add3A_338 : i32
      %lt3A_340 = arith.constant 125 : i32
      %lt3A_341 = arith.cmpi slt, %add3A_339, %lt3A_340 : i32
      %convert_element_type3A_342 = arith.extui %lt3A_341 : i1 to i32
      %cond3A_343 = arith.constant 0 : i32
      %cond3A_344 = arith.cmpi ne, %convert_element_type3A_342, %cond3A_343 : i32
      scf.if %cond3A_344 {
        %add3A_345 = arith.constant 2 : i32
        %add3A_346 = arith.addi %add3A_334, %add3A_345 : i32
        %mul3A_347 = arith.constant 80 : i32
        %mul3A_348 = arith.muli %add3A_346, %mul3A_347 : i32
        %add3A_349 = arith.addi %add3A_112, %mul3A_348 : i32
        "tpu.region"() ({
          %run_scoped3A = tpu.sem_alloc : memref<!tpu.dma_semaphore, #tpu.memory_space<semaphore_mem>>
          %dma_start3A_386 = tpu.memref_slice %arg3[%add3A_349] : memref<960000xi32, #tpu.memory_space<hbm>> -> memref<80xi32, #tpu.memory_space<hbm>>
          %dma_start3A_387 = tpu.memref_slice %arg3[%add3A_349] : memref<960000xi32, #tpu.memory_space<hbm>> -> memref<80xi32, #tpu.memory_space<hbm>>
          tpu.enqueue_dma source(%dma_start3A_387 : memref<80xi32, #tpu.memory_space<hbm>>) target(%arg8 : memref<80xi32, #tpu.memory_space<vmem>>) target_semaphore(%run_scoped3A : memref<!tpu.dma_semaphore, #tpu.memory_space<semaphore_mem>>)
          %dma_wait3A_388 = tpu.memref_slice %arg3[%add3A_349] : memref<960000xi32, #tpu.memory_space<hbm>> -> memref<80xi32, #tpu.memory_space<hbm>>
          %dma_wait3A_389 = tpu.memref_slice %arg3[%add3A_349] : memref<960000xi32, #tpu.memory_space<hbm>> -> memref<80xi32, #tpu.memory_space<hbm>>
          tpu.wait_dma2 semaphore(%run_scoped3A : memref<!tpu.dma_semaphore, #tpu.memory_space<semaphore_mem>>) src(%dma_wait3A_389 : memref<80xi32, #tpu.memory_space<hbm>>) dst(%arg8 : memref<80xi32, #tpu.memory_space<vmem>>)
          tpu.yield
        }) : () -> ()
        %get3A_350 = arith.constant 0 : index
        %get3A_351 = tpu.vector_load %arg8[%get3A_350] {strides = array<i32>} : memref<80xi32, #tpu.memory_space<vmem>>, vector<16xi32>,
        %add3A_352 = vector.broadcast %add3A_108 : i32 to vector<16xi32>
        %add3A_353 = arith.addi %get3A_351, %add3A_352 : vector<16xi32>
        %swap3A_354 = arith.constant 0 : index
        %swap3A_355 = tpu.vector_load %arg8[%swap3A_354] {strides = array<i32>} : memref<80xi32, #tpu.memory_space<vmem>>, vector<16xi32>,
        tpu.vector_store %arg8[%swap3A_354], %add3A_353 {strides = array<i32>} : memref<80xi32, #tpu.memory_space<vmem>>, vector<16xi32>,
        %get3A_356 = arith.constant 16 : index
        %get3A_357 = tpu.vector_load %arg8[%get3A_356] {strides = array<i32>} : memref<80xi32, #tpu.memory_space<vmem>>, vector<16xi32>,
        %add3A_358 = vector.broadcast %add3A_108 : i32 to vector<16xi32>
        %add3A_359 = arith.addi %get3A_357, %add3A_358 : vector<16xi32>
        %swap3A_360 = arith.constant 16 : index
        %swap3A_361 = tpu.vector_load %arg8[%swap3A_360] {strides = array<i32>} : memref<80xi32, #tpu.memory_space<vmem>>, vector<16xi32>,
        tpu.vector_store %arg8[%swap3A_360], %add3A_359 {strides = array<i32>} : memref<80xi32, #tpu.memory_space<vmem>>, vector<16xi32>,
        %get3A_362 = arith.constant 32 : index
        %get3A_363 = tpu.vector_load %arg8[%get3A_362] {strides = array<i32>} : memref<80xi32, #tpu.memory_space<vmem>>, vector<16xi32>,
        %add3A_364 = vector.broadcast %add3A_108 : i32 to vector<16xi32>
        %add3A_365 = arith.addi %get3A_363, %add3A_364 : vector<16xi32>
        %swap3A_366 = arith.constant 32 : index
        %swap3A_367 = tpu.vector_load %arg8[%swap3A_366] {strides = array<i32>} : memref<80xi32, #tpu.memory_space<vmem>>, vector<16xi32>,
        tpu.vector_store %arg8[%swap3A_366], %add3A_365 {strides = array<i32>} : memref<80xi32, #tpu.memory_space<vmem>>, vector<16xi32>,
        %get3A_368 = arith.constant 48 : index
        %get3A_369 = tpu.vector_load %arg8[%get3A_368] {strides = array<i32>} : memref<80xi32, #tpu.memory_space<vmem>>, vector<16xi32>,
        %add3A_370 = vector.broadcast %add3A_108 : i32 to vector<16xi32>
        %add3A_371 = arith.addi %get3A_369, %add3A_370 : vector<16xi32>
        %swap3A_372 = arith.constant 48 : index
        %swap3A_373 = tpu.vector_load %arg8[%swap3A_372] {strides = array<i32>} : memref<80xi32, #tpu.memory_space<vmem>>, vector<16xi32>,
        tpu.vector_store %arg8[%swap3A_372], %add3A_371 {strides = array<i32>} : memref<80xi32, #tpu.memory_space<vmem>>, vector<16xi32>,
        %get3A_374 = arith.constant 64 : index
        %get3A_375 = tpu.vector_load %arg8[%get3A_374] {strides = array<i32>} : memref<80xi32, #tpu.memory_space<vmem>>, vector<16xi32>,
        %add3A_376 = vector.broadcast %add3A_108 : i32 to vector<16xi32>
        %add3A_377 = arith.addi %get3A_375, %add3A_376 : vector<16xi32>
        %swap3A_378 = arith.constant 64 : index
        %swap3A_379 = tpu.vector_load %arg8[%swap3A_378] {strides = array<i32>} : memref<80xi32, #tpu.memory_space<vmem>>, vector<16xi32>,
        tpu.vector_store %arg8[%swap3A_378], %add3A_377 {strides = array<i32>} : memref<80xi32, #tpu.memory_space<vmem>>, vector<16xi32>,
        %mul3A_380 = arith.constant 80 : i32
        %mul3A_381 = arith.muli %add3A_346, %mul3A_380 : i32
        %add3A_382 = arith.addi %add3A_116, %mul3A_381 : i32
        "tpu.region"() ({
          %run_scoped3A = tpu.sem_alloc : memref<!tpu.dma_semaphore, #tpu.memory_space<semaphore_mem>>
          %dma_start3A_386 = tpu.memref_slice %arg3[%add3A_382] : memref<960000xi32, #tpu.memory_space<hbm>> -> memref<80xi32, #tpu.memory_space<hbm>>
          %dma_start3A_387 = tpu.memref_slice %arg3[%add3A_382] : memref<960000xi32, #tpu.memory_space<hbm>> -> memref<80xi32, #tpu.memory_space<hbm>>
          tpu.enqueue_dma source(%dma_start3A_387 : memref<80xi32, #tpu.memory_space<hbm>>) target(%arg10 : memref<80xi32, #tpu.memory_space<vmem>>) target_semaphore(%run_scoped3A : memref<!tpu.dma_semaphore, #tpu.memory_space<semaphore_mem>>)
          %dma_wait3A_388 = tpu.memref_slice %arg3[%add3A_382] : memref<960000xi32, #tpu.memory_space<hbm>> -> memref<80xi32, #tpu.memory_space<hbm>>
          %dma_wait3A_389 = tpu.memref_slice %arg3[%add3A_382] : memref<960000xi32, #tpu.memory_space<hbm>> -> memref<80xi32, #tpu.memory_space<hbm>>
          tpu.wait_dma2 semaphore(%run_scoped3A : memref<!tpu.dma_semaphore, #tpu.memory_space<semaphore_mem>>) src(%dma_wait3A_389 : memref<80xi32, #tpu.memory_space<hbm>>) dst(%arg10 : memref<80xi32, #tpu.memory_space<vmem>>)
          tpu.yield
        }) : () -> ()
        %dma_start3A_383 = arith.constant 0 : i32
        %dma_start3A_384 = arith.constant 0 : i32
        %dma_start3A_385 = tpu.memref_slice %arg2[%dma_start3A_383, %dma_start3A_384] : memref<60000x128xf32, #tpu.memory_space<hbm>> -> memref<60000x128xf32, #tpu.memory_space<hbm>>
        tpu.enqueue_indirect_dma source(%dma_start3A_385 : memref<60000x128xf32, #tpu.memory_space<hbm>>) target(%arg12 : memref<80x128xf32, #tpu.memory_space<vmem>>) offsets(%arg8 : memref<80xi32, #tpu.memory_space<vmem>>) semaphore(%arg14 : memref<!tpu.dma_semaphore, #tpu.memory_space<semaphore_mem>>)
      } else {
      }
    }
    %scan3A_201 = arith.constant 62 : i32
    %dma_wait3A_202 = arith.constant 0 : i32
    %dma_wait3A_203 = arith.constant 0 : i32
    %dma_wait3A_204 = tpu.memref_slice %arg2[%dma_wait3A_202, %dma_wait3A_203] : memref<60000x128xf32, #tpu.memory_space<hbm>> -> memref<60000x128xf32, #tpu.memory_space<hbm>>
    tpu.wait_indirect_dma semaphore(%arg13 : memref<!tpu.dma_semaphore, #tpu.memory_space<semaphore_mem>>) src(%dma_wait3A_204 : memref<60000x128xf32, #tpu.memory_space<hbm>>) dst(%arg11 : memref<80x128xf32, #tpu.memory_space<vmem>>)
    "tpu.region"() ({
      %run_scoped3A = tpu.sem_alloc : memref<!tpu.dma_semaphore, #tpu.memory_space<semaphore_mem>>
      %dma_start3A_319 = arith.constant 0 : i32
      %dma_start3A_320 = arith.constant 0 : i32
      %dma_start3A_321 = tpu.memref_slice %arg5[%dma_start3A_319, %dma_start3A_320] : memref<10240x128xf32, #tpu.memory_space<vmem_shared>> -> memref<10240x128xf32, #tpu.memory_space<vmem_shared>>
      tpu.enqueue_indirect_dma source(%arg11 : memref<80x128xf32, #tpu.memory_space<vmem>>) target(%dma_start3A_321 : memref<10240x128xf32, #tpu.memory_space<vmem_shared>>) offsets(%arg9 : memref<80xi32, #tpu.memory_space<vmem>>) semaphore(%run_scoped3A : memref<!tpu.dma_semaphore, #tpu.memory_space<semaphore_mem>>) {add = true}
      %dma_wait3A_322 = arith.constant 0 : i32
      %dma_wait3A_323 = arith.constant 0 : i32
      %dma_wait3A_324 = tpu.memref_slice %arg5[%dma_wait3A_322, %dma_wait3A_323] : memref<10240x128xf32, #tpu.memory_space<vmem_shared>> -> memref<10240x128xf32, #tpu.memory_space<vmem_shared>>
      tpu.wait_indirect_dma semaphore(%run_scoped3A : memref<!tpu.dma_semaphore, #tpu.memory_space<semaphore_mem>>) src(%arg11 : memref<80x128xf32, #tpu.memory_space<vmem>>) dst(%dma_wait3A_324 : memref<10240x128xf32, #tpu.memory_space<vmem_shared>>)
      tpu.yield
    }) : () -> ()
    %barrier3A_205 = arith.constant 0 : index
    tpu.barrier barrier_id(%barrier3A_205)
    %mul3A_206 = arith.constant 625 : i32
    %mul3A_207 = arith.muli %arg1, %mul3A_206 : i32
    %mul3A_208 = arith.constant 625 : i32
    %mul3A_209 = arith.muli %arg1, %mul3A_208 : i32
    %add3A_210 = arith.addi %add3A_108, %mul3A_209 : i32
    "tpu.region"() ({
      %run_scoped3A = tpu.sem_alloc : memref<!tpu.dma_semaphore, #tpu.memory_space<semaphore_mem>>
      %dma_start3A_319 = arith.constant 0 : i32
      %dma_start3A_320 = tpu.memref_slice %arg4[%add3A_210, %dma_start3A_319] : memref<60000x128xf32, #tpu.memory_space<hbm>> -> memref<625x128xf32, #tpu.memory_space<hbm>>
      %dma_start3A_321 = arith.constant 0 : i32
      %dma_start3A_322 = tpu.memref_slice %arg5[%mul3A_207, %dma_start3A_321] : memref<10240x128xf32, #tpu.memory_space<vmem_shared>> -> memref<625x128xf32, #tpu.memory_space<vmem_shared>>
      tpu.enqueue_dma source(%dma_start3A_322 : memref<625x128xf32, #tpu.memory_space<vmem_shared>>) target(%dma_start3A_320 : memref<625x128xf32, #tpu.memory_space<hbm>>) target_semaphore(%run_scoped3A : memref<!tpu.dma_semaphore, #tpu.memory_space<semaphore_mem>>)
      %dma_wait3A_323 = arith.constant 0 : i32
      %dma_wait3A_324 = tpu.memref_slice %arg4[%add3A_210, %dma_wait3A_323] : memref<60000x128xf32, #tpu.memory_space<hbm>> -> memref<625x128xf32, #tpu.memory_space<hbm>>
      %dma_wait3A_325 = arith.constant 0 : i32
      %dma_wait3A_326 = tpu.memref_slice %arg5[%mul3A_207, %dma_wait3A_325] : memref<10240x128xf32, #tpu.memory_space<vmem_shared>> -> memref<625x128xf32, #tpu.memory_space<vmem_shared>>
      tpu.wait_dma2 semaphore(%run_scoped3A : memref<!tpu.dma_semaphore, #tpu.memory_space<semaphore_mem>>) src(%dma_wait3A_326 : memref<625x128xf32, #tpu.memory_space<vmem_shared>>) dst(%dma_wait3A_324 : memref<625x128xf32, #tpu.memory_space<hbm>>)
      tpu.yield
    }) : () -> ()
    %barrier3A_211 = arith.constant 0 : index
    tpu.barrier barrier_id(%barrier3A_211)
    %mul3A_212 = arith.constant 10000 : i32
    %mul3A_213 = arith.muli %arg0, %mul3A_212 : i32
    %add3A_214 = arith.constant 40000 : i32
    %add3A_215 = arith.addi %add3A_214, %mul3A_213 : i32
    %mul3A_216 = arith.constant 10000 : i32
    %mul3A_217 = arith.muli %arg1, %mul3A_216 : i32
    %add3A_218 = arith.constant 640000 : i32
    %add3A_219 = arith.addi %add3A_218, %mul3A_217 : i32
    %mul3A_220 = arith.constant 10000 : i32
    %mul3A_221 = arith.muli %arg1, %mul3A_220 : i32
    %add3A_222 = arith.constant 800000 : i32
    %add3A_223 = arith.addi %add3A_222, %mul3A_221 : i32
    %scan3A_224 = arith.constant 0 : i32
    %scan3A_225 = arith.constant 10 : i32
    %scan3A_226 = arith.addi %scan3A_224, %scan3A_225 : i32
    %scan3A_227 = arith.constant 1 : i32
    scf.for %scan3A_319 = %scan3A_224 to %scan3A_226 step %scan3A_227  : i32 {
      %mul3A_320 = arith.constant 640 : i32
      %mul3A_321 = arith.muli %arg1, %mul3A_320 : i32
      %mul3A_322 = arith.constant 64 : i32
      %mul3A_323 = arith.muli %scan3A_319, %mul3A_322 : i32
      %add3A_324 = arith.addi %mul3A_321, %mul3A_323 : i32
      "tpu.region"() ({
        %run_scoped3A = tpu.sem_alloc : memref<!tpu.dma_semaphore, #tpu.memory_space<semaphore_mem>>
        %dma_start3A_325 = arith.constant 0 : i32
        %dma_start3A_326 = tpu.memref_slice %arg5[%add3A_324, %dma_start3A_325] : memref<10240x128xf32, #tpu.memory_space<vmem_shared>> -> memref<64x128xf32, #tpu.memory_space<vmem_shared>>
        %dma_start3A_327 = arith.constant 0 : i32
        %dma_start3A_328 = tpu.memref_slice %arg5[%add3A_324, %dma_start3A_327] : memref<10240x128xf32, #tpu.memory_space<vmem_shared>> -> memref<64x128xf32, #tpu.memory_space<vmem_shared>>
        tpu.enqueue_dma source(%arg6 : memref<64x128xf32, #tpu.memory_space<vmem>>) target(%dma_start3A_328 : memref<64x128xf32, #tpu.memory_space<vmem_shared>>) target_semaphore(%run_scoped3A : memref<!tpu.dma_semaphore, #tpu.memory_space<semaphore_mem>>)
        %dma_wait3A_329 = arith.constant 0 : i32
        %dma_wait3A_330 = tpu.memref_slice %arg5[%add3A_324, %dma_wait3A_329] : memref<10240x128xf32, #tpu.memory_space<vmem_shared>> -> memref<64x128xf32, #tpu.memory_space<vmem_shared>>
        %dma_wait3A_331 = arith.constant 0 : i32
        %dma_wait3A_332 = tpu.memref_slice %arg5[%add3A_324, %dma_wait3A_331] : memref<10240x128xf32, #tpu.memory_space<vmem_shared>> -> memref<64x128xf32, #tpu.memory_space<vmem_shared>>
        tpu.wait_dma2 semaphore(%run_scoped3A : memref<!tpu.dma_semaphore, #tpu.memory_space<semaphore_mem>>) src(%arg6 : memref<64x128xf32, #tpu.memory_space<vmem>>) dst(%dma_wait3A_332 : memref<64x128xf32, #tpu.memory_space<vmem_shared>>)
        tpu.yield
      }) : () -> ()
    }
    %scan3A_228 = arith.constant 10 : i32
    %barrier3A_229 = arith.constant 0 : index
    tpu.barrier barrier_id(%barrier3A_229)
    %add3A_230 = arith.constant 0 : i32
    %add3A_231 = arith.addi %add3A_219, %add3A_230 : i32
    "tpu.region"() ({
      %run_scoped3A = tpu.sem_alloc : memref<!tpu.dma_semaphore, #tpu.memory_space<semaphore_mem>>
      %dma_start3A_319 = tpu.memref_slice %arg3[%add3A_231] : memref<960000xi32, #tpu.memory_space<hbm>> -> memref<80xi32, #tpu.memory_space<hbm>>
      %dma_start3A_320 = tpu.memref_slice %arg3[%add3A_231] : memref<960000xi32, #tpu.memory_space<hbm>> -> memref<80xi32, #tpu.memory_space<hbm>>
      tpu.enqueue_dma source(%dma_start3A_320 : memref<80xi32, #tpu.memory_space<hbm>>) target(%arg7 : memref<80xi32, #tpu.memory_space<vmem>>) target_semaphore(%run_scoped3A : memref<!tpu.dma_semaphore, #tpu.memory_space<semaphore_mem>>)
      %dma_wait3A_321 = tpu.memref_slice %arg3[%add3A_231] : memref<960000xi32, #tpu.memory_space<hbm>> -> memref<80xi32, #tpu.memory_space<hbm>>
      %dma_wait3A_322 = tpu.memref_slice %arg3[%add3A_231] : memref<960000xi32, #tpu.memory_space<hbm>> -> memref<80xi32, #tpu.memory_space<hbm>>
      tpu.wait_dma2 semaphore(%run_scoped3A : memref<!tpu.dma_semaphore, #tpu.memory_space<semaphore_mem>>) src(%dma_wait3A_322 : memref<80xi32, #tpu.memory_space<hbm>>) dst(%arg7 : memref<80xi32, #tpu.memory_space<vmem>>)
      tpu.yield
    }) : () -> ()
    %get3A_232 = arith.constant 0 : index
    %get3A_233 = tpu.vector_load %arg7[%get3A_232] {strides = array<i32>} : memref<80xi32, #tpu.memory_space<vmem>>, vector<16xi32>,
    %add3A_234 = vector.broadcast %add3A_215 : i32 to vector<16xi32>
    %add3A_235 = arith.addi %get3A_233, %add3A_234 : vector<16xi32>
    %swap3A_236 = arith.constant 0 : index
    %swap3A_237 = tpu.vector_load %arg7[%swap3A_236] {strides = array<i32>} : memref<80xi32, #tpu.memory_space<vmem>>, vector<16xi32>,
    tpu.vector_store %arg7[%swap3A_236], %add3A_235 {strides = array<i32>} : memref<80xi32, #tpu.memory_space<vmem>>, vector<16xi32>,
    %get3A_238 = arith.constant 16 : index
    %get3A_239 = tpu.vector_load %arg7[%get3A_238] {strides = array<i32>} : memref<80xi32, #tpu.memory_space<vmem>>, vector<16xi32>,
    %add3A_240 = vector.broadcast %add3A_215 : i32 to vector<16xi32>
    %add3A_241 = arith.addi %get3A_239, %add3A_240 : vector<16xi32>
    %swap3A_242 = arith.constant 16 : index
    %swap3A_243 = tpu.vector_load %arg7[%swap3A_242] {strides = array<i32>} : memref<80xi32, #tpu.memory_space<vmem>>, vector<16xi32>,
    tpu.vector_store %arg7[%swap3A_242], %add3A_241 {strides = array<i32>} : memref<80xi32, #tpu.memory_space<vmem>>, vector<16xi32>,
    %get3A_244 = arith.constant 32 : index
    %get3A_245 = tpu.vector_load %arg7[%get3A_244] {strides = array<i32>} : memref<80xi32, #tpu.memory_space<vmem>>, vector<16xi32>,
    %add3A_246 = vector.broadcast %add3A_215 : i32 to vector<16xi32>
    %add3A_247 = arith.addi %get3A_245, %add3A_246 : vector<16xi32>
    %swap3A_248 = arith.constant 32 : index
    %swap3A_249 = tpu.vector_load %arg7[%swap3A_248] {strides = array<i32>} : memref<80xi32, #tpu.memory_space<vmem>>, vector<16xi32>,
    tpu.vector_store %arg7[%swap3A_248], %add3A_247 {strides = array<i32>} : memref<80xi32, #tpu.memory_space<vmem>>, vector<16xi32>,
    %get3A_250 = arith.constant 48 : index
    %get3A_251 = tpu.vector_load %arg7[%get3A_250] {strides = array<i32>} : memref<80xi32, #tpu.memory_space<vmem>>, vector<16xi32>,
    %add3A_252 = vector.broadcast %add3A_215 : i32 to vector<16xi32>
    %add3A_253 = arith.addi %get3A_251, %add3A_252 : vector<16xi32>
    %swap3A_254 = arith.constant 48 : index
    %swap3A_255 = tpu.vector_load %arg7[%swap3A_254] {strides = array<i32>} : memref<80xi32, #tpu.memory_space<vmem>>, vector<16xi32>,
    tpu.vector_store %arg7[%swap3A_254], %add3A_253 {strides = array<i32>} : memref<80xi32, #tpu.memory_space<vmem>>, vector<16xi32>,
    %get3A_256 = arith.constant 64 : index
    %get3A_257 = tpu.vector_load %arg7[%get3A_256] {strides = array<i32>} : memref<80xi32, #tpu.memory_space<vmem>>, vector<16xi32>,
    %add3A_258 = vector.broadcast %add3A_215 : i32 to vector<16xi32>
    %add3A_259 = arith.addi %get3A_257, %add3A_258 : vector<16xi32>
    %swap3A_260 = arith.constant 64 : index
    %swap3A_261 = tpu.vector_load %arg7[%swap3A_260] {strides = array<i32>} : memref<80xi32, #tpu.memory_space<vmem>>, vector<16xi32>,
    tpu.vector_store %arg7[%swap3A_260], %add3A_259 {strides = array<i32>} : memref<80xi32, #tpu.memory_space<vmem>>, vector<16xi32>,
    %add3A_262 = arith.constant 0 : i32
    %add3A_263 = arith.addi %add3A_223, %add3A_262 : i32
    "tpu.region"() ({
      %run_scoped3A = tpu.sem_alloc : memref<!tpu.dma_semaphore, #tpu.memory_space<semaphore_mem>>
      %dma_start3A_319 = tpu.memref_slice %arg3[%add3A_263] : memref<960000xi32, #tpu.memory_space<hbm>> -> memref<80xi32, #tpu.memory_space<hbm>>
      %dma_start3A_320 = tpu.memref_slice %arg3[%add3A_263] : memref<960000xi32, #tpu.memory_space<hbm>> -> memref<80xi32, #tpu.memory_space<hbm>>
      tpu.enqueue_dma source(%dma_start3A_320 : memref<80xi32, #tpu.memory_space<hbm>>) target(%arg9 : memref<80xi32, #tpu.memory_space<vmem>>) target_semaphore(%run_scoped3A : memref<!tpu.dma_semaphore, #tpu.memory_space<semaphore_mem>>)
      %dma_wait3A_321 = tpu.memref_slice %arg3[%add3A_263] : memref<960000xi32, #tpu.memory_space<hbm>> -> memref<80xi32, #tpu.memory_space<hbm>>
      %dma_wait3A_322 = tpu.memref_slice %arg3[%add3A_263] : memref<960000xi32, #tpu.memory_space<hbm>> -> memref<80xi32, #tpu.memory_space<hbm>>
      tpu.wait_dma2 semaphore(%run_scoped3A : memref<!tpu.dma_semaphore, #tpu.memory_space<semaphore_mem>>) src(%dma_wait3A_322 : memref<80xi32, #tpu.memory_space<hbm>>) dst(%arg9 : memref<80xi32, #tpu.memory_space<vmem>>)
      tpu.yield
    }) : () -> ()
    %dma_start3A_264 = arith.constant 0 : i32
    %dma_start3A_265 = arith.constant 0 : i32
    %dma_start3A_266 = tpu.memref_slice %arg2[%dma_start3A_264, %dma_start3A_265] : memref<60000x128xf32, #tpu.memory_space<hbm>> -> memref<60000x128xf32, #tpu.memory_space<hbm>>
    tpu.enqueue_indirect_dma source(%dma_start3A_266 : memref<60000x128xf32, #tpu.memory_space<hbm>>) target(%arg11 : memref<80x128xf32, #tpu.memory_space<vmem>>) offsets(%arg7 : memref<80xi32, #tpu.memory_space<vmem>>) semaphore(%arg13 : memref<!tpu.dma_semaphore, #tpu.memory_space<semaphore_mem>>)
    %add3A_267 = arith.constant 80 : i32
    %add3A_268 = arith.addi %add3A_219, %add3A_267 : i32
    "tpu.region"() ({
      %run_scoped3A = tpu.sem_alloc : memref<!tpu.dma_semaphore, #tpu.memory_space<semaphore_mem>>
      %dma_start3A_319 = tpu.memref_slice %arg3[%add3A_268] : memref<960000xi32, #tpu.memory_space<hbm>> -> memref<80xi32, #tpu.memory_space<hbm>>
      %dma_start3A_320 = tpu.memref_slice %arg3[%add3A_268] : memref<960000xi32, #tpu.memory_space<hbm>> -> memref<80xi32, #tpu.memory_space<hbm>>
      tpu.enqueue_dma source(%dma_start3A_320 : memref<80xi32, #tpu.memory_space<hbm>>) target(%arg8 : memref<80xi32, #tpu.memory_space<vmem>>) target_semaphore(%run_scoped3A : memref<!tpu.dma_semaphore, #tpu.memory_space<semaphore_mem>>)
      %dma_wait3A_321 = tpu.memref_slice %arg3[%add3A_268] : memref<960000xi32, #tpu.memory_space<hbm>> -> memref<80xi32, #tpu.memory_space<hbm>>
      %dma_wait3A_322 = tpu.memref_slice %arg3[%add3A_268] : memref<960000xi32, #tpu.memory_space<hbm>> -> memref<80xi32, #tpu.memory_space<hbm>>
      tpu.wait_dma2 semaphore(%run_scoped3A : memref<!tpu.dma_semaphore, #tpu.memory_space<semaphore_mem>>) src(%dma_wait3A_322 : memref<80xi32, #tpu.memory_space<hbm>>) dst(%arg8 : memref<80xi32, #tpu.memory_space<vmem>>)
      tpu.yield
    }) : () -> ()
    %get3A_269 = arith.constant 0 : index
    %get3A_270 = tpu.vector_load %arg8[%get3A_269] {strides = array<i32>} : memref<80xi32, #tpu.memory_space<vmem>>, vector<16xi32>,
    %add3A_271 = vector.broadcast %add3A_215 : i32 to vector<16xi32>
    %add3A_272 = arith.addi %get3A_270, %add3A_271 : vector<16xi32>
    %swap3A_273 = arith.constant 0 : index
    %swap3A_274 = tpu.vector_load %arg8[%swap3A_273] {strides = array<i32>} : memref<80xi32, #tpu.memory_space<vmem>>, vector<16xi32>,
    tpu.vector_store %arg8[%swap3A_273], %add3A_272 {strides = array<i32>} : memref<80xi32, #tpu.memory_space<vmem>>, vector<16xi32>,
    %get3A_275 = arith.constant 16 : index
    %get3A_276 = tpu.vector_load %arg8[%get3A_275] {strides = array<i32>} : memref<80xi32, #tpu.memory_space<vmem>>, vector<16xi32>,
    %add3A_277 = vector.broadcast %add3A_215 : i32 to vector<16xi32>
    %add3A_278 = arith.addi %get3A_276, %add3A_277 : vector<16xi32>
    %swap3A_279 = arith.constant 16 : index
    %swap3A_280 = tpu.vector_load %arg8[%swap3A_279] {strides = array<i32>} : memref<80xi32, #tpu.memory_space<vmem>>, vector<16xi32>,
    tpu.vector_store %arg8[%swap3A_279], %add3A_278 {strides = array<i32>} : memref<80xi32, #tpu.memory_space<vmem>>, vector<16xi32>,
    %get3A_281 = arith.constant 32 : index
    %get3A_282 = tpu.vector_load %arg8[%get3A_281] {strides = array<i32>} : memref<80xi32, #tpu.memory_space<vmem>>, vector<16xi32>,
    %add3A_283 = vector.broadcast %add3A_215 : i32 to vector<16xi32>
    %add3A_284 = arith.addi %get3A_282, %add3A_283 : vector<16xi32>
    %swap3A_285 = arith.constant 32 : index
    %swap3A_286 = tpu.vector_load %arg8[%swap3A_285] {strides = array<i32>} : memref<80xi32, #tpu.memory_space<vmem>>, vector<16xi32>,
    tpu.vector_store %arg8[%swap3A_285], %add3A_284 {strides = array<i32>} : memref<80xi32, #tpu.memory_space<vmem>>, vector<16xi32>,
    %get3A_287 = arith.constant 48 : index
    %get3A_288 = tpu.vector_load %arg8[%get3A_287] {strides = array<i32>} : memref<80xi32, #tpu.memory_space<vmem>>, vector<16xi32>,
    %add3A_289 = vector.broadcast %add3A_215 : i32 to vector<16xi32>
    %add3A_290 = arith.addi %get3A_288, %add3A_289 : vector<16xi32>
    %swap3A_291 = arith.constant 48 : index
    %swap3A_292 = tpu.vector_load %arg8[%swap3A_291] {strides = array<i32>} : memref<80xi32, #tpu.memory_space<vmem>>, vector<16xi32>,
    tpu.vector_store %arg8[%swap3A_291], %add3A_290 {strides = array<i32>} : memref<80xi32, #tpu.memory_space<vmem>>, vector<16xi32>,
    %get3A_293 = arith.constant 64 : index
    %get3A_294 = tpu.vector_load %arg8[%get3A_293] {strides = array<i32>} : memref<80xi32, #tpu.memory_space<vmem>>, vector<16xi32>,
    %add3A_295 = vector.broadcast %add3A_215 : i32 to vector<16xi32>
    %add3A_296 = arith.addi %get3A_294, %add3A_295 : vector<16xi32>
    %swap3A_297 = arith.constant 64 : index
    %swap3A_298 = tpu.vector_load %arg8[%swap3A_297] {strides = array<i32>} : memref<80xi32, #tpu.memory_space<vmem>>, vector<16xi32>,
    tpu.vector_store %arg8[%swap3A_297], %add3A_296 {strides = array<i32>} : memref<80xi32, #tpu.memory_space<vmem>>, vector<16xi32>,
    %add3A_299 = arith.constant 80 : i32
    %add3A_300 = arith.addi %add3A_223, %add3A_299 : i32
    "tpu.region"() ({
      %run_scoped3A = tpu.sem_alloc : memref<!tpu.dma_semaphore, #tpu.memory_space<semaphore_mem>>
      %dma_start3A_319 = tpu.memref_slice %arg3[%add3A_300] : memref<960000xi32, #tpu.memory_space<hbm>> -> memref<80xi32, #tpu.memory_space<hbm>>
      %dma_start3A_320 = tpu.memref_slice %arg3[%add3A_300] : memref<960000xi32, #tpu.memory_space<hbm>> -> memref<80xi32, #tpu.memory_space<hbm>>
      tpu.enqueue_dma source(%dma_start3A_320 : memref<80xi32, #tpu.memory_space<hbm>>) target(%arg10 : memref<80xi32, #tpu.memory_space<vmem>>) target_semaphore(%run_scoped3A : memref<!tpu.dma_semaphore, #tpu.memory_space<semaphore_mem>>)
      %dma_wait3A_321 = tpu.memref_slice %arg3[%add3A_300] : memref<960000xi32, #tpu.memory_space<hbm>> -> memref<80xi32, #tpu.memory_space<hbm>>
      %dma_wait3A_322 = tpu.memref_slice %arg3[%add3A_300] : memref<960000xi32, #tpu.memory_space<hbm>> -> memref<80xi32, #tpu.memory_space<hbm>>
      tpu.wait_dma2 semaphore(%run_scoped3A : memref<!tpu.dma_semaphore, #tpu.memory_space<semaphore_mem>>) src(%dma_wait3A_322 : memref<80xi32, #tpu.memory_space<hbm>>) dst(%arg10 : memref<80xi32, #tpu.memory_space<vmem>>)
      tpu.yield
    }) : () -> ()
    %dma_start3A_301 = arith.constant 0 : i32
    %dma_start3A_302 = arith.constant 0 : i32
    %dma_start3A_303 = tpu.memref_slice %arg2[%dma_start3A_301, %dma_start3A_302] : memref<60000x128xf32, #tpu.memory_space<hbm>> -> memref<60000x128xf32, #tpu.memory_space<hbm>>
    tpu.enqueue_indirect_dma source(%dma_start3A_303 : memref<60000x128xf32, #tpu.memory_space<hbm>>) target(%arg12 : memref<80x128xf32, #tpu.memory_space<vmem>>) offsets(%arg8 : memref<80xi32, #tpu.memory_space<vmem>>) semaphore(%arg14 : memref<!tpu.dma_semaphore, #tpu.memory_space<semaphore_mem>>)
    %scan3A_304 = arith.constant 0 : i32
    %scan3A_305 = arith.constant 62 : i32
    %scan3A_306 = arith.addi %scan3A_304, %scan3A_305 : i32
    %scan3A_307 = arith.constant 1 : i32
    scf.for %scan3A_319 = %scan3A_304 to %scan3A_306 step %scan3A_307  : i32 {
      %mul3A_320 = arith.constant 2 : i32
      %mul3A_321 = arith.muli %mul3A_320, %scan3A_319 : i32
      %add3A_322 = arith.constant 0 : i32
      %add3A_323 = arith.addi %mul3A_321, %add3A_322 : i32
      %dma_wait3A_324 = arith.constant 0 : i32
      %dma_wait3A_325 = arith.constant 0 : i32
      %dma_wait3A_326 = tpu.memref_slice %arg2[%dma_wait3A_324, %dma_wait3A_325] : memref<60000x128xf32, #tpu.memory_space<hbm>> -> memref<60000x128xf32, #tpu.memory_space<hbm>>
      tpu.wait_indirect_dma semaphore(%arg13 : memref<!tpu.dma_semaphore, #tpu.memory_space<semaphore_mem>>) src(%dma_wait3A_326 : memref<60000x128xf32, #tpu.memory_space<hbm>>) dst(%arg11 : memref<80x128xf32, #tpu.memory_space<vmem>>)
      "tpu.region"() ({
        %run_scoped3A = tpu.sem_alloc : memref<!tpu.dma_semaphore, #tpu.memory_space<semaphore_mem>>
        %dma_start3A_345 = arith.constant 0 : i32
        %dma_start3A_346 = arith.constant 0 : i32
        %dma_start3A_347 = tpu.memref_slice %arg5[%dma_start3A_345, %dma_start3A_346] : memref<10240x128xf32, #tpu.memory_space<vmem_shared>> -> memref<10240x128xf32, #tpu.memory_space<vmem_shared>>
        tpu.enqueue_indirect_dma source(%arg11 : memref<80x128xf32, #tpu.memory_space<vmem>>) target(%dma_start3A_347 : memref<10240x128xf32, #tpu.memory_space<vmem_shared>>) offsets(%arg9 : memref<80xi32, #tpu.memory_space<vmem>>) semaphore(%run_scoped3A : memref<!tpu.dma_semaphore, #tpu.memory_space<semaphore_mem>>) {add = true}
        %dma_wait3A_348 = arith.constant 0 : i32
        %dma_wait3A_349 = arith.constant 0 : i32
        %dma_wait3A_350 = tpu.memref_slice %arg5[%dma_wait3A_348, %dma_wait3A_349] : memref<10240x128xf32, #tpu.memory_space<vmem_shared>> -> memref<10240x128xf32, #tpu.memory_space<vmem_shared>>
        tpu.wait_indirect_dma semaphore(%run_scoped3A : memref<!tpu.dma_semaphore, #tpu.memory_space<semaphore_mem>>) src(%arg11 : memref<80x128xf32, #tpu.memory_space<vmem>>) dst(%dma_wait3A_350 : memref<10240x128xf32, #tpu.memory_space<vmem_shared>>)
        tpu.yield
      }) : () -> ()
      %add3A_327 = arith.constant 2 : i32
      %add3A_328 = arith.addi %add3A_323, %add3A_327 : i32
      %lt3A = arith.constant 125 : i32
      %lt3A_329 = arith.cmpi slt, %add3A_328, %lt3A : i32
      %convert_element_type3A = arith.extui %lt3A_329 : i1 to i32
      %cond3A = arith.constant 0 : i32
      %cond3A_330 = arith.cmpi ne, %convert_element_type3A, %cond3A : i32
      scf.if %cond3A_330 {
        %add3A_345 = arith.constant 2 : i32
        %add3A_346 = arith.addi %add3A_323, %add3A_345 : i32
        %mul3A_347 = arith.constant 80 : i32
        %mul3A_348 = arith.muli %add3A_346, %mul3A_347 : i32
        %add3A_349 = arith.addi %add3A_219, %mul3A_348 : i32
        "tpu.region"() ({
          %run_scoped3A = tpu.sem_alloc : memref<!tpu.dma_semaphore, #tpu.memory_space<semaphore_mem>>
          %dma_start3A_386 = tpu.memref_slice %arg3[%add3A_349] : memref<960000xi32, #tpu.memory_space<hbm>> -> memref<80xi32, #tpu.memory_space<hbm>>
          %dma_start3A_387 = tpu.memref_slice %arg3[%add3A_349] : memref<960000xi32, #tpu.memory_space<hbm>> -> memref<80xi32, #tpu.memory_space<hbm>>
          tpu.enqueue_dma source(%dma_start3A_387 : memref<80xi32, #tpu.memory_space<hbm>>) target(%arg7 : memref<80xi32, #tpu.memory_space<vmem>>) target_semaphore(%run_scoped3A : memref<!tpu.dma_semaphore, #tpu.memory_space<semaphore_mem>>)
          %dma_wait3A_388 = tpu.memref_slice %arg3[%add3A_349] : memref<960000xi32, #tpu.memory_space<hbm>> -> memref<80xi32, #tpu.memory_space<hbm>>
          %dma_wait3A_389 = tpu.memref_slice %arg3[%add3A_349] : memref<960000xi32, #tpu.memory_space<hbm>> -> memref<80xi32, #tpu.memory_space<hbm>>
          tpu.wait_dma2 semaphore(%run_scoped3A : memref<!tpu.dma_semaphore, #tpu.memory_space<semaphore_mem>>) src(%dma_wait3A_389 : memref<80xi32, #tpu.memory_space<hbm>>) dst(%arg7 : memref<80xi32, #tpu.memory_space<vmem>>)
          tpu.yield
        }) : () -> ()
        %get3A_350 = arith.constant 0 : index
        %get3A_351 = tpu.vector_load %arg7[%get3A_350] {strides = array<i32>} : memref<80xi32, #tpu.memory_space<vmem>>, vector<16xi32>,
        %add3A_352 = vector.broadcast %add3A_215 : i32 to vector<16xi32>
        %add3A_353 = arith.addi %get3A_351, %add3A_352 : vector<16xi32>
        %swap3A_354 = arith.constant 0 : index
        %swap3A_355 = tpu.vector_load %arg7[%swap3A_354] {strides = array<i32>} : memref<80xi32, #tpu.memory_space<vmem>>, vector<16xi32>,
        tpu.vector_store %arg7[%swap3A_354], %add3A_353 {strides = array<i32>} : memref<80xi32, #tpu.memory_space<vmem>>, vector<16xi32>,
        %get3A_356 = arith.constant 16 : index
        %get3A_357 = tpu.vector_load %arg7[%get3A_356] {strides = array<i32>} : memref<80xi32, #tpu.memory_space<vmem>>, vector<16xi32>,
        %add3A_358 = vector.broadcast %add3A_215 : i32 to vector<16xi32>
        %add3A_359 = arith.addi %get3A_357, %add3A_358 : vector<16xi32>
        %swap3A_360 = arith.constant 16 : index
        %swap3A_361 = tpu.vector_load %arg7[%swap3A_360] {strides = array<i32>} : memref<80xi32, #tpu.memory_space<vmem>>, vector<16xi32>,
        tpu.vector_store %arg7[%swap3A_360], %add3A_359 {strides = array<i32>} : memref<80xi32, #tpu.memory_space<vmem>>, vector<16xi32>,
        %get3A_362 = arith.constant 32 : index
        %get3A_363 = tpu.vector_load %arg7[%get3A_362] {strides = array<i32>} : memref<80xi32, #tpu.memory_space<vmem>>, vector<16xi32>,
        %add3A_364 = vector.broadcast %add3A_215 : i32 to vector<16xi32>
        %add3A_365 = arith.addi %get3A_363, %add3A_364 : vector<16xi32>
        %swap3A_366 = arith.constant 32 : index
        %swap3A_367 = tpu.vector_load %arg7[%swap3A_366] {strides = array<i32>} : memref<80xi32, #tpu.memory_space<vmem>>, vector<16xi32>,
        tpu.vector_store %arg7[%swap3A_366], %add3A_365 {strides = array<i32>} : memref<80xi32, #tpu.memory_space<vmem>>, vector<16xi32>,
        %get3A_368 = arith.constant 48 : index
        %get3A_369 = tpu.vector_load %arg7[%get3A_368] {strides = array<i32>} : memref<80xi32, #tpu.memory_space<vmem>>, vector<16xi32>,
        %add3A_370 = vector.broadcast %add3A_215 : i32 to vector<16xi32>
        %add3A_371 = arith.addi %get3A_369, %add3A_370 : vector<16xi32>
        %swap3A_372 = arith.constant 48 : index
        %swap3A_373 = tpu.vector_load %arg7[%swap3A_372] {strides = array<i32>} : memref<80xi32, #tpu.memory_space<vmem>>, vector<16xi32>,
        tpu.vector_store %arg7[%swap3A_372], %add3A_371 {strides = array<i32>} : memref<80xi32, #tpu.memory_space<vmem>>, vector<16xi32>,
        %get3A_374 = arith.constant 64 : index
        %get3A_375 = tpu.vector_load %arg7[%get3A_374] {strides = array<i32>} : memref<80xi32, #tpu.memory_space<vmem>>, vector<16xi32>,
        %add3A_376 = vector.broadcast %add3A_215 : i32 to vector<16xi32>
        %add3A_377 = arith.addi %get3A_375, %add3A_376 : vector<16xi32>
        %swap3A_378 = arith.constant 64 : index
        %swap3A_379 = tpu.vector_load %arg7[%swap3A_378] {strides = array<i32>} : memref<80xi32, #tpu.memory_space<vmem>>, vector<16xi32>,
        tpu.vector_store %arg7[%swap3A_378], %add3A_377 {strides = array<i32>} : memref<80xi32, #tpu.memory_space<vmem>>, vector<16xi32>,
        %mul3A_380 = arith.constant 80 : i32
        %mul3A_381 = arith.muli %add3A_346, %mul3A_380 : i32
        %add3A_382 = arith.addi %add3A_223, %mul3A_381 : i32
        "tpu.region"() ({
          %run_scoped3A = tpu.sem_alloc : memref<!tpu.dma_semaphore, #tpu.memory_space<semaphore_mem>>
          %dma_start3A_386 = tpu.memref_slice %arg3[%add3A_382] : memref<960000xi32, #tpu.memory_space<hbm>> -> memref<80xi32, #tpu.memory_space<hbm>>
          %dma_start3A_387 = tpu.memref_slice %arg3[%add3A_382] : memref<960000xi32, #tpu.memory_space<hbm>> -> memref<80xi32, #tpu.memory_space<hbm>>
          tpu.enqueue_dma source(%dma_start3A_387 : memref<80xi32, #tpu.memory_space<hbm>>) target(%arg9 : memref<80xi32, #tpu.memory_space<vmem>>) target_semaphore(%run_scoped3A : memref<!tpu.dma_semaphore, #tpu.memory_space<semaphore_mem>>)
          %dma_wait3A_388 = tpu.memref_slice %arg3[%add3A_382] : memref<960000xi32, #tpu.memory_space<hbm>> -> memref<80xi32, #tpu.memory_space<hbm>>
          %dma_wait3A_389 = tpu.memref_slice %arg3[%add3A_382] : memref<960000xi32, #tpu.memory_space<hbm>> -> memref<80xi32, #tpu.memory_space<hbm>>
          tpu.wait_dma2 semaphore(%run_scoped3A : memref<!tpu.dma_semaphore, #tpu.memory_space<semaphore_mem>>) src(%dma_wait3A_389 : memref<80xi32, #tpu.memory_space<hbm>>) dst(%arg9 : memref<80xi32, #tpu.memory_space<vmem>>)
          tpu.yield
        }) : () -> ()
        %dma_start3A_383 = arith.constant 0 : i32
        %dma_start3A_384 = arith.constant 0 : i32
        %dma_start3A_385 = tpu.memref_slice %arg2[%dma_start3A_383, %dma_start3A_384] : memref<60000x128xf32, #tpu.memory_space<hbm>> -> memref<60000x128xf32, #tpu.memory_space<hbm>>
        tpu.enqueue_indirect_dma source(%dma_start3A_385 : memref<60000x128xf32, #tpu.memory_space<hbm>>) target(%arg11 : memref<80x128xf32, #tpu.memory_space<vmem>>) offsets(%arg7 : memref<80xi32, #tpu.memory_space<vmem>>) semaphore(%arg13 : memref<!tpu.dma_semaphore, #tpu.memory_space<semaphore_mem>>)
      } else {
      }
      %mul3A_331 = arith.constant 2 : i32
      %mul3A_332 = arith.muli %mul3A_331, %scan3A_319 : i32
      %add3A_333 = arith.constant 1 : i32
      %add3A_334 = arith.addi %mul3A_332, %add3A_333 : i32
      %dma_wait3A_335 = arith.constant 0 : i32
      %dma_wait3A_336 = arith.constant 0 : i32
      %dma_wait3A_337 = tpu.memref_slice %arg2[%dma_wait3A_335, %dma_wait3A_336] : memref<60000x128xf32, #tpu.memory_space<hbm>> -> memref<60000x128xf32, #tpu.memory_space<hbm>>
      tpu.wait_indirect_dma semaphore(%arg14 : memref<!tpu.dma_semaphore, #tpu.memory_space<semaphore_mem>>) src(%dma_wait3A_337 : memref<60000x128xf32, #tpu.memory_space<hbm>>) dst(%arg12 : memref<80x128xf32, #tpu.memory_space<vmem>>)
      "tpu.region"() ({
        %run_scoped3A = tpu.sem_alloc : memref<!tpu.dma_semaphore, #tpu.memory_space<semaphore_mem>>
        %dma_start3A_345 = arith.constant 0 : i32
        %dma_start3A_346 = arith.constant 0 : i32
        %dma_start3A_347 = tpu.memref_slice %arg5[%dma_start3A_345, %dma_start3A_346] : memref<10240x128xf32, #tpu.memory_space<vmem_shared>> -> memref<10240x128xf32, #tpu.memory_space<vmem_shared>>
        tpu.enqueue_indirect_dma source(%arg12 : memref<80x128xf32, #tpu.memory_space<vmem>>) target(%dma_start3A_347 : memref<10240x128xf32, #tpu.memory_space<vmem_shared>>) offsets(%arg10 : memref<80xi32, #tpu.memory_space<vmem>>) semaphore(%run_scoped3A : memref<!tpu.dma_semaphore, #tpu.memory_space<semaphore_mem>>) {add = true}
        %dma_wait3A_348 = arith.constant 0 : i32
        %dma_wait3A_349 = arith.constant 0 : i32
        %dma_wait3A_350 = tpu.memref_slice %arg5[%dma_wait3A_348, %dma_wait3A_349] : memref<10240x128xf32, #tpu.memory_space<vmem_shared>> -> memref<10240x128xf32, #tpu.memory_space<vmem_shared>>
        tpu.wait_indirect_dma semaphore(%run_scoped3A : memref<!tpu.dma_semaphore, #tpu.memory_space<semaphore_mem>>) src(%arg12 : memref<80x128xf32, #tpu.memory_space<vmem>>) dst(%dma_wait3A_350 : memref<10240x128xf32, #tpu.memory_space<vmem_shared>>)
        tpu.yield
      }) : () -> ()
      %add3A_338 = arith.constant 2 : i32
      %add3A_339 = arith.addi %add3A_334, %add3A_338 : i32
      %lt3A_340 = arith.constant 125 : i32
      %lt3A_341 = arith.cmpi slt, %add3A_339, %lt3A_340 : i32
      %convert_element_type3A_342 = arith.extui %lt3A_341 : i1 to i32
      %cond3A_343 = arith.constant 0 : i32
      %cond3A_344 = arith.cmpi ne, %convert_element_type3A_342, %cond3A_343 : i32
      scf.if %cond3A_344 {
        %add3A_345 = arith.constant 2 : i32
        %add3A_346 = arith.addi %add3A_334, %add3A_345 : i32
        %mul3A_347 = arith.constant 80 : i32
        %mul3A_348 = arith.muli %add3A_346, %mul3A_347 : i32
        %add3A_349 = arith.addi %add3A_219, %mul3A_348 : i32
        "tpu.region"() ({
          %run_scoped3A = tpu.sem_alloc : memref<!tpu.dma_semaphore, #tpu.memory_space<semaphore_mem>>
          %dma_start3A_386 = tpu.memref_slice %arg3[%add3A_349] : memref<960000xi32, #tpu.memory_space<hbm>> -> memref<80xi32, #tpu.memory_space<hbm>>
          %dma_start3A_387 = tpu.memref_slice %arg3[%add3A_349] : memref<960000xi32, #tpu.memory_space<hbm>> -> memref<80xi32, #tpu.memory_space<hbm>>
          tpu.enqueue_dma source(%dma_start3A_387 : memref<80xi32, #tpu.memory_space<hbm>>) target(%arg8 : memref<80xi32, #tpu.memory_space<vmem>>) target_semaphore(%run_scoped3A : memref<!tpu.dma_semaphore, #tpu.memory_space<semaphore_mem>>)
          %dma_wait3A_388 = tpu.memref_slice %arg3[%add3A_349] : memref<960000xi32, #tpu.memory_space<hbm>> -> memref<80xi32, #tpu.memory_space<hbm>>
          %dma_wait3A_389 = tpu.memref_slice %arg3[%add3A_349] : memref<960000xi32, #tpu.memory_space<hbm>> -> memref<80xi32, #tpu.memory_space<hbm>>
          tpu.wait_dma2 semaphore(%run_scoped3A : memref<!tpu.dma_semaphore, #tpu.memory_space<semaphore_mem>>) src(%dma_wait3A_389 : memref<80xi32, #tpu.memory_space<hbm>>) dst(%arg8 : memref<80xi32, #tpu.memory_space<vmem>>)
          tpu.yield
        }) : () -> ()
        %get3A_350 = arith.constant 0 : index
        %get3A_351 = tpu.vector_load %arg8[%get3A_350] {strides = array<i32>} : memref<80xi32, #tpu.memory_space<vmem>>, vector<16xi32>,
        %add3A_352 = vector.broadcast %add3A_215 : i32 to vector<16xi32>
        %add3A_353 = arith.addi %get3A_351, %add3A_352 : vector<16xi32>
        %swap3A_354 = arith.constant 0 : index
        %swap3A_355 = tpu.vector_load %arg8[%swap3A_354] {strides = array<i32>} : memref<80xi32, #tpu.memory_space<vmem>>, vector<16xi32>,
        tpu.vector_store %arg8[%swap3A_354], %add3A_353 {strides = array<i32>} : memref<80xi32, #tpu.memory_space<vmem>>, vector<16xi32>,
        %get3A_356 = arith.constant 16 : index
        %get3A_357 = tpu.vector_load %arg8[%get3A_356] {strides = array<i32>} : memref<80xi32, #tpu.memory_space<vmem>>, vector<16xi32>,
        %add3A_358 = vector.broadcast %add3A_215 : i32 to vector<16xi32>
        %add3A_359 = arith.addi %get3A_357, %add3A_358 : vector<16xi32>
        %swap3A_360 = arith.constant 16 : index
        %swap3A_361 = tpu.vector_load %arg8[%swap3A_360] {strides = array<i32>} : memref<80xi32, #tpu.memory_space<vmem>>, vector<16xi32>,
        tpu.vector_store %arg8[%swap3A_360], %add3A_359 {strides = array<i32>} : memref<80xi32, #tpu.memory_space<vmem>>, vector<16xi32>,
        %get3A_362 = arith.constant 32 : index
        %get3A_363 = tpu.vector_load %arg8[%get3A_362] {strides = array<i32>} : memref<80xi32, #tpu.memory_space<vmem>>, vector<16xi32>,
        %add3A_364 = vector.broadcast %add3A_215 : i32 to vector<16xi32>
        %add3A_365 = arith.addi %get3A_363, %add3A_364 : vector<16xi32>
        %swap3A_366 = arith.constant 32 : index
        %swap3A_367 = tpu.vector_load %arg8[%swap3A_366] {strides = array<i32>} : memref<80xi32, #tpu.memory_space<vmem>>, vector<16xi32>,
        tpu.vector_store %arg8[%swap3A_366], %add3A_365 {strides = array<i32>} : memref<80xi32, #tpu.memory_space<vmem>>, vector<16xi32>,
        %get3A_368 = arith.constant 48 : index
        %get3A_369 = tpu.vector_load %arg8[%get3A_368] {strides = array<i32>} : memref<80xi32, #tpu.memory_space<vmem>>, vector<16xi32>,
        %add3A_370 = vector.broadcast %add3A_215 : i32 to vector<16xi32>
        %add3A_371 = arith.addi %get3A_369, %add3A_370 : vector<16xi32>
        %swap3A_372 = arith.constant 48 : index
        %swap3A_373 = tpu.vector_load %arg8[%swap3A_372] {strides = array<i32>} : memref<80xi32, #tpu.memory_space<vmem>>, vector<16xi32>,
        tpu.vector_store %arg8[%swap3A_372], %add3A_371 {strides = array<i32>} : memref<80xi32, #tpu.memory_space<vmem>>, vector<16xi32>,
        %get3A_374 = arith.constant 64 : index
        %get3A_375 = tpu.vector_load %arg8[%get3A_374] {strides = array<i32>} : memref<80xi32, #tpu.memory_space<vmem>>, vector<16xi32>,
        %add3A_376 = vector.broadcast %add3A_215 : i32 to vector<16xi32>
        %add3A_377 = arith.addi %get3A_375, %add3A_376 : vector<16xi32>
        %swap3A_378 = arith.constant 64 : index
        %swap3A_379 = tpu.vector_load %arg8[%swap3A_378] {strides = array<i32>} : memref<80xi32, #tpu.memory_space<vmem>>, vector<16xi32>,
        tpu.vector_store %arg8[%swap3A_378], %add3A_377 {strides = array<i32>} : memref<80xi32, #tpu.memory_space<vmem>>, vector<16xi32>,
        %mul3A_380 = arith.constant 80 : i32
        %mul3A_381 = arith.muli %add3A_346, %mul3A_380 : i32
        %add3A_382 = arith.addi %add3A_223, %mul3A_381 : i32
        "tpu.region"() ({
          %run_scoped3A = tpu.sem_alloc : memref<!tpu.dma_semaphore, #tpu.memory_space<semaphore_mem>>
          %dma_start3A_386 = tpu.memref_slice %arg3[%add3A_382] : memref<960000xi32, #tpu.memory_space<hbm>> -> memref<80xi32, #tpu.memory_space<hbm>>
          %dma_start3A_387 = tpu.memref_slice %arg3[%add3A_382] : memref<960000xi32, #tpu.memory_space<hbm>> -> memref<80xi32, #tpu.memory_space<hbm>>
          tpu.enqueue_dma source(%dma_start3A_387 : memref<80xi32, #tpu.memory_space<hbm>>) target(%arg10 : memref<80xi32, #tpu.memory_space<vmem>>) target_semaphore(%run_scoped3A : memref<!tpu.dma_semaphore, #tpu.memory_space<semaphore_mem>>)
          %dma_wait3A_388 = tpu.memref_slice %arg3[%add3A_382] : memref<960000xi32, #tpu.memory_space<hbm>> -> memref<80xi32, #tpu.memory_space<hbm>>
          %dma_wait3A_389 = tpu.memref_slice %arg3[%add3A_382] : memref<960000xi32, #tpu.memory_space<hbm>> -> memref<80xi32, #tpu.memory_space<hbm>>
          tpu.wait_dma2 semaphore(%run_scoped3A : memref<!tpu.dma_semaphore, #tpu.memory_space<semaphore_mem>>) src(%dma_wait3A_389 : memref<80xi32, #tpu.memory_space<hbm>>) dst(%arg10 : memref<80xi32, #tpu.memory_space<vmem>>)
          tpu.yield
        }) : () -> ()
        %dma_start3A_383 = arith.constant 0 : i32
        %dma_start3A_384 = arith.constant 0 : i32
        %dma_start3A_385 = tpu.memref_slice %arg2[%dma_start3A_383, %dma_start3A_384] : memref<60000x128xf32, #tpu.memory_space<hbm>> -> memref<60000x128xf32, #tpu.memory_space<hbm>>
        tpu.enqueue_indirect_dma source(%dma_start3A_385 : memref<60000x128xf32, #tpu.memory_space<hbm>>) target(%arg12 : memref<80x128xf32, #tpu.memory_space<vmem>>) offsets(%arg8 : memref<80xi32, #tpu.memory_space<vmem>>) semaphore(%arg14 : memref<!tpu.dma_semaphore, #tpu.memory_space<semaphore_mem>>)
      } else {
      }
    }
    %scan3A_308 = arith.constant 62 : i32
    %dma_wait3A_309 = arith.constant 0 : i32
    %dma_wait3A_310 = arith.constant 0 : i32
    %dma_wait3A_311 = tpu.memref_slice %arg2[%dma_wait3A_309, %dma_wait3A_310] : memref<60000x128xf32, #tpu.memory_space<hbm>> -> memref<60000x128xf32, #tpu.memory_space<hbm>>
    tpu.wait_indirect_dma semaphore(%arg13 : memref<!tpu.dma_semaphore, #tpu.memory_space<semaphore_mem>>) src(%dma_wait3A_311 : memref<60000x128xf32, #tpu.memory_space<hbm>>) dst(%arg11 : memref<80x128xf32, #tpu.memory_space<vmem>>)
    "tpu.region"() ({
      %run_scoped3A = tpu.sem_alloc : memref<!tpu.dma_semaphore, #tpu.memory_space<semaphore_mem>>
      %dma_start3A_319 = arith.constant 0 : i32
      %dma_start3A_320 = arith.constant 0 : i32
      %dma_start3A_321 = tpu.memref_slice %arg5[%dma_start3A_319, %dma_start3A_320] : memref<10240x128xf32, #tpu.memory_space<vmem_shared>> -> memref<10240x128xf32, #tpu.memory_space<vmem_shared>>
      tpu.enqueue_indirect_dma source(%arg11 : memref<80x128xf32, #tpu.memory_space<vmem>>) target(%dma_start3A_321 : memref<10240x128xf32, #tpu.memory_space<vmem_shared>>) offsets(%arg9 : memref<80xi32, #tpu.memory_space<vmem>>) semaphore(%run_scoped3A : memref<!tpu.dma_semaphore, #tpu.memory_space<semaphore_mem>>) {add = true}
      %dma_wait3A_322 = arith.constant 0 : i32
      %dma_wait3A_323 = arith.constant 0 : i32
      %dma_wait3A_324 = tpu.memref_slice %arg5[%dma_wait3A_322, %dma_wait3A_323] : memref<10240x128xf32, #tpu.memory_space<vmem_shared>> -> memref<10240x128xf32, #tpu.memory_space<vmem_shared>>
      tpu.wait_indirect_dma semaphore(%run_scoped3A : memref<!tpu.dma_semaphore, #tpu.memory_space<semaphore_mem>>) src(%arg11 : memref<80x128xf32, #tpu.memory_space<vmem>>) dst(%dma_wait3A_324 : memref<10240x128xf32, #tpu.memory_space<vmem_shared>>)
      tpu.yield
    }) : () -> ()
    %barrier3A_312 = arith.constant 0 : index
    tpu.barrier barrier_id(%barrier3A_312)
    %mul3A_313 = arith.constant 625 : i32
    %mul3A_314 = arith.muli %arg1, %mul3A_313 : i32
    %mul3A_315 = arith.constant 625 : i32
    %mul3A_316 = arith.muli %arg1, %mul3A_315 : i32
    %add3A_317 = arith.addi %add3A_215, %mul3A_316 : i32
    "tpu.region"() ({
      %run_scoped3A = tpu.sem_alloc : memref<!tpu.dma_semaphore, #tpu.memory_space<semaphore_mem>>
      %dma_start3A_319 = arith.constant 0 : i32
      %dma_start3A_320 = tpu.memref_slice %arg4[%add3A_317, %dma_start3A_319] : memref<60000x128xf32, #tpu.memory_space<hbm>> -> memref<625x128xf32, #tpu.memory_space<hbm>>
      %dma_start3A_321 = arith.constant 0 : i32
      %dma_start3A_322 = tpu.memref_slice %arg5[%mul3A_314, %dma_start3A_321] : memref<10240x128xf32, #tpu.memory_space<vmem_shared>> -> memref<625x128xf32, #tpu.memory_space<vmem_shared>>
      tpu.enqueue_dma source(%dma_start3A_322 : memref<625x128xf32, #tpu.memory_space<vmem_shared>>) target(%dma_start3A_320 : memref<625x128xf32, #tpu.memory_space<hbm>>) target_semaphore(%run_scoped3A : memref<!tpu.dma_semaphore, #tpu.memory_space<semaphore_mem>>)
      %dma_wait3A_323 = arith.constant 0 : i32
      %dma_wait3A_324 = tpu.memref_slice %arg4[%add3A_317, %dma_wait3A_323] : memref<60000x128xf32, #tpu.memory_space<hbm>> -> memref<625x128xf32, #tpu.memory_space<hbm>>
      %dma_wait3A_325 = arith.constant 0 : i32
      %dma_wait3A_326 = tpu.memref_slice %arg5[%mul3A_314, %dma_wait3A_325] : memref<10240x128xf32, #tpu.memory_space<vmem_shared>> -> memref<625x128xf32, #tpu.memory_space<vmem_shared>>
      tpu.wait_dma2 semaphore(%run_scoped3A : memref<!tpu.dma_semaphore, #tpu.memory_space<semaphore_mem>>) src(%dma_wait3A_326 : memref<625x128xf32, #tpu.memory_space<vmem_shared>>) dst(%dma_wait3A_324 : memref<625x128xf32, #tpu.memory_space<hbm>>)
      tpu.yield
    }) : () -> ()
    %barrier3A_318 = arith.constant 0 : index
    tpu.barrier barrier_id(%barrier3A_318)
    return
  }
}

#map = affine_map<(d0, d1) -> (0, 0)>
#map1 = affine_map<(d0, d1) -> (0)>
module attributes {stable_mosaic.version = 14 : i64} {
  func.func @_spmm_kernel(%arg0: i32, %arg1: i32, %arg2: memref<60000x128xf32, #tpu.memory_space<hbm>>, %arg3: memref<960000xi32, #tpu.memory_space<hbm>>, %arg4: memref<60000x128xf32, #tpu.memory_space<hbm>>, %arg5: memref<10240x128xf32, #tpu.memory_space<vmem_shared>>, %arg6: memref<64x128xf32, #tpu.memory_space<vmem>>, %arg7: memref<80xi32, #tpu.memory_space<vmem>>, %arg8: memref<80xi32, #tpu.memory_space<vmem>>, %arg9: memref<80xi32, #tpu.memory_space<vmem>>, %arg10: memref<80xi32, #tpu.memory_space<vmem>>, %arg11: memref<80x128xf32, #tpu.memory_space<vmem>>, %arg12: memref<80x128xf32, #tpu.memory_space<vmem>>, %arg13: memref<!tpu.dma_semaphore, #tpu.memory_space<semaphore_mem>>, %arg14: memref<!tpu.dma_semaphore, #tpu.memory_space<semaphore_mem>>) attributes {dimension_semantics = [#tpu.dimension_semantics<core_parallel>, #tpu.dimension_semantics<subcore_parallel>], iteration_bounds = array<i64: 2, 16>, scalar_prefetch = 0 : i64, scratch_operands = 10 : i64, tpu.core_type = #tpu.core_type<sc_vector_subcore>, window_params = [{transform_indices = #map}, {transform_indices = #map1}, {transform_indices = #map}]} {
    %broadcast_in_dim3A = arith.constant 0.000000e+00 : f32
    %broadcast_in_dim3A_0 = vector.broadcast %broadcast_in_dim3A : f32 to vector<16xf32>
    %scan3A = arith.constant 0 : i32
    %scan3A_1 = arith.constant 8 : i32
    %scan3A_2 = arith.addi %scan3A, %scan3A_1 : i32
    %scan3A_3 = arith.constant 1 : i32
    scf.for %scan3A_319 = %scan3A to %scan3A_2 step %scan3A_3  : i32 {
      %mul3A_320 = arith.constant 16 : i32
      %mul3A_321 = arith.muli %scan3A_319, %mul3A_320 : i32
      %swap3A_322 = arith.constant 0 : i32
      %swap3A_323 = arith.index_cast %swap3A_322 : i32 to index
      %swap3A_324 = arith.index_cast %mul3A_321 : i32 to index
      %swap3A_325 = tpu.vector_load %arg6[%swap3A_323, %swap3A_324] {strides = array<i32>} : memref<64x128xf32, #tpu.memory_space<vmem>>, vector<16xf32>,
      tpu.vector_store %arg6[%swap3A_323, %swap3A_324], %broadcast_in_dim3A_0 {strides = array<i32>} : memref<64x128xf32, #tpu.memory_space<vmem>>, vector<16xf32>,
      %mul3A_326 = arith.constant 16 : i32
      %mul3A_327 = arith.muli %scan3A_319, %mul3A_326 : i32
      %swap3A_328 = arith.constant 1 : i32
      %swap3A_329 = arith.index_cast %swap3A_328 : i32 to index
      %swap3A_330 = arith.index_cast %mul3A_327 : i32 to index
      %swap3A_331 = tpu.vector_load %arg6[%swap3A_329, %swap3A_330] {strides = array<i32>} : memref<64x128xf32, #tpu.memory_space<vmem>>, vector<16xf32>,
      tpu.vector_store %arg6[%swap3A_329, %swap3A_330], %broadcast_in_dim3A_0 {strides = array<i32>} : memref<64x128xf32, #tpu.memory_space<vmem>>, vector<16xf32>,
      %mul3A_332 = arith.constant 16 : i32
      %mul3A_333 = arith.muli %scan3A_319, %mul3A_332 : i32
      %swap3A_334 = arith.constant 2 : i32
      %swap3A_335 = arith.index_cast %swap3A_334 : i32 to index
      %swap3A_336 = arith.index_cast %mul3A_333 : i32 to index
      %swap3A_337 = tpu.vector_load %arg6[%swap3A_335, %swap3A_336] {strides = array<i32>} : memref<64x128xf32, #tpu.memory_space<vmem>>, vector<16xf32>,
      tpu.vector_store %arg6[%swap3A_335, %swap3A_336], %broadcast_in_dim3A_0 {strides = array<i32>} : memref<64x128xf32, #tpu.memory_space<vmem>>, vector<16xf32>,
      %mul3A_338 = arith.constant 16 : i32
      %mul3A_339 = arith.muli %scan3A_319, %mul3A_338 : i32
      %swap3A_340 = arith.constant 3 : i32
      %swap3A_341 = arith.index_cast %swap3A_340 : i32 to index
      %swap3A_342 = arith.index_cast %mul3A_339 : i32 to index
      %swap3A_343 = tpu.vector_load %arg6[%swap3A_341, %swap3A_342] {strides = array<i32>} : memref<64x128xf32, #tpu.memory_space<vmem>>, vector<16xf32>,
      tpu.vector_store %arg6[%swap3A_341, %swap3A_342], %broadcast_in_dim3A_0 {strides = array<i32>} : memref<64x128xf32, #tpu.memory_space<vmem>>, vector<16xf32>,
      %mul3A_344 = arith.constant 16 : i32
      %mul3A_345 = arith.muli %scan3A_319, %mul3A_344 : i32
      %swap3A_346 = arith.constant 4 : i32
      %swap3A_347 = arith.index_cast %swap3A_346 : i32 to index
      %swap3A_348 = arith.index_cast %mul3A_345 : i32 to index
      %swap3A_349 = tpu.vector_load %arg6[%swap3A_347, %swap3A_348] {strides = array<i32>} : memref<64x128xf32, #tpu.memory_space<vmem>>, vector<16xf32>,
      tpu.vector_store %arg6[%swap3A_347, %swap3A_348], %broadcast_in_dim3A_0 {strides = array<i32>} : memref<64x128xf32, #tpu.memory_space<vmem>>, vector<16xf32>,
      %mul3A_350 = arith.constant 16 : i32
      %mul3A_351 = arith.muli %scan3A_319, %mul3A_350 : i32
      %swap3A_352 = arith.constant 5 : i32
      %swap3A_353 = arith.index_cast %swap3A_352 : i32 to index
      %swap3A_354 = arith.index_cast %mul3A_351 : i32 to index
      %swap3A_355 = tpu.vector_load %arg6[%swap3A_353, %swap3A_354] {strides = array<i32>} : memref<64x128xf32, #tpu.memory_space<vmem>>, vector<16xf32>,
      tpu.vector_store %arg6[%swap3A_353, %swap3A_354], %broadcast_in_dim3A_0 {strides = array<i32>} : memref<64x128xf32, #tpu.memory_space<vmem>>, vector<16xf32>,
      %mul3A_356 = arith.constant 16 : i32
      %mul3A_357 = arith.muli %scan3A_319, %mul3A_356 : i32
      %swap3A_358 = arith.constant 6 : i32
      %swap3A_359 = arith.index_cast %swap3A_358 : i32 to index
      %swap3A_360 = arith.index_cast %mul3A_357 : i32 to index
      %swap3A_361 = tpu.vector_load %arg6[%swap3A_359, %swap3A_360] {strides = array<i32>} : memref<64x128xf32, #tpu.memory_space<vmem>>, vector<16xf32>,
      tpu.vector_store %arg6[%swap3A_359, %swap3A_360], %broadcast_in_dim3A_0 {strides = array<i32>} : memref<64x128xf32, #tpu.memory_space<vmem>>, vector<16xf32>,
      %mul3A_362 = arith.constant 16 : i32
      %mul3A_363 = arith.muli %scan3A_319, %mul3A_362 : i32
      %swap3A_364 = arith.constant 7 : i32
      %swap3A_365 = arith.index_cast %swap3A_364 : i32 to index
      %swap3A_366 = arith.index_cast %mul3A_363 : i32 to index
      %swap3A_367 = tpu.vector_load %arg6[%swap3A_365, %swap3A_366] {strides = array<i32>} : memref<64x128xf32, #tpu.memory_space<vmem>>, vector<16xf32>,
      tpu.vector_store %arg6[%swap3A_365, %swap3A_366], %broadcast_in_dim3A_0 {strides = array<i32>} : memref<64x128xf32, #tpu.memory_space<vmem>>, vector<16xf32>,
      %mul3A_368 = arith.constant 16 : i32
      %mul3A_369 = arith.muli %scan3A_319, %mul3A_368 : i32
      %swap3A_370 = arith.constant 8 : i32
      %swap3A_371 = arith.index_cast %swap3A_370 : i32 to index
      %swap3A_372 = arith.index_cast %mul3A_369 : i32 to index
      %swap3A_373 = tpu.vector_load %arg6[%swap3A_371, %swap3A_372] {strides = array<i32>} : memref<64x128xf32, #tpu.memory_space<vmem>>, vector<16xf32>,
      tpu.vector_store %arg6[%swap3A_371, %swap3A_372], %broadcast_in_dim3A_0 {strides = array<i32>} : memref<64x128xf32, #tpu.memory_space<vmem>>, vector<16xf32>,
      %mul3A_374 = arith.constant 16 : i32
      %mul3A_375 = arith.muli %scan3A_319, %mul3A_374 : i32
      %swap3A_376 = arith.constant 9 : i32
      %swap3A_377 = arith.index_cast %swap3A_376 : i32 to index
      %swap3A_378 = arith.index_cast %mul3A_375 : i32 to index
      %swap3A_379 = tpu.vector_load %arg6[%swap3A_377, %swap3A_378] {strides = array<i32>} : memref<64x128xf32, #tpu.memory_space<vmem>>, vector<16xf32>,
      tpu.vector_store %arg6[%swap3A_377, %swap3A_378], %broadcast_in_dim3A_0 {strides = array<i32>} : memref<64x128xf32, #tpu.memory_space<vmem>>, vector<16xf32>,
      %mul3A_380 = arith.constant 16 : i32
      %mul3A_381 = arith.muli %scan3A_319, %mul3A_380 : i32
      %swap3A_382 = arith.constant 10 : i32
      %swap3A_383 = arith.index_cast %swap3A_382 : i32 to index
      %swap3A_384 = arith.index_cast %mul3A_381 : i32 to index
      %swap3A_385 = tpu.vector_load %arg6[%swap3A_383, %swap3A_384] {strides = array<i32>} : memref<64x128xf32, #tpu.memory_space<vmem>>, vector<16xf32>,
      tpu.vector_store %arg6[%swap3A_383, %swap3A_384], %broadcast_in_dim3A_0 {strides = array<i32>} : memref<64x128xf32, #tpu.memory_space<vmem>>, vector<16xf32>,
      %mul3A_386 = arith.constant 16 : i32
      %mul3A_387 = arith.muli %scan3A_319, %mul3A_386 : i32
      %swap3A_388 = arith.constant 11 : i32
      %swap3A_389 = arith.index_cast %swap3A_388 : i32 to index
      %swap3A_390 = arith.index_cast %mul3A_387 : i32 to index
      %swap3A_391 = tpu.vector_load %arg6[%swap3A_389, %swap3A_390] {strides = array<i32>} : memref<64x128xf32, #tpu.memory_space<vmem>>, vector<16xf32>,
      tpu.vector_store %arg6[%swap3A_389, %swap3A_390], %broadcast_in_dim3A_0 {strides = array<i32>} : memref<64x128xf32, #tpu.memory_space<vmem>>, vector<16xf32>,
      %mul3A_392 = arith.constant 16 : i32
      %mul3A_393 = arith.muli %scan3A_319, %mul3A_392 : i32
      %swap3A_394 = arith.constant 12 : i32
      %swap3A_395 = arith.index_cast %swap3A_394 : i32 to index
      %swap3A_396 = arith.index_cast %mul3A_393 : i32 to index
      %swap3A_397 = tpu.vector_load %arg6[%swap3A_395, %swap3A_396] {strides = array<i32>} : memref<64x128xf32, #tpu.memory_space<vmem>>, vector<16xf32>,
      tpu.vector_store %arg6[%swap3A_395, %swap3A_396], %broadcast_in_dim3A_0 {strides = array<i32>} : memref<64x128xf32, #tpu.memory_space<vmem>>, vector<16xf32>,
      %mul3A_398 = arith.constant 16 : i32
      %mul3A_399 = arith.muli %scan3A_319, %mul3A_398 : i32
      %swap3A_400 = arith.constant 13 : i32
      %swap3A_401 = arith.index_cast %swap3A_400 : i32 to index
      %swap3A_402 = arith.index_cast %mul3A_399 : i32 to index
      %swap3A_403 = tpu.vector_load %arg6[%swap3A_401, %swap3A_402] {strides = array<i32>} : memref<64x128xf32, #tpu.memory_space<vmem>>, vector<16xf32>,
      tpu.vector_store %arg6[%swap3A_401, %swap3A_402], %broadcast_in_dim3A_0 {strides = array<i32>} : memref<64x128xf32, #tpu.memory_space<vmem>>, vector<16xf32>,
      %mul3A_404 = arith.constant 16 : i32
      %mul3A_405 = arith.muli %scan3A_319, %mul3A_404 : i32
      %swap3A_406 = arith.constant 14 : i32
      %swap3A_407 = arith.index_cast %swap3A_406 : i32 to index
      %swap3A_408 = arith.index_cast %mul3A_405 : i32 to index
      %swap3A_409 = tpu.vector_load %arg6[%swap3A_407, %swap3A_408] {strides = array<i32>} : memref<64x128xf32, #tpu.memory_space<vmem>>, vector<16xf32>,
      tpu.vector_store %arg6[%swap3A_407, %swap3A_408], %broadcast_in_dim3A_0 {strides = array<i32>} : memref<64x128xf32, #tpu.memory_space<vmem>>, vector<16xf32>,
      %mul3A_410 = arith.constant 16 : i32
      %mul3A_411 = arith.muli %scan3A_319, %mul3A_410 : i32
      %swap3A_412 = arith.constant 15 : i32
      %swap3A_413 = arith.index_cast %swap3A_412 : i32 to index
      %swap3A_414 = arith.index_cast %mul3A_411 : i32 to index
      %swap3A_415 = tpu.vector_load %arg6[%swap3A_413, %swap3A_414] {strides = array<i32>} : memref<64x128xf32, #tpu.memory_space<vmem>>, vector<16xf32>,
      tpu.vector_store %arg6[%swap3A_413, %swap3A_414], %broadcast_in_dim3A_0 {strides = array<i32>} : memref<64x128xf32, #tpu.memory_space<vmem>>, vector<16xf32>,
      %mul3A_416 = arith.constant 16 : i32
      %mul3A_417 = arith.muli %scan3A_319, %mul3A_416 : i32
      %swap3A_418 = arith.constant 16 : i32
      %swap3A_419 = arith.index_cast %swap3A_418 : i32 to index
      %swap3A_420 = arith.index_cast %mul3A_417 : i32 to index
      %swap3A_421 = tpu.vector_load %arg6[%swap3A_419, %swap3A_420] {strides = array<i32>} : memref<64x128xf32, #tpu.memory_space<vmem>>, vector<16xf32>,
      tpu.vector_store %arg6[%swap3A_419, %swap3A_420], %broadcast_in_dim3A_0 {strides = array<i32>} : memref<64x128xf32, #tpu.memory_space<vmem>>, vector<16xf32>,
      %mul3A_422 = arith.constant 16 : i32
      %mul3A_423 = arith.muli %scan3A_319, %mul3A_422 : i32
      %swap3A_424 = arith.constant 17 : i32
      %swap3A_425 = arith.index_cast %swap3A_424 : i32 to index
      %swap3A_426 = arith.index_cast %mul3A_423 : i32 to index
      %swap3A_427 = tpu.vector_load %arg6[%swap3A_425, %swap3A_426] {strides = array<i32>} : memref<64x128xf32, #tpu.memory_space<vmem>>, vector<16xf32>,
      tpu.vector_store %arg6[%swap3A_425, %swap3A_426], %broadcast_in_dim3A_0 {strides = array<i32>} : memref<64x128xf32, #tpu.memory_space<vmem>>, vector<16xf32>,
      %mul3A_428 = arith.constant 16 : i32
      %mul3A_429 = arith.muli %scan3A_319, %mul3A_428 : i32
      %swap3A_430 = arith.constant 18 : i32
      %swap3A_431 = arith.index_cast %swap3A_430 : i32 to index
      %swap3A_432 = arith.index_cast %mul3A_429 : i32 to index
      %swap3A_433 = tpu.vector_load %arg6[%swap3A_431, %swap3A_432] {strides = array<i32>} : memref<64x128xf32, #tpu.memory_space<vmem>>, vector<16xf32>,
      tpu.vector_store %arg6[%swap3A_431, %swap3A_432], %broadcast_in_dim3A_0 {strides = array<i32>} : memref<64x128xf32, #tpu.memory_space<vmem>>, vector<16xf32>,
      %mul3A_434 = arith.constant 16 : i32
      %mul3A_435 = arith.muli %scan3A_319, %mul3A_434 : i32
      %swap3A_436 = arith.constant 19 : i32
      %swap3A_437 = arith.index_cast %swap3A_436 : i32 to index
      %swap3A_438 = arith.index_cast %mul3A_435 : i32 to index
      %swap3A_439 = tpu.vector_load %arg6[%swap3A_437, %swap3A_438] {strides = array<i32>} : memref<64x128xf32, #tpu.memory_space<vmem>>, vector<16xf32>,
      tpu.vector_store %arg6[%swap3A_437, %swap3A_438], %broadcast_in_dim3A_0 {strides = array<i32>} : memref<64x128xf32, #tpu.memory_space<vmem>>, vector<16xf32>,
      %mul3A_440 = arith.constant 16 : i32
      %mul3A_441 = arith.muli %scan3A_319, %mul3A_440 : i32
      %swap3A_442 = arith.constant 20 : i32
      %swap3A_443 = arith.index_cast %swap3A_442 : i32 to index
      %swap3A_444 = arith.index_cast %mul3A_441 : i32 to index
      %swap3A_445 = tpu.vector_load %arg6[%swap3A_443, %swap3A_444] {strides = array<i32>} : memref<64x128xf32, #tpu.memory_space<vmem>>, vector<16xf32>,
      tpu.vector_store %arg6[%swap3A_443, %swap3A_444], %broadcast_in_dim3A_0 {strides = array<i32>} : memref<64x128xf32, #tpu.memory_space<vmem>>, vector<16xf32>,
      %mul3A_446 = arith.constant 16 : i32
      %mul3A_447 = arith.muli %scan3A_319, %mul3A_446 : i32
      %swap3A_448 = arith.constant 21 : i32
      %swap3A_449 = arith.index_cast %swap3A_448 : i32 to index
      %swap3A_450 = arith.index_cast %mul3A_447 : i32 to index
      %swap3A_451 = tpu.vector_load %arg6[%swap3A_449, %swap3A_450] {strides = array<i32>} : memref<64x128xf32, #tpu.memory_space<vmem>>, vector<16xf32>,
      tpu.vector_store %arg6[%swap3A_449, %swap3A_450], %broadcast_in_dim3A_0 {strides = array<i32>} : memref<64x128xf32, #tpu.memory_space<vmem>>, vector<16xf32>,
      %mul3A_452 = arith.constant 16 : i32
      %mul3A_453 = arith.muli %scan3A_319, %mul3A_452 : i32
      %swap3A_454 = arith.constant 22 : i32
      %swap3A_455 = arith.index_cast %swap3A_454 : i32 to index
      %swap3A_456 = arith.index_cast %mul3A_453 : i32 to index
      %swap3A_457 = tpu.vector_load %arg6[%swap3A_455, %swap3A_456] {strides = array<i32>} : memref<64x128xf32, #tpu.memory_space<vmem>>, vector<16xf32>,
      tpu.vector_store %arg6[%swap3A_455, %swap3A_456], %broadcast_in_dim3A_0 {strides = array<i32>} : memref<64x128xf32, #tpu.memory_space<vmem>>, vector<16xf32>,
      %mul3A_458 = arith.constant 16 : i32
      %mul3A_459 = arith.muli %scan3A_319, %mul3A_458 : i32
      %swap3A_460 = arith.constant 23 : i32
      %swap3A_461 = arith.index_cast %swap3A_460 : i32 to index
      %swap3A_462 = arith.index_cast %mul3A_459 : i32 to index
      %swap3A_463 = tpu.vector_load %arg6[%swap3A_461, %swap3A_462] {strides = array<i32>} : memref<64x128xf32, #tpu.memory_space<vmem>>, vector<16xf32>,
      tpu.vector_store %arg6[%swap3A_461, %swap3A_462], %broadcast_in_dim3A_0 {strides = array<i32>} : memref<64x128xf32, #tpu.memory_space<vmem>>, vector<16xf32>,
      %mul3A_464 = arith.constant 16 : i32
      %mul3A_465 = arith.muli %scan3A_319, %mul3A_464 : i32
      %swap3A_466 = arith.constant 24 : i32
      %swap3A_467 = arith.index_cast %swap3A_466 : i32 to index
      %swap3A_468 = arith.index_cast %mul3A_465 : i32 to index
      %swap3A_469 = tpu.vector_load %arg6[%swap3A_467, %swap3A_468] {strides = array<i32>} : memref<64x128xf32, #tpu.memory_space<vmem>>, vector<16xf32>,
      tpu.vector_store %arg6[%swap3A_467, %swap3A_468], %broadcast_in_dim3A_0 {strides = array<i32>} : memref<64x128xf32, #tpu.memory_space<vmem>>, vector<16xf32>,
      %mul3A_470 = arith.constant 16 : i32
      %mul3A_471 = arith.muli %scan3A_319, %mul3A_470 : i32
      %swap3A_472 = arith.constant 25 : i32
      %swap3A_473 = arith.index_cast %swap3A_472 : i32 to index
      %swap3A_474 = arith.index_cast %mul3A_471 : i32 to index
      %swap3A_475 = tpu.vector_load %arg6[%swap3A_473, %swap3A_474] {strides = array<i32>} : memref<64x128xf32, #tpu.memory_space<vmem>>, vector<16xf32>,
      tpu.vector_store %arg6[%swap3A_473, %swap3A_474], %broadcast_in_dim3A_0 {strides = array<i32>} : memref<64x128xf32, #tpu.memory_space<vmem>>, vector<16xf32>,
      %mul3A_476 = arith.constant 16 : i32
      %mul3A_477 = arith.muli %scan3A_319, %mul3A_476 : i32
      %swap3A_478 = arith.constant 26 : i32
      %swap3A_479 = arith.index_cast %swap3A_478 : i32 to index
      %swap3A_480 = arith.index_cast %mul3A_477 : i32 to index
      %swap3A_481 = tpu.vector_load %arg6[%swap3A_479, %swap3A_480] {strides = array<i32>} : memref<64x128xf32, #tpu.memory_space<vmem>>, vector<16xf32>,
      tpu.vector_store %arg6[%swap3A_479, %swap3A_480], %broadcast_in_dim3A_0 {strides = array<i32>} : memref<64x128xf32, #tpu.memory_space<vmem>>, vector<16xf32>,
      %mul3A_482 = arith.constant 16 : i32
      %mul3A_483 = arith.muli %scan3A_319, %mul3A_482 : i32
      %swap3A_484 = arith.constant 27 : i32
      %swap3A_485 = arith.index_cast %swap3A_484 : i32 to index
      %swap3A_486 = arith.index_cast %mul3A_483 : i32 to index
      %swap3A_487 = tpu.vector_load %arg6[%swap3A_485, %swap3A_486] {strides = array<i32>} : memref<64x128xf32, #tpu.memory_space<vmem>>, vector<16xf32>,
      tpu.vector_store %arg6[%swap3A_485, %swap3A_486], %broadcast_in_dim3A_0 {strides = array<i32>} : memref<64x128xf32, #tpu.memory_space<vmem>>, vector<16xf32>,
      %mul3A_488 = arith.constant 16 : i32
      %mul3A_489 = arith.muli %scan3A_319, %mul3A_488 : i32
      %swap3A_490 = arith.constant 28 : i32
      %swap3A_491 = arith.index_cast %swap3A_490 : i32 to index
      %swap3A_492 = arith.index_cast %mul3A_489 : i32 to index
      %swap3A_493 = tpu.vector_load %arg6[%swap3A_491, %swap3A_492] {strides = array<i32>} : memref<64x128xf32, #tpu.memory_space<vmem>>, vector<16xf32>,
      tpu.vector_store %arg6[%swap3A_491, %swap3A_492], %broadcast_in_dim3A_0 {strides = array<i32>} : memref<64x128xf32, #tpu.memory_space<vmem>>, vector<16xf32>,
      %mul3A_494 = arith.constant 16 : i32
      %mul3A_495 = arith.muli %scan3A_319, %mul3A_494 : i32
      %swap3A_496 = arith.constant 29 : i32
      %swap3A_497 = arith.index_cast %swap3A_496 : i32 to index
      %swap3A_498 = arith.index_cast %mul3A_495 : i32 to index
      %swap3A_499 = tpu.vector_load %arg6[%swap3A_497, %swap3A_498] {strides = array<i32>} : memref<64x128xf32, #tpu.memory_space<vmem>>, vector<16xf32>,
      tpu.vector_store %arg6[%swap3A_497, %swap3A_498], %broadcast_in_dim3A_0 {strides = array<i32>} : memref<64x128xf32, #tpu.memory_space<vmem>>, vector<16xf32>,
      %mul3A_500 = arith.constant 16 : i32
      %mul3A_501 = arith.muli %scan3A_319, %mul3A_500 : i32
      %swap3A_502 = arith.constant 30 : i32
      %swap3A_503 = arith.index_cast %swap3A_502 : i32 to index
      %swap3A_504 = arith.index_cast %mul3A_501 : i32 to index
      %swap3A_505 = tpu.vector_load %arg6[%swap3A_503, %swap3A_504] {strides = array<i32>} : memref<64x128xf32, #tpu.memory_space<vmem>>, vector<16xf32>,
      tpu.vector_store %arg6[%swap3A_503, %swap3A_504], %broadcast_in_dim3A_0 {strides = array<i32>} : memref<64x128xf32, #tpu.memory_space<vmem>>, vector<16xf32>,
      %mul3A_506 = arith.constant 16 : i32
      %mul3A_507 = arith.muli %scan3A_319, %mul3A_506 : i32
      %swap3A_508 = arith.constant 31 : i32
      %swap3A_509 = arith.index_cast %swap3A_508 : i32 to index
      %swap3A_510 = arith.index_cast %mul3A_507 : i32 to index
      %swap3A_511 = tpu.vector_load %arg6[%swap3A_509, %swap3A_510] {strides = array<i32>} : memref<64x128xf32, #tpu.memory_space<vmem>>, vector<16xf32>,
      tpu.vector_store %arg6[%swap3A_509, %swap3A_510], %broadcast_in_dim3A_0 {strides = array<i32>} : memref<64x128xf32, #tpu.memory_space<vmem>>, vector<16xf32>,
      %mul3A_512 = arith.constant 16 : i32
      %mul3A_513 = arith.muli %scan3A_319, %mul3A_512 : i32
      %swap3A_514 = arith.constant 32 : i32
      %swap3A_515 = arith.index_cast %swap3A_514 : i32 to index
      %swap3A_516 = arith.index_cast %mul3A_513 : i32 to index
      %swap3A_517 = tpu.vector_load %arg6[%swap3A_515, %swap3A_516] {strides = array<i32>} : memref<64x128xf32, #tpu.memory_space<vmem>>, vector<16xf32>,
      tpu.vector_store %arg6[%swap3A_515, %swap3A_516], %broadcast_in_dim3A_0 {strides = array<i32>} : memref<64x128xf32, #tpu.memory_space<vmem>>, vector<16xf32>,
      %mul3A_518 = arith.constant 16 : i32
      %mul3A_519 = arith.muli %scan3A_319, %mul3A_518 : i32
      %swap3A_520 = arith.constant 33 : i32
      %swap3A_521 = arith.index_cast %swap3A_520 : i32 to index
      %swap3A_522 = arith.index_cast %mul3A_519 : i32 to index
      %swap3A_523 = tpu.vector_load %arg6[%swap3A_521, %swap3A_522] {strides = array<i32>} : memref<64x128xf32, #tpu.memory_space<vmem>>, vector<16xf32>,
      tpu.vector_store %arg6[%swap3A_521, %swap3A_522], %broadcast_in_dim3A_0 {strides = array<i32>} : memref<64x128xf32, #tpu.memory_space<vmem>>, vector<16xf32>,
      %mul3A_524 = arith.constant 16 : i32
      %mul3A_525 = arith.muli %scan3A_319, %mul3A_524 : i32
      %swap3A_526 = arith.constant 34 : i32
      %swap3A_527 = arith.index_cast %swap3A_526 : i32 to index
      %swap3A_528 = arith.index_cast %mul3A_525 : i32 to index
      %swap3A_529 = tpu.vector_load %arg6[%swap3A_527, %swap3A_528] {strides = array<i32>} : memref<64x128xf32, #tpu.memory_space<vmem>>, vector<16xf32>,
      tpu.vector_store %arg6[%swap3A_527, %swap3A_528], %broadcast_in_dim3A_0 {strides = array<i32>} : memref<64x128xf32, #tpu.memory_space<vmem>>, vector<16xf32>,
      %mul3A_530 = arith.constant 16 : i32
      %mul3A_531 = arith.muli %scan3A_319, %mul3A_530 : i32
      %swap3A_532 = arith.constant 35 : i32
      %swap3A_533 = arith.index_cast %swap3A_532 : i32 to index
      %swap3A_534 = arith.index_cast %mul3A_531 : i32 to index
      %swap3A_535 = tpu.vector_load %arg6[%swap3A_533, %swap3A_534] {strides = array<i32>} : memref<64x128xf32, #tpu.memory_space<vmem>>, vector<16xf32>,
      tpu.vector_store %arg6[%swap3A_533, %swap3A_534], %broadcast_in_dim3A_0 {strides = array<i32>} : memref<64x128xf32, #tpu.memory_space<vmem>>, vector<16xf32>,
      %mul3A_536 = arith.constant 16 : i32
      %mul3A_537 = arith.muli %scan3A_319, %mul3A_536 : i32
      %swap3A_538 = arith.constant 36 : i32
      %swap3A_539 = arith.index_cast %swap3A_538 : i32 to index
      %swap3A_540 = arith.index_cast %mul3A_537 : i32 to index
      %swap3A_541 = tpu.vector_load %arg6[%swap3A_539, %swap3A_540] {strides = array<i32>} : memref<64x128xf32, #tpu.memory_space<vmem>>, vector<16xf32>,
      tpu.vector_store %arg6[%swap3A_539, %swap3A_540], %broadcast_in_dim3A_0 {strides = array<i32>} : memref<64x128xf32, #tpu.memory_space<vmem>>, vector<16xf32>,
      %mul3A_542 = arith.constant 16 : i32
      %mul3A_543 = arith.muli %scan3A_319, %mul3A_542 : i32
      %swap3A_544 = arith.constant 37 : i32
      %swap3A_545 = arith.index_cast %swap3A_544 : i32 to index
      %swap3A_546 = arith.index_cast %mul3A_543 : i32 to index
      %swap3A_547 = tpu.vector_load %arg6[%swap3A_545, %swap3A_546] {strides = array<i32>} : memref<64x128xf32, #tpu.memory_space<vmem>>, vector<16xf32>,
      tpu.vector_store %arg6[%swap3A_545, %swap3A_546], %broadcast_in_dim3A_0 {strides = array<i32>} : memref<64x128xf32, #tpu.memory_space<vmem>>, vector<16xf32>,
      %mul3A_548 = arith.constant 16 : i32
      %mul3A_549 = arith.muli %scan3A_319, %mul3A_548 : i32
      %swap3A_550 = arith.constant 38 : i32
      %swap3A_551 = arith.index_cast %swap3A_550 : i32 to index
      %swap3A_552 = arith.index_cast %mul3A_549 : i32 to index
      %swap3A_553 = tpu.vector_load %arg6[%swap3A_551, %swap3A_552] {strides = array<i32>} : memref<64x128xf32, #tpu.memory_space<vmem>>, vector<16xf32>,
      tpu.vector_store %arg6[%swap3A_551, %swap3A_552], %broadcast_in_dim3A_0 {strides = array<i32>} : memref<64x128xf32, #tpu.memory_space<vmem>>, vector<16xf32>,
      %mul3A_554 = arith.constant 16 : i32
      %mul3A_555 = arith.muli %scan3A_319, %mul3A_554 : i32
      %swap3A_556 = arith.constant 39 : i32
      %swap3A_557 = arith.index_cast %swap3A_556 : i32 to index
      %swap3A_558 = arith.index_cast %mul3A_555 : i32 to index
      %swap3A_559 = tpu.vector_load %arg6[%swap3A_557, %swap3A_558] {strides = array<i32>} : memref<64x128xf32, #tpu.memory_space<vmem>>, vector<16xf32>,
      tpu.vector_store %arg6[%swap3A_557, %swap3A_558], %broadcast_in_dim3A_0 {strides = array<i32>} : memref<64x128xf32, #tpu.memory_space<vmem>>, vector<16xf32>,
      %mul3A_560 = arith.constant 16 : i32
      %mul3A_561 = arith.muli %scan3A_319, %mul3A_560 : i32
      %swap3A_562 = arith.constant 40 : i32
      %swap3A_563 = arith.index_cast %swap3A_562 : i32 to index
      %swap3A_564 = arith.index_cast %mul3A_561 : i32 to index
      %swap3A_565 = tpu.vector_load %arg6[%swap3A_563, %swap3A_564] {strides = array<i32>} : memref<64x128xf32, #tpu.memory_space<vmem>>, vector<16xf32>,
      tpu.vector_store %arg6[%swap3A_563, %swap3A_564], %broadcast_in_dim3A_0 {strides = array<i32>} : memref<64x128xf32, #tpu.memory_space<vmem>>, vector<16xf32>,
      %mul3A_566 = arith.constant 16 : i32
      %mul3A_567 = arith.muli %scan3A_319, %mul3A_566 : i32
      %swap3A_568 = arith.constant 41 : i32
      %swap3A_569 = arith.index_cast %swap3A_568 : i32 to index
      %swap3A_570 = arith.index_cast %mul3A_567 : i32 to index
      %swap3A_571 = tpu.vector_load %arg6[%swap3A_569, %swap3A_570] {strides = array<i32>} : memref<64x128xf32, #tpu.memory_space<vmem>>, vector<16xf32>,
      tpu.vector_store %arg6[%swap3A_569, %swap3A_570], %broadcast_in_dim3A_0 {strides = array<i32>} : memref<64x128xf32, #tpu.memory_space<vmem>>, vector<16xf32>,
      %mul3A_572 = arith.constant 16 : i32
      %mul3A_573 = arith.muli %scan3A_319, %mul3A_572 : i32
      %swap3A_574 = arith.constant 42 : i32
      %swap3A_575 = arith.index_cast %swap3A_574 : i32 to index
      %swap3A_576 = arith.index_cast %mul3A_573 : i32 to index
      %swap3A_577 = tpu.vector_load %arg6[%swap3A_575, %swap3A_576] {strides = array<i32>} : memref<64x128xf32, #tpu.memory_space<vmem>>, vector<16xf32>,
      tpu.vector_store %arg6[%swap3A_575, %swap3A_576], %broadcast_in_dim3A_0 {strides = array<i32>} : memref<64x128xf32, #tpu.memory_space<vmem>>, vector<16xf32>,
      %mul3A_578 = arith.constant 16 : i32
      %mul3A_579 = arith.muli %scan3A_319, %mul3A_578 : i32
      %swap3A_580 = arith.constant 43 : i32
      %swap3A_581 = arith.index_cast %swap3A_580 : i32 to index
      %swap3A_582 = arith.index_cast %mul3A_579 : i32 to index
      %swap3A_583 = tpu.vector_load %arg6[%swap3A_581, %swap3A_582] {strides = array<i32>} : memref<64x128xf32, #tpu.memory_space<vmem>>, vector<16xf32>,
      tpu.vector_store %arg6[%swap3A_581, %swap3A_582], %broadcast_in_dim3A_0 {strides = array<i32>} : memref<64x128xf32, #tpu.memory_space<vmem>>, vector<16xf32>,
      %mul3A_584 = arith.constant 16 : i32
      %mul3A_585 = arith.muli %scan3A_319, %mul3A_584 : i32
      %swap3A_586 = arith.constant 44 : i32
      %swap3A_587 = arith.index_cast %swap3A_586 : i32 to index
      %swap3A_588 = arith.index_cast %mul3A_585 : i32 to index
      %swap3A_589 = tpu.vector_load %arg6[%swap3A_587, %swap3A_588] {strides = array<i32>} : memref<64x128xf32, #tpu.memory_space<vmem>>, vector<16xf32>,
      tpu.vector_store %arg6[%swap3A_587, %swap3A_588], %broadcast_in_dim3A_0 {strides = array<i32>} : memref<64x128xf32, #tpu.memory_space<vmem>>, vector<16xf32>,
      %mul3A_590 = arith.constant 16 : i32
      %mul3A_591 = arith.muli %scan3A_319, %mul3A_590 : i32
      %swap3A_592 = arith.constant 45 : i32
      %swap3A_593 = arith.index_cast %swap3A_592 : i32 to index
      %swap3A_594 = arith.index_cast %mul3A_591 : i32 to index
      %swap3A_595 = tpu.vector_load %arg6[%swap3A_593, %swap3A_594] {strides = array<i32>} : memref<64x128xf32, #tpu.memory_space<vmem>>, vector<16xf32>,
      tpu.vector_store %arg6[%swap3A_593, %swap3A_594], %broadcast_in_dim3A_0 {strides = array<i32>} : memref<64x128xf32, #tpu.memory_space<vmem>>, vector<16xf32>,
      %mul3A_596 = arith.constant 16 : i32
      %mul3A_597 = arith.muli %scan3A_319, %mul3A_596 : i32
      %swap3A_598 = arith.constant 46 : i32
      %swap3A_599 = arith.index_cast %swap3A_598 : i32 to index
      %swap3A_600 = arith.index_cast %mul3A_597 : i32 to index
      %swap3A_601 = tpu.vector_load %arg6[%swap3A_599, %swap3A_600] {strides = array<i32>} : memref<64x128xf32, #tpu.memory_space<vmem>>, vector<16xf32>,
      tpu.vector_store %arg6[%swap3A_599, %swap3A_600], %broadcast_in_dim3A_0 {strides = array<i32>} : memref<64x128xf32, #tpu.memory_space<vmem>>, vector<16xf32>,
      %mul3A_602 = arith.constant 16 : i32
      %mul3A_603 = arith.muli %scan3A_319, %mul3A_602 : i32
      %swap3A_604 = arith.constant 47 : i32
      %swap3A_605 = arith.index_cast %swap3A_604 : i32 to index
      %swap3A_606 = arith.index_cast %mul3A_603 : i32 to index
      %swap3A_607 = tpu.vector_load %arg6[%swap3A_605, %swap3A_606] {strides = array<i32>} : memref<64x128xf32, #tpu.memory_space<vmem>>, vector<16xf32>,
      tpu.vector_store %arg6[%swap3A_605, %swap3A_606], %broadcast_in_dim3A_0 {strides = array<i32>} : memref<64x128xf32, #tpu.memory_space<vmem>>, vector<16xf32>,
      %mul3A_608 = arith.constant 16 : i32
      %mul3A_609 = arith.muli %scan3A_319, %mul3A_608 : i32
      %swap3A_610 = arith.constant 48 : i32
      %swap3A_611 = arith.index_cast %swap3A_610 : i32 to index
      %swap3A_612 = arith.index_cast %mul3A_609 : i32 to index
      %swap3A_613 = tpu.vector_load %arg6[%swap3A_611, %swap3A_612] {strides = array<i32>} : memref<64x128xf32, #tpu.memory_space<vmem>>, vector<16xf32>,
      tpu.vector_store %arg6[%swap3A_611, %swap3A_612], %broadcast_in_dim3A_0 {strides = array<i32>} : memref<64x128xf32, #tpu.memory_space<vmem>>, vector<16xf32>,
      %mul3A_614 = arith.constant 16 : i32
      %mul3A_615 = arith.muli %scan3A_319, %mul3A_614 : i32
      %swap3A_616 = arith.constant 49 : i32
      %swap3A_617 = arith.index_cast %swap3A_616 : i32 to index
      %swap3A_618 = arith.index_cast %mul3A_615 : i32 to index
      %swap3A_619 = tpu.vector_load %arg6[%swap3A_617, %swap3A_618] {strides = array<i32>} : memref<64x128xf32, #tpu.memory_space<vmem>>, vector<16xf32>,
      tpu.vector_store %arg6[%swap3A_617, %swap3A_618], %broadcast_in_dim3A_0 {strides = array<i32>} : memref<64x128xf32, #tpu.memory_space<vmem>>, vector<16xf32>,
      %mul3A_620 = arith.constant 16 : i32
      %mul3A_621 = arith.muli %scan3A_319, %mul3A_620 : i32
      %swap3A_622 = arith.constant 50 : i32
      %swap3A_623 = arith.index_cast %swap3A_622 : i32 to index
      %swap3A_624 = arith.index_cast %mul3A_621 : i32 to index
      %swap3A_625 = tpu.vector_load %arg6[%swap3A_623, %swap3A_624] {strides = array<i32>} : memref<64x128xf32, #tpu.memory_space<vmem>>, vector<16xf32>,
      tpu.vector_store %arg6[%swap3A_623, %swap3A_624], %broadcast_in_dim3A_0 {strides = array<i32>} : memref<64x128xf32, #tpu.memory_space<vmem>>, vector<16xf32>,
      %mul3A_626 = arith.constant 16 : i32
      %mul3A_627 = arith.muli %scan3A_319, %mul3A_626 : i32
      %swap3A_628 = arith.constant 51 : i32
      %swap3A_629 = arith.index_cast %swap3A_628 : i32 to index
      %swap3A_630 = arith.index_cast %mul3A_627 : i32 to index
      %swap3A_631 = tpu.vector_load %arg6[%swap3A_629, %swap3A_630] {strides = array<i32>} : memref<64x128xf32, #tpu.memory_space<vmem>>, vector<16xf32>,
      tpu.vector_store %arg6[%swap3A_629, %swap3A_630], %broadcast_in_dim3A_0 {strides = array<i32>} : memref<64x128xf32, #tpu.memory_space<vmem>>, vector<16xf32>,
      %mul3A_632 = arith.constant 16 : i32
      %mul3A_633 = arith.muli %scan3A_319, %mul3A_632 : i32
      %swap3A_634 = arith.constant 52 : i32
      %swap3A_635 = arith.index_cast %swap3A_634 : i32 to index
      %swap3A_636 = arith.index_cast %mul3A_633 : i32 to index
      %swap3A_637 = tpu.vector_load %arg6[%swap3A_635, %swap3A_636] {strides = array<i32>} : memref<64x128xf32, #tpu.memory_space<vmem>>, vector<16xf32>,
      tpu.vector_store %arg6[%swap3A_635, %swap3A_636], %broadcast_in_dim3A_0 {strides = array<i32>} : memref<64x128xf32, #tpu.memory_space<vmem>>, vector<16xf32>,
      %mul3A_638 = arith.constant 16 : i32
      %mul3A_639 = arith.muli %scan3A_319, %mul3A_638 : i32
      %swap3A_640 = arith.constant 53 : i32
      %swap3A_641 = arith.index_cast %swap3A_640 : i32 to index
      %swap3A_642 = arith.index_cast %mul3A_639 : i32 to index
      %swap3A_643 = tpu.vector_load %arg6[%swap3A_641, %swap3A_642] {strides = array<i32>} : memref<64x128xf32, #tpu.memory_space<vmem>>, vector<16xf32>,
      tpu.vector_store %arg6[%swap3A_641, %swap3A_642], %broadcast_in_dim3A_0 {strides = array<i32>} : memref<64x128xf32, #tpu.memory_space<vmem>>, vector<16xf32>,
      %mul3A_644 = arith.constant 16 : i32
      %mul3A_645 = arith.muli %scan3A_319, %mul3A_644 : i32
      %swap3A_646 = arith.constant 54 : i32
      %swap3A_647 = arith.index_cast %swap3A_646 : i32 to index
      %swap3A_648 = arith.index_cast %mul3A_645 : i32 to index
      %swap3A_649 = tpu.vector_load %arg6[%swap3A_647, %swap3A_648] {strides = array<i32>} : memref<64x128xf32, #tpu.memory_space<vmem>>, vector<16xf32>,
      tpu.vector_store %arg6[%swap3A_647, %swap3A_648], %broadcast_in_dim3A_0 {strides = array<i32>} : memref<64x128xf32, #tpu.memory_space<vmem>>, vector<16xf32>,
      %mul3A_650 = arith.constant 16 : i32
      %mul3A_651 = arith.muli %scan3A_319, %mul3A_650 : i32
      %swap3A_652 = arith.constant 55 : i32
      %swap3A_653 = arith.index_cast %swap3A_652 : i32 to index
      %swap3A_654 = arith.index_cast %mul3A_651 : i32 to index
      %swap3A_655 = tpu.vector_load %arg6[%swap3A_653, %swap3A_654] {strides = array<i32>} : memref<64x128xf32, #tpu.memory_space<vmem>>, vector<16xf32>,
      tpu.vector_store %arg6[%swap3A_653, %swap3A_654], %broadcast_in_dim3A_0 {strides = array<i32>} : memref<64x128xf32, #tpu.memory_space<vmem>>, vector<16xf32>,
      %mul3A_656 = arith.constant 16 : i32
      %mul3A_657 = arith.muli %scan3A_319, %mul3A_656 : i32
      %swap3A_658 = arith.constant 56 : i32
      %swap3A_659 = arith.index_cast %swap3A_658 : i32 to index
      %swap3A_660 = arith.index_cast %mul3A_657 : i32 to index
      %swap3A_661 = tpu.vector_load %arg6[%swap3A_659, %swap3A_660] {strides = array<i32>} : memref<64x128xf32, #tpu.memory_space<vmem>>, vector<16xf32>,
      tpu.vector_store %arg6[%swap3A_659, %swap3A_660], %broadcast_in_dim3A_0 {strides = array<i32>} : memref<64x128xf32, #tpu.memory_space<vmem>>, vector<16xf32>,
      %mul3A_662 = arith.constant 16 : i32
      %mul3A_663 = arith.muli %scan3A_319, %mul3A_662 : i32
      %swap3A_664 = arith.constant 57 : i32
      %swap3A_665 = arith.index_cast %swap3A_664 : i32 to index
      %swap3A_666 = arith.index_cast %mul3A_663 : i32 to index
      %swap3A_667 = tpu.vector_load %arg6[%swap3A_665, %swap3A_666] {strides = array<i32>} : memref<64x128xf32, #tpu.memory_space<vmem>>, vector<16xf32>,
      tpu.vector_store %arg6[%swap3A_665, %swap3A_666], %broadcast_in_dim3A_0 {strides = array<i32>} : memref<64x128xf32, #tpu.memory_space<vmem>>, vector<16xf32>,
      %mul3A_668 = arith.constant 16 : i32
      %mul3A_669 = arith.muli %scan3A_319, %mul3A_668 : i32
      %swap3A_670 = arith.constant 58 : i32
      %swap3A_671 = arith.index_cast %swap3A_670 : i32 to index
      %swap3A_672 = arith.index_cast %mul3A_669 : i32 to index
      %swap3A_673 = tpu.vector_load %arg6[%swap3A_671, %swap3A_672] {strides = array<i32>} : memref<64x128xf32, #tpu.memory_space<vmem>>, vector<16xf32>,
      tpu.vector_store %arg6[%swap3A_671, %swap3A_672], %broadcast_in_dim3A_0 {strides = array<i32>} : memref<64x128xf32, #tpu.memory_space<vmem>>, vector<16xf32>,
      %mul3A_674 = arith.constant 16 : i32
      %mul3A_675 = arith.muli %scan3A_319, %mul3A_674 : i32
      %swap3A_676 = arith.constant 59 : i32
      %swap3A_677 = arith.index_cast %swap3A_676 : i32 to index
      %swap3A_678 = arith.index_cast %mul3A_675 : i32 to index
      %swap3A_679 = tpu.vector_load %arg6[%swap3A_677, %swap3A_678] {strides = array<i32>} : memref<64x128xf32, #tpu.memory_space<vmem>>, vector<16xf32>,
      tpu.vector_store %arg6[%swap3A_677, %swap3A_678], %broadcast_in_dim3A_0 {strides = array<i32>} : memref<64x128xf32, #tpu.memory_space<vmem>>, vector<16xf32>,
      %mul3A_680 = arith.constant 16 : i32
      %mul3A_681 = arith.muli %scan3A_319, %mul3A_680 : i32
      %swap3A_682 = arith.constant 60 : i32
      %swap3A_683 = arith.index_cast %swap3A_682 : i32 to index
      %swap3A_684 = arith.index_cast %mul3A_681 : i32 to index
      %swap3A_685 = tpu.vector_load %arg6[%swap3A_683, %swap3A_684] {strides = array<i32>} : memref<64x128xf32, #tpu.memory_space<vmem>>, vector<16xf32>,
      tpu.vector_store %arg6[%swap3A_683, %swap3A_684], %broadcast_in_dim3A_0 {strides = array<i32>} : memref<64x128xf32, #tpu.memory_space<vmem>>, vector<16xf32>,
      %mul3A_686 = arith.constant 16 : i32
      %mul3A_687 = arith.muli %scan3A_319, %mul3A_686 : i32
      %swap3A_688 = arith.constant 61 : i32
      %swap3A_689 = arith.index_cast %swap3A_688 : i32 to index
      %swap3A_690 = arith.index_cast %mul3A_687 : i32 to index
      %swap3A_691 = tpu.vector_load %arg6[%swap3A_689, %swap3A_690] {strides = array<i32>} : memref<64x128xf32, #tpu.memory_space<vmem>>, vector<16xf32>,
      tpu.vector_store %arg6[%swap3A_689, %swap3A_690], %broadcast_in_dim3A_0 {strides = array<i32>} : memref<64x128xf32, #tpu.memory_space<vmem>>, vector<16xf32>,
      %mul3A_692 = arith.constant 16 : i32
      %mul3A_693 = arith.muli %scan3A_319, %mul3A_692 : i32
      %swap3A_694 = arith.constant 62 : i32
      %swap3A_695 = arith.index_cast %swap3A_694 : i32 to index
      %swap3A_696 = arith.index_cast %mul3A_693 : i32 to index
      %swap3A_697 = tpu.vector_load %arg6[%swap3A_695, %swap3A_696] {strides = array<i32>} : memref<64x128xf32, #tpu.memory_space<vmem>>, vector<16xf32>,
      tpu.vector_store %arg6[%swap3A_695, %swap3A_696], %broadcast_in_dim3A_0 {strides = array<i32>} : memref<64x128xf32, #tpu.memory_space<vmem>>, vector<16xf32>,
      %mul3A_698 = arith.constant 16 : i32
      %mul3A_699 = arith.muli %scan3A_319, %mul3A_698 : i32
      %swap3A_700 = arith.constant 63 : i32
      %swap3A_701 = arith.index_cast %swap3A_700 : i32 to index
      %swap3A_702 = arith.index_cast %mul3A_699 : i32 to index
      %swap3A_703 = tpu.vector_load %arg6[%swap3A_701, %swap3A_702] {strides = array<i32>} : memref<64x128xf32, #tpu.memory_space<vmem>>, vector<16xf32>,
      tpu.vector_store %arg6[%swap3A_701, %swap3A_702], %broadcast_in_dim3A_0 {strides = array<i32>} : memref<64x128xf32, #tpu.memory_space<vmem>>, vector<16xf32>,
    }
    %scan3A_4 = arith.constant 8 : i32
    %mul3A = arith.constant 10000 : i32
    %mul3A_5 = arith.muli %arg0, %mul3A : i32
    %add3A = arith.constant 0 : i32
    %add3A_6 = arith.addi %add3A, %mul3A_5 : i32
    %mul3A_7 = arith.constant 10000 : i32
    %mul3A_8 = arith.muli %arg1, %mul3A_7 : i32
    %add3A_9 = arith.constant 0 : i32
    %add3A_10 = arith.addi %add3A_9, %mul3A_8 : i32
    %mul3A_11 = arith.constant 10000 : i32
    %mul3A_12 = arith.muli %arg1, %mul3A_11 : i32
    %add3A_13 = arith.constant 160000 : i32
    %add3A_14 = arith.addi %add3A_13, %mul3A_12 : i32
    %scan3A_15 = arith.constant 0 : i32
    %scan3A_16 = arith.constant 10 : i32
    %scan3A_17 = arith.addi %scan3A_15, %scan3A_16 : i32
    %scan3A_18 = arith.constant 1 : i32
    scf.for %scan3A_319 = %scan3A_15 to %scan3A_17 step %scan3A_18  : i32 {
      %mul3A_320 = arith.constant 640 : i32
      %mul3A_321 = arith.muli %arg1, %mul3A_320 : i32
      %mul3A_322 = arith.constant 64 : i32
      %mul3A_323 = arith.muli %scan3A_319, %mul3A_322 : i32
      %add3A_324 = arith.addi %mul3A_321, %mul3A_323 : i32
      "tpu.region"() ({
        %run_scoped3A = tpu.sem_alloc : memref<!tpu.dma_semaphore, #tpu.memory_space<semaphore_mem>>
        %dma_start3A_325 = arith.constant 0 : i32
        %dma_start3A_326 = tpu.memref_slice %arg5[%add3A_324, %dma_start3A_325] : memref<10240x128xf32, #tpu.memory_space<vmem_shared>> -> memref<64x128xf32, #tpu.memory_space<vmem_shared>>
        %dma_start3A_327 = arith.constant 0 : i32
        %dma_start3A_328 = tpu.memref_slice %arg5[%add3A_324, %dma_start3A_327] : memref<10240x128xf32, #tpu.memory_space<vmem_shared>> -> memref<64x128xf32, #tpu.memory_space<vmem_shared>>
        tpu.enqueue_dma source(%arg6 : memref<64x128xf32, #tpu.memory_space<vmem>>) target(%dma_start3A_328 : memref<64x128xf32, #tpu.memory_space<vmem_shared>>) target_semaphore(%run_scoped3A : memref<!tpu.dma_semaphore, #tpu.memory_space<semaphore_mem>>)
        %dma_wait3A_329 = arith.constant 0 : i32
        %dma_wait3A_330 = tpu.memref_slice %arg5[%add3A_324, %dma_wait3A_329] : memref<10240x128xf32, #tpu.memory_space<vmem_shared>> -> memref<64x128xf32, #tpu.memory_space<vmem_shared>>
        %dma_wait3A_331 = arith.constant 0 : i32
        %dma_wait3A_332 = tpu.memref_slice %arg5[%add3A_324, %dma_wait3A_331] : memref<10240x128xf32, #tpu.memory_space<vmem_shared>> -> memref<64x128xf32, #tpu.memory_space<vmem_shared>>
        tpu.wait_dma2 semaphore(%run_scoped3A : memref<!tpu.dma_semaphore, #tpu.memory_space<semaphore_mem>>) src(%arg6 : memref<64x128xf32, #tpu.memory_space<vmem>>) dst(%dma_wait3A_332 : memref<64x128xf32, #tpu.memory_space<vmem_shared>>)
        tpu.yield
      }) : () -> ()
    }
    %scan3A_19 = arith.constant 10 : i32
    %barrier3A = arith.constant 0 : index
    tpu.barrier barrier_id(%barrier3A)
    %add3A_20 = arith.constant 0 : i32
    %add3A_21 = arith.addi %add3A_10, %add3A_20 : i32
    "tpu.region"() ({
      %run_scoped3A = tpu.sem_alloc : memref<!tpu.dma_semaphore, #tpu.memory_space<semaphore_mem>>
      %dma_start3A_319 = tpu.memref_slice %arg3[%add3A_21] : memref<960000xi32, #tpu.memory_space<hbm>> -> memref<80xi32, #tpu.memory_space<hbm>>
      %dma_start3A_320 = tpu.memref_slice %arg3[%add3A_21] : memref<960000xi32, #tpu.memory_space<hbm>> -> memref<80xi32, #tpu.memory_space<hbm>>
      tpu.enqueue_dma source(%dma_start3A_320 : memref<80xi32, #tpu.memory_space<hbm>>) target(%arg7 : memref<80xi32, #tpu.memory_space<vmem>>) target_semaphore(%run_scoped3A : memref<!tpu.dma_semaphore, #tpu.memory_space<semaphore_mem>>)
      %dma_wait3A_321 = tpu.memref_slice %arg3[%add3A_21] : memref<960000xi32, #tpu.memory_space<hbm>> -> memref<80xi32, #tpu.memory_space<hbm>>
      %dma_wait3A_322 = tpu.memref_slice %arg3[%add3A_21] : memref<960000xi32, #tpu.memory_space<hbm>> -> memref<80xi32, #tpu.memory_space<hbm>>
      tpu.wait_dma2 semaphore(%run_scoped3A : memref<!tpu.dma_semaphore, #tpu.memory_space<semaphore_mem>>) src(%dma_wait3A_322 : memref<80xi32, #tpu.memory_space<hbm>>) dst(%arg7 : memref<80xi32, #tpu.memory_space<vmem>>)
      tpu.yield
    }) : () -> ()
    %get3A = arith.constant 0 : index
    %get3A_22 = tpu.vector_load %arg7[%get3A] {strides = array<i32>} : memref<80xi32, #tpu.memory_space<vmem>>, vector<16xi32>,
    %add3A_23 = vector.broadcast %add3A_6 : i32 to vector<16xi32>
    %add3A_24 = arith.addi %get3A_22, %add3A_23 : vector<16xi32>
    %swap3A = arith.constant 0 : index
    %swap3A_25 = tpu.vector_load %arg7[%swap3A] {strides = array<i32>} : memref<80xi32, #tpu.memory_space<vmem>>, vector<16xi32>,
    tpu.vector_store %arg7[%swap3A], %add3A_24 {strides = array<i32>} : memref<80xi32, #tpu.memory_space<vmem>>, vector<16xi32>,
    %get3A_26 = arith.constant 16 : index
    %get3A_27 = tpu.vector_load %arg7[%get3A_26] {strides = array<i32>} : memref<80xi32, #tpu.memory_space<vmem>>, vector<16xi32>,
    %add3A_28 = vector.broadcast %add3A_6 : i32 to vector<16xi32>
    %add3A_29 = arith.addi %get3A_27, %add3A_28 : vector<16xi32>
    %swap3A_30 = arith.constant 16 : index
    %swap3A_31 = tpu.vector_load %arg7[%swap3A_30] {strides = array<i32>} : memref<80xi32, #tpu.memory_space<vmem>>, vector<16xi32>,
    tpu.vector_store %arg7[%swap3A_30], %add3A_29 {strides = array<i32>} : memref<80xi32, #tpu.memory_space<vmem>>, vector<16xi32>,
    %get3A_32 = arith.constant 32 : index
    %get3A_33 = tpu.vector_load %arg7[%get3A_32] {strides = array<i32>} : memref<80xi32, #tpu.memory_space<vmem>>, vector<16xi32>,
    %add3A_34 = vector.broadcast %add3A_6 : i32 to vector<16xi32>
    %add3A_35 = arith.addi %get3A_33, %add3A_34 : vector<16xi32>
    %swap3A_36 = arith.constant 32 : index
    %swap3A_37 = tpu.vector_load %arg7[%swap3A_36] {strides = array<i32>} : memref<80xi32, #tpu.memory_space<vmem>>, vector<16xi32>,
    tpu.vector_store %arg7[%swap3A_36], %add3A_35 {strides = array<i32>} : memref<80xi32, #tpu.memory_space<vmem>>, vector<16xi32>,
    %get3A_38 = arith.constant 48 : index
    %get3A_39 = tpu.vector_load %arg7[%get3A_38] {strides = array<i32>} : memref<80xi32, #tpu.memory_space<vmem>>, vector<16xi32>,
    %add3A_40 = vector.broadcast %add3A_6 : i32 to vector<16xi32>
    %add3A_41 = arith.addi %get3A_39, %add3A_40 : vector<16xi32>
    %swap3A_42 = arith.constant 48 : index
    %swap3A_43 = tpu.vector_load %arg7[%swap3A_42] {strides = array<i32>} : memref<80xi32, #tpu.memory_space<vmem>>, vector<16xi32>,
    tpu.vector_store %arg7[%swap3A_42], %add3A_41 {strides = array<i32>} : memref<80xi32, #tpu.memory_space<vmem>>, vector<16xi32>,
    %get3A_44 = arith.constant 64 : index
    %get3A_45 = tpu.vector_load %arg7[%get3A_44] {strides = array<i32>} : memref<80xi32, #tpu.memory_space<vmem>>, vector<16xi32>,
    %add3A_46 = vector.broadcast %add3A_6 : i32 to vector<16xi32>
    %add3A_47 = arith.addi %get3A_45, %add3A_46 : vector<16xi32>
    %swap3A_48 = arith.constant 64 : index
    %swap3A_49 = tpu.vector_load %arg7[%swap3A_48] {strides = array<i32>} : memref<80xi32, #tpu.memory_space<vmem>>, vector<16xi32>,
    tpu.vector_store %arg7[%swap3A_48], %add3A_47 {strides = array<i32>} : memref<80xi32, #tpu.memory_space<vmem>>, vector<16xi32>,
    %add3A_50 = arith.constant 0 : i32
    %add3A_51 = arith.addi %add3A_14, %add3A_50 : i32
    "tpu.region"() ({
      %run_scoped3A = tpu.sem_alloc : memref<!tpu.dma_semaphore, #tpu.memory_space<semaphore_mem>>
      %dma_start3A_319 = tpu.memref_slice %arg3[%add3A_51] : memref<960000xi32, #tpu.memory_space<hbm>> -> memref<80xi32, #tpu.memory_space<hbm>>
      %dma_start3A_320 = tpu.memref_slice %arg3[%add3A_51] : memref<960000xi32, #tpu.memory_space<hbm>> -> memref<80xi32, #tpu.memory_space<hbm>>
      tpu.enqueue_dma source(%dma_start3A_320 : memref<80xi32, #tpu.memory_space<hbm>>) target(%arg9 : memref<80xi32, #tpu.memory_space<vmem>>) target_semaphore(%run_scoped3A : memref<!tpu.dma_semaphore, #tpu.memory_space<semaphore_mem>>)
      %dma_wait3A_321 = tpu.memref_slice %arg3[%add3A_51] : memref<960000xi32, #tpu.memory_space<hbm>> -> memref<80xi32, #tpu.memory_space<hbm>>
      %dma_wait3A_322 = tpu.memref_slice %arg3[%add3A_51] : memref<960000xi32, #tpu.memory_space<hbm>> -> memref<80xi32, #tpu.memory_space<hbm>>
      tpu.wait_dma2 semaphore(%run_scoped3A : memref<!tpu.dma_semaphore, #tpu.memory_space<semaphore_mem>>) src(%dma_wait3A_322 : memref<80xi32, #tpu.memory_space<hbm>>) dst(%arg9 : memref<80xi32, #tpu.memory_space<vmem>>)
      tpu.yield
    }) : () -> ()
    %dma_start3A = arith.constant 0 : i32
    %dma_start3A_52 = arith.constant 0 : i32
    %dma_start3A_53 = tpu.memref_slice %arg2[%dma_start3A, %dma_start3A_52] : memref<60000x128xf32, #tpu.memory_space<hbm>> -> memref<60000x128xf32, #tpu.memory_space<hbm>>
    tpu.enqueue_indirect_dma source(%dma_start3A_53 : memref<60000x128xf32, #tpu.memory_space<hbm>>) target(%arg11 : memref<80x128xf32, #tpu.memory_space<vmem>>) offsets(%arg7 : memref<80xi32, #tpu.memory_space<vmem>>) semaphore(%arg13 : memref<!tpu.dma_semaphore, #tpu.memory_space<semaphore_mem>>)
    %add3A_54 = arith.constant 80 : i32
    %add3A_55 = arith.addi %add3A_10, %add3A_54 : i32
    "tpu.region"() ({
      %run_scoped3A = tpu.sem_alloc : memref<!tpu.dma_semaphore, #tpu.memory_space<semaphore_mem>>
      %dma_start3A_319 = tpu.memref_slice %arg3[%add3A_55] : memref<960000xi32, #tpu.memory_space<hbm>> -> memref<80xi32, #tpu.memory_space<hbm>>
      %dma_start3A_320 = tpu.memref_slice %arg3[%add3A_55] : memref<960000xi32, #tpu.memory_space<hbm>> -> memref<80xi32, #tpu.memory_space<hbm>>
      tpu.enqueue_dma source(%dma_start3A_320 : memref<80xi32, #tpu.memory_space<hbm>>) target(%arg8 : memref<80xi32, #tpu.memory_space<vmem>>) target_semaphore(%run_scoped3A : memref<!tpu.dma_semaphore, #tpu.memory_space<semaphore_mem>>)
      %dma_wait3A_321 = tpu.memref_slice %arg3[%add3A_55] : memref<960000xi32, #tpu.memory_space<hbm>> -> memref<80xi32, #tpu.memory_space<hbm>>
      %dma_wait3A_322 = tpu.memref_slice %arg3[%add3A_55] : memref<960000xi32, #tpu.memory_space<hbm>> -> memref<80xi32, #tpu.memory_space<hbm>>
      tpu.wait_dma2 semaphore(%run_scoped3A : memref<!tpu.dma_semaphore, #tpu.memory_space<semaphore_mem>>) src(%dma_wait3A_322 : memref<80xi32, #tpu.memory_space<hbm>>) dst(%arg8 : memref<80xi32, #tpu.memory_space<vmem>>)
      tpu.yield
    }) : () -> ()
    %get3A_56 = arith.constant 0 : index
    %get3A_57 = tpu.vector_load %arg8[%get3A_56] {strides = array<i32>} : memref<80xi32, #tpu.memory_space<vmem>>, vector<16xi32>,
    %add3A_58 = vector.broadcast %add3A_6 : i32 to vector<16xi32>
    %add3A_59 = arith.addi %get3A_57, %add3A_58 : vector<16xi32>
    %swap3A_60 = arith.constant 0 : index
    %swap3A_61 = tpu.vector_load %arg8[%swap3A_60] {strides = array<i32>} : memref<80xi32, #tpu.memory_space<vmem>>, vector<16xi32>,
    tpu.vector_store %arg8[%swap3A_60], %add3A_59 {strides = array<i32>} : memref<80xi32, #tpu.memory_space<vmem>>, vector<16xi32>,
    %get3A_62 = arith.constant 16 : index
    %get3A_63 = tpu.vector_load %arg8[%get3A_62] {strides = array<i32>} : memref<80xi32, #tpu.memory_space<vmem>>, vector<16xi32>,
    %add3A_64 = vector.broadcast %add3A_6 : i32 to vector<16xi32>
    %add3A_65 = arith.addi %get3A_63, %add3A_64 : vector<16xi32>
    %swap3A_66 = arith.constant 16 : index
    %swap3A_67 = tpu.vector_load %arg8[%swap3A_66] {strides = array<i32>} : memref<80xi32, #tpu.memory_space<vmem>>, vector<16xi32>,
    tpu.vector_store %arg8[%swap3A_66], %add3A_65 {strides = array<i32>} : memref<80xi32, #tpu.memory_space<vmem>>, vector<16xi32>,
    %get3A_68 = arith.constant 32 : index
    %get3A_69 = tpu.vector_load %arg8[%get3A_68] {strides = array<i32>} : memref<80xi32, #tpu.memory_space<vmem>>, vector<16xi32>,
    %add3A_70 = vector.broadcast %add3A_6 : i32 to vector<16xi32>
    %add3A_71 = arith.addi %get3A_69, %add3A_70 : vector<16xi32>
    %swap3A_72 = arith.constant 32 : index
    %swap3A_73 = tpu.vector_load %arg8[%swap3A_72] {strides = array<i32>} : memref<80xi32, #tpu.memory_space<vmem>>, vector<16xi32>,
    tpu.vector_store %arg8[%swap3A_72], %add3A_71 {strides = array<i32>} : memref<80xi32, #tpu.memory_space<vmem>>, vector<16xi32>,
    %get3A_74 = arith.constant 48 : index
    %get3A_75 = tpu.vector_load %arg8[%get3A_74] {strides = array<i32>} : memref<80xi32, #tpu.memory_space<vmem>>, vector<16xi32>,
    %add3A_76 = vector.broadcast %add3A_6 : i32 to vector<16xi32>
    %add3A_77 = arith.addi %get3A_75, %add3A_76 : vector<16xi32>
    %swap3A_78 = arith.constant 48 : index
    %swap3A_79 = tpu.vector_load %arg8[%swap3A_78] {strides = array<i32>} : memref<80xi32, #tpu.memory_space<vmem>>, vector<16xi32>,
    tpu.vector_store %arg8[%swap3A_78], %add3A_77 {strides = array<i32>} : memref<80xi32, #tpu.memory_space<vmem>>, vector<16xi32>,
    %get3A_80 = arith.constant 64 : index
    %get3A_81 = tpu.vector_load %arg8[%get3A_80] {strides = array<i32>} : memref<80xi32, #tpu.memory_space<vmem>>, vector<16xi32>,
    %add3A_82 = vector.broadcast %add3A_6 : i32 to vector<16xi32>
    %add3A_83 = arith.addi %get3A_81, %add3A_82 : vector<16xi32>
    %swap3A_84 = arith.constant 64 : index
    %swap3A_85 = tpu.vector_load %arg8[%swap3A_84] {strides = array<i32>} : memref<80xi32, #tpu.memory_space<vmem>>, vector<16xi32>,
    tpu.vector_store %arg8[%swap3A_84], %add3A_83 {strides = array<i32>} : memref<80xi32, #tpu.memory_space<vmem>>, vector<16xi32>,
    %add3A_86 = arith.constant 80 : i32
    %add3A_87 = arith.addi %add3A_14, %add3A_86 : i32
    "tpu.region"() ({
      %run_scoped3A = tpu.sem_alloc : memref<!tpu.dma_semaphore, #tpu.memory_space<semaphore_mem>>
      %dma_start3A_319 = tpu.memref_slice %arg3[%add3A_87] : memref<960000xi32, #tpu.memory_space<hbm>> -> memref<80xi32, #tpu.memory_space<hbm>>
      %dma_start3A_320 = tpu.memref_slice %arg3[%add3A_87] : memref<960000xi32, #tpu.memory_space<hbm>> -> memref<80xi32, #tpu.memory_space<hbm>>
      tpu.enqueue_dma source(%dma_start3A_320 : memref<80xi32, #tpu.memory_space<hbm>>) target(%arg10 : memref<80xi32, #tpu.memory_space<vmem>>) target_semaphore(%run_scoped3A : memref<!tpu.dma_semaphore, #tpu.memory_space<semaphore_mem>>)
      %dma_wait3A_321 = tpu.memref_slice %arg3[%add3A_87] : memref<960000xi32, #tpu.memory_space<hbm>> -> memref<80xi32, #tpu.memory_space<hbm>>
      %dma_wait3A_322 = tpu.memref_slice %arg3[%add3A_87] : memref<960000xi32, #tpu.memory_space<hbm>> -> memref<80xi32, #tpu.memory_space<hbm>>
      tpu.wait_dma2 semaphore(%run_scoped3A : memref<!tpu.dma_semaphore, #tpu.memory_space<semaphore_mem>>) src(%dma_wait3A_322 : memref<80xi32, #tpu.memory_space<hbm>>) dst(%arg10 : memref<80xi32, #tpu.memory_space<vmem>>)
      tpu.yield
    }) : () -> ()
    %dma_start3A_88 = arith.constant 0 : i32
    %dma_start3A_89 = arith.constant 0 : i32
    %dma_start3A_90 = tpu.memref_slice %arg2[%dma_start3A_88, %dma_start3A_89] : memref<60000x128xf32, #tpu.memory_space<hbm>> -> memref<60000x128xf32, #tpu.memory_space<hbm>>
    tpu.enqueue_indirect_dma source(%dma_start3A_90 : memref<60000x128xf32, #tpu.memory_space<hbm>>) target(%arg12 : memref<80x128xf32, #tpu.memory_space<vmem>>) offsets(%arg8 : memref<80xi32, #tpu.memory_space<vmem>>) semaphore(%arg14 : memref<!tpu.dma_semaphore, #tpu.memory_space<semaphore_mem>>)
    %scan3A_91 = arith.constant 0 : i32
    %scan3A_92 = arith.constant 62 : i32
    %scan3A_93 = arith.addi %scan3A_91, %scan3A_92 : i32
    %scan3A_94 = arith.constant 1 : i32
    scf.for %scan3A_319 = %scan3A_91 to %scan3A_93 step %scan3A_94  : i32 {
      %mul3A_320 = arith.constant 2 : i32
      %mul3A_321 = arith.muli %mul3A_320, %scan3A_319 : i32
      %add3A_322 = arith.constant 0 : i32
      %add3A_323 = arith.addi %mul3A_321, %add3A_322 : i32
      %dma_wait3A_324 = arith.constant 0 : i32
      %dma_wait3A_325 = arith.constant 0 : i32
      %dma_wait3A_326 = tpu.memref_slice %arg2[%dma_wait3A_324, %dma_wait3A_325] : memref<60000x128xf32, #tpu.memory_space<hbm>> -> memref<60000x128xf32, #tpu.memory_space<hbm>>
      tpu.wait_indirect_dma semaphore(%arg13 : memref<!tpu.dma_semaphore, #tpu.memory_space<semaphore_mem>>) src(%dma_wait3A_326 : memref<60000x128xf32, #tpu.memory_space<hbm>>) dst(%arg11 : memref<80x128xf32, #tpu.memory_space<vmem>>)
      "tpu.region"() ({
        %run_scoped3A = tpu.sem_alloc : memref<!tpu.dma_semaphore, #tpu.memory_space<semaphore_mem>>
        %dma_start3A_345 = arith.constant 0 : i32
        %dma_start3A_346 = arith.constant 0 : i32
        %dma_start3A_347 = tpu.memref_slice %arg5[%dma_start3A_345, %dma_start3A_346] : memref<10240x128xf32, #tpu.memory_space<vmem_shared>> -> memref<10240x128xf32, #tpu.memory_space<vmem_shared>>
        tpu.enqueue_indirect_dma source(%arg11 : memref<80x128xf32, #tpu.memory_space<vmem>>) target(%dma_start3A_347 : memref<10240x128xf32, #tpu.memory_space<vmem_shared>>) offsets(%arg9 : memref<80xi32, #tpu.memory_space<vmem>>) semaphore(%run_scoped3A : memref<!tpu.dma_semaphore, #tpu.memory_space<semaphore_mem>>) {add = true}
        %dma_wait3A_348 = arith.constant 0 : i32
        %dma_wait3A_349 = arith.constant 0 : i32
        %dma_wait3A_350 = tpu.memref_slice %arg5[%dma_wait3A_348, %dma_wait3A_349] : memref<10240x128xf32, #tpu.memory_space<vmem_shared>> -> memref<10240x128xf32, #tpu.memory_space<vmem_shared>>
        tpu.wait_indirect_dma semaphore(%run_scoped3A : memref<!tpu.dma_semaphore, #tpu.memory_space<semaphore_mem>>) src(%arg11 : memref<80x128xf32, #tpu.memory_space<vmem>>) dst(%dma_wait3A_350 : memref<10240x128xf32, #tpu.memory_space<vmem_shared>>)
        tpu.yield
      }) : () -> ()
      %add3A_327 = arith.constant 2 : i32
      %add3A_328 = arith.addi %add3A_323, %add3A_327 : i32
      %lt3A = arith.constant 125 : i32
      %lt3A_329 = arith.cmpi slt, %add3A_328, %lt3A : i32
      %convert_element_type3A = arith.extui %lt3A_329 : i1 to i32
      %cond3A = arith.constant 0 : i32
      %cond3A_330 = arith.cmpi ne, %convert_element_type3A, %cond3A : i32
      scf.if %cond3A_330 {
        %add3A_345 = arith.constant 2 : i32
        %add3A_346 = arith.addi %add3A_323, %add3A_345 : i32
        %mul3A_347 = arith.constant 80 : i32
        %mul3A_348 = arith.muli %add3A_346, %mul3A_347 : i32
        %add3A_349 = arith.addi %add3A_10, %mul3A_348 : i32
        "tpu.region"() ({
          %run_scoped3A = tpu.sem_alloc : memref<!tpu.dma_semaphore, #tpu.memory_space<semaphore_mem>>
          %dma_start3A_386 = tpu.memref_slice %arg3[%add3A_349] : memref<960000xi32, #tpu.memory_space<hbm>> -> memref<80xi32, #tpu.memory_space<hbm>>
          %dma_start3A_387 = tpu.memref_slice %arg3[%add3A_349] : memref<960000xi32, #tpu.memory_space<hbm>> -> memref<80xi32, #tpu.memory_space<hbm>>
          tpu.enqueue_dma source(%dma_start3A_387 : memref<80xi32, #tpu.memory_space<hbm>>) target(%arg7 : memref<80xi32, #tpu.memory_space<vmem>>) target_semaphore(%run_scoped3A : memref<!tpu.dma_semaphore, #tpu.memory_space<semaphore_mem>>)
          %dma_wait3A_388 = tpu.memref_slice %arg3[%add3A_349] : memref<960000xi32, #tpu.memory_space<hbm>> -> memref<80xi32, #tpu.memory_space<hbm>>
          %dma_wait3A_389 = tpu.memref_slice %arg3[%add3A_349] : memref<960000xi32, #tpu.memory_space<hbm>> -> memref<80xi32, #tpu.memory_space<hbm>>
          tpu.wait_dma2 semaphore(%run_scoped3A : memref<!tpu.dma_semaphore, #tpu.memory_space<semaphore_mem>>) src(%dma_wait3A_389 : memref<80xi32, #tpu.memory_space<hbm>>) dst(%arg7 : memref<80xi32, #tpu.memory_space<vmem>>)
          tpu.yield
        }) : () -> ()
        %get3A_350 = arith.constant 0 : index
        %get3A_351 = tpu.vector_load %arg7[%get3A_350] {strides = array<i32>} : memref<80xi32, #tpu.memory_space<vmem>>, vector<16xi32>,
        %add3A_352 = vector.broadcast %add3A_6 : i32 to vector<16xi32>
        %add3A_353 = arith.addi %get3A_351, %add3A_352 : vector<16xi32>
        %swap3A_354 = arith.constant 0 : index
        %swap3A_355 = tpu.vector_load %arg7[%swap3A_354] {strides = array<i32>} : memref<80xi32, #tpu.memory_space<vmem>>, vector<16xi32>,
        tpu.vector_store %arg7[%swap3A_354], %add3A_353 {strides = array<i32>} : memref<80xi32, #tpu.memory_space<vmem>>, vector<16xi32>,
        %get3A_356 = arith.constant 16 : index
        %get3A_357 = tpu.vector_load %arg7[%get3A_356] {strides = array<i32>} : memref<80xi32, #tpu.memory_space<vmem>>, vector<16xi32>,
        %add3A_358 = vector.broadcast %add3A_6 : i32 to vector<16xi32>
        %add3A_359 = arith.addi %get3A_357, %add3A_358 : vector<16xi32>
        %swap3A_360 = arith.constant 16 : index
        %swap3A_361 = tpu.vector_load %arg7[%swap3A_360] {strides = array<i32>} : memref<80xi32, #tpu.memory_space<vmem>>, vector<16xi32>,
        tpu.vector_store %arg7[%swap3A_360], %add3A_359 {strides = array<i32>} : memref<80xi32, #tpu.memory_space<vmem>>, vector<16xi32>,
        %get3A_362 = arith.constant 32 : index
        %get3A_363 = tpu.vector_load %arg7[%get3A_362] {strides = array<i32>} : memref<80xi32, #tpu.memory_space<vmem>>, vector<16xi32>,
        %add3A_364 = vector.broadcast %add3A_6 : i32 to vector<16xi32>
        %add3A_365 = arith.addi %get3A_363, %add3A_364 : vector<16xi32>
        %swap3A_366 = arith.constant 32 : index
        %swap3A_367 = tpu.vector_load %arg7[%swap3A_366] {strides = array<i32>} : memref<80xi32, #tpu.memory_space<vmem>>, vector<16xi32>,
        tpu.vector_store %arg7[%swap3A_366], %add3A_365 {strides = array<i32>} : memref<80xi32, #tpu.memory_space<vmem>>, vector<16xi32>,
        %get3A_368 = arith.constant 48 : index
        %get3A_369 = tpu.vector_load %arg7[%get3A_368] {strides = array<i32>} : memref<80xi32, #tpu.memory_space<vmem>>, vector<16xi32>,
        %add3A_370 = vector.broadcast %add3A_6 : i32 to vector<16xi32>
        %add3A_371 = arith.addi %get3A_369, %add3A_370 : vector<16xi32>
        %swap3A_372 = arith.constant 48 : index
        %swap3A_373 = tpu.vector_load %arg7[%swap3A_372] {strides = array<i32>} : memref<80xi32, #tpu.memory_space<vmem>>, vector<16xi32>,
        tpu.vector_store %arg7[%swap3A_372], %add3A_371 {strides = array<i32>} : memref<80xi32, #tpu.memory_space<vmem>>, vector<16xi32>,
        %get3A_374 = arith.constant 64 : index
        %get3A_375 = tpu.vector_load %arg7[%get3A_374] {strides = array<i32>} : memref<80xi32, #tpu.memory_space<vmem>>, vector<16xi32>,
        %add3A_376 = vector.broadcast %add3A_6 : i32 to vector<16xi32>
        %add3A_377 = arith.addi %get3A_375, %add3A_376 : vector<16xi32>
        %swap3A_378 = arith.constant 64 : index
        %swap3A_379 = tpu.vector_load %arg7[%swap3A_378] {strides = array<i32>} : memref<80xi32, #tpu.memory_space<vmem>>, vector<16xi32>,
        tpu.vector_store %arg7[%swap3A_378], %add3A_377 {strides = array<i32>} : memref<80xi32, #tpu.memory_space<vmem>>, vector<16xi32>,
        %mul3A_380 = arith.constant 80 : i32
        %mul3A_381 = arith.muli %add3A_346, %mul3A_380 : i32
        %add3A_382 = arith.addi %add3A_14, %mul3A_381 : i32
        "tpu.region"() ({
          %run_scoped3A = tpu.sem_alloc : memref<!tpu.dma_semaphore, #tpu.memory_space<semaphore_mem>>
          %dma_start3A_386 = tpu.memref_slice %arg3[%add3A_382] : memref<960000xi32, #tpu.memory_space<hbm>> -> memref<80xi32, #tpu.memory_space<hbm>>
          %dma_start3A_387 = tpu.memref_slice %arg3[%add3A_382] : memref<960000xi32, #tpu.memory_space<hbm>> -> memref<80xi32, #tpu.memory_space<hbm>>
          tpu.enqueue_dma source(%dma_start3A_387 : memref<80xi32, #tpu.memory_space<hbm>>) target(%arg9 : memref<80xi32, #tpu.memory_space<vmem>>) target_semaphore(%run_scoped3A : memref<!tpu.dma_semaphore, #tpu.memory_space<semaphore_mem>>)
          %dma_wait3A_388 = tpu.memref_slice %arg3[%add3A_382] : memref<960000xi32, #tpu.memory_space<hbm>> -> memref<80xi32, #tpu.memory_space<hbm>>
          %dma_wait3A_389 = tpu.memref_slice %arg3[%add3A_382] : memref<960000xi32, #tpu.memory_space<hbm>> -> memref<80xi32, #tpu.memory_space<hbm>>
          tpu.wait_dma2 semaphore(%run_scoped3A : memref<!tpu.dma_semaphore, #tpu.memory_space<semaphore_mem>>) src(%dma_wait3A_389 : memref<80xi32, #tpu.memory_space<hbm>>) dst(%arg9 : memref<80xi32, #tpu.memory_space<vmem>>)
          tpu.yield
        }) : () -> ()
        %dma_start3A_383 = arith.constant 0 : i32
        %dma_start3A_384 = arith.constant 0 : i32
        %dma_start3A_385 = tpu.memref_slice %arg2[%dma_start3A_383, %dma_start3A_384] : memref<60000x128xf32, #tpu.memory_space<hbm>> -> memref<60000x128xf32, #tpu.memory_space<hbm>>
        tpu.enqueue_indirect_dma source(%dma_start3A_385 : memref<60000x128xf32, #tpu.memory_space<hbm>>) target(%arg11 : memref<80x128xf32, #tpu.memory_space<vmem>>) offsets(%arg7 : memref<80xi32, #tpu.memory_space<vmem>>) semaphore(%arg13 : memref<!tpu.dma_semaphore, #tpu.memory_space<semaphore_mem>>)
      } else {
      }
      %mul3A_331 = arith.constant 2 : i32
      %mul3A_332 = arith.muli %mul3A_331, %scan3A_319 : i32
      %add3A_333 = arith.constant 1 : i32
      %add3A_334 = arith.addi %mul3A_332, %add3A_333 : i32
      %dma_wait3A_335 = arith.constant 0 : i32
      %dma_wait3A_336 = arith.constant 0 : i32
      %dma_wait3A_337 = tpu.memref_slice %arg2[%dma_wait3A_335, %dma_wait3A_336] : memref<60000x128xf32, #tpu.memory_space<hbm>> -> memref<60000x128xf32, #tpu.memory_space<hbm>>
      tpu.wait_indirect_dma semaphore(%arg14 : memref<!tpu.dma_semaphore, #tpu.memory_space<semaphore_mem>>) src(%dma_wait3A_337 : memref<60000x128xf32, #tpu.memory_space<hbm>>) dst(%arg12 : memref<80x128xf32, #tpu.memory_space<vmem>>)
      "tpu.region"() ({
        %run_scoped3A = tpu.sem_alloc : memref<!tpu.dma_semaphore, #tpu.memory_space<semaphore_mem>>
        %dma_start3A_345 = arith.constant 0 : i32
        %dma_start3A_346 = arith.constant 0 : i32
        %dma_start3A_347 = tpu.memref_slice %arg5[%dma_start3A_345, %dma_start3A_346] : memref<10240x128xf32, #tpu.memory_space<vmem_shared>> -> memref<10240x128xf32, #tpu.memory_space<vmem_shared>>
        tpu.enqueue_indirect_dma source(%arg12 : memref<80x128xf32, #tpu.memory_space<vmem>>) target(%dma_start3A_347 : memref<10240x128xf32, #tpu.memory_space<vmem_shared>>) offsets(%arg10 : memref<80xi32, #tpu.memory_space<vmem>>) semaphore(%run_scoped3A : memref<!tpu.dma_semaphore, #tpu.memory_space<semaphore_mem>>) {add = true}
        %dma_wait3A_348 = arith.constant 0 : i32
        %dma_wait3A_349 = arith.constant 0 : i32
        %dma_wait3A_350 = tpu.memref_slice %arg5[%dma_wait3A_348, %dma_wait3A_349] : memref<10240x128xf32, #tpu.memory_space<vmem_shared>> -> memref<10240x128xf32, #tpu.memory_space<vmem_shared>>
        tpu.wait_indirect_dma semaphore(%run_scoped3A : memref<!tpu.dma_semaphore, #tpu.memory_space<semaphore_mem>>) src(%arg12 : memref<80x128xf32, #tpu.memory_space<vmem>>) dst(%dma_wait3A_350 : memref<10240x128xf32, #tpu.memory_space<vmem_shared>>)
        tpu.yield
      }) : () -> ()
      %add3A_338 = arith.constant 2 : i32
      %add3A_339 = arith.addi %add3A_334, %add3A_338 : i32
      %lt3A_340 = arith.constant 125 : i32
      %lt3A_341 = arith.cmpi slt, %add3A_339, %lt3A_340 : i32
      %convert_element_type3A_342 = arith.extui %lt3A_341 : i1 to i32
      %cond3A_343 = arith.constant 0 : i32
      %cond3A_344 = arith.cmpi ne, %convert_element_type3A_342, %cond3A_343 : i32
      scf.if %cond3A_344 {
        %add3A_345 = arith.constant 2 : i32
        %add3A_346 = arith.addi %add3A_334, %add3A_345 : i32
        %mul3A_347 = arith.constant 80 : i32
        %mul3A_348 = arith.muli %add3A_346, %mul3A_347 : i32
        %add3A_349 = arith.addi %add3A_10, %mul3A_348 : i32
        "tpu.region"() ({
          %run_scoped3A = tpu.sem_alloc : memref<!tpu.dma_semaphore, #tpu.memory_space<semaphore_mem>>
          %dma_start3A_386 = tpu.memref_slice %arg3[%add3A_349] : memref<960000xi32, #tpu.memory_space<hbm>> -> memref<80xi32, #tpu.memory_space<hbm>>
          %dma_start3A_387 = tpu.memref_slice %arg3[%add3A_349] : memref<960000xi32, #tpu.memory_space<hbm>> -> memref<80xi32, #tpu.memory_space<hbm>>
          tpu.enqueue_dma source(%dma_start3A_387 : memref<80xi32, #tpu.memory_space<hbm>>) target(%arg8 : memref<80xi32, #tpu.memory_space<vmem>>) target_semaphore(%run_scoped3A : memref<!tpu.dma_semaphore, #tpu.memory_space<semaphore_mem>>)
          %dma_wait3A_388 = tpu.memref_slice %arg3[%add3A_349] : memref<960000xi32, #tpu.memory_space<hbm>> -> memref<80xi32, #tpu.memory_space<hbm>>
          %dma_wait3A_389 = tpu.memref_slice %arg3[%add3A_349] : memref<960000xi32, #tpu.memory_space<hbm>> -> memref<80xi32, #tpu.memory_space<hbm>>
          tpu.wait_dma2 semaphore(%run_scoped3A : memref<!tpu.dma_semaphore, #tpu.memory_space<semaphore_mem>>) src(%dma_wait3A_389 : memref<80xi32, #tpu.memory_space<hbm>>) dst(%arg8 : memref<80xi32, #tpu.memory_space<vmem>>)
          tpu.yield
        }) : () -> ()
        %get3A_350 = arith.constant 0 : index
        %get3A_351 = tpu.vector_load %arg8[%get3A_350] {strides = array<i32>} : memref<80xi32, #tpu.memory_space<vmem>>, vector<16xi32>,
        %add3A_352 = vector.broadcast %add3A_6 : i32 to vector<16xi32>
        %add3A_353 = arith.addi %get3A_351, %add3A_352 : vector<16xi32>
        %swap3A_354 = arith.constant 0 : index
        %swap3A_355 = tpu.vector_load %arg8[%swap3A_354] {strides = array<i32>} : memref<80xi32, #tpu.memory_space<vmem>>, vector<16xi32>,
        tpu.vector_store %arg8[%swap3A_354], %add3A_353 {strides = array<i32>} : memref<80xi32, #tpu.memory_space<vmem>>, vector<16xi32>,
        %get3A_356 = arith.constant 16 : index
        %get3A_357 = tpu.vector_load %arg8[%get3A_356] {strides = array<i32>} : memref<80xi32, #tpu.memory_space<vmem>>, vector<16xi32>,
        %add3A_358 = vector.broadcast %add3A_6 : i32 to vector<16xi32>
        %add3A_359 = arith.addi %get3A_357, %add3A_358 : vector<16xi32>
        %swap3A_360 = arith.constant 16 : index
        %swap3A_361 = tpu.vector_load %arg8[%swap3A_360] {strides = array<i32>} : memref<80xi32, #tpu.memory_space<vmem>>, vector<16xi32>,
        tpu.vector_store %arg8[%swap3A_360], %add3A_359 {strides = array<i32>} : memref<80xi32, #tpu.memory_space<vmem>>, vector<16xi32>,
        %get3A_362 = arith.constant 32 : index
        %get3A_363 = tpu.vector_load %arg8[%get3A_362] {strides = array<i32>} : memref<80xi32, #tpu.memory_space<vmem>>, vector<16xi32>,
        %add3A_364 = vector.broadcast %add3A_6 : i32 to vector<16xi32>
        %add3A_365 = arith.addi %get3A_363, %add3A_364 : vector<16xi32>
        %swap3A_366 = arith.constant 32 : index
        %swap3A_367 = tpu.vector_load %arg8[%swap3A_366] {strides = array<i32>} : memref<80xi32, #tpu.memory_space<vmem>>, vector<16xi32>,
        tpu.vector_store %arg8[%swap3A_366], %add3A_365 {strides = array<i32>} : memref<80xi32, #tpu.memory_space<vmem>>, vector<16xi32>,
        %get3A_368 = arith.constant 48 : index
        %get3A_369 = tpu.vector_load %arg8[%get3A_368] {strides = array<i32>} : memref<80xi32, #tpu.memory_space<vmem>>, vector<16xi32>,
        %add3A_370 = vector.broadcast %add3A_6 : i32 to vector<16xi32>
        %add3A_371 = arith.addi %get3A_369, %add3A_370 : vector<16xi32>
        %swap3A_372 = arith.constant 48 : index
        %swap3A_373 = tpu.vector_load %arg8[%swap3A_372] {strides = array<i32>} : memref<80xi32, #tpu.memory_space<vmem>>, vector<16xi32>,
        tpu.vector_store %arg8[%swap3A_372], %add3A_371 {strides = array<i32>} : memref<80xi32, #tpu.memory_space<vmem>>, vector<16xi32>,
        %get3A_374 = arith.constant 64 : index
        %get3A_375 = tpu.vector_load %arg8[%get3A_374] {strides = array<i32>} : memref<80xi32, #tpu.memory_space<vmem>>, vector<16xi32>,
        %add3A_376 = vector.broadcast %add3A_6 : i32 to vector<16xi32>
        %add3A_377 = arith.addi %get3A_375, %add3A_376 : vector<16xi32>
        %swap3A_378 = arith.constant 64 : index
        %swap3A_379 = tpu.vector_load %arg8[%swap3A_378] {strides = array<i32>} : memref<80xi32, #tpu.memory_space<vmem>>, vector<16xi32>,
        tpu.vector_store %arg8[%swap3A_378], %add3A_377 {strides = array<i32>} : memref<80xi32, #tpu.memory_space<vmem>>, vector<16xi32>,
        %mul3A_380 = arith.constant 80 : i32
        %mul3A_381 = arith.muli %add3A_346, %mul3A_380 : i32
        %add3A_382 = arith.addi %add3A_14, %mul3A_381 : i32
        "tpu.region"() ({
          %run_scoped3A = tpu.sem_alloc : memref<!tpu.dma_semaphore, #tpu.memory_space<semaphore_mem>>
          %dma_start3A_386 = tpu.memref_slice %arg3[%add3A_382] : memref<960000xi32, #tpu.memory_space<hbm>> -> memref<80xi32, #tpu.memory_space<hbm>>
          %dma_start3A_387 = tpu.memref_slice %arg3[%add3A_382] : memref<960000xi32, #tpu.memory_space<hbm>> -> memref<80xi32, #tpu.memory_space<hbm>>
          tpu.enqueue_dma source(%dma_start3A_387 : memref<80xi32, #tpu.memory_space<hbm>>) target(%arg10 : memref<80xi32, #tpu.memory_space<vmem>>) target_semaphore(%run_scoped3A : memref<!tpu.dma_semaphore, #tpu.memory_space<semaphore_mem>>)
          %dma_wait3A_388 = tpu.memref_slice %arg3[%add3A_382] : memref<960000xi32, #tpu.memory_space<hbm>> -> memref<80xi32, #tpu.memory_space<hbm>>
          %dma_wait3A_389 = tpu.memref_slice %arg3[%add3A_382] : memref<960000xi32, #tpu.memory_space<hbm>> -> memref<80xi32, #tpu.memory_space<hbm>>
          tpu.wait_dma2 semaphore(%run_scoped3A : memref<!tpu.dma_semaphore, #tpu.memory_space<semaphore_mem>>) src(%dma_wait3A_389 : memref<80xi32, #tpu.memory_space<hbm>>) dst(%arg10 : memref<80xi32, #tpu.memory_space<vmem>>)
          tpu.yield
        }) : () -> ()
        %dma_start3A_383 = arith.constant 0 : i32
        %dma_start3A_384 = arith.constant 0 : i32
        %dma_start3A_385 = tpu.memref_slice %arg2[%dma_start3A_383, %dma_start3A_384] : memref<60000x128xf32, #tpu.memory_space<hbm>> -> memref<60000x128xf32, #tpu.memory_space<hbm>>
        tpu.enqueue_indirect_dma source(%dma_start3A_385 : memref<60000x128xf32, #tpu.memory_space<hbm>>) target(%arg12 : memref<80x128xf32, #tpu.memory_space<vmem>>) offsets(%arg8 : memref<80xi32, #tpu.memory_space<vmem>>) semaphore(%arg14 : memref<!tpu.dma_semaphore, #tpu.memory_space<semaphore_mem>>)
      } else {
      }
    }
    %scan3A_95 = arith.constant 62 : i32
    %dma_wait3A = arith.constant 0 : i32
    %dma_wait3A_96 = arith.constant 0 : i32
    %dma_wait3A_97 = tpu.memref_slice %arg2[%dma_wait3A, %dma_wait3A_96] : memref<60000x128xf32, #tpu.memory_space<hbm>> -> memref<60000x128xf32, #tpu.memory_space<hbm>>
    tpu.wait_indirect_dma semaphore(%arg13 : memref<!tpu.dma_semaphore, #tpu.memory_space<semaphore_mem>>) src(%dma_wait3A_97 : memref<60000x128xf32, #tpu.memory_space<hbm>>) dst(%arg11 : memref<80x128xf32, #tpu.memory_space<vmem>>)
    "tpu.region"() ({
      %run_scoped3A = tpu.sem_alloc : memref<!tpu.dma_semaphore, #tpu.memory_space<semaphore_mem>>
      %dma_start3A_319 = arith.constant 0 : i32
      %dma_start3A_320 = arith.constant 0 : i32
      %dma_start3A_321 = tpu.memref_slice %arg5[%dma_start3A_319, %dma_start3A_320] : memref<10240x128xf32, #tpu.memory_space<vmem_shared>> -> memref<10240x128xf32, #tpu.memory_space<vmem_shared>>
      tpu.enqueue_indirect_dma source(%arg11 : memref<80x128xf32, #tpu.memory_space<vmem>>) target(%dma_start3A_321 : memref<10240x128xf32, #tpu.memory_space<vmem_shared>>) offsets(%arg9 : memref<80xi32, #tpu.memory_space<vmem>>) semaphore(%run_scoped3A : memref<!tpu.dma_semaphore, #tpu.memory_space<semaphore_mem>>) {add = true}
      %dma_wait3A_322 = arith.constant 0 : i32
      %dma_wait3A_323 = arith.constant 0 : i32
      %dma_wait3A_324 = tpu.memref_slice %arg5[%dma_wait3A_322, %dma_wait3A_323] : memref<10240x128xf32, #tpu.memory_space<vmem_shared>> -> memref<10240x128xf32, #tpu.memory_space<vmem_shared>>
      tpu.wait_indirect_dma semaphore(%run_scoped3A : memref<!tpu.dma_semaphore, #tpu.memory_space<semaphore_mem>>) src(%arg11 : memref<80x128xf32, #tpu.memory_space<vmem>>) dst(%dma_wait3A_324 : memref<10240x128xf32, #tpu.memory_space<vmem_shared>>)
      tpu.yield
    }) : () -> ()
    %barrier3A_98 = arith.constant 0 : index
    tpu.barrier barrier_id(%barrier3A_98)
    %mul3A_99 = arith.constant 625 : i32
    %mul3A_100 = arith.muli %arg1, %mul3A_99 : i32
    %mul3A_101 = arith.constant 625 : i32
    %mul3A_102 = arith.muli %arg1, %mul3A_101 : i32
    %add3A_103 = arith.addi %add3A_6, %mul3A_102 : i32
    "tpu.region"() ({
      %run_scoped3A = tpu.sem_alloc : memref<!tpu.dma_semaphore, #tpu.memory_space<semaphore_mem>>
      %dma_start3A_319 = arith.constant 0 : i32
      %dma_start3A_320 = tpu.memref_slice %arg4[%add3A_103, %dma_start3A_319] : memref<60000x128xf32, #tpu.memory_space<hbm>> -> memref<625x128xf32, #tpu.memory_space<hbm>>
      %dma_start3A_321 = arith.constant 0 : i32
      %dma_start3A_322 = tpu.memref_slice %arg5[%mul3A_100, %dma_start3A_321] : memref<10240x128xf32, #tpu.memory_space<vmem_shared>> -> memref<625x128xf32, #tpu.memory_space<vmem_shared>>
      tpu.enqueue_dma source(%dma_start3A_322 : memref<625x128xf32, #tpu.memory_space<vmem_shared>>) target(%dma_start3A_320 : memref<625x128xf32, #tpu.memory_space<hbm>>) target_semaphore(%run_scoped3A : memref<!tpu.dma_semaphore, #tpu.memory_space<semaphore_mem>>)
      %dma_wait3A_323 = arith.constant 0 : i32
      %dma_wait3A_324 = tpu.memref_slice %arg4[%add3A_103, %dma_wait3A_323] : memref<60000x128xf32, #tpu.memory_space<hbm>> -> memref<625x128xf32, #tpu.memory_space<hbm>>
      %dma_wait3A_325 = arith.constant 0 : i32
      %dma_wait3A_326 = tpu.memref_slice %arg5[%mul3A_100, %dma_wait3A_325] : memref<10240x128xf32, #tpu.memory_space<vmem_shared>> -> memref<625x128xf32, #tpu.memory_space<vmem_shared>>
      tpu.wait_dma2 semaphore(%run_scoped3A : memref<!tpu.dma_semaphore, #tpu.memory_space<semaphore_mem>>) src(%dma_wait3A_326 : memref<625x128xf32, #tpu.memory_space<vmem_shared>>) dst(%dma_wait3A_324 : memref<625x128xf32, #tpu.memory_space<hbm>>)
      tpu.yield
    }) : () -> ()
    %barrier3A_104 = arith.constant 0 : index
    tpu.barrier barrier_id(%barrier3A_104)
    %mul3A_105 = arith.constant 10000 : i32
    %mul3A_106 = arith.muli %arg0, %mul3A_105 : i32
    %add3A_107 = arith.constant 20000 : i32
    %add3A_108 = arith.addi %add3A_107, %mul3A_106 : i32
    %mul3A_109 = arith.constant 10000 : i32
    %mul3A_110 = arith.muli %arg1, %mul3A_109 : i32
    %add3A_111 = arith.constant 320000 : i32
    %add3A_112 = arith.addi %add3A_111, %mul3A_110 : i32
    %mul3A_113 = arith.constant 10000 : i32
    %mul3A_114 = arith.muli %arg1, %mul3A_113 : i32
    %add3A_115 = arith.constant 480000 : i32
    %add3A_116 = arith.addi %add3A_115, %mul3A_114 : i32
    %scan3A_117 = arith.constant 0 : i32
    %scan3A_118 = arith.constant 10 : i32
    %scan3A_119 = arith.addi %scan3A_117, %scan3A_118 : i32
    %scan3A_120 = arith.constant 1 : i32
    scf.for %scan3A_319 = %scan3A_117 to %scan3A_119 step %scan3A_120  : i32 {
      %mul3A_320 = arith.constant 640 : i32
      %mul3A_321 = arith.muli %arg1, %mul3A_320 : i32
      %mul3A_322 = arith.constant 64 : i32
      %mul3A_323 = arith.muli %scan3A_319, %mul3A_322 : i32
      %add3A_324 = arith.addi %mul3A_321, %mul3A_323 : i32
      "tpu.region"() ({
        %run_scoped3A = tpu.sem_alloc : memref<!tpu.dma_semaphore, #tpu.memory_space<semaphore_mem>>
        %dma_start3A_325 = arith.constant 0 : i32
        %dma_start3A_326 = tpu.memref_slice %arg5[%add3A_324, %dma_start3A_325] : memref<10240x128xf32, #tpu.memory_space<vmem_shared>> -> memref<64x128xf32, #tpu.memory_space<vmem_shared>>
        %dma_start3A_327 = arith.constant 0 : i32
        %dma_start3A_328 = tpu.memref_slice %arg5[%add3A_324, %dma_start3A_327] : memref<10240x128xf32, #tpu.memory_space<vmem_shared>> -> memref<64x128xf32, #tpu.memory_space<vmem_shared>>
        tpu.enqueue_dma source(%arg6 : memref<64x128xf32, #tpu.memory_space<vmem>>) target(%dma_start3A_328 : memref<64x128xf32, #tpu.memory_space<vmem_shared>>) target_semaphore(%run_scoped3A : memref<!tpu.dma_semaphore, #tpu.memory_space<semaphore_mem>>)
        %dma_wait3A_329 = arith.constant 0 : i32
        %dma_wait3A_330 = tpu.memref_slice %arg5[%add3A_324, %dma_wait3A_329] : memref<10240x128xf32, #tpu.memory_space<vmem_shared>> -> memref<64x128xf32, #tpu.memory_space<vmem_shared>>
        %dma_wait3A_331 = arith.constant 0 : i32
        %dma_wait3A_332 = tpu.memref_slice %arg5[%add3A_324, %dma_wait3A_331] : memref<10240x128xf32, #tpu.memory_space<vmem_shared>> -> memref<64x128xf32, #tpu.memory_space<vmem_shared>>
        tpu.wait_dma2 semaphore(%run_scoped3A : memref<!tpu.dma_semaphore, #tpu.memory_space<semaphore_mem>>) src(%arg6 : memref<64x128xf32, #tpu.memory_space<vmem>>) dst(%dma_wait3A_332 : memref<64x128xf32, #tpu.memory_space<vmem_shared>>)
        tpu.yield
      }) : () -> ()
    }
    %scan3A_121 = arith.constant 10 : i32
    %barrier3A_122 = arith.constant 0 : index
    tpu.barrier barrier_id(%barrier3A_122)
    %add3A_123 = arith.constant 0 : i32
    %add3A_124 = arith.addi %add3A_112, %add3A_123 : i32
    "tpu.region"() ({
      %run_scoped3A = tpu.sem_alloc : memref<!tpu.dma_semaphore, #tpu.memory_space<semaphore_mem>>
      %dma_start3A_319 = tpu.memref_slice %arg3[%add3A_124] : memref<960000xi32, #tpu.memory_space<hbm>> -> memref<80xi32, #tpu.memory_space<hbm>>
      %dma_start3A_320 = tpu.memref_slice %arg3[%add3A_124] : memref<960000xi32, #tpu.memory_space<hbm>> -> memref<80xi32, #tpu.memory_space<hbm>>
      tpu.enqueue_dma source(%dma_start3A_320 : memref<80xi32, #tpu.memory_space<hbm>>) target(%arg7 : memref<80xi32, #tpu.memory_space<vmem>>) target_semaphore(%run_scoped3A : memref<!tpu.dma_semaphore, #tpu.memory_space<semaphore_mem>>)
      %dma_wait3A_321 = tpu.memref_slice %arg3[%add3A_124] : memref<960000xi32, #tpu.memory_space<hbm>> -> memref<80xi32, #tpu.memory_space<hbm>>
      %dma_wait3A_322 = tpu.memref_slice %arg3[%add3A_124] : memref<960000xi32, #tpu.memory_space<hbm>> -> memref<80xi32, #tpu.memory_space<hbm>>
      tpu.wait_dma2 semaphore(%run_scoped3A : memref<!tpu.dma_semaphore, #tpu.memory_space<semaphore_mem>>) src(%dma_wait3A_322 : memref<80xi32, #tpu.memory_space<hbm>>) dst(%arg7 : memref<80xi32, #tpu.memory_space<vmem>>)
      tpu.yield
    }) : () -> ()
    %get3A_125 = arith.constant 0 : index
    %get3A_126 = tpu.vector_load %arg7[%get3A_125] {strides = array<i32>} : memref<80xi32, #tpu.memory_space<vmem>>, vector<16xi32>,
    %add3A_127 = vector.broadcast %add3A_108 : i32 to vector<16xi32>
    %add3A_128 = arith.addi %get3A_126, %add3A_127 : vector<16xi32>
    %swap3A_129 = arith.constant 0 : index
    %swap3A_130 = tpu.vector_load %arg7[%swap3A_129] {strides = array<i32>} : memref<80xi32, #tpu.memory_space<vmem>>, vector<16xi32>,
    tpu.vector_store %arg7[%swap3A_129], %add3A_128 {strides = array<i32>} : memref<80xi32, #tpu.memory_space<vmem>>, vector<16xi32>,
    %get3A_131 = arith.constant 16 : index
    %get3A_132 = tpu.vector_load %arg7[%get3A_131] {strides = array<i32>} : memref<80xi32, #tpu.memory_space<vmem>>, vector<16xi32>,
    %add3A_133 = vector.broadcast %add3A_108 : i32 to vector<16xi32>
    %add3A_134 = arith.addi %get3A_132, %add3A_133 : vector<16xi32>
    %swap3A_135 = arith.constant 16 : index
    %swap3A_136 = tpu.vector_load %arg7[%swap3A_135] {strides = array<i32>} : memref<80xi32, #tpu.memory_space<vmem>>, vector<16xi32>,
    tpu.vector_store %arg7[%swap3A_135], %add3A_134 {strides = array<i32>} : memref<80xi32, #tpu.memory_space<vmem>>, vector<16xi32>,
    %get3A_137 = arith.constant 32 : index
    %get3A_138 = tpu.vector_load %arg7[%get3A_137] {strides = array<i32>} : memref<80xi32, #tpu.memory_space<vmem>>, vector<16xi32>,
    %add3A_139 = vector.broadcast %add3A_108 : i32 to vector<16xi32>
    %add3A_140 = arith.addi %get3A_138, %add3A_139 : vector<16xi32>
    %swap3A_141 = arith.constant 32 : index
    %swap3A_142 = tpu.vector_load %arg7[%swap3A_141] {strides = array<i32>} : memref<80xi32, #tpu.memory_space<vmem>>, vector<16xi32>,
    tpu.vector_store %arg7[%swap3A_141], %add3A_140 {strides = array<i32>} : memref<80xi32, #tpu.memory_space<vmem>>, vector<16xi32>,
    %get3A_143 = arith.constant 48 : index
    %get3A_144 = tpu.vector_load %arg7[%get3A_143] {strides = array<i32>} : memref<80xi32, #tpu.memory_space<vmem>>, vector<16xi32>,
    %add3A_145 = vector.broadcast %add3A_108 : i32 to vector<16xi32>
    %add3A_146 = arith.addi %get3A_144, %add3A_145 : vector<16xi32>
    %swap3A_147 = arith.constant 48 : index
    %swap3A_148 = tpu.vector_load %arg7[%swap3A_147] {strides = array<i32>} : memref<80xi32, #tpu.memory_space<vmem>>, vector<16xi32>,
    tpu.vector_store %arg7[%swap3A_147], %add3A_146 {strides = array<i32>} : memref<80xi32, #tpu.memory_space<vmem>>, vector<16xi32>,
    %get3A_149 = arith.constant 64 : index
    %get3A_150 = tpu.vector_load %arg7[%get3A_149] {strides = array<i32>} : memref<80xi32, #tpu.memory_space<vmem>>, vector<16xi32>,
    %add3A_151 = vector.broadcast %add3A_108 : i32 to vector<16xi32>
    %add3A_152 = arith.addi %get3A_150, %add3A_151 : vector<16xi32>
    %swap3A_153 = arith.constant 64 : index
    %swap3A_154 = tpu.vector_load %arg7[%swap3A_153] {strides = array<i32>} : memref<80xi32, #tpu.memory_space<vmem>>, vector<16xi32>,
    tpu.vector_store %arg7[%swap3A_153], %add3A_152 {strides = array<i32>} : memref<80xi32, #tpu.memory_space<vmem>>, vector<16xi32>,
    %add3A_155 = arith.constant 0 : i32
    %add3A_156 = arith.addi %add3A_116, %add3A_155 : i32
    "tpu.region"() ({
      %run_scoped3A = tpu.sem_alloc : memref<!tpu.dma_semaphore, #tpu.memory_space<semaphore_mem>>
      %dma_start3A_319 = tpu.memref_slice %arg3[%add3A_156] : memref<960000xi32, #tpu.memory_space<hbm>> -> memref<80xi32, #tpu.memory_space<hbm>>
      %dma_start3A_320 = tpu.memref_slice %arg3[%add3A_156] : memref<960000xi32, #tpu.memory_space<hbm>> -> memref<80xi32, #tpu.memory_space<hbm>>
      tpu.enqueue_dma source(%dma_start3A_320 : memref<80xi32, #tpu.memory_space<hbm>>) target(%arg9 : memref<80xi32, #tpu.memory_space<vmem>>) target_semaphore(%run_scoped3A : memref<!tpu.dma_semaphore, #tpu.memory_space<semaphore_mem>>)
      %dma_wait3A_321 = tpu.memref_slice %arg3[%add3A_156] : memref<960000xi32, #tpu.memory_space<hbm>> -> memref<80xi32, #tpu.memory_space<hbm>>
      %dma_wait3A_322 = tpu.memref_slice %arg3[%add3A_156] : memref<960000xi32, #tpu.memory_space<hbm>> -> memref<80xi32, #tpu.memory_space<hbm>>
      tpu.wait_dma2 semaphore(%run_scoped3A : memref<!tpu.dma_semaphore, #tpu.memory_space<semaphore_mem>>) src(%dma_wait3A_322 : memref<80xi32, #tpu.memory_space<hbm>>) dst(%arg9 : memref<80xi32, #tpu.memory_space<vmem>>)
      tpu.yield
    }) : () -> ()
    %dma_start3A_157 = arith.constant 0 : i32
    %dma_start3A_158 = arith.constant 0 : i32
    %dma_start3A_159 = tpu.memref_slice %arg2[%dma_start3A_157, %dma_start3A_158] : memref<60000x128xf32, #tpu.memory_space<hbm>> -> memref<60000x128xf32, #tpu.memory_space<hbm>>
    tpu.enqueue_indirect_dma source(%dma_start3A_159 : memref<60000x128xf32, #tpu.memory_space<hbm>>) target(%arg11 : memref<80x128xf32, #tpu.memory_space<vmem>>) offsets(%arg7 : memref<80xi32, #tpu.memory_space<vmem>>) semaphore(%arg13 : memref<!tpu.dma_semaphore, #tpu.memory_space<semaphore_mem>>)
    %add3A_160 = arith.constant 80 : i32
    %add3A_161 = arith.addi %add3A_112, %add3A_160 : i32
    "tpu.region"() ({
      %run_scoped3A = tpu.sem_alloc : memref<!tpu.dma_semaphore, #tpu.memory_space<semaphore_mem>>
      %dma_start3A_319 = tpu.memref_slice %arg3[%add3A_161] : memref<960000xi32, #tpu.memory_space<hbm>> -> memref<80xi32, #tpu.memory_space<hbm>>
      %dma_start3A_320 = tpu.memref_slice %arg3[%add3A_161] : memref<960000xi32, #tpu.memory_space<hbm>> -> memref<80xi32, #tpu.memory_space<hbm>>
      tpu.enqueue_dma source(%dma_start3A_320 : memref<80xi32, #tpu.memory_space<hbm>>) target(%arg8 : memref<80xi32, #tpu.memory_space<vmem>>) target_semaphore(%run_scoped3A : memref<!tpu.dma_semaphore, #tpu.memory_space<semaphore_mem>>)
      %dma_wait3A_321 = tpu.memref_slice %arg3[%add3A_161] : memref<960000xi32, #tpu.memory_space<hbm>> -> memref<80xi32, #tpu.memory_space<hbm>>
      %dma_wait3A_322 = tpu.memref_slice %arg3[%add3A_161] : memref<960000xi32, #tpu.memory_space<hbm>> -> memref<80xi32, #tpu.memory_space<hbm>>
      tpu.wait_dma2 semaphore(%run_scoped3A : memref<!tpu.dma_semaphore, #tpu.memory_space<semaphore_mem>>) src(%dma_wait3A_322 : memref<80xi32, #tpu.memory_space<hbm>>) dst(%arg8 : memref<80xi32, #tpu.memory_space<vmem>>)
      tpu.yield
    }) : () -> ()
    %get3A_162 = arith.constant 0 : index
    %get3A_163 = tpu.vector_load %arg8[%get3A_162] {strides = array<i32>} : memref<80xi32, #tpu.memory_space<vmem>>, vector<16xi32>,
    %add3A_164 = vector.broadcast %add3A_108 : i32 to vector<16xi32>
    %add3A_165 = arith.addi %get3A_163, %add3A_164 : vector<16xi32>
    %swap3A_166 = arith.constant 0 : index
    %swap3A_167 = tpu.vector_load %arg8[%swap3A_166] {strides = array<i32>} : memref<80xi32, #tpu.memory_space<vmem>>, vector<16xi32>,
    tpu.vector_store %arg8[%swap3A_166], %add3A_165 {strides = array<i32>} : memref<80xi32, #tpu.memory_space<vmem>>, vector<16xi32>,
    %get3A_168 = arith.constant 16 : index
    %get3A_169 = tpu.vector_load %arg8[%get3A_168] {strides = array<i32>} : memref<80xi32, #tpu.memory_space<vmem>>, vector<16xi32>,
    %add3A_170 = vector.broadcast %add3A_108 : i32 to vector<16xi32>
    %add3A_171 = arith.addi %get3A_169, %add3A_170 : vector<16xi32>
    %swap3A_172 = arith.constant 16 : index
    %swap3A_173 = tpu.vector_load %arg8[%swap3A_172] {strides = array<i32>} : memref<80xi32, #tpu.memory_space<vmem>>, vector<16xi32>,
    tpu.vector_store %arg8[%swap3A_172], %add3A_171 {strides = array<i32>} : memref<80xi32, #tpu.memory_space<vmem>>, vector<16xi32>,
    %get3A_174 = arith.constant 32 : index
    %get3A_175 = tpu.vector_load %arg8[%get3A_174] {strides = array<i32>} : memref<80xi32, #tpu.memory_space<vmem>>, vector<16xi32>,
    %add3A_176 = vector.broadcast %add3A_108 : i32 to vector<16xi32>
    %add3A_177 = arith.addi %get3A_175, %add3A_176 : vector<16xi32>
    %swap3A_178 = arith.constant 32 : index
    %swap3A_179 = tpu.vector_load %arg8[%swap3A_178] {strides = array<i32>} : memref<80xi32, #tpu.memory_space<vmem>>, vector<16xi32>,
    tpu.vector_store %arg8[%swap3A_178], %add3A_177 {strides = array<i32>} : memref<80xi32, #tpu.memory_space<vmem>>, vector<16xi32>,
    %get3A_180 = arith.constant 48 : index
    %get3A_181 = tpu.vector_load %arg8[%get3A_180] {strides = array<i32>} : memref<80xi32, #tpu.memory_space<vmem>>, vector<16xi32>,
    %add3A_182 = vector.broadcast %add3A_108 : i32 to vector<16xi32>
    %add3A_183 = arith.addi %get3A_181, %add3A_182 : vector<16xi32>
    %swap3A_184 = arith.constant 48 : index
    %swap3A_185 = tpu.vector_load %arg8[%swap3A_184] {strides = array<i32>} : memref<80xi32, #tpu.memory_space<vmem>>, vector<16xi32>,
    tpu.vector_store %arg8[%swap3A_184], %add3A_183 {strides = array<i32>} : memref<80xi32, #tpu.memory_space<vmem>>, vector<16xi32>,
    %get3A_186 = arith.constant 64 : index
    %get3A_187 = tpu.vector_load %arg8[%get3A_186] {strides = array<i32>} : memref<80xi32, #tpu.memory_space<vmem>>, vector<16xi32>,
    %add3A_188 = vector.broadcast %add3A_108 : i32 to vector<16xi32>
    %add3A_189 = arith.addi %get3A_187, %add3A_188 : vector<16xi32>
    %swap3A_190 = arith.constant 64 : index
    %swap3A_191 = tpu.vector_load %arg8[%swap3A_190] {strides = array<i32>} : memref<80xi32, #tpu.memory_space<vmem>>, vector<16xi32>,
    tpu.vector_store %arg8[%swap3A_190], %add3A_189 {strides = array<i32>} : memref<80xi32, #tpu.memory_space<vmem>>, vector<16xi32>,
    %add3A_192 = arith.constant 80 : i32
    %add3A_193 = arith.addi %add3A_116, %add3A_192 : i32
    "tpu.region"() ({
      %run_scoped3A = tpu.sem_alloc : memref<!tpu.dma_semaphore, #tpu.memory_space<semaphore_mem>>
      %dma_start3A_319 = tpu.memref_slice %arg3[%add3A_193] : memref<960000xi32, #tpu.memory_space<hbm>> -> memref<80xi32, #tpu.memory_space<hbm>>
      %dma_start3A_320 = tpu.memref_slice %arg3[%add3A_193] : memref<960000xi32, #tpu.memory_space<hbm>> -> memref<80xi32, #tpu.memory_space<hbm>>
      tpu.enqueue_dma source(%dma_start3A_320 : memref<80xi32, #tpu.memory_space<hbm>>) target(%arg10 : memref<80xi32, #tpu.memory_space<vmem>>) target_semaphore(%run_scoped3A : memref<!tpu.dma_semaphore, #tpu.memory_space<semaphore_mem>>)
      %dma_wait3A_321 = tpu.memref_slice %arg3[%add3A_193] : memref<960000xi32, #tpu.memory_space<hbm>> -> memref<80xi32, #tpu.memory_space<hbm>>
      %dma_wait3A_322 = tpu.memref_slice %arg3[%add3A_193] : memref<960000xi32, #tpu.memory_space<hbm>> -> memref<80xi32, #tpu.memory_space<hbm>>
      tpu.wait_dma2 semaphore(%run_scoped3A : memref<!tpu.dma_semaphore, #tpu.memory_space<semaphore_mem>>) src(%dma_wait3A_322 : memref<80xi32, #tpu.memory_space<hbm>>) dst(%arg10 : memref<80xi32, #tpu.memory_space<vmem>>)
      tpu.yield
    }) : () -> ()
    %dma_start3A_194 = arith.constant 0 : i32
    %dma_start3A_195 = arith.constant 0 : i32
    %dma_start3A_196 = tpu.memref_slice %arg2[%dma_start3A_194, %dma_start3A_195] : memref<60000x128xf32, #tpu.memory_space<hbm>> -> memref<60000x128xf32, #tpu.memory_space<hbm>>
    tpu.enqueue_indirect_dma source(%dma_start3A_196 : memref<60000x128xf32, #tpu.memory_space<hbm>>) target(%arg12 : memref<80x128xf32, #tpu.memory_space<vmem>>) offsets(%arg8 : memref<80xi32, #tpu.memory_space<vmem>>) semaphore(%arg14 : memref<!tpu.dma_semaphore, #tpu.memory_space<semaphore_mem>>)
    %scan3A_197 = arith.constant 0 : i32
    %scan3A_198 = arith.constant 62 : i32
    %scan3A_199 = arith.addi %scan3A_197, %scan3A_198 : i32
    %scan3A_200 = arith.constant 1 : i32
    scf.for %scan3A_319 = %scan3A_197 to %scan3A_199 step %scan3A_200  : i32 {
      %mul3A_320 = arith.constant 2 : i32
      %mul3A_321 = arith.muli %mul3A_320, %scan3A_319 : i32
      %add3A_322 = arith.constant 0 : i32
      %add3A_323 = arith.addi %mul3A_321, %add3A_322 : i32
      %dma_wait3A_324 = arith.constant 0 : i32
      %dma_wait3A_325 = arith.constant 0 : i32
      %dma_wait3A_326 = tpu.memref_slice %arg2[%dma_wait3A_324, %dma_wait3A_325] : memref<60000x128xf32, #tpu.memory_space<hbm>> -> memref<60000x128xf32, #tpu.memory_space<hbm>>
      tpu.wait_indirect_dma semaphore(%arg13 : memref<!tpu.dma_semaphore, #tpu.memory_space<semaphore_mem>>) src(%dma_wait3A_326 : memref<60000x128xf32, #tpu.memory_space<hbm>>) dst(%arg11 : memref<80x128xf32, #tpu.memory_space<vmem>>)
      "tpu.region"() ({
        %run_scoped3A = tpu.sem_alloc : memref<!tpu.dma_semaphore, #tpu.memory_space<semaphore_mem>>
        %dma_start3A_345 = arith.constant 0 : i32
        %dma_start3A_346 = arith.constant 0 : i32
        %dma_start3A_347 = tpu.memref_slice %arg5[%dma_start3A_345, %dma_start3A_346] : memref<10240x128xf32, #tpu.memory_space<vmem_shared>> -> memref<10240x128xf32, #tpu.memory_space<vmem_shared>>
        tpu.enqueue_indirect_dma source(%arg11 : memref<80x128xf32, #tpu.memory_space<vmem>>) target(%dma_start3A_347 : memref<10240x128xf32, #tpu.memory_space<vmem_shared>>) offsets(%arg9 : memref<80xi32, #tpu.memory_space<vmem>>) semaphore(%run_scoped3A : memref<!tpu.dma_semaphore, #tpu.memory_space<semaphore_mem>>) {add = true}
        %dma_wait3A_348 = arith.constant 0 : i32
        %dma_wait3A_349 = arith.constant 0 : i32
        %dma_wait3A_350 = tpu.memref_slice %arg5[%dma_wait3A_348, %dma_wait3A_349] : memref<10240x128xf32, #tpu.memory_space<vmem_shared>> -> memref<10240x128xf32, #tpu.memory_space<vmem_shared>>
        tpu.wait_indirect_dma semaphore(%run_scoped3A : memref<!tpu.dma_semaphore, #tpu.memory_space<semaphore_mem>>) src(%arg11 : memref<80x128xf32, #tpu.memory_space<vmem>>) dst(%dma_wait3A_350 : memref<10240x128xf32, #tpu.memory_space<vmem_shared>>)
        tpu.yield
      }) : () -> ()
      %add3A_327 = arith.constant 2 : i32
      %add3A_328 = arith.addi %add3A_323, %add3A_327 : i32
      %lt3A = arith.constant 125 : i32
      %lt3A_329 = arith.cmpi slt, %add3A_328, %lt3A : i32
      %convert_element_type3A = arith.extui %lt3A_329 : i1 to i32
      %cond3A = arith.constant 0 : i32
      %cond3A_330 = arith.cmpi ne, %convert_element_type3A, %cond3A : i32
      scf.if %cond3A_330 {
        %add3A_345 = arith.constant 2 : i32
        %add3A_346 = arith.addi %add3A_323, %add3A_345 : i32
        %mul3A_347 = arith.constant 80 : i32
        %mul3A_348 = arith.muli %add3A_346, %mul3A_347 : i32
        %add3A_349 = arith.addi %add3A_112, %mul3A_348 : i32
        "tpu.region"() ({
          %run_scoped3A = tpu.sem_alloc : memref<!tpu.dma_semaphore, #tpu.memory_space<semaphore_mem>>
          %dma_start3A_386 = tpu.memref_slice %arg3[%add3A_349] : memref<960000xi32, #tpu.memory_space<hbm>> -> memref<80xi32, #tpu.memory_space<hbm>>
          %dma_start3A_387 = tpu.memref_slice %arg3[%add3A_349] : memref<960000xi32, #tpu.memory_space<hbm>> -> memref<80xi32, #tpu.memory_space<hbm>>
          tpu.enqueue_dma source(%dma_start3A_387 : memref<80xi32, #tpu.memory_space<hbm>>) target(%arg7 : memref<80xi32, #tpu.memory_space<vmem>>) target_semaphore(%run_scoped3A : memref<!tpu.dma_semaphore, #tpu.memory_space<semaphore_mem>>)
          %dma_wait3A_388 = tpu.memref_slice %arg3[%add3A_349] : memref<960000xi32, #tpu.memory_space<hbm>> -> memref<80xi32, #tpu.memory_space<hbm>>
          %dma_wait3A_389 = tpu.memref_slice %arg3[%add3A_349] : memref<960000xi32, #tpu.memory_space<hbm>> -> memref<80xi32, #tpu.memory_space<hbm>>
          tpu.wait_dma2 semaphore(%run_scoped3A : memref<!tpu.dma_semaphore, #tpu.memory_space<semaphore_mem>>) src(%dma_wait3A_389 : memref<80xi32, #tpu.memory_space<hbm>>) dst(%arg7 : memref<80xi32, #tpu.memory_space<vmem>>)
          tpu.yield
        }) : () -> ()
        %get3A_350 = arith.constant 0 : index
        %get3A_351 = tpu.vector_load %arg7[%get3A_350] {strides = array<i32>} : memref<80xi32, #tpu.memory_space<vmem>>, vector<16xi32>,
        %add3A_352 = vector.broadcast %add3A_108 : i32 to vector<16xi32>
        %add3A_353 = arith.addi %get3A_351, %add3A_352 : vector<16xi32>
        %swap3A_354 = arith.constant 0 : index
        %swap3A_355 = tpu.vector_load %arg7[%swap3A_354] {strides = array<i32>} : memref<80xi32, #tpu.memory_space<vmem>>, vector<16xi32>,
        tpu.vector_store %arg7[%swap3A_354], %add3A_353 {strides = array<i32>} : memref<80xi32, #tpu.memory_space<vmem>>, vector<16xi32>,
        %get3A_356 = arith.constant 16 : index
        %get3A_357 = tpu.vector_load %arg7[%get3A_356] {strides = array<i32>} : memref<80xi32, #tpu.memory_space<vmem>>, vector<16xi32>,
        %add3A_358 = vector.broadcast %add3A_108 : i32 to vector<16xi32>
        %add3A_359 = arith.addi %get3A_357, %add3A_358 : vector<16xi32>
        %swap3A_360 = arith.constant 16 : index
        %swap3A_361 = tpu.vector_load %arg7[%swap3A_360] {strides = array<i32>} : memref<80xi32, #tpu.memory_space<vmem>>, vector<16xi32>,
        tpu.vector_store %arg7[%swap3A_360], %add3A_359 {strides = array<i32>} : memref<80xi32, #tpu.memory_space<vmem>>, vector<16xi32>,
        %get3A_362 = arith.constant 32 : index
        %get3A_363 = tpu.vector_load %arg7[%get3A_362] {strides = array<i32>} : memref<80xi32, #tpu.memory_space<vmem>>, vector<16xi32>,
        %add3A_364 = vector.broadcast %add3A_108 : i32 to vector<16xi32>
        %add3A_365 = arith.addi %get3A_363, %add3A_364 : vector<16xi32>
        %swap3A_366 = arith.constant 32 : index
        %swap3A_367 = tpu.vector_load %arg7[%swap3A_366] {strides = array<i32>} : memref<80xi32, #tpu.memory_space<vmem>>, vector<16xi32>,
        tpu.vector_store %arg7[%swap3A_366], %add3A_365 {strides = array<i32>} : memref<80xi32, #tpu.memory_space<vmem>>, vector<16xi32>,
        %get3A_368 = arith.constant 48 : index
        %get3A_369 = tpu.vector_load %arg7[%get3A_368] {strides = array<i32>} : memref<80xi32, #tpu.memory_space<vmem>>, vector<16xi32>,
        %add3A_370 = vector.broadcast %add3A_108 : i32 to vector<16xi32>
        %add3A_371 = arith.addi %get3A_369, %add3A_370 : vector<16xi32>
        %swap3A_372 = arith.constant 48 : index
        %swap3A_373 = tpu.vector_load %arg7[%swap3A_372] {strides = array<i32>} : memref<80xi32, #tpu.memory_space<vmem>>, vector<16xi32>,
        tpu.vector_store %arg7[%swap3A_372], %add3A_371 {strides = array<i32>} : memref<80xi32, #tpu.memory_space<vmem>>, vector<16xi32>,
        %get3A_374 = arith.constant 64 : index
        %get3A_375 = tpu.vector_load %arg7[%get3A_374] {strides = array<i32>} : memref<80xi32, #tpu.memory_space<vmem>>, vector<16xi32>,
        %add3A_376 = vector.broadcast %add3A_108 : i32 to vector<16xi32>
        %add3A_377 = arith.addi %get3A_375, %add3A_376 : vector<16xi32>
        %swap3A_378 = arith.constant 64 : index
        %swap3A_379 = tpu.vector_load %arg7[%swap3A_378] {strides = array<i32>} : memref<80xi32, #tpu.memory_space<vmem>>, vector<16xi32>,
        tpu.vector_store %arg7[%swap3A_378], %add3A_377 {strides = array<i32>} : memref<80xi32, #tpu.memory_space<vmem>>, vector<16xi32>,
        %mul3A_380 = arith.constant 80 : i32
        %mul3A_381 = arith.muli %add3A_346, %mul3A_380 : i32
        %add3A_382 = arith.addi %add3A_116, %mul3A_381 : i32
        "tpu.region"() ({
          %run_scoped3A = tpu.sem_alloc : memref<!tpu.dma_semaphore, #tpu.memory_space<semaphore_mem>>
          %dma_start3A_386 = tpu.memref_slice %arg3[%add3A_382] : memref<960000xi32, #tpu.memory_space<hbm>> -> memref<80xi32, #tpu.memory_space<hbm>>
          %dma_start3A_387 = tpu.memref_slice %arg3[%add3A_382] : memref<960000xi32, #tpu.memory_space<hbm>> -> memref<80xi32, #tpu.memory_space<hbm>>
          tpu.enqueue_dma source(%dma_start3A_387 : memref<80xi32, #tpu.memory_space<hbm>>) target(%arg9 : memref<80xi32, #tpu.memory_space<vmem>>) target_semaphore(%run_scoped3A : memref<!tpu.dma_semaphore, #tpu.memory_space<semaphore_mem>>)
          %dma_wait3A_388 = tpu.memref_slice %arg3[%add3A_382] : memref<960000xi32, #tpu.memory_space<hbm>> -> memref<80xi32, #tpu.memory_space<hbm>>
          %dma_wait3A_389 = tpu.memref_slice %arg3[%add3A_382] : memref<960000xi32, #tpu.memory_space<hbm>> -> memref<80xi32, #tpu.memory_space<hbm>>
          tpu.wait_dma2 semaphore(%run_scoped3A : memref<!tpu.dma_semaphore, #tpu.memory_space<semaphore_mem>>) src(%dma_wait3A_389 : memref<80xi32, #tpu.memory_space<hbm>>) dst(%arg9 : memref<80xi32, #tpu.memory_space<vmem>>)
          tpu.yield
        }) : () -> ()
        %dma_start3A_383 = arith.constant 0 : i32
        %dma_start3A_384 = arith.constant 0 : i32
        %dma_start3A_385 = tpu.memref_slice %arg2[%dma_start3A_383, %dma_start3A_384] : memref<60000x128xf32, #tpu.memory_space<hbm>> -> memref<60000x128xf32, #tpu.memory_space<hbm>>
        tpu.enqueue_indirect_dma source(%dma_start3A_385 : memref<60000x128xf32, #tpu.memory_space<hbm>>) target(%arg11 : memref<80x128xf32, #tpu.memory_space<vmem>>) offsets(%arg7 : memref<80xi32, #tpu.memory_space<vmem>>) semaphore(%arg13 : memref<!tpu.dma_semaphore, #tpu.memory_space<semaphore_mem>>)
      } else {
      }
      %mul3A_331 = arith.constant 2 : i32
      %mul3A_332 = arith.muli %mul3A_331, %scan3A_319 : i32
      %add3A_333 = arith.constant 1 : i32
      %add3A_334 = arith.addi %mul3A_332, %add3A_333 : i32
      %dma_wait3A_335 = arith.constant 0 : i32
      %dma_wait3A_336 = arith.constant 0 : i32
      %dma_wait3A_337 = tpu.memref_slice %arg2[%dma_wait3A_335, %dma_wait3A_336] : memref<60000x128xf32, #tpu.memory_space<hbm>> -> memref<60000x128xf32, #tpu.memory_space<hbm>>
      tpu.wait_indirect_dma semaphore(%arg14 : memref<!tpu.dma_semaphore, #tpu.memory_space<semaphore_mem>>) src(%dma_wait3A_337 : memref<60000x128xf32, #tpu.memory_space<hbm>>) dst(%arg12 : memref<80x128xf32, #tpu.memory_space<vmem>>)
      "tpu.region"() ({
        %run_scoped3A = tpu.sem_alloc : memref<!tpu.dma_semaphore, #tpu.memory_space<semaphore_mem>>
        %dma_start3A_345 = arith.constant 0 : i32
        %dma_start3A_346 = arith.constant 0 : i32
        %dma_start3A_347 = tpu.memref_slice %arg5[%dma_start3A_345, %dma_start3A_346] : memref<10240x128xf32, #tpu.memory_space<vmem_shared>> -> memref<10240x128xf32, #tpu.memory_space<vmem_shared>>
        tpu.enqueue_indirect_dma source(%arg12 : memref<80x128xf32, #tpu.memory_space<vmem>>) target(%dma_start3A_347 : memref<10240x128xf32, #tpu.memory_space<vmem_shared>>) offsets(%arg10 : memref<80xi32, #tpu.memory_space<vmem>>) semaphore(%run_scoped3A : memref<!tpu.dma_semaphore, #tpu.memory_space<semaphore_mem>>) {add = true}
        %dma_wait3A_348 = arith.constant 0 : i32
        %dma_wait3A_349 = arith.constant 0 : i32
        %dma_wait3A_350 = tpu.memref_slice %arg5[%dma_wait3A_348, %dma_wait3A_349] : memref<10240x128xf32, #tpu.memory_space<vmem_shared>> -> memref<10240x128xf32, #tpu.memory_space<vmem_shared>>
        tpu.wait_indirect_dma semaphore(%run_scoped3A : memref<!tpu.dma_semaphore, #tpu.memory_space<semaphore_mem>>) src(%arg12 : memref<80x128xf32, #tpu.memory_space<vmem>>) dst(%dma_wait3A_350 : memref<10240x128xf32, #tpu.memory_space<vmem_shared>>)
        tpu.yield
      }) : () -> ()
      %add3A_338 = arith.constant 2 : i32
      %add3A_339 = arith.addi %add3A_334, %add3A_338 : i32
      %lt3A_340 = arith.constant 125 : i32
      %lt3A_341 = arith.cmpi slt, %add3A_339, %lt3A_340 : i32
      %convert_element_type3A_342 = arith.extui %lt3A_341 : i1 to i32
      %cond3A_343 = arith.constant 0 : i32
      %cond3A_344 = arith.cmpi ne, %convert_element_type3A_342, %cond3A_343 : i32
      scf.if %cond3A_344 {
        %add3A_345 = arith.constant 2 : i32
        %add3A_346 = arith.addi %add3A_334, %add3A_345 : i32
        %mul3A_347 = arith.constant 80 : i32
        %mul3A_348 = arith.muli %add3A_346, %mul3A_347 : i32
        %add3A_349 = arith.addi %add3A_112, %mul3A_348 : i32
        "tpu.region"() ({
          %run_scoped3A = tpu.sem_alloc : memref<!tpu.dma_semaphore, #tpu.memory_space<semaphore_mem>>
          %dma_start3A_386 = tpu.memref_slice %arg3[%add3A_349] : memref<960000xi32, #tpu.memory_space<hbm>> -> memref<80xi32, #tpu.memory_space<hbm>>
          %dma_start3A_387 = tpu.memref_slice %arg3[%add3A_349] : memref<960000xi32, #tpu.memory_space<hbm>> -> memref<80xi32, #tpu.memory_space<hbm>>
          tpu.enqueue_dma source(%dma_start3A_387 : memref<80xi32, #tpu.memory_space<hbm>>) target(%arg8 : memref<80xi32, #tpu.memory_space<vmem>>) target_semaphore(%run_scoped3A : memref<!tpu.dma_semaphore, #tpu.memory_space<semaphore_mem>>)
          %dma_wait3A_388 = tpu.memref_slice %arg3[%add3A_349] : memref<960000xi32, #tpu.memory_space<hbm>> -> memref<80xi32, #tpu.memory_space<hbm>>
          %dma_wait3A_389 = tpu.memref_slice %arg3[%add3A_349] : memref<960000xi32, #tpu.memory_space<hbm>> -> memref<80xi32, #tpu.memory_space<hbm>>
          tpu.wait_dma2 semaphore(%run_scoped3A : memref<!tpu.dma_semaphore, #tpu.memory_space<semaphore_mem>>) src(%dma_wait3A_389 : memref<80xi32, #tpu.memory_space<hbm>>) dst(%arg8 : memref<80xi32, #tpu.memory_space<vmem>>)
          tpu.yield
        }) : () -> ()
        %get3A_350 = arith.constant 0 : index
        %get3A_351 = tpu.vector_load %arg8[%get3A_350] {strides = array<i32>} : memref<80xi32, #tpu.memory_space<vmem>>, vector<16xi32>,
        %add3A_352 = vector.broadcast %add3A_108 : i32 to vector<16xi32>
        %add3A_353 = arith.addi %get3A_351, %add3A_352 : vector<16xi32>
        %swap3A_354 = arith.constant 0 : index
        %swap3A_355 = tpu.vector_load %arg8[%swap3A_354] {strides = array<i32>} : memref<80xi32, #tpu.memory_space<vmem>>, vector<16xi32>,
        tpu.vector_store %arg8[%swap3A_354], %add3A_353 {strides = array<i32>} : memref<80xi32, #tpu.memory_space<vmem>>, vector<16xi32>,
        %get3A_356 = arith.constant 16 : index
        %get3A_357 = tpu.vector_load %arg8[%get3A_356] {strides = array<i32>} : memref<80xi32, #tpu.memory_space<vmem>>, vector<16xi32>,
        %add3A_358 = vector.broadcast %add3A_108 : i32 to vector<16xi32>
        %add3A_359 = arith.addi %get3A_357, %add3A_358 : vector<16xi32>
        %swap3A_360 = arith.constant 16 : index
        %swap3A_361 = tpu.vector_load %arg8[%swap3A_360] {strides = array<i32>} : memref<80xi32, #tpu.memory_space<vmem>>, vector<16xi32>,
        tpu.vector_store %arg8[%swap3A_360], %add3A_359 {strides = array<i32>} : memref<80xi32, #tpu.memory_space<vmem>>, vector<16xi32>,
        %get3A_362 = arith.constant 32 : index
        %get3A_363 = tpu.vector_load %arg8[%get3A_362] {strides = array<i32>} : memref<80xi32, #tpu.memory_space<vmem>>, vector<16xi32>,
        %add3A_364 = vector.broadcast %add3A_108 : i32 to vector<16xi32>
        %add3A_365 = arith.addi %get3A_363, %add3A_364 : vector<16xi32>
        %swap3A_366 = arith.constant 32 : index
        %swap3A_367 = tpu.vector_load %arg8[%swap3A_366] {strides = array<i32>} : memref<80xi32, #tpu.memory_space<vmem>>, vector<16xi32>,
        tpu.vector_store %arg8[%swap3A_366], %add3A_365 {strides = array<i32>} : memref<80xi32, #tpu.memory_space<vmem>>, vector<16xi32>,
        %get3A_368 = arith.constant 48 : index
        %get3A_369 = tpu.vector_load %arg8[%get3A_368] {strides = array<i32>} : memref<80xi32, #tpu.memory_space<vmem>>, vector<16xi32>,
        %add3A_370 = vector.broadcast %add3A_108 : i32 to vector<16xi32>
        %add3A_371 = arith.addi %get3A_369, %add3A_370 : vector<16xi32>
        %swap3A_372 = arith.constant 48 : index
        %swap3A_373 = tpu.vector_load %arg8[%swap3A_372] {strides = array<i32>} : memref<80xi32, #tpu.memory_space<vmem>>, vector<16xi32>,
        tpu.vector_store %arg8[%swap3A_372], %add3A_371 {strides = array<i32>} : memref<80xi32, #tpu.memory_space<vmem>>, vector<16xi32>,
        %get3A_374 = arith.constant 64 : index
        %get3A_375 = tpu.vector_load %arg8[%get3A_374] {strides = array<i32>} : memref<80xi32, #tpu.memory_space<vmem>>, vector<16xi32>,
        %add3A_376 = vector.broadcast %add3A_108 : i32 to vector<16xi32>
        %add3A_377 = arith.addi %get3A_375, %add3A_376 : vector<16xi32>
        %swap3A_378 = arith.constant 64 : index
        %swap3A_379 = tpu.vector_load %arg8[%swap3A_378] {strides = array<i32>} : memref<80xi32, #tpu.memory_space<vmem>>, vector<16xi32>,
        tpu.vector_store %arg8[%swap3A_378], %add3A_377 {strides = array<i32>} : memref<80xi32, #tpu.memory_space<vmem>>, vector<16xi32>,
        %mul3A_380 = arith.constant 80 : i32
        %mul3A_381 = arith.muli %add3A_346, %mul3A_380 : i32
        %add3A_382 = arith.addi %add3A_116, %mul3A_381 : i32
        "tpu.region"() ({
          %run_scoped3A = tpu.sem_alloc : memref<!tpu.dma_semaphore, #tpu.memory_space<semaphore_mem>>
          %dma_start3A_386 = tpu.memref_slice %arg3[%add3A_382] : memref<960000xi32, #tpu.memory_space<hbm>> -> memref<80xi32, #tpu.memory_space<hbm>>
          %dma_start3A_387 = tpu.memref_slice %arg3[%add3A_382] : memref<960000xi32, #tpu.memory_space<hbm>> -> memref<80xi32, #tpu.memory_space<hbm>>
          tpu.enqueue_dma source(%dma_start3A_387 : memref<80xi32, #tpu.memory_space<hbm>>) target(%arg10 : memref<80xi32, #tpu.memory_space<vmem>>) target_semaphore(%run_scoped3A : memref<!tpu.dma_semaphore, #tpu.memory_space<semaphore_mem>>)
          %dma_wait3A_388 = tpu.memref_slice %arg3[%add3A_382] : memref<960000xi32, #tpu.memory_space<hbm>> -> memref<80xi32, #tpu.memory_space<hbm>>
          %dma_wait3A_389 = tpu.memref_slice %arg3[%add3A_382] : memref<960000xi32, #tpu.memory_space<hbm>> -> memref<80xi32, #tpu.memory_space<hbm>>
          tpu.wait_dma2 semaphore(%run_scoped3A : memref<!tpu.dma_semaphore, #tpu.memory_space<semaphore_mem>>) src(%dma_wait3A_389 : memref<80xi32, #tpu.memory_space<hbm>>) dst(%arg10 : memref<80xi32, #tpu.memory_space<vmem>>)
          tpu.yield
        }) : () -> ()
        %dma_start3A_383 = arith.constant 0 : i32
        %dma_start3A_384 = arith.constant 0 : i32
        %dma_start3A_385 = tpu.memref_slice %arg2[%dma_start3A_383, %dma_start3A_384] : memref<60000x128xf32, #tpu.memory_space<hbm>> -> memref<60000x128xf32, #tpu.memory_space<hbm>>
        tpu.enqueue_indirect_dma source(%dma_start3A_385 : memref<60000x128xf32, #tpu.memory_space<hbm>>) target(%arg12 : memref<80x128xf32, #tpu.memory_space<vmem>>) offsets(%arg8 : memref<80xi32, #tpu.memory_space<vmem>>) semaphore(%arg14 : memref<!tpu.dma_semaphore, #tpu.memory_space<semaphore_mem>>)
      } else {
      }
    }
    %scan3A_201 = arith.constant 62 : i32
    %dma_wait3A_202 = arith.constant 0 : i32
    %dma_wait3A_203 = arith.constant 0 : i32
    %dma_wait3A_204 = tpu.memref_slice %arg2[%dma_wait3A_202, %dma_wait3A_203] : memref<60000x128xf32, #tpu.memory_space<hbm>> -> memref<60000x128xf32, #tpu.memory_space<hbm>>
    tpu.wait_indirect_dma semaphore(%arg13 : memref<!tpu.dma_semaphore, #tpu.memory_space<semaphore_mem>>) src(%dma_wait3A_204 : memref<60000x128xf32, #tpu.memory_space<hbm>>) dst(%arg11 : memref<80x128xf32, #tpu.memory_space<vmem>>)
    "tpu.region"() ({
      %run_scoped3A = tpu.sem_alloc : memref<!tpu.dma_semaphore, #tpu.memory_space<semaphore_mem>>
      %dma_start3A_319 = arith.constant 0 : i32
      %dma_start3A_320 = arith.constant 0 : i32
      %dma_start3A_321 = tpu.memref_slice %arg5[%dma_start3A_319, %dma_start3A_320] : memref<10240x128xf32, #tpu.memory_space<vmem_shared>> -> memref<10240x128xf32, #tpu.memory_space<vmem_shared>>
      tpu.enqueue_indirect_dma source(%arg11 : memref<80x128xf32, #tpu.memory_space<vmem>>) target(%dma_start3A_321 : memref<10240x128xf32, #tpu.memory_space<vmem_shared>>) offsets(%arg9 : memref<80xi32, #tpu.memory_space<vmem>>) semaphore(%run_scoped3A : memref<!tpu.dma_semaphore, #tpu.memory_space<semaphore_mem>>) {add = true}
      %dma_wait3A_322 = arith.constant 0 : i32
      %dma_wait3A_323 = arith.constant 0 : i32
      %dma_wait3A_324 = tpu.memref_slice %arg5[%dma_wait3A_322, %dma_wait3A_323] : memref<10240x128xf32, #tpu.memory_space<vmem_shared>> -> memref<10240x128xf32, #tpu.memory_space<vmem_shared>>
      tpu.wait_indirect_dma semaphore(%run_scoped3A : memref<!tpu.dma_semaphore, #tpu.memory_space<semaphore_mem>>) src(%arg11 : memref<80x128xf32, #tpu.memory_space<vmem>>) dst(%dma_wait3A_324 : memref<10240x128xf32, #tpu.memory_space<vmem_shared>>)
      tpu.yield
    }) : () -> ()
    %barrier3A_205 = arith.constant 0 : index
    tpu.barrier barrier_id(%barrier3A_205)
    %mul3A_206 = arith.constant 625 : i32
    %mul3A_207 = arith.muli %arg1, %mul3A_206 : i32
    %mul3A_208 = arith.constant 625 : i32
    %mul3A_209 = arith.muli %arg1, %mul3A_208 : i32
    %add3A_210 = arith.addi %add3A_108, %mul3A_209 : i32
    "tpu.region"() ({
      %run_scoped3A = tpu.sem_alloc : memref<!tpu.dma_semaphore, #tpu.memory_space<semaphore_mem>>
      %dma_start3A_319 = arith.constant 0 : i32
      %dma_start3A_320 = tpu.memref_slice %arg4[%add3A_210, %dma_start3A_319] : memref<60000x128xf32, #tpu.memory_space<hbm>> -> memref<625x128xf32, #tpu.memory_space<hbm>>
      %dma_start3A_321 = arith.constant 0 : i32
      %dma_start3A_322 = tpu.memref_slice %arg5[%mul3A_207, %dma_start3A_321] : memref<10240x128xf32, #tpu.memory_space<vmem_shared>> -> memref<625x128xf32, #tpu.memory_space<vmem_shared>>
      tpu.enqueue_dma source(%dma_start3A_322 : memref<625x128xf32, #tpu.memory_space<vmem_shared>>) target(%dma_start3A_320 : memref<625x128xf32, #tpu.memory_space<hbm>>) target_semaphore(%run_scoped3A : memref<!tpu.dma_semaphore, #tpu.memory_space<semaphore_mem>>)
      %dma_wait3A_323 = arith.constant 0 : i32
      %dma_wait3A_324 = tpu.memref_slice %arg4[%add3A_210, %dma_wait3A_323] : memref<60000x128xf32, #tpu.memory_space<hbm>> -> memref<625x128xf32, #tpu.memory_space<hbm>>
      %dma_wait3A_325 = arith.constant 0 : i32
      %dma_wait3A_326 = tpu.memref_slice %arg5[%mul3A_207, %dma_wait3A_325] : memref<10240x128xf32, #tpu.memory_space<vmem_shared>> -> memref<625x128xf32, #tpu.memory_space<vmem_shared>>
      tpu.wait_dma2 semaphore(%run_scoped3A : memref<!tpu.dma_semaphore, #tpu.memory_space<semaphore_mem>>) src(%dma_wait3A_326 : memref<625x128xf32, #tpu.memory_space<vmem_shared>>) dst(%dma_wait3A_324 : memref<625x128xf32, #tpu.memory_space<hbm>>)
      tpu.yield
    }) : () -> ()
    %barrier3A_211 = arith.constant 0 : index
    tpu.barrier barrier_id(%barrier3A_211)
    %mul3A_212 = arith.constant 10000 : i32
    %mul3A_213 = arith.muli %arg0, %mul3A_212 : i32
    %add3A_214 = arith.constant 40000 : i32
    %add3A_215 = arith.addi %add3A_214, %mul3A_213 : i32
    %mul3A_216 = arith.constant 10000 : i32
    %mul3A_217 = arith.muli %arg1, %mul3A_216 : i32
    %add3A_218 = arith.constant 640000 : i32
    %add3A_219 = arith.addi %add3A_218, %mul3A_217 : i32
    %mul3A_220 = arith.constant 10000 : i32
    %mul3A_221 = arith.muli %arg1, %mul3A_220 : i32
    %add3A_222 = arith.constant 800000 : i32
    %add3A_223 = arith.addi %add3A_222, %mul3A_221 : i32
    %scan3A_224 = arith.constant 0 : i32
    %scan3A_225 = arith.constant 10 : i32
    %scan3A_226 = arith.addi %scan3A_224, %scan3A_225 : i32
    %scan3A_227 = arith.constant 1 : i32
    scf.for %scan3A_319 = %scan3A_224 to %scan3A_226 step %scan3A_227  : i32 {
      %mul3A_320 = arith.constant 640 : i32
      %mul3A_321 = arith.muli %arg1, %mul3A_320 : i32
      %mul3A_322 = arith.constant 64 : i32
      %mul3A_323 = arith.muli %scan3A_319, %mul3A_322 : i32
      %add3A_324 = arith.addi %mul3A_321, %mul3A_323 : i32
      "tpu.region"() ({
        %run_scoped3A = tpu.sem_alloc : memref<!tpu.dma_semaphore, #tpu.memory_space<semaphore_mem>>
        %dma_start3A_325 = arith.constant 0 : i32
        %dma_start3A_326 = tpu.memref_slice %arg5[%add3A_324, %dma_start3A_325] : memref<10240x128xf32, #tpu.memory_space<vmem_shared>> -> memref<64x128xf32, #tpu.memory_space<vmem_shared>>
        %dma_start3A_327 = arith.constant 0 : i32
        %dma_start3A_328 = tpu.memref_slice %arg5[%add3A_324, %dma_start3A_327] : memref<10240x128xf32, #tpu.memory_space<vmem_shared>> -> memref<64x128xf32, #tpu.memory_space<vmem_shared>>
        tpu.enqueue_dma source(%arg6 : memref<64x128xf32, #tpu.memory_space<vmem>>) target(%dma_start3A_328 : memref<64x128xf32, #tpu.memory_space<vmem_shared>>) target_semaphore(%run_scoped3A : memref<!tpu.dma_semaphore, #tpu.memory_space<semaphore_mem>>)
        %dma_wait3A_329 = arith.constant 0 : i32
        %dma_wait3A_330 = tpu.memref_slice %arg5[%add3A_324, %dma_wait3A_329] : memref<10240x128xf32, #tpu.memory_space<vmem_shared>> -> memref<64x128xf32, #tpu.memory_space<vmem_shared>>
        %dma_wait3A_331 = arith.constant 0 : i32
        %dma_wait3A_332 = tpu.memref_slice %arg5[%add3A_324, %dma_wait3A_331] : memref<10240x128xf32, #tpu.memory_space<vmem_shared>> -> memref<64x128xf32, #tpu.memory_space<vmem_shared>>
        tpu.wait_dma2 semaphore(%run_scoped3A : memref<!tpu.dma_semaphore, #tpu.memory_space<semaphore_mem>>) src(%arg6 : memref<64x128xf32, #tpu.memory_space<vmem>>) dst(%dma_wait3A_332 : memref<64x128xf32, #tpu.memory_space<vmem_shared>>)
        tpu.yield
      }) : () -> ()
    }
    %scan3A_228 = arith.constant 10 : i32
    %barrier3A_229 = arith.constant 0 : index
    tpu.barrier barrier_id(%barrier3A_229)
    %add3A_230 = arith.constant 0 : i32
    %add3A_231 = arith.addi %add3A_219, %add3A_230 : i32
    "tpu.region"() ({
      %run_scoped3A = tpu.sem_alloc : memref<!tpu.dma_semaphore, #tpu.memory_space<semaphore_mem>>
      %dma_start3A_319 = tpu.memref_slice %arg3[%add3A_231] : memref<960000xi32, #tpu.memory_space<hbm>> -> memref<80xi32, #tpu.memory_space<hbm>>
      %dma_start3A_320 = tpu.memref_slice %arg3[%add3A_231] : memref<960000xi32, #tpu.memory_space<hbm>> -> memref<80xi32, #tpu.memory_space<hbm>>
      tpu.enqueue_dma source(%dma_start3A_320 : memref<80xi32, #tpu.memory_space<hbm>>) target(%arg7 : memref<80xi32, #tpu.memory_space<vmem>>) target_semaphore(%run_scoped3A : memref<!tpu.dma_semaphore, #tpu.memory_space<semaphore_mem>>)
      %dma_wait3A_321 = tpu.memref_slice %arg3[%add3A_231] : memref<960000xi32, #tpu.memory_space<hbm>> -> memref<80xi32, #tpu.memory_space<hbm>>
      %dma_wait3A_322 = tpu.memref_slice %arg3[%add3A_231] : memref<960000xi32, #tpu.memory_space<hbm>> -> memref<80xi32, #tpu.memory_space<hbm>>
      tpu.wait_dma2 semaphore(%run_scoped3A : memref<!tpu.dma_semaphore, #tpu.memory_space<semaphore_mem>>) src(%dma_wait3A_322 : memref<80xi32, #tpu.memory_space<hbm>>) dst(%arg7 : memref<80xi32, #tpu.memory_space<vmem>>)
      tpu.yield
    }) : () -> ()
    %get3A_232 = arith.constant 0 : index
    %get3A_233 = tpu.vector_load %arg7[%get3A_232] {strides = array<i32>} : memref<80xi32, #tpu.memory_space<vmem>>, vector<16xi32>,
    %add3A_234 = vector.broadcast %add3A_215 : i32 to vector<16xi32>
    %add3A_235 = arith.addi %get3A_233, %add3A_234 : vector<16xi32>
    %swap3A_236 = arith.constant 0 : index
    %swap3A_237 = tpu.vector_load %arg7[%swap3A_236] {strides = array<i32>} : memref<80xi32, #tpu.memory_space<vmem>>, vector<16xi32>,
    tpu.vector_store %arg7[%swap3A_236], %add3A_235 {strides = array<i32>} : memref<80xi32, #tpu.memory_space<vmem>>, vector<16xi32>,
    %get3A_238 = arith.constant 16 : index
    %get3A_239 = tpu.vector_load %arg7[%get3A_238] {strides = array<i32>} : memref<80xi32, #tpu.memory_space<vmem>>, vector<16xi32>,
    %add3A_240 = vector.broadcast %add3A_215 : i32 to vector<16xi32>
    %add3A_241 = arith.addi %get3A_239, %add3A_240 : vector<16xi32>
    %swap3A_242 = arith.constant 16 : index
    %swap3A_243 = tpu.vector_load %arg7[%swap3A_242] {strides = array<i32>} : memref<80xi32, #tpu.memory_space<vmem>>, vector<16xi32>,
    tpu.vector_store %arg7[%swap3A_242], %add3A_241 {strides = array<i32>} : memref<80xi32, #tpu.memory_space<vmem>>, vector<16xi32>,
    %get3A_244 = arith.constant 32 : index
    %get3A_245 = tpu.vector_load %arg7[%get3A_244] {strides = array<i32>} : memref<80xi32, #tpu.memory_space<vmem>>, vector<16xi32>,
    %add3A_246 = vector.broadcast %add3A_215 : i32 to vector<16xi32>
    %add3A_247 = arith.addi %get3A_245, %add3A_246 : vector<16xi32>
    %swap3A_248 = arith.constant 32 : index
    %swap3A_249 = tpu.vector_load %arg7[%swap3A_248] {strides = array<i32>} : memref<80xi32, #tpu.memory_space<vmem>>, vector<16xi32>,
    tpu.vector_store %arg7[%swap3A_248], %add3A_247 {strides = array<i32>} : memref<80xi32, #tpu.memory_space<vmem>>, vector<16xi32>,
    %get3A_250 = arith.constant 48 : index
    %get3A_251 = tpu.vector_load %arg7[%get3A_250] {strides = array<i32>} : memref<80xi32, #tpu.memory_space<vmem>>, vector<16xi32>,
    %add3A_252 = vector.broadcast %add3A_215 : i32 to vector<16xi32>
    %add3A_253 = arith.addi %get3A_251, %add3A_252 : vector<16xi32>
    %swap3A_254 = arith.constant 48 : index
    %swap3A_255 = tpu.vector_load %arg7[%swap3A_254] {strides = array<i32>} : memref<80xi32, #tpu.memory_space<vmem>>, vector<16xi32>,
    tpu.vector_store %arg7[%swap3A_254], %add3A_253 {strides = array<i32>} : memref<80xi32, #tpu.memory_space<vmem>>, vector<16xi32>,
    %get3A_256 = arith.constant 64 : index
    %get3A_257 = tpu.vector_load %arg7[%get3A_256] {strides = array<i32>} : memref<80xi32, #tpu.memory_space<vmem>>, vector<16xi32>,
    %add3A_258 = vector.broadcast %add3A_215 : i32 to vector<16xi32>
    %add3A_259 = arith.addi %get3A_257, %add3A_258 : vector<16xi32>
    %swap3A_260 = arith.constant 64 : index
    %swap3A_261 = tpu.vector_load %arg7[%swap3A_260] {strides = array<i32>} : memref<80xi32, #tpu.memory_space<vmem>>, vector<16xi32>,
    tpu.vector_store %arg7[%swap3A_260], %add3A_259 {strides = array<i32>} : memref<80xi32, #tpu.memory_space<vmem>>, vector<16xi32>,
    %add3A_262 = arith.constant 0 : i32
    %add3A_263 = arith.addi %add3A_223, %add3A_262 : i32
    "tpu.region"() ({
      %run_scoped3A = tpu.sem_alloc : memref<!tpu.dma_semaphore, #tpu.memory_space<semaphore_mem>>
      %dma_start3A_319 = tpu.memref_slice %arg3[%add3A_263] : memref<960000xi32, #tpu.memory_space<hbm>> -> memref<80xi32, #tpu.memory_space<hbm>>
      %dma_start3A_320 = tpu.memref_slice %arg3[%add3A_263] : memref<960000xi32, #tpu.memory_space<hbm>> -> memref<80xi32, #tpu.memory_space<hbm>>
      tpu.enqueue_dma source(%dma_start3A_320 : memref<80xi32, #tpu.memory_space<hbm>>) target(%arg9 : memref<80xi32, #tpu.memory_space<vmem>>) target_semaphore(%run_scoped3A : memref<!tpu.dma_semaphore, #tpu.memory_space<semaphore_mem>>)
      %dma_wait3A_321 = tpu.memref_slice %arg3[%add3A_263] : memref<960000xi32, #tpu.memory_space<hbm>> -> memref<80xi32, #tpu.memory_space<hbm>>
      %dma_wait3A_322 = tpu.memref_slice %arg3[%add3A_263] : memref<960000xi32, #tpu.memory_space<hbm>> -> memref<80xi32, #tpu.memory_space<hbm>>
      tpu.wait_dma2 semaphore(%run_scoped3A : memref<!tpu.dma_semaphore, #tpu.memory_space<semaphore_mem>>) src(%dma_wait3A_322 : memref<80xi32, #tpu.memory_space<hbm>>) dst(%arg9 : memref<80xi32, #tpu.memory_space<vmem>>)
      tpu.yield
    }) : () -> ()
    %dma_start3A_264 = arith.constant 0 : i32
    %dma_start3A_265 = arith.constant 0 : i32
    %dma_start3A_266 = tpu.memref_slice %arg2[%dma_start3A_264, %dma_start3A_265] : memref<60000x128xf32, #tpu.memory_space<hbm>> -> memref<60000x128xf32, #tpu.memory_space<hbm>>
    tpu.enqueue_indirect_dma source(%dma_start3A_266 : memref<60000x128xf32, #tpu.memory_space<hbm>>) target(%arg11 : memref<80x128xf32, #tpu.memory_space<vmem>>) offsets(%arg7 : memref<80xi32, #tpu.memory_space<vmem>>) semaphore(%arg13 : memref<!tpu.dma_semaphore, #tpu.memory_space<semaphore_mem>>)
    %add3A_267 = arith.constant 80 : i32
    %add3A_268 = arith.addi %add3A_219, %add3A_267 : i32
    "tpu.region"() ({
      %run_scoped3A = tpu.sem_alloc : memref<!tpu.dma_semaphore, #tpu.memory_space<semaphore_mem>>
      %dma_start3A_319 = tpu.memref_slice %arg3[%add3A_268] : memref<960000xi32, #tpu.memory_space<hbm>> -> memref<80xi32, #tpu.memory_space<hbm>>
      %dma_start3A_320 = tpu.memref_slice %arg3[%add3A_268] : memref<960000xi32, #tpu.memory_space<hbm>> -> memref<80xi32, #tpu.memory_space<hbm>>
      tpu.enqueue_dma source(%dma_start3A_320 : memref<80xi32, #tpu.memory_space<hbm>>) target(%arg8 : memref<80xi32, #tpu.memory_space<vmem>>) target_semaphore(%run_scoped3A : memref<!tpu.dma_semaphore, #tpu.memory_space<semaphore_mem>>)
      %dma_wait3A_321 = tpu.memref_slice %arg3[%add3A_268] : memref<960000xi32, #tpu.memory_space<hbm>> -> memref<80xi32, #tpu.memory_space<hbm>>
      %dma_wait3A_322 = tpu.memref_slice %arg3[%add3A_268] : memref<960000xi32, #tpu.memory_space<hbm>> -> memref<80xi32, #tpu.memory_space<hbm>>
      tpu.wait_dma2 semaphore(%run_scoped3A : memref<!tpu.dma_semaphore, #tpu.memory_space<semaphore_mem>>) src(%dma_wait3A_322 : memref<80xi32, #tpu.memory_space<hbm>>) dst(%arg8 : memref<80xi32, #tpu.memory_space<vmem>>)
      tpu.yield
    }) : () -> ()
    %get3A_269 = arith.constant 0 : index
    %get3A_270 = tpu.vector_load %arg8[%get3A_269] {strides = array<i32>} : memref<80xi32, #tpu.memory_space<vmem>>, vector<16xi32>,
    %add3A_271 = vector.broadcast %add3A_215 : i32 to vector<16xi32>
    %add3A_272 = arith.addi %get3A_270, %add3A_271 : vector<16xi32>
    %swap3A_273 = arith.constant 0 : index
    %swap3A_274 = tpu.vector_load %arg8[%swap3A_273] {strides = array<i32>} : memref<80xi32, #tpu.memory_space<vmem>>, vector<16xi32>,
    tpu.vector_store %arg8[%swap3A_273], %add3A_272 {strides = array<i32>} : memref<80xi32, #tpu.memory_space<vmem>>, vector<16xi32>,
    %get3A_275 = arith.constant 16 : index
    %get3A_276 = tpu.vector_load %arg8[%get3A_275] {strides = array<i32>} : memref<80xi32, #tpu.memory_space<vmem>>, vector<16xi32>,
    %add3A_277 = vector.broadcast %add3A_215 : i32 to vector<16xi32>
    %add3A_278 = arith.addi %get3A_276, %add3A_277 : vector<16xi32>
    %swap3A_279 = arith.constant 16 : index
    %swap3A_280 = tpu.vector_load %arg8[%swap3A_279] {strides = array<i32>} : memref<80xi32, #tpu.memory_space<vmem>>, vector<16xi32>,
    tpu.vector_store %arg8[%swap3A_279], %add3A_278 {strides = array<i32>} : memref<80xi32, #tpu.memory_space<vmem>>, vector<16xi32>,
    %get3A_281 = arith.constant 32 : index
    %get3A_282 = tpu.vector_load %arg8[%get3A_281] {strides = array<i32>} : memref<80xi32, #tpu.memory_space<vmem>>, vector<16xi32>,
    %add3A_283 = vector.broadcast %add3A_215 : i32 to vector<16xi32>
    %add3A_284 = arith.addi %get3A_282, %add3A_283 : vector<16xi32>
    %swap3A_285 = arith.constant 32 : index
    %swap3A_286 = tpu.vector_load %arg8[%swap3A_285] {strides = array<i32>} : memref<80xi32, #tpu.memory_space<vmem>>, vector<16xi32>,
    tpu.vector_store %arg8[%swap3A_285], %add3A_284 {strides = array<i32>} : memref<80xi32, #tpu.memory_space<vmem>>, vector<16xi32>,
    %get3A_287 = arith.constant 48 : index
    %get3A_288 = tpu.vector_load %arg8[%get3A_287] {strides = array<i32>} : memref<80xi32, #tpu.memory_space<vmem>>, vector<16xi32>,
    %add3A_289 = vector.broadcast %add3A_215 : i32 to vector<16xi32>
    %add3A_290 = arith.addi %get3A_288, %add3A_289 : vector<16xi32>
    %swap3A_291 = arith.constant 48 : index
    %swap3A_292 = tpu.vector_load %arg8[%swap3A_291] {strides = array<i32>} : memref<80xi32, #tpu.memory_space<vmem>>, vector<16xi32>,
    tpu.vector_store %arg8[%swap3A_291], %add3A_290 {strides = array<i32>} : memref<80xi32, #tpu.memory_space<vmem>>, vector<16xi32>,
    %get3A_293 = arith.constant 64 : index
    %get3A_294 = tpu.vector_load %arg8[%get3A_293] {strides = array<i32>} : memref<80xi32, #tpu.memory_space<vmem>>, vector<16xi32>,
    %add3A_295 = vector.broadcast %add3A_215 : i32 to vector<16xi32>
    %add3A_296 = arith.addi %get3A_294, %add3A_295 : vector<16xi32>
    %swap3A_297 = arith.constant 64 : index
    %swap3A_298 = tpu.vector_load %arg8[%swap3A_297] {strides = array<i32>} : memref<80xi32, #tpu.memory_space<vmem>>, vector<16xi32>,
    tpu.vector_store %arg8[%swap3A_297], %add3A_296 {strides = array<i32>} : memref<80xi32, #tpu.memory_space<vmem>>, vector<16xi32>,
    %add3A_299 = arith.constant 80 : i32
    %add3A_300 = arith.addi %add3A_223, %add3A_299 : i32
    "tpu.region"() ({
      %run_scoped3A = tpu.sem_alloc : memref<!tpu.dma_semaphore, #tpu.memory_space<semaphore_mem>>
      %dma_start3A_319 = tpu.memref_slice %arg3[%add3A_300] : memref<960000xi32, #tpu.memory_space<hbm>> -> memref<80xi32, #tpu.memory_space<hbm>>
      %dma_start3A_320 = tpu.memref_slice %arg3[%add3A_300] : memref<960000xi32, #tpu.memory_space<hbm>> -> memref<80xi32, #tpu.memory_space<hbm>>
      tpu.enqueue_dma source(%dma_start3A_320 : memref<80xi32, #tpu.memory_space<hbm>>) target(%arg10 : memref<80xi32, #tpu.memory_space<vmem>>) target_semaphore(%run_scoped3A : memref<!tpu.dma_semaphore, #tpu.memory_space<semaphore_mem>>)
      %dma_wait3A_321 = tpu.memref_slice %arg3[%add3A_300] : memref<960000xi32, #tpu.memory_space<hbm>> -> memref<80xi32, #tpu.memory_space<hbm>>
      %dma_wait3A_322 = tpu.memref_slice %arg3[%add3A_300] : memref<960000xi32, #tpu.memory_space<hbm>> -> memref<80xi32, #tpu.memory_space<hbm>>
      tpu.wait_dma2 semaphore(%run_scoped3A : memref<!tpu.dma_semaphore, #tpu.memory_space<semaphore_mem>>) src(%dma_wait3A_322 : memref<80xi32, #tpu.memory_space<hbm>>) dst(%arg10 : memref<80xi32, #tpu.memory_space<vmem>>)
      tpu.yield
    }) : () -> ()
    %dma_start3A_301 = arith.constant 0 : i32
    %dma_start3A_302 = arith.constant 0 : i32
    %dma_start3A_303 = tpu.memref_slice %arg2[%dma_start3A_301, %dma_start3A_302] : memref<60000x128xf32, #tpu.memory_space<hbm>> -> memref<60000x128xf32, #tpu.memory_space<hbm>>
    tpu.enqueue_indirect_dma source(%dma_start3A_303 : memref<60000x128xf32, #tpu.memory_space<hbm>>) target(%arg12 : memref<80x128xf32, #tpu.memory_space<vmem>>) offsets(%arg8 : memref<80xi32, #tpu.memory_space<vmem>>) semaphore(%arg14 : memref<!tpu.dma_semaphore, #tpu.memory_space<semaphore_mem>>)
    %scan3A_304 = arith.constant 0 : i32
    %scan3A_305 = arith.constant 62 : i32
    %scan3A_306 = arith.addi %scan3A_304, %scan3A_305 : i32
    %scan3A_307 = arith.constant 1 : i32
    scf.for %scan3A_319 = %scan3A_304 to %scan3A_306 step %scan3A_307  : i32 {
      %mul3A_320 = arith.constant 2 : i32
      %mul3A_321 = arith.muli %mul3A_320, %scan3A_319 : i32
      %add3A_322 = arith.constant 0 : i32
      %add3A_323 = arith.addi %mul3A_321, %add3A_322 : i32
      %dma_wait3A_324 = arith.constant 0 : i32
      %dma_wait3A_325 = arith.constant 0 : i32
      %dma_wait3A_326 = tpu.memref_slice %arg2[%dma_wait3A_324, %dma_wait3A_325] : memref<60000x128xf32, #tpu.memory_space<hbm>> -> memref<60000x128xf32, #tpu.memory_space<hbm>>
      tpu.wait_indirect_dma semaphore(%arg13 : memref<!tpu.dma_semaphore, #tpu.memory_space<semaphore_mem>>) src(%dma_wait3A_326 : memref<60000x128xf32, #tpu.memory_space<hbm>>) dst(%arg11 : memref<80x128xf32, #tpu.memory_space<vmem>>)
      "tpu.region"() ({
        %run_scoped3A = tpu.sem_alloc : memref<!tpu.dma_semaphore, #tpu.memory_space<semaphore_mem>>
        %dma_start3A_345 = arith.constant 0 : i32
        %dma_start3A_346 = arith.constant 0 : i32
        %dma_start3A_347 = tpu.memref_slice %arg5[%dma_start3A_345, %dma_start3A_346] : memref<10240x128xf32, #tpu.memory_space<vmem_shared>> -> memref<10240x128xf32, #tpu.memory_space<vmem_shared>>
        tpu.enqueue_indirect_dma source(%arg11 : memref<80x128xf32, #tpu.memory_space<vmem>>) target(%dma_start3A_347 : memref<10240x128xf32, #tpu.memory_space<vmem_shared>>) offsets(%arg9 : memref<80xi32, #tpu.memory_space<vmem>>) semaphore(%run_scoped3A : memref<!tpu.dma_semaphore, #tpu.memory_space<semaphore_mem>>) {add = true}
        %dma_wait3A_348 = arith.constant 0 : i32
        %dma_wait3A_349 = arith.constant 0 : i32
        %dma_wait3A_350 = tpu.memref_slice %arg5[%dma_wait3A_348, %dma_wait3A_349] : memref<10240x128xf32, #tpu.memory_space<vmem_shared>> -> memref<10240x128xf32, #tpu.memory_space<vmem_shared>>
        tpu.wait_indirect_dma semaphore(%run_scoped3A : memref<!tpu.dma_semaphore, #tpu.memory_space<semaphore_mem>>) src(%arg11 : memref<80x128xf32, #tpu.memory_space<vmem>>) dst(%dma_wait3A_350 : memref<10240x128xf32, #tpu.memory_space<vmem_shared>>)
        tpu.yield
      }) : () -> ()
      %add3A_327 = arith.constant 2 : i32
      %add3A_328 = arith.addi %add3A_323, %add3A_327 : i32
      %lt3A = arith.constant 125 : i32
      %lt3A_329 = arith.cmpi slt, %add3A_328, %lt3A : i32
      %convert_element_type3A = arith.extui %lt3A_329 : i1 to i32
      %cond3A = arith.constant 0 : i32
      %cond3A_330 = arith.cmpi ne, %convert_element_type3A, %cond3A : i32
      scf.if %cond3A_330 {
        %add3A_345 = arith.constant 2 : i32
        %add3A_346 = arith.addi %add3A_323, %add3A_345 : i32
        %mul3A_347 = arith.constant 80 : i32
        %mul3A_348 = arith.muli %add3A_346, %mul3A_347 : i32
        %add3A_349 = arith.addi %add3A_219, %mul3A_348 : i32
        "tpu.region"() ({
          %run_scoped3A = tpu.sem_alloc : memref<!tpu.dma_semaphore, #tpu.memory_space<semaphore_mem>>
          %dma_start3A_386 = tpu.memref_slice %arg3[%add3A_349] : memref<960000xi32, #tpu.memory_space<hbm>> -> memref<80xi32, #tpu.memory_space<hbm>>
          %dma_start3A_387 = tpu.memref_slice %arg3[%add3A_349] : memref<960000xi32, #tpu.memory_space<hbm>> -> memref<80xi32, #tpu.memory_space<hbm>>
          tpu.enqueue_dma source(%dma_start3A_387 : memref<80xi32, #tpu.memory_space<hbm>>) target(%arg7 : memref<80xi32, #tpu.memory_space<vmem>>) target_semaphore(%run_scoped3A : memref<!tpu.dma_semaphore, #tpu.memory_space<semaphore_mem>>)
          %dma_wait3A_388 = tpu.memref_slice %arg3[%add3A_349] : memref<960000xi32, #tpu.memory_space<hbm>> -> memref<80xi32, #tpu.memory_space<hbm>>
          %dma_wait3A_389 = tpu.memref_slice %arg3[%add3A_349] : memref<960000xi32, #tpu.memory_space<hbm>> -> memref<80xi32, #tpu.memory_space<hbm>>
          tpu.wait_dma2 semaphore(%run_scoped3A : memref<!tpu.dma_semaphore, #tpu.memory_space<semaphore_mem>>) src(%dma_wait3A_389 : memref<80xi32, #tpu.memory_space<hbm>>) dst(%arg7 : memref<80xi32, #tpu.memory_space<vmem>>)
          tpu.yield
        }) : () -> ()
        %get3A_350 = arith.constant 0 : index
        %get3A_351 = tpu.vector_load %arg7[%get3A_350] {strides = array<i32>} : memref<80xi32, #tpu.memory_space<vmem>>, vector<16xi32>,
        %add3A_352 = vector.broadcast %add3A_215 : i32 to vector<16xi32>
        %add3A_353 = arith.addi %get3A_351, %add3A_352 : vector<16xi32>
        %swap3A_354 = arith.constant 0 : index
        %swap3A_355 = tpu.vector_load %arg7[%swap3A_354] {strides = array<i32>} : memref<80xi32, #tpu.memory_space<vmem>>, vector<16xi32>,
        tpu.vector_store %arg7[%swap3A_354], %add3A_353 {strides = array<i32>} : memref<80xi32, #tpu.memory_space<vmem>>, vector<16xi32>,
        %get3A_356 = arith.constant 16 : index
        %get3A_357 = tpu.vector_load %arg7[%get3A_356] {strides = array<i32>} : memref<80xi32, #tpu.memory_space<vmem>>, vector<16xi32>,
        %add3A_358 = vector.broadcast %add3A_215 : i32 to vector<16xi32>
        %add3A_359 = arith.addi %get3A_357, %add3A_358 : vector<16xi32>
        %swap3A_360 = arith.constant 16 : index
        %swap3A_361 = tpu.vector_load %arg7[%swap3A_360] {strides = array<i32>} : memref<80xi32, #tpu.memory_space<vmem>>, vector<16xi32>,
        tpu.vector_store %arg7[%swap3A_360], %add3A_359 {strides = array<i32>} : memref<80xi32, #tpu.memory_space<vmem>>, vector<16xi32>,
        %get3A_362 = arith.constant 32 : index
        %get3A_363 = tpu.vector_load %arg7[%get3A_362] {strides = array<i32>} : memref<80xi32, #tpu.memory_space<vmem>>, vector<16xi32>,
        %add3A_364 = vector.broadcast %add3A_215 : i32 to vector<16xi32>
        %add3A_365 = arith.addi %get3A_363, %add3A_364 : vector<16xi32>
        %swap3A_366 = arith.constant 32 : index
        %swap3A_367 = tpu.vector_load %arg7[%swap3A_366] {strides = array<i32>} : memref<80xi32, #tpu.memory_space<vmem>>, vector<16xi32>,
        tpu.vector_store %arg7[%swap3A_366], %add3A_365 {strides = array<i32>} : memref<80xi32, #tpu.memory_space<vmem>>, vector<16xi32>,
        %get3A_368 = arith.constant 48 : index
        %get3A_369 = tpu.vector_load %arg7[%get3A_368] {strides = array<i32>} : memref<80xi32, #tpu.memory_space<vmem>>, vector<16xi32>,
        %add3A_370 = vector.broadcast %add3A_215 : i32 to vector<16xi32>
        %add3A_371 = arith.addi %get3A_369, %add3A_370 : vector<16xi32>
        %swap3A_372 = arith.constant 48 : index
        %swap3A_373 = tpu.vector_load %arg7[%swap3A_372] {strides = array<i32>} : memref<80xi32, #tpu.memory_space<vmem>>, vector<16xi32>,
        tpu.vector_store %arg7[%swap3A_372], %add3A_371 {strides = array<i32>} : memref<80xi32, #tpu.memory_space<vmem>>, vector<16xi32>,
        %get3A_374 = arith.constant 64 : index
        %get3A_375 = tpu.vector_load %arg7[%get3A_374] {strides = array<i32>} : memref<80xi32, #tpu.memory_space<vmem>>, vector<16xi32>,
        %add3A_376 = vector.broadcast %add3A_215 : i32 to vector<16xi32>
        %add3A_377 = arith.addi %get3A_375, %add3A_376 : vector<16xi32>
        %swap3A_378 = arith.constant 64 : index
        %swap3A_379 = tpu.vector_load %arg7[%swap3A_378] {strides = array<i32>} : memref<80xi32, #tpu.memory_space<vmem>>, vector<16xi32>,
        tpu.vector_store %arg7[%swap3A_378], %add3A_377 {strides = array<i32>} : memref<80xi32, #tpu.memory_space<vmem>>, vector<16xi32>,
        %mul3A_380 = arith.constant 80 : i32
        %mul3A_381 = arith.muli %add3A_346, %mul3A_380 : i32
        %add3A_382 = arith.addi %add3A_223, %mul3A_381 : i32
        "tpu.region"() ({
          %run_scoped3A = tpu.sem_alloc : memref<!tpu.dma_semaphore, #tpu.memory_space<semaphore_mem>>
          %dma_start3A_386 = tpu.memref_slice %arg3[%add3A_382] : memref<960000xi32, #tpu.memory_space<hbm>> -> memref<80xi32, #tpu.memory_space<hbm>>
          %dma_start3A_387 = tpu.memref_slice %arg3[%add3A_382] : memref<960000xi32, #tpu.memory_space<hbm>> -> memref<80xi32, #tpu.memory_space<hbm>>
          tpu.enqueue_dma source(%dma_start3A_387 : memref<80xi32, #tpu.memory_space<hbm>>) target(%arg9 : memref<80xi32, #tpu.memory_space<vmem>>) target_semaphore(%run_scoped3A : memref<!tpu.dma_semaphore, #tpu.memory_space<semaphore_mem>>)
          %dma_wait3A_388 = tpu.memref_slice %arg3[%add3A_382] : memref<960000xi32, #tpu.memory_space<hbm>> -> memref<80xi32, #tpu.memory_space<hbm>>
          %dma_wait3A_389 = tpu.memref_slice %arg3[%add3A_382] : memref<960000xi32, #tpu.memory_space<hbm>> -> memref<80xi32, #tpu.memory_space<hbm>>
          tpu.wait_dma2 semaphore(%run_scoped3A : memref<!tpu.dma_semaphore, #tpu.memory_space<semaphore_mem>>) src(%dma_wait3A_389 : memref<80xi32, #tpu.memory_space<hbm>>) dst(%arg9 : memref<80xi32, #tpu.memory_space<vmem>>)
          tpu.yield
        }) : () -> ()
        %dma_start3A_383 = arith.constant 0 : i32
        %dma_start3A_384 = arith.constant 0 : i32
        %dma_start3A_385 = tpu.memref_slice %arg2[%dma_start3A_383, %dma_start3A_384] : memref<60000x128xf32, #tpu.memory_space<hbm>> -> memref<60000x128xf32, #tpu.memory_space<hbm>>
        tpu.enqueue_indirect_dma source(%dma_start3A_385 : memref<60000x128xf32, #tpu.memory_space<hbm>>) target(%arg11 : memref<80x128xf32, #tpu.memory_space<vmem>>) offsets(%arg7 : memref<80xi32, #tpu.memory_space<vmem>>) semaphore(%arg13 : memref<!tpu.dma_semaphore, #tpu.memory_space<semaphore_mem>>)
      } else {
      }
      %mul3A_331 = arith.constant 2 : i32
      %mul3A_332 = arith.muli %mul3A_331, %scan3A_319 : i32
      %add3A_333 = arith.constant 1 : i32
      %add3A_334 = arith.addi %mul3A_332, %add3A_333 : i32
      %dma_wait3A_335 = arith.constant 0 : i32
      %dma_wait3A_336 = arith.constant 0 : i32
      %dma_wait3A_337 = tpu.memref_slice %arg2[%dma_wait3A_335, %dma_wait3A_336] : memref<60000x128xf32, #tpu.memory_space<hbm>> -> memref<60000x128xf32, #tpu.memory_space<hbm>>
      tpu.wait_indirect_dma semaphore(%arg14 : memref<!tpu.dma_semaphore, #tpu.memory_space<semaphore_mem>>) src(%dma_wait3A_337 : memref<60000x128xf32, #tpu.memory_space<hbm>>) dst(%arg12 : memref<80x128xf32, #tpu.memory_space<vmem>>)
      "tpu.region"() ({
        %run_scoped3A = tpu.sem_alloc : memref<!tpu.dma_semaphore, #tpu.memory_space<semaphore_mem>>
        %dma_start3A_345 = arith.constant 0 : i32
        %dma_start3A_346 = arith.constant 0 : i32
        %dma_start3A_347 = tpu.memref_slice %arg5[%dma_start3A_345, %dma_start3A_346] : memref<10240x128xf32, #tpu.memory_space<vmem_shared>> -> memref<10240x128xf32, #tpu.memory_space<vmem_shared>>
        tpu.enqueue_indirect_dma source(%arg12 : memref<80x128xf32, #tpu.memory_space<vmem>>) target(%dma_start3A_347 : memref<10240x128xf32, #tpu.memory_space<vmem_shared>>) offsets(%arg10 : memref<80xi32, #tpu.memory_space<vmem>>) semaphore(%run_scoped3A : memref<!tpu.dma_semaphore, #tpu.memory_space<semaphore_mem>>) {add = true}
        %dma_wait3A_348 = arith.constant 0 : i32
        %dma_wait3A_349 = arith.constant 0 : i32
        %dma_wait3A_350 = tpu.memref_slice %arg5[%dma_wait3A_348, %dma_wait3A_349] : memref<10240x128xf32, #tpu.memory_space<vmem_shared>> -> memref<10240x128xf32, #tpu.memory_space<vmem_shared>>
        tpu.wait_indirect_dma semaphore(%run_scoped3A : memref<!tpu.dma_semaphore, #tpu.memory_space<semaphore_mem>>) src(%arg12 : memref<80x128xf32, #tpu.memory_space<vmem>>) dst(%dma_wait3A_350 : memref<10240x128xf32, #tpu.memory_space<vmem_shared>>)
        tpu.yield
      }) : () -> ()
      %add3A_338 = arith.constant 2 : i32
      %add3A_339 = arith.addi %add3A_334, %add3A_338 : i32
      %lt3A_340 = arith.constant 125 : i32
      %lt3A_341 = arith.cmpi slt, %add3A_339, %lt3A_340 : i32
      %convert_element_type3A_342 = arith.extui %lt3A_341 : i1 to i32
      %cond3A_343 = arith.constant 0 : i32
      %cond3A_344 = arith.cmpi ne, %convert_element_type3A_342, %cond3A_343 : i32
      scf.if %cond3A_344 {
        %add3A_345 = arith.constant 2 : i32
        %add3A_346 = arith.addi %add3A_334, %add3A_345 : i32
        %mul3A_347 = arith.constant 80 : i32
        %mul3A_348 = arith.muli %add3A_346, %mul3A_347 : i32
        %add3A_349 = arith.addi %add3A_219, %mul3A_348 : i32
        "tpu.region"() ({
          %run_scoped3A = tpu.sem_alloc : memref<!tpu.dma_semaphore, #tpu.memory_space<semaphore_mem>>
          %dma_start3A_386 = tpu.memref_slice %arg3[%add3A_349] : memref<960000xi32, #tpu.memory_space<hbm>> -> memref<80xi32, #tpu.memory_space<hbm>>
          %dma_start3A_387 = tpu.memref_slice %arg3[%add3A_349] : memref<960000xi32, #tpu.memory_space<hbm>> -> memref<80xi32, #tpu.memory_space<hbm>>
          tpu.enqueue_dma source(%dma_start3A_387 : memref<80xi32, #tpu.memory_space<hbm>>) target(%arg8 : memref<80xi32, #tpu.memory_space<vmem>>) target_semaphore(%run_scoped3A : memref<!tpu.dma_semaphore, #tpu.memory_space<semaphore_mem>>)
          %dma_wait3A_388 = tpu.memref_slice %arg3[%add3A_349] : memref<960000xi32, #tpu.memory_space<hbm>> -> memref<80xi32, #tpu.memory_space<hbm>>
          %dma_wait3A_389 = tpu.memref_slice %arg3[%add3A_349] : memref<960000xi32, #tpu.memory_space<hbm>> -> memref<80xi32, #tpu.memory_space<hbm>>
          tpu.wait_dma2 semaphore(%run_scoped3A : memref<!tpu.dma_semaphore, #tpu.memory_space<semaphore_mem>>) src(%dma_wait3A_389 : memref<80xi32, #tpu.memory_space<hbm>>) dst(%arg8 : memref<80xi32, #tpu.memory_space<vmem>>)
          tpu.yield
        }) : () -> ()
        %get3A_350 = arith.constant 0 : index
        %get3A_351 = tpu.vector_load %arg8[%get3A_350] {strides = array<i32>} : memref<80xi32, #tpu.memory_space<vmem>>, vector<16xi32>,
        %add3A_352 = vector.broadcast %add3A_215 : i32 to vector<16xi32>
        %add3A_353 = arith.addi %get3A_351, %add3A_352 : vector<16xi32>
        %swap3A_354 = arith.constant 0 : index
        %swap3A_355 = tpu.vector_load %arg8[%swap3A_354] {strides = array<i32>} : memref<80xi32, #tpu.memory_space<vmem>>, vector<16xi32>,
        tpu.vector_store %arg8[%swap3A_354], %add3A_353 {strides = array<i32>} : memref<80xi32, #tpu.memory_space<vmem>>, vector<16xi32>,
        %get3A_356 = arith.constant 16 : index
        %get3A_357 = tpu.vector_load %arg8[%get3A_356] {strides = array<i32>} : memref<80xi32, #tpu.memory_space<vmem>>, vector<16xi32>,
        %add3A_358 = vector.broadcast %add3A_215 : i32 to vector<16xi32>
        %add3A_359 = arith.addi %get3A_357, %add3A_358 : vector<16xi32>
        %swap3A_360 = arith.constant 16 : index
        %swap3A_361 = tpu.vector_load %arg8[%swap3A_360] {strides = array<i32>} : memref<80xi32, #tpu.memory_space<vmem>>, vector<16xi32>,
        tpu.vector_store %arg8[%swap3A_360], %add3A_359 {strides = array<i32>} : memref<80xi32, #tpu.memory_space<vmem>>, vector<16xi32>,
        %get3A_362 = arith.constant 32 : index
        %get3A_363 = tpu.vector_load %arg8[%get3A_362] {strides = array<i32>} : memref<80xi32, #tpu.memory_space<vmem>>, vector<16xi32>,
        %add3A_364 = vector.broadcast %add3A_215 : i32 to vector<16xi32>
        %add3A_365 = arith.addi %get3A_363, %add3A_364 : vector<16xi32>
        %swap3A_366 = arith.constant 32 : index
        %swap3A_367 = tpu.vector_load %arg8[%swap3A_366] {strides = array<i32>} : memref<80xi32, #tpu.memory_space<vmem>>, vector<16xi32>,
        tpu.vector_store %arg8[%swap3A_366], %add3A_365 {strides = array<i32>} : memref<80xi32, #tpu.memory_space<vmem>>, vector<16xi32>,
        %get3A_368 = arith.constant 48 : index
        %get3A_369 = tpu.vector_load %arg8[%get3A_368] {strides = array<i32>} : memref<80xi32, #tpu.memory_space<vmem>>, vector<16xi32>,
        %add3A_370 = vector.broadcast %add3A_215 : i32 to vector<16xi32>
        %add3A_371 = arith.addi %get3A_369, %add3A_370 : vector<16xi32>
        %swap3A_372 = arith.constant 48 : index
        %swap3A_373 = tpu.vector_load %arg8[%swap3A_372] {strides = array<i32>} : memref<80xi32, #tpu.memory_space<vmem>>, vector<16xi32>,
        tpu.vector_store %arg8[%swap3A_372], %add3A_371 {strides = array<i32>} : memref<80xi32, #tpu.memory_space<vmem>>, vector<16xi32>,
        %get3A_374 = arith.constant 64 : index
        %get3A_375 = tpu.vector_load %arg8[%get3A_374] {strides = array<i32>} : memref<80xi32, #tpu.memory_space<vmem>>, vector<16xi32>,
        %add3A_376 = vector.broadcast %add3A_215 : i32 to vector<16xi32>
        %add3A_377 = arith.addi %get3A_375, %add3A_376 : vector<16xi32>
        %swap3A_378 = arith.constant 64 : index
        %swap3A_379 = tpu.vector_load %arg8[%swap3A_378] {strides = array<i32>} : memref<80xi32, #tpu.memory_space<vmem>>, vector<16xi32>,
        tpu.vector_store %arg8[%swap3A_378], %add3A_377 {strides = array<i32>} : memref<80xi32, #tpu.memory_space<vmem>>, vector<16xi32>,
        %mul3A_380 = arith.constant 80 : i32
        %mul3A_381 = arith.muli %add3A_346, %mul3A_380 : i32
        %add3A_382 = arith.addi %add3A_223, %mul3A_381 : i32
        "tpu.region"() ({
          %run_scoped3A = tpu.sem_alloc : memref<!tpu.dma_semaphore, #tpu.memory_space<semaphore_mem>>
          %dma_start3A_386 = tpu.memref_slice %arg3[%add3A_382] : memref<960000xi32, #tpu.memory_space<hbm>> -> memref<80xi32, #tpu.memory_space<hbm>>
          %dma_start3A_387 = tpu.memref_slice %arg3[%add3A_382] : memref<960000xi32, #tpu.memory_space<hbm>> -> memref<80xi32, #tpu.memory_space<hbm>>
          tpu.enqueue_dma source(%dma_start3A_387 : memref<80xi32, #tpu.memory_space<hbm>>) target(%arg10 : memref<80xi32, #tpu.memory_space<vmem>>) target_semaphore(%run_scoped3A : memref<!tpu.dma_semaphore, #tpu.memory_space<semaphore_mem>>)
          %dma_wait3A_388 = tpu.memref_slice %arg3[%add3A_382] : memref<960000xi32, #tpu.memory_space<hbm>> -> memref<80xi32, #tpu.memory_space<hbm>>
          %dma_wait3A_389 = tpu.memref_slice %arg3[%add3A_382] : memref<960000xi32, #tpu.memory_space<hbm>> -> memref<80xi32, #tpu.memory_space<hbm>>
          tpu.wait_dma2 semaphore(%run_scoped3A : memref<!tpu.dma_semaphore, #tpu.memory_space<semaphore_mem>>) src(%dma_wait3A_389 : memref<80xi32, #tpu.memory_space<hbm>>) dst(%arg10 : memref<80xi32, #tpu.memory_space<vmem>>)
          tpu.yield
        }) : () -> ()
        %dma_start3A_383 = arith.constant 0 : i32
        %dma_start3A_384 = arith.constant 0 : i32
        %dma_start3A_385 = tpu.memref_slice %arg2[%dma_start3A_383, %dma_start3A_384] : memref<60000x128xf32, #tpu.memory_space<hbm>> -> memref<60000x128xf32, #tpu.memory_space<hbm>>
        tpu.enqueue_indirect_dma source(%dma_start3A_385 : memref<60000x128xf32, #tpu.memory_space<hbm>>) target(%arg12 : memref<80x128xf32, #tpu.memory_space<vmem>>) offsets(%arg8 : memref<80xi32, #tpu.memory_space<vmem>>) semaphore(%arg14 : memref<!tpu.dma_semaphore, #tpu.memory_space<semaphore_mem>>)
      } else {
      }
    }
    %scan3A_308 = arith.constant 62 : i32
    %dma_wait3A_309 = arith.constant 0 : i32
    %dma_wait3A_310 = arith.constant 0 : i32
    %dma_wait3A_311 = tpu.memref_slice %arg2[%dma_wait3A_309, %dma_wait3A_310] : memref<60000x128xf32, #tpu.memory_space<hbm>> -> memref<60000x128xf32, #tpu.memory_space<hbm>>
    tpu.wait_indirect_dma semaphore(%arg13 : memref<!tpu.dma_semaphore, #tpu.memory_space<semaphore_mem>>) src(%dma_wait3A_311 : memref<60000x128xf32, #tpu.memory_space<hbm>>) dst(%arg11 : memref<80x128xf32, #tpu.memory_space<vmem>>)
    "tpu.region"() ({
      %run_scoped3A = tpu.sem_alloc : memref<!tpu.dma_semaphore, #tpu.memory_space<semaphore_mem>>
      %dma_start3A_319 = arith.constant 0 : i32
      %dma_start3A_320 = arith.constant 0 : i32
      %dma_start3A_321 = tpu.memref_slice %arg5[%dma_start3A_319, %dma_start3A_320] : memref<10240x128xf32, #tpu.memory_space<vmem_shared>> -> memref<10240x128xf32, #tpu.memory_space<vmem_shared>>
      tpu.enqueue_indirect_dma source(%arg11 : memref<80x128xf32, #tpu.memory_space<vmem>>) target(%dma_start3A_321 : memref<10240x128xf32, #tpu.memory_space<vmem_shared>>) offsets(%arg9 : memref<80xi32, #tpu.memory_space<vmem>>) semaphore(%run_scoped3A : memref<!tpu.dma_semaphore, #tpu.memory_space<semaphore_mem>>) {add = true}
      %dma_wait3A_322 = arith.constant 0 : i32
      %dma_wait3A_323 = arith.constant 0 : i32
      %dma_wait3A_324 = tpu.memref_slice %arg5[%dma_wait3A_322, %dma_wait3A_323] : memref<10240x128xf32, #tpu.memory_space<vmem_shared>> -> memref<10240x128xf32, #tpu.memory_space<vmem_shared>>
      tpu.wait_indirect_dma semaphore(%run_scoped3A : memref<!tpu.dma_semaphore, #tpu.memory_space<semaphore_mem>>) src(%arg11 : memref<80x128xf32, #tpu.memory_space<vmem>>) dst(%dma_wait3A_324 : memref<10240x128xf32, #tpu.memory_space<vmem_shared>>)
      tpu.yield
    }) : () -> ()
    %barrier3A_312 = arith.constant 0 : index
    tpu.barrier barrier_id(%barrier3A_312)
    %mul3A_313 = arith.constant 625 : i32
    %mul3A_314 = arith.muli %arg1, %mul3A_313 : i32
    %mul3A_315 = arith.constant 625 : i32
    %mul3A_316 = arith.muli %arg1, %mul3A_315 : i32
    %add3A_317 = arith.addi %add3A_215, %mul3A_316 : i32
    "tpu.region"() ({
      %run_scoped3A = tpu.sem_alloc : memref<!tpu.dma_semaphore, #tpu.memory_space<semaphore_mem>>
      %dma_start3A_319 = arith.constant 0 : i32
      %dma_start3A_320 = tpu.memref_slice %arg4[%add3A_317, %dma_start3A_319] : memref<60000x128xf32, #tpu.memory_space<hbm>> -> memref<625x128xf32, #tpu.memory_space<hbm>>
      %dma_start3A_321 = arith.constant 0 : i32
      %dma_start3A_322 = tpu.memref_slice %arg5[%mul3A_314, %dma_start3A_321] : memref<10240x128xf32, #tpu.memory_space<vmem_shared>> -> memref<625x128xf32, #tpu.memory_space<vmem_shared>>
      tpu.enqueue_dma source(%dma_start3A_322 : memref<625x128xf32, #tpu.memory_space<vmem_shared>>) target(%dma_start3A_320 : memref<625x128xf32, #tpu.memory_space<hbm>>) target_semaphore(%run_scoped3A : memref<!tpu.dma_semaphore, #tpu.memory_space<semaphore_mem>>)
      %dma_wait3A_323 = arith.constant 0 : i32
      %dma_wait3A_324 = tpu.memref_slice %arg4[%add3A_317, %dma_wait3A_323] : memref<60000x128xf32, #tpu.memory_space<hbm>> -> memref<625x128xf32, #tpu.memory_space<hbm>>
      %dma_wait3A_325 = arith.constant 0 : i32
      %dma_wait3A_326 = tpu.memref_slice %arg5[%mul3A_314, %dma_wait3A_325] : memref<10240x128xf32, #tpu.memory_space<vmem_shared>> -> memref<625x128xf32, #tpu.memory_space<vmem_shared>>
      tpu.wait_dma2 semaphore(%run_scoped3A : memref<!tpu.dma_semaphore, #tpu.memory_space<semaphore_mem>>) src(%dma_wait3A_326 : memref<625x128xf32, #tpu.memory_space<vmem_shared>>) dst(%dma_wait3A_324 : memref<625x128xf32, #tpu.memory_space<hbm>>)
      tpu.yield
    }) : () -> ()
    %barrier3A_318 = arith.constant 0 : index
    tpu.barrier barrier_id(%barrier3A_318)
    return
  }
}

#map = affine_map<(d0, d1) -> (0)>
#map1 = affine_map<(d0, d1) -> (0, 0)>
module attributes {stable_mosaic.version = 14 : i64} {
  func.func @_deg_kernel(%arg0: i32, %arg1: i32, %arg2: memref<960000xi32, #tpu.memory_space<hbm>>, %arg3: memref<32x60096xf32, #tpu.memory_space<hbm>>, %arg4: memref<60096xf32, #tpu.memory_space<vmem>>, %arg5: memref<640xi32, #tpu.memory_space<vmem>>) attributes {dimension_semantics = [#tpu.dimension_semantics<core_parallel>, #tpu.dimension_semantics<subcore_parallel>], iteration_bounds = array<i64: 2, 16>, scalar_prefetch = 0 : i64, scratch_operands = 2 : i64, tpu.core_type = #tpu.core_type<sc_vector_subcore>, window_params = [{transform_indices = #map}, {transform_indices = #map1}]} {
    %mul3A = arith.constant 2 : i32
    %mul3A_0 = arith.muli %arg1, %mul3A : i32
    %add3A = arith.addi %mul3A_0, %arg0 : i32
    %broadcast_in_dim3A = arith.constant 0.000000e+00 : f32
    %broadcast_in_dim3A_1 = vector.broadcast %broadcast_in_dim3A : f32 to vector<16xf32>
    %scan3A = arith.constant 0 : i32
    %scan3A_2 = arith.constant 3756 : i32
    %scan3A_3 = arith.addi %scan3A, %scan3A_2 : i32
    %scan3A_4 = arith.constant 1 : i32
    scf.for %scan3A_13 = %scan3A to %scan3A_3 step %scan3A_4  : i32 {
      %mul3A_14 = arith.constant 16 : i32
      %mul3A_15 = arith.muli %scan3A_13, %mul3A_14 : i32
      %swap3A = arith.index_cast %mul3A_15 : i32 to index
      %swap3A_16 = tpu.vector_load %arg4[%swap3A] {strides = array<i32>} : memref<60096xf32, #tpu.memory_space<vmem>>, vector<16xf32>,
      tpu.vector_store %arg4[%swap3A], %broadcast_in_dim3A_1 {strides = array<i32>} : memref<60096xf32, #tpu.memory_space<vmem>>, vector<16xf32>,
    }
    %scan3A_5 = arith.constant 3756 : i32
    %broadcast_in_dim3A_6 = arith.constant 1.000000e+00 : f32
    %broadcast_in_dim3A_7 = vector.broadcast %broadcast_in_dim3A_6 : f32 to vector<16xf32>
    %scan3A_8 = arith.constant 0 : i32
    %scan3A_9 = arith.constant 47 : i32
    %scan3A_10 = arith.addi %scan3A_8, %scan3A_9 : i32
    %scan3A_11 = arith.constant 1 : i32
    scf.for %scan3A_13 = %scan3A_8 to %scan3A_10 step %scan3A_11  : i32 {
      %mul3A_14 = arith.constant 32 : i32
      %mul3A_15 = arith.muli %scan3A_13, %mul3A_14 : i32
      %add3A_16 = arith.addi %add3A, %mul3A_15 : i32
      %lt3A = arith.constant 1500 : i32
      %lt3A_17 = arith.cmpi slt, %add3A_16, %lt3A : i32
      %convert_element_type3A = arith.extui %lt3A_17 : i1 to i32
      %cond3A = arith.constant 0 : i32
      %cond3A_18 = arith.cmpi ne, %convert_element_type3A, %cond3A : i32
      scf.if %cond3A_18 {
        %jit3A = arith.constant 250 : i32
        %div3A = arith.divsi %add3A_16, %jit3A : i32
        %sign3A = arith.constant 0 : i32
        %sign3A_19 = arith.cmpi sgt, %add3A_16, %sign3A : i32
        %sign3A_20 = arith.extui %sign3A_19 : i1 to i32
        %sign3A_21 = arith.constant 0 : i32
        %sign3A_22 = arith.cmpi slt, %add3A_16, %sign3A_21 : i32
        %sign3A_23 = arith.extui %sign3A_22 : i1 to i32
        %sign3A_24 = arith.subi %sign3A_20, %sign3A_23 : i32
        %sign3A_25 = arith.constant 0 : i32
        %sign3A_26 = arith.cmpi sgt, %jit3A, %sign3A_25 : i32
        %sign3A_27 = arith.extui %sign3A_26 : i1 to i32
        %sign3A_28 = arith.constant 0 : i32
        %sign3A_29 = arith.cmpi slt, %jit3A, %sign3A_28 : i32
        %sign3A_30 = arith.extui %sign3A_29 : i1 to i32
        %sign3A_31 = arith.subi %sign3A_27, %sign3A_30 : i32
        %ne3A = arith.cmpi ne, %sign3A_24, %sign3A_31 : i32
        %rem3A = arith.remsi %add3A_16, %jit3A : i32
        %ne3A_32 = arith.constant 0 : i32
        %ne3A_33 = arith.cmpi ne, %rem3A, %ne3A_32 : i32
        %and3A = arith.andi %ne3A, %ne3A_33 : i1
        %sub3A = arith.constant 1 : i32
        %sub3A_34 = arith.subi %div3A, %sub3A : i32
        %select_n3A = arith.select %and3A, %sub3A_34, %div3A : i32
        %mul3A_35 = arith.constant 10016 : i32
        %mul3A_36 = arith.muli %select_n3A, %mul3A_35 : i32
        %mul3A_37 = arith.constant 640 : i32
        %mul3A_38 = arith.muli %add3A_16, %mul3A_37 : i32
        "tpu.region"() ({
          %run_scoped3A = tpu.sem_alloc : memref<!tpu.dma_semaphore, #tpu.memory_space<semaphore_mem>>
          %dma_start3A = tpu.memref_slice %arg2[%mul3A_38] : memref<960000xi32, #tpu.memory_space<hbm>> -> memref<640xi32, #tpu.memory_space<hbm>>
          %dma_start3A_44 = tpu.memref_slice %arg2[%mul3A_38] : memref<960000xi32, #tpu.memory_space<hbm>> -> memref<640xi32, #tpu.memory_space<hbm>>
          tpu.enqueue_dma source(%dma_start3A_44 : memref<640xi32, #tpu.memory_space<hbm>>) target(%arg5 : memref<640xi32, #tpu.memory_space<vmem>>) target_semaphore(%run_scoped3A : memref<!tpu.dma_semaphore, #tpu.memory_space<semaphore_mem>>)
          %dma_wait3A = tpu.memref_slice %arg2[%mul3A_38] : memref<960000xi32, #tpu.memory_space<hbm>> -> memref<640xi32, #tpu.memory_space<hbm>>
          %dma_wait3A_45 = tpu.memref_slice %arg2[%mul3A_38] : memref<960000xi32, #tpu.memory_space<hbm>> -> memref<640xi32, #tpu.memory_space<hbm>>
          tpu.wait_dma2 semaphore(%run_scoped3A : memref<!tpu.dma_semaphore, #tpu.memory_space<semaphore_mem>>) src(%dma_wait3A_45 : memref<640xi32, #tpu.memory_space<hbm>>) dst(%arg5 : memref<640xi32, #tpu.memory_space<vmem>>)
          tpu.yield
        }) : () -> ()
        %scan3A_39 = arith.constant 0 : i32
        %scan3A_40 = arith.constant 40 : i32
        %scan3A_41 = arith.addi %scan3A_39, %scan3A_40 : i32
        %scan3A_42 = arith.constant 1 : i32
        scf.for %scan3A_44 = %scan3A_39 to %scan3A_41 step %scan3A_42  : i32 {
          %mul3A_45 = arith.constant 16 : i32
          %mul3A_46 = arith.muli %scan3A_44, %mul3A_45 : i32
          %get3A = arith.index_cast %mul3A_46 : i32 to index
          %get3A_47 = tpu.vector_load %arg5[%get3A] {strides = array<i32>} : memref<640xi32, #tpu.memory_space<vmem>>, vector<16xi32>,
          %add3A_48 = vector.broadcast %mul3A_36 : i32 to vector<16xi32>
          %add3A_49 = arith.addi %get3A_47, %add3A_48 : vector<16xi32>
          tpu.vector_store_idx %arg4[%add3A_49], %broadcast_in_dim3A_7 {add = true} : memref<60096xf32, #tpu.memory_space<vmem>>[vector<16xi32>], vector<16xf32>,
        }
        %scan3A_43 = arith.constant 40 : i32
      } else {
      }
    }
    %scan3A_12 = arith.constant 47 : i32
    "tpu.region"() ({
      %run_scoped3A = tpu.sem_alloc : memref<!tpu.dma_semaphore, #tpu.memory_space<semaphore_mem>>
      %dma_start3A = arith.constant 0 : i32
      %dma_start3A_13 = tpu.memref_slice %arg3[%add3A, %dma_start3A] : memref<32x60096xf32, #tpu.memory_space<hbm>> -> memref<1x60096xf32, #tpu.memory_space<hbm>>
      %dma_start3A_14 = tpu.memref_squeeze %dma_start3A_13 : memref<1x60096xf32, #tpu.memory_space<hbm>> -> memref<60096xf32, #tpu.memory_space<hbm>>
      %dma_start3A_15 = arith.constant 0 : i32
      %dma_start3A_16 = tpu.memref_slice %arg3[%add3A, %dma_start3A_15] : memref<32x60096xf32, #tpu.memory_space<hbm>> -> memref<1x60096xf32, #tpu.memory_space<hbm>>
      %dma_start3A_17 = tpu.memref_squeeze %dma_start3A_16 : memref<1x60096xf32, #tpu.memory_space<hbm>> -> memref<60096xf32, #tpu.memory_space<hbm>>
      tpu.enqueue_dma source(%arg4 : memref<60096xf32, #tpu.memory_space<vmem>>) target(%dma_start3A_17 : memref<60096xf32, #tpu.memory_space<hbm>>) target_semaphore(%run_scoped3A : memref<!tpu.dma_semaphore, #tpu.memory_space<semaphore_mem>>)
      %dma_wait3A = arith.constant 0 : i32
      %dma_wait3A_18 = tpu.memref_slice %arg3[%add3A, %dma_wait3A] : memref<32x60096xf32, #tpu.memory_space<hbm>> -> memref<1x60096xf32, #tpu.memory_space<hbm>>
      %dma_wait3A_19 = tpu.memref_squeeze %dma_wait3A_18 : memref<1x60096xf32, #tpu.memory_space<hbm>> -> memref<60096xf32, #tpu.memory_space<hbm>>
      %dma_wait3A_20 = arith.constant 0 : i32
      %dma_wait3A_21 = tpu.memref_slice %arg3[%add3A, %dma_wait3A_20] : memref<32x60096xf32, #tpu.memory_space<hbm>> -> memref<1x60096xf32, #tpu.memory_space<hbm>>
      %dma_wait3A_22 = tpu.memref_squeeze %dma_wait3A_21 : memref<1x60096xf32, #tpu.memory_space<hbm>> -> memref<60096xf32, #tpu.memory_space<hbm>>
      tpu.wait_dma2 semaphore(%run_scoped3A : memref<!tpu.dma_semaphore, #tpu.memory_space<semaphore_mem>>) src(%arg4 : memref<60096xf32, #tpu.memory_space<vmem>>) dst(%dma_wait3A_22 : memref<60096xf32, #tpu.memory_space<hbm>>)
      tpu.yield
    }) : () -> ()
    return
  }
}

module attributes {stable_mosaic.version = 14 : i64} {
  func.func @_norms_body(%arg0: memref<32x6x10016xf32, #tpu.memory_space<vmem>>, %arg1: memref<3x2x10000xf32, #tpu.memory_space<vmem>>) attributes {dimension_semantics = [], scalar_prefetch = 0 : i64, scratch_operands = 0 : i64, tpu.core_type = #tpu.core_type<tc>} {
    %get3A = arith.constant 0 : index
    %get3A_0 = arith.constant 0 : index
    %get3A_1 = arith.constant 0 : index
    %get3A_2 = vector.load %arg0[%get3A, %get3A_0, %get3A_1] : memref<32x6x10016xf32, #tpu.memory_space<vmem>>, vector<32x6x10016xf32>
    %reduce_sum3A = arith.constant dense<0.000000e+00> : vector<6x10016xf32>
    %reduce_sum3A_3 = vector.multi_reduction <add>, %get3A_2, %reduce_sum3A [0] : vector<32x6x10016xf32> to vector<6x10016xf32>
    %gt3A = arith.constant 0.000000e+00 : f32
    %gt3A_4 = vector.broadcast %gt3A : f32 to vector<6x10016xf32>
    %gt3A_5 = arith.cmpf ogt, %reduce_sum3A_3, %gt3A_4 : vector<6x10016xf32>
    %rsqrt3A = math.rsqrt %reduce_sum3A_3 : vector<6x10016xf32>
    %jit3A = arith.constant 0.000000e+00 : f32
    %broadcast_in_dim3A = vector.broadcast %jit3A : f32 to vector<6x10016xf32>
    %select_n3A = arith.select %gt3A_5, %rsqrt3A, %broadcast_in_dim3A : vector<6x10016xi1>, vector<6x10016xf32>
    %slice3A = vector.extract_strided_slice %select_n3A {offsets = [0, 0], sizes = [6, 10000], strides = [1, 1]} : vector<6x10016xf32> to vector<6x10000xf32>
    %reshape3A = vector.shape_cast %slice3A : vector<6x10000xf32> to vector<3x2x10000xf32>
    %swap3A = arith.constant 0 : index
    %swap3A_6 = arith.constant 0 : index
    %swap3A_7 = arith.constant 0 : index
    %swap3A_8 = vector.load %arg1[%swap3A, %swap3A_6, %swap3A_7] : memref<3x2x10000xf32, #tpu.memory_space<vmem>>, vector<3x2x10000xf32>
    tpu.vector_store %arg1[%swap3A, %swap3A_6, %swap3A_7], %reshape3A {strides = array<i32>} : memref<3x2x10000xf32, #tpu.memory_space<vmem>>, vector<3x2x10000xf32>,
    return
  }
}

module attributes {stable_mosaic.version = 14 : i64} {
  func.func @_h1_body(%arg0: i32, %arg1: memref<1000x256xf32, #tpu.memory_space<vmem>>, %arg2: memref<256x256xf32, #tpu.memory_space<vmem>>, %arg3: memref<3x1000x2xf32, #tpu.memory_space<vmem>>, %arg4: memref<3x2x1000x128xf32, #tpu.memory_space<vmem>>) attributes {dimension_semantics = [#tpu.dimension_semantics<arbitrary>], iteration_bounds = array<i64: 10>, scalar_prefetch = 0 : i64, scratch_operands = 0 : i64, tpu.core_type = #tpu.core_type<tc>, window_params = [{transform_indices = @transform_0, window_bounds = array<i64: 1000, 256>}, {pipeline_mode = #tpu.pipeline_mode<synchronous>, transform_indices = @transform_1, window_bounds = array<i64: 256, 256>}, {transform_indices = @transform_2, window_bounds = array<i64: 3, 1000, 2>}, {transform_indices = @transform_3, window_bounds = array<i64: 3, 2, 1000, 128>}]} {
    %get3A = arith.constant 0 : index
    %get3A_0 = arith.constant 0 : index
    %get3A_1 = vector.load %arg1[%get3A, %get3A_0] : memref<1000x256xf32, #tpu.memory_space<vmem>>, vector<1000x256xf32>
    %get3A_2 = arith.constant 0 : index
    %get3A_3 = arith.constant 0 : index
    %get3A_4 = vector.load %arg2[%get3A_2, %get3A_3] : memref<256x256xf32, #tpu.memory_space<vmem>>, vector<256x256xf32>
    %dot_general3A = arith.constant dense<0.000000e+00> : vector<1000x256xf32>
    %dot_general3A_5 = tpu.matmul %get3A_1, %get3A_4, %dot_general3A {dimension_numbers = #tpu.dot_dimension_numbers<[1], [0], [0], [1], [0, 0, 1, 1], [], []>, transpose_lhs_hint = false} : vector<1000x256xf32>, vector<256x256xf32>, vector<1000x256xf32> -> vector<1000x256xf32>
    %get3A_6 = arith.constant 0 : index
    %get3A_7 = arith.constant 0 : index
    %get3A_8 = arith.constant 0 : index
    %get3A_9 = vector.load %arg3[%get3A_6, %get3A_7, %get3A_8] : memref<3x1000x2xf32, #tpu.memory_space<vmem>>, vector<1x1000x1xf32>
    %get3A_10 = vector.shape_cast %get3A_9 : vector<1x1000x1xf32> to vector<1000xf32>
    %broadcast_in_dim3A = vector.shape_cast %get3A_10 : vector<1000xf32> to vector<1000x1xf32>
    %mul3A = vector.broadcast %broadcast_in_dim3A : vector<1000x1xf32> to vector<1000x256xf32>
    %mul3A_11 = arith.mulf %dot_general3A_5, %mul3A : vector<1000x256xf32>
    %slice3A = vector.extract_strided_slice %mul3A_11 {offsets = [0, 0], sizes = [1000, 128], strides = [1, 1]} : vector<1000x256xf32> to vector<1000x128xf32>
    %swap3A = arith.constant 0 : index
    %swap3A_12 = arith.constant 0 : index
    %swap3A_13 = arith.constant 0 : index
    %swap3A_14 = arith.constant 0 : index
    %swap3A_15 = vector.load %arg4[%swap3A, %swap3A_12, %swap3A_13, %swap3A_14] : memref<3x2x1000x128xf32, #tpu.memory_space<vmem>>, vector<1x1x1000x128xf32>
    %swap3A_16 = vector.shape_cast %swap3A_15 : vector<1x1x1000x128xf32> to vector<1000x128xf32>
    %swap3A_17 = vector.shape_cast %slice3A : vector<1000x128xf32> to vector<1x1x1000x128xf32>
    tpu.vector_store %arg4[%swap3A, %swap3A_12, %swap3A_13, %swap3A_14], %swap3A_17 {strides = array<i32>} : memref<3x2x1000x128xf32, #tpu.memory_space<vmem>>, vector<1x1x1000x128xf32>,
    %slice3A_18 = vector.extract_strided_slice %mul3A_11 {offsets = [0, 128], sizes = [1000, 128], strides = [1, 1]} : vector<1000x256xf32> to vector<1000x128xf32>
    %swap3A_19 = arith.constant 0 : index
    %swap3A_20 = arith.constant 1 : index
    %swap3A_21 = arith.constant 0 : index
    %swap3A_22 = arith.constant 0 : index
    %swap3A_23 = vector.load %arg4[%swap3A_19, %swap3A_20, %swap3A_21, %swap3A_22] : memref<3x2x1000x128xf32, #tpu.memory_space<vmem>>, vector<1x1x1000x128xf32>
    %swap3A_24 = vector.shape_cast %swap3A_23 : vector<1x1x1000x128xf32> to vector<1000x128xf32>
    %swap3A_25 = vector.shape_cast %slice3A_18 : vector<1000x128xf32> to vector<1x1x1000x128xf32>
    tpu.vector_store %arg4[%swap3A_19, %swap3A_20, %swap3A_21, %swap3A_22], %swap3A_25 {strides = array<i32>} : memref<3x2x1000x128xf32, #tpu.memory_space<vmem>>, vector<1x1x1000x128xf32>,
    %get3A_26 = arith.constant 1 : index
    %get3A_27 = arith.constant 0 : index
    %get3A_28 = arith.constant 0 : index
    %get3A_29 = vector.load %arg3[%get3A_26, %get3A_27, %get3A_28] : memref<3x1000x2xf32, #tpu.memory_space<vmem>>, vector<1x1000x1xf32>
    %get3A_30 = vector.shape_cast %get3A_29 : vector<1x1000x1xf32> to vector<1000xf32>
    %broadcast_in_dim3A_31 = vector.shape_cast %get3A_30 : vector<1000xf32> to vector<1000x1xf32>
    %mul3A_32 = vector.broadcast %broadcast_in_dim3A_31 : vector<1000x1xf32> to vector<1000x256xf32>
    %mul3A_33 = arith.mulf %dot_general3A_5, %mul3A_32 : vector<1000x256xf32>
    %slice3A_34 = vector.extract_strided_slice %mul3A_33 {offsets = [0, 0], sizes = [1000, 128], strides = [1, 1]} : vector<1000x256xf32> to vector<1000x128xf32>
    %swap3A_35 = arith.constant 1 : index
    %swap3A_36 = arith.constant 0 : index
    %swap3A_37 = arith.constant 0 : index
    %swap3A_38 = arith.constant 0 : index
    %swap3A_39 = vector.load %arg4[%swap3A_35, %swap3A_36, %swap3A_37, %swap3A_38] : memref<3x2x1000x128xf32, #tpu.memory_space<vmem>>, vector<1x1x1000x128xf32>
    %swap3A_40 = vector.shape_cast %swap3A_39 : vector<1x1x1000x128xf32> to vector<1000x128xf32>
    %swap3A_41 = vector.shape_cast %slice3A_34 : vector<1000x128xf32> to vector<1x1x1000x128xf32>
    tpu.vector_store %arg4[%swap3A_35, %swap3A_36, %swap3A_37, %swap3A_38], %swap3A_41 {strides = array<i32>} : memref<3x2x1000x128xf32, #tpu.memory_space<vmem>>, vector<1x1x1000x128xf32>,
    %slice3A_42 = vector.extract_strided_slice %mul3A_33 {offsets = [0, 128], sizes = [1000, 128], strides = [1, 1]} : vector<1000x256xf32> to vector<1000x128xf32>
    %swap3A_43 = arith.constant 1 : index
    %swap3A_44 = arith.constant 1 : index
    %swap3A_45 = arith.constant 0 : index
    %swap3A_46 = arith.constant 0 : index
    %swap3A_47 = vector.load %arg4[%swap3A_43, %swap3A_44, %swap3A_45, %swap3A_46] : memref<3x2x1000x128xf32, #tpu.memory_space<vmem>>, vector<1x1x1000x128xf32>
    %swap3A_48 = vector.shape_cast %swap3A_47 : vector<1x1x1000x128xf32> to vector<1000x128xf32>
    %swap3A_49 = vector.shape_cast %slice3A_42 : vector<1000x128xf32> to vector<1x1x1000x128xf32>
    tpu.vector_store %arg4[%swap3A_43, %swap3A_44, %swap3A_45, %swap3A_46], %swap3A_49 {strides = array<i32>} : memref<3x2x1000x128xf32, #tpu.memory_space<vmem>>, vector<1x1x1000x128xf32>,
    %get3A_50 = arith.constant 2 : index
    %get3A_51 = arith.constant 0 : index
    %get3A_52 = arith.constant 0 : index
    %get3A_53 = vector.load %arg3[%get3A_50, %get3A_51, %get3A_52] : memref<3x1000x2xf32, #tpu.memory_space<vmem>>, vector<1x1000x1xf32>
    %get3A_54 = vector.shape_cast %get3A_53 : vector<1x1000x1xf32> to vector<1000xf32>
    %broadcast_in_dim3A_55 = vector.shape_cast %get3A_54 : vector<1000xf32> to vector<1000x1xf32>
    %mul3A_56 = vector.broadcast %broadcast_in_dim3A_55 : vector<1000x1xf32> to vector<1000x256xf32>
    %mul3A_57 = arith.mulf %dot_general3A_5, %mul3A_56 : vector<1000x256xf32>
    %slice3A_58 = vector.extract_strided_slice %mul3A_57 {offsets = [0, 0], sizes = [1000, 128], strides = [1, 1]} : vector<1000x256xf32> to vector<1000x128xf32>
    %swap3A_59 = arith.constant 2 : index
    %swap3A_60 = arith.constant 0 : index
    %swap3A_61 = arith.constant 0 : index
    %swap3A_62 = arith.constant 0 : index
    %swap3A_63 = vector.load %arg4[%swap3A_59, %swap3A_60, %swap3A_61, %swap3A_62] : memref<3x2x1000x128xf32, #tpu.memory_space<vmem>>, vector<1x1x1000x128xf32>
    %swap3A_64 = vector.shape_cast %swap3A_63 : vector<1x1x1000x128xf32> to vector<1000x128xf32>
    %swap3A_65 = vector.shape_cast %slice3A_58 : vector<1000x128xf32> to vector<1x1x1000x128xf32>
    tpu.vector_store %arg4[%swap3A_59, %swap3A_60, %swap3A_61, %swap3A_62], %swap3A_65 {strides = array<i32>} : memref<3x2x1000x128xf32, #tpu.memory_space<vmem>>, vector<1x1x1000x128xf32>,
    %slice3A_66 = vector.extract_strided_slice %mul3A_57 {offsets = [0, 128], sizes = [1000, 128], strides = [1, 1]} : vector<1000x256xf32> to vector<1000x128xf32>
    %swap3A_67 = arith.constant 2 : index
    %swap3A_68 = arith.constant 1 : index
    %swap3A_69 = arith.constant 0 : index
    %swap3A_70 = arith.constant 0 : index
    %swap3A_71 = vector.load %arg4[%swap3A_67, %swap3A_68, %swap3A_69, %swap3A_70] : memref<3x2x1000x128xf32, #tpu.memory_space<vmem>>, vector<1x1x1000x128xf32>
    %swap3A_72 = vector.shape_cast %swap3A_71 : vector<1x1x1000x128xf32> to vector<1000x128xf32>
    %swap3A_73 = vector.shape_cast %slice3A_66 : vector<1000x128xf32> to vector<1x1x1000x128xf32>
    tpu.vector_store %arg4[%swap3A_67, %swap3A_68, %swap3A_69, %swap3A_70], %swap3A_73 {strides = array<i32>} : memref<3x2x1000x128xf32, #tpu.memory_space<vmem>>, vector<1x1x1000x128xf32>,
    return
  }
  func.func @transform_0(%arg0: i32) -> (i32, i32) {
    %c0_i32 = arith.constant 0 : i32
    %c0_i32_0 = arith.constant 0 : i32
    return %arg0, %c0_i32 : i32, i32
  }
  func.func @transform_1(%arg0: i32) -> (i32, i32) {
    %c0_i32 = arith.constant 0 : i32
    %c0_i32_0 = arith.constant 0 : i32
    %c0_i32_1 = arith.constant 0 : i32
    return %c0_i32, %c0_i32_0 : i32, i32
  }
  func.func @transform_2(%arg0: i32) -> (i32, i32, i32) {
    %c0_i32 = arith.constant 0 : i32
    %c0_i32_0 = arith.constant 0 : i32
    %c0_i32_1 = arith.constant 0 : i32
    return %c0_i32, %arg0, %c0_i32_0 : i32, i32, i32
  }
  func.func @transform_3(%arg0: i32) -> (i32, i32, i32, i32) {
    %c0_i32 = arith.constant 0 : i32
    %c0_i32_0 = arith.constant 0 : i32
    %c0_i32_1 = arith.constant 0 : i32
    %c0_i32_2 = arith.constant 0 : i32
    return %c0_i32, %c0_i32_0, %arg0, %c0_i32_1 : i32, i32, i32, i32
  }
}

module attributes {stable_mosaic.version = 14 : i64} {
  func.func @_post1_body(%arg0: i32, %arg1: i32, %arg2: memref<1x2x1000x128xf32, #tpu.memory_space<vmem>>, %arg3: memref<1x1000x2xf32, #tpu.memory_space<vmem>>, %arg4: memref<256x256xf32, #tpu.memory_space<vmem>>, %arg5: memref<256xf32, #tpu.memory_space<vmem>>, %arg6: memref<1x2x1000x128xf32, #tpu.memory_space<vmem>>) attributes {dimension_semantics = [#tpu.dimension_semantics<arbitrary>, #tpu.dimension_semantics<arbitrary>], iteration_bounds = array<i64: 3, 10>, scalar_prefetch = 0 : i64, scratch_operands = 0 : i64, tpu.core_type = #tpu.core_type<tc>, window_params = [{transform_indices = @transform_0, window_bounds = array<i64: 1, 2, 1000, 128>}, {transform_indices = @transform_1, window_bounds = array<i64: 1, 1000, 2>}, {pipeline_mode = #tpu.pipeline_mode<synchronous>, transform_indices = @transform_2, window_bounds = array<i64: 256, 256>}, {pipeline_mode = #tpu.pipeline_mode<synchronous>, transform_indices = @transform_3, window_bounds = array<i64: 256>}, {transform_indices = @transform_4, window_bounds = array<i64: 1, 2, 1000, 128>}]} {
    %get3A = arith.constant 0 : index
    %get3A_0 = arith.constant 0 : index
    %get3A_1 = arith.constant 0 : index
    %get3A_2 = arith.constant 0 : index
    %get3A_3 = vector.load %arg2[%get3A, %get3A_0, %get3A_1, %get3A_2] : memref<1x2x1000x128xf32, #tpu.memory_space<vmem>>, vector<1x1x1000x128xf32>
    %get3A_4 = vector.shape_cast %get3A_3 : vector<1x1x1000x128xf32> to vector<1000x128xf32>
    %get3A_5 = arith.constant 0 : index
    %get3A_6 = arith.constant 1 : index
    %get3A_7 = arith.constant 0 : index
    %get3A_8 = arith.constant 0 : index
    %get3A_9 = vector.load %arg2[%get3A_5, %get3A_6, %get3A_7, %get3A_8] : memref<1x2x1000x128xf32, #tpu.memory_space<vmem>>, vector<1x1x1000x128xf32>
    %get3A_10 = vector.shape_cast %get3A_9 : vector<1x1x1000x128xf32> to vector<1000x128xf32>
    %concatenate3A = tpu.concatenate %get3A_4, %get3A_10 in 1 : vector<1000x128xf32>, vector<1000x128xf32> -> vector<1000x256xf32>
    %get3A_11 = arith.constant 0 : index
    %get3A_12 = arith.constant 0 : index
    %get3A_13 = arith.constant 1 : index
    %get3A_14 = vector.load %arg3[%get3A_11, %get3A_12, %get3A_13] : memref<1x1000x2xf32, #tpu.memory_space<vmem>>, vector<1x1000x1xf32>
    %get3A_15 = vector.shape_cast %get3A_14 : vector<1x1000x1xf32> to vector<1000xf32>
    %broadcast_in_dim3A = vector.shape_cast %get3A_15 : vector<1000xf32> to vector<1000x1xf32>
    %get3A_16 = arith.constant 0 : index
    %get3A_17 = arith.constant 0 : index
    %get3A_18 = arith.constant 0 : index
    %get3A_19 = vector.load %arg3[%get3A_16, %get3A_17, %get3A_18] : memref<1x1000x2xf32, #tpu.memory_space<vmem>>, vector<1x1000x1xf32>
    %get3A_20 = vector.shape_cast %get3A_19 : vector<1x1000x1xf32> to vector<1000xf32>
    %broadcast_in_dim3A_21 = vector.shape_cast %get3A_20 : vector<1000xf32> to vector<1000x1xf32>
    %mul3A = vector.broadcast %broadcast_in_dim3A : vector<1000x1xf32> to vector<1000x256xf32>
    %mul3A_22 = arith.mulf %concatenate3A, %mul3A : vector<1000x256xf32>
    %get3A_23 = arith.constant 0 : index
    %get3A_24 = vector.load %arg5[%get3A_23] : memref<256xf32, #tpu.memory_space<vmem>>, vector<256xf32>
    %broadcast_in_dim3A_25 = vector.shape_cast %get3A_24 : vector<256xf32> to vector<1x256xf32>
    %add3A = vector.broadcast %broadcast_in_dim3A_25 : vector<1x256xf32> to vector<1000x256xf32>
    %add3A_26 = arith.addf %mul3A_22, %add3A : vector<1000x256xf32>
    %max3A = arith.constant 0.000000e+00 : f32
    %max3A_27 = vector.broadcast %max3A : f32 to vector<1000x256xf32>
    %max3A_28 = arith.maximumf %add3A_26, %max3A_27 : vector<1000x256xf32>
    %mul3A_29 = vector.broadcast %broadcast_in_dim3A_21 : vector<1000x1xf32> to vector<1000x256xf32>
    %mul3A_30 = arith.mulf %max3A_28, %mul3A_29 : vector<1000x256xf32>
    %get3A_31 = arith.constant 0 : index
    %get3A_32 = arith.constant 0 : index
    %get3A_33 = vector.load %arg4[%get3A_31, %get3A_32] : memref<256x256xf32, #tpu.memory_space<vmem>>, vector<256x256xf32>
    %dot_general3A = arith.constant dense<0.000000e+00> : vector<1000x256xf32>
    %dot_general3A_34 = tpu.matmul %mul3A_30, %get3A_33, %dot_general3A {dimension_numbers = #tpu.dot_dimension_numbers<[1], [0], [0], [1], [0, 0, 1, 1], [], []>, transpose_lhs_hint = false} : vector<1000x256xf32>, vector<256x256xf32>, vector<1000x256xf32> -> vector<1000x256xf32>
    %slice3A = vector.extract_strided_slice %dot_general3A_34 {offsets = [0, 0], sizes = [1000, 128], strides = [1, 1]} : vector<1000x256xf32> to vector<1000x128xf32>
    %swap3A = arith.constant 0 : index
    %swap3A_35 = arith.constant 0 : index
    %swap3A_36 = arith.constant 0 : index
    %swap3A_37 = arith.constant 0 : index
    %swap3A_38 = vector.load %arg6[%swap3A, %swap3A_35, %swap3A_36, %swap3A_37] : memref<1x2x1000x128xf32, #tpu.memory_space<vmem>>, vector<1x1x1000x128xf32>
    %swap3A_39 = vector.shape_cast %swap3A_38 : vector<1x1x1000x128xf32> to vector<1000x128xf32>
    %swap3A_40 = vector.shape_cast %slice3A : vector<1000x128xf32> to vector<1x1x1000x128xf32>
    tpu.vector_store %arg6[%swap3A, %swap3A_35, %swap3A_36, %swap3A_37], %swap3A_40 {strides = array<i32>} : memref<1x2x1000x128xf32, #tpu.memory_space<vmem>>, vector<1x1x1000x128xf32>,
    %slice3A_41 = vector.extract_strided_slice %dot_general3A_34 {offsets = [0, 128], sizes = [1000, 128], strides = [1, 1]} : vector<1000x256xf32> to vector<1000x128xf32>
    %swap3A_42 = arith.constant 0 : index
    %swap3A_43 = arith.constant 1 : index
    %swap3A_44 = arith.constant 0 : index
    %swap3A_45 = arith.constant 0 : index
    %swap3A_46 = vector.load %arg6[%swap3A_42, %swap3A_43, %swap3A_44, %swap3A_45] : memref<1x2x1000x128xf32, #tpu.memory_space<vmem>>, vector<1x1x1000x128xf32>
    %swap3A_47 = vector.shape_cast %swap3A_46 : vector<1x1x1000x128xf32> to vector<1000x128xf32>
    %swap3A_48 = vector.shape_cast %slice3A_41 : vector<1000x128xf32> to vector<1x1x1000x128xf32>
    tpu.vector_store %arg6[%swap3A_42, %swap3A_43, %swap3A_44, %swap3A_45], %swap3A_48 {strides = array<i32>} : memref<1x2x1000x128xf32, #tpu.memory_space<vmem>>, vector<1x1x1000x128xf32>,
    return
  }
  func.func @transform_0(%arg0: i32, %arg1: i32) -> (i32, i32, i32, i32) {
    %c0_i32 = arith.constant 0 : i32
    %c0_i32_0 = arith.constant 0 : i32
    %c0_i32_1 = arith.constant 0 : i32
    return %arg0, %c0_i32, %arg1, %c0_i32_0 : i32, i32, i32, i32
  }
  func.func @transform_1(%arg0: i32, %arg1: i32) -> (i32, i32, i32) {
    %c0_i32 = arith.constant 0 : i32
    %c0_i32_0 = arith.constant 0 : i32
    return %arg0, %arg1, %c0_i32 : i32, i32, i32
  }
  func.func @transform_2(%arg0: i32, %arg1: i32) -> (i32, i32) {
    %c0_i32 = arith.constant 0 : i32
    %c0_i32_0 = arith.constant 0 : i32
    %c0_i32_1 = arith.constant 0 : i32
    return %c0_i32, %c0_i32_0 : i32, i32
  }
  func.func @transform_3(%arg0: i32, %arg1: i32) -> i32 {
    %c0_i32 = arith.constant 0 : i32
    %c0_i32_0 = arith.constant 0 : i32
    return %c0_i32 : i32
  }
  func.func @transform_4(%arg0: i32, %arg1: i32) -> (i32, i32, i32, i32) {
    %c0_i32 = arith.constant 0 : i32
    %c0_i32_0 = arith.constant 0 : i32
    %c0_i32_1 = arith.constant 0 : i32
    return %arg0, %c0_i32, %arg1, %c0_i32_0 : i32, i32, i32, i32
  }
}

module attributes {stable_mosaic.version = 14 : i64} {
  func.func @_post2_body(%arg0: i32, %arg1: i32, %arg2: memref<1x2x1000x128xf32, #tpu.memory_space<vmem>>, %arg3: memref<1x1000x2xf32, #tpu.memory_space<vmem>>, %arg4: memref<256xf32, #tpu.memory_space<vmem>>, %arg5: memref<1x1000x256xf32, #tpu.memory_space<vmem>>) attributes {dimension_semantics = [#tpu.dimension_semantics<arbitrary>, #tpu.dimension_semantics<arbitrary>], iteration_bounds = array<i64: 3, 10>, scalar_prefetch = 0 : i64, scratch_operands = 0 : i64, tpu.core_type = #tpu.core_type<tc>, window_params = [{transform_indices = @transform_0, window_bounds = array<i64: 1, 2, 1000, 128>}, {transform_indices = @transform_1, window_bounds = array<i64: 1, 1000, 2>}, {pipeline_mode = #tpu.pipeline_mode<synchronous>, transform_indices = @transform_2, window_bounds = array<i64: 256>}, {transform_indices = @transform_3, window_bounds = array<i64: 1, 1000, 256>}]} {
    %get3A = arith.constant 0 : index
    %get3A_0 = arith.constant 0 : index
    %get3A_1 = arith.constant 0 : index
    %get3A_2 = arith.constant 0 : index
    %get3A_3 = vector.load %arg2[%get3A, %get3A_0, %get3A_1, %get3A_2] : memref<1x2x1000x128xf32, #tpu.memory_space<vmem>>, vector<1x1x1000x128xf32>
    %get3A_4 = vector.shape_cast %get3A_3 : vector<1x1x1000x128xf32> to vector<1000x128xf32>
    %get3A_5 = arith.constant 0 : index
    %get3A_6 = arith.constant 1 : index
    %get3A_7 = arith.constant 0 : index
    %get3A_8 = arith.constant 0 : index
    %get3A_9 = vector.load %arg2[%get3A_5, %get3A_6, %get3A_7, %get3A_8] : memref<1x2x1000x128xf32, #tpu.memory_space<vmem>>, vector<1x1x1000x128xf32>
    %get3A_10 = vector.shape_cast %get3A_9 : vector<1x1x1000x128xf32> to vector<1000x128xf32>
    %concatenate3A = tpu.concatenate %get3A_4, %get3A_10 in 1 : vector<1000x128xf32>, vector<1000x128xf32> -> vector<1000x256xf32>
    %get3A_11 = arith.constant 0 : index
    %get3A_12 = arith.constant 0 : index
    %get3A_13 = arith.constant 1 : index
    %get3A_14 = vector.load %arg3[%get3A_11, %get3A_12, %get3A_13] : memref<1x1000x2xf32, #tpu.memory_space<vmem>>, vector<1x1000x1xf32>
    %get3A_15 = vector.shape_cast %get3A_14 : vector<1x1000x1xf32> to vector<1000xf32>
    %broadcast_in_dim3A = vector.shape_cast %get3A_15 : vector<1000xf32> to vector<1000x1xf32>
    %mul3A = vector.broadcast %broadcast_in_dim3A : vector<1000x1xf32> to vector<1000x256xf32>
    %mul3A_16 = arith.mulf %concatenate3A, %mul3A : vector<1000x256xf32>
    %get3A_17 = arith.constant 0 : index
    %get3A_18 = vector.load %arg4[%get3A_17] : memref<256xf32, #tpu.memory_space<vmem>>, vector<256xf32>
    %broadcast_in_dim3A_19 = vector.shape_cast %get3A_18 : vector<256xf32> to vector<1x256xf32>
    %add3A = vector.broadcast %broadcast_in_dim3A_19 : vector<1x256xf32> to vector<1000x256xf32>
    %add3A_20 = arith.addf %mul3A_16, %add3A : vector<1000x256xf32>
    %swap3A = arith.constant 0 : index
    %swap3A_21 = arith.constant 0 : index
    %swap3A_22 = arith.constant 0 : index
    %swap3A_23 = vector.load %arg5[%swap3A, %swap3A_21, %swap3A_22] : memref<1x1000x256xf32, #tpu.memory_space<vmem>>, vector<1x1000x256xf32>
    %swap3A_24 = vector.shape_cast %swap3A_23 : vector<1x1000x256xf32> to vector<1000x256xf32>
    %swap3A_25 = vector.shape_cast %add3A_20 : vector<1000x256xf32> to vector<1x1000x256xf32>
    tpu.vector_store %arg5[%swap3A, %swap3A_21, %swap3A_22], %swap3A_25 {strides = array<i32>} : memref<1x1000x256xf32, #tpu.memory_space<vmem>>, vector<1x1000x256xf32>,
    return
  }
  func.func @transform_0(%arg0: i32, %arg1: i32) -> (i32, i32, i32, i32) {
    %c0_i32 = arith.constant 0 : i32
    %c0_i32_0 = arith.constant 0 : i32
    %c0_i32_1 = arith.constant 0 : i32
    return %arg0, %c0_i32, %arg1, %c0_i32_0 : i32, i32, i32, i32
  }
  func.func @transform_1(%arg0: i32, %arg1: i32) -> (i32, i32, i32) {
    %c0_i32 = arith.constant 0 : i32
    %c0_i32_0 = arith.constant 0 : i32
    return %arg0, %arg1, %c0_i32 : i32, i32, i32
  }
  func.func @transform_2(%arg0: i32, %arg1: i32) -> i32 {
    %c0_i32 = arith.constant 0 : i32
    %c0_i32_0 = arith.constant 0 : i32
    return %c0_i32 : i32
  }
  func.func @transform_3(%arg0: i32, %arg1: i32) -> (i32, i32, i32) {
    %c0_i32 = arith.constant 0 : i32
    %c0_i32_0 = arith.constant 0 : i32
    return %arg0, %arg1, %c0_i32 : i32, i32, i32
  }
}

</mosaic_0001>

<sc_bundles>
// kernel: kernel.12.cloned.1.call-start
scs
__scs_entry_jumppad:
0x0: {  	(pc) =	sbr.rel $0x88, $3  }
0x1: {  	(tag) =	ssettag $0x0;
	lr =	simm.s32 $0x1  }
0x2: {  	[smem:$0x3F99] =	sst lr;
	_ =	strace $0xD0000000  }
0x3: {  	_ = 	snop  }
0x4: {  	_ = 	snop  }
0x5: {  	_ = 	snop  }
0x6: {  	_ = 	snop  }
0x7: {  	_ = 	snop  }
__scs_overlays_trampoline_lowered:
0x8: {  	[smem:$0x3FA8] =	sst s0  }
0x9: {  	[smem:$0x3FA9] =	sst s1  }
0xa: {  	[smem:$0x3FAA] =	sst s2  }
0xb: {  	[smem:$0x3FAB] =	sst s3  }
0xc: {  	[smem:$0x3FAC] =	sst s4  }
0xd: {  	[smem:$0x3FAD] =	sst s5  }
0xe: {  	[smem:$0x3FAE] =	sst s6  }
0xf: {  	[smem:$0x3FAF] =	sst s7  }
0x10: {  	[smem:$0x3FB0] =	sst s8  }
0x11: {  	[smem:$0x3FB1] =	sst s9;
	s0 =	simm.s32 @!p0 $0x0  }
0x12: {  	s1 =	sld [smem:$0x3F97];
	s0 =	simm.s32 @p0 $0x1  }
0x13: {  	[smem:$0x3FB2] =	sst s0;
	s0 =	simm.s32 @!p1 $0x0  }
0x14: {  	s2 =	sld [smem:$0x3F96];
	s0 =	simm.s32 @p1 $0x1  }
0x15: {  	[smem:$0x3FB3] =	sst s0;
	s0 =	simm.s32 @!p2 $0x0  }
0x16: {  	s3 =	sld [smem:$0x3FDB];
	s0 =	simm.s32 @p2 $0x1  }
0x17: {  	s4 =	simm.s32 $0x1BF5;
	[smem:$0x3FB5] =	sst s0  }
0x18: {  	s0 =	sld [smem:$0x3F98];
	_ =	swait.ge [sflag:s4], $0x0  }
0x19: {  	s7 =	sld [smem:$0x3F99]  }
0x1a: {  	s8 =	sadd.s32 $0xFFFFE003, lr  }
0x1b: {  	s9 =	sadd.s32 $0xFFFFFEF7, lr;
	s5 =	simm.s32 $0xFFFFFFFF;
	p2 =	slt.u32 s8, $0xFFFFF086  }
0x1c: {  	p1 =	slt.u32 s9, $0xF7A;
	s5 =	simm.s32 @!p2 $0x0  }
0x1d: {  	s5 =	simm.s32 @p1 $0x1;
	p0 =	seq.s32 s7, s2  }
0x1e: {  	s7 =	smul.u32 @!p0 $0xF7A, s2;
	p2 =	seq.s32 @!p0 s5, $0x0  }
0x1f: {  	s9 =	smul.u32 $0xF7A, s1;
	s8 =	simm.s32 @!p0 $0x1BF5;
	p2 =	por !p2, p0  }
0x20: {  	[sflag:s8] =	ssyncset.s32 @!p0 $0xFFFFF086;
	s6 =	sadd.s32 @!p0 s3, s7;
	s7 =	simm.s32 @!p0 $0x108  }
0x21: {  	s3 =	sadd.s32 s3, s9;
	s6 =	sadd.s32 @!p0 $0x88, s6;
	s7 =	simm.s32 @p2 $0x1082  }
0x22: {  	[simem:s7], [sflag:s8] =	dma.local @!p0 [hbm:s6], $0xF7A  }
0x23: {  	s9 =	sor.u32 $0xD0000000, s2;
	s6 =	simm.s32 $0x108;
	_ =	swait.ge @!p0 [sflag:s8], $0x0  }
0x24: {  	s3 =	sadd.s32 $0x88, s3;
	s6 =	simm.s32 @!p1 $0x1082;
	[sflag:s4] =	ssyncset.s32 $0xFFFFF086  }
0x25: {  	[simem:s6], [sflag:s4] =	dma.local [hbm:s3], $0xF7A  }
0x26: {  	[smem:$0x3F99] =	sst s1;
	(tag) =	ssettag s2;
	_ =	strace s9  }
0x27: {  	s1 =	sld [smem:$0x3FA9]  }
0x28: {  	s2 =	sld [smem:$0x3FAA]  }
0x29: {  	s4 =	sld [smem:$0x3FAC]  }
0x2a: {  	p0 =	seq.s32 s5, $0x0;
	s5 =	sld [smem:$0x3FAD]  }
0x2b: {  	s6 =	sld [smem:$0x3FAE]  }
0x2c: {  	s7 =	sld [smem:$0x3FAF]  }
0x2d: {  	s3 =	simm.s32 $0x108;
	s8 =	sld [smem:$0x3FB0]  }
0x2e: {  	s3 =	simm.s32 @!p0 $0x1082;
	s9 =	sld [smem:$0x3FB1]  }
0x2f: {  	lr =	sadd.s32 s0, s3;
	s0 =	sld [smem:$0x3FA8]  }
0x30: {  	s3 =	sld [smem:$0x3FAB]  }
0x31: {  	[smem:$0x3FB4] =	sst s10  }
0x32: {  	s10 =	sld [smem:$0x3FB2];
	_ =	sdelay $0x3  }
0x33: {  	p0 =	seq.s32 s10, $0x1;
	s10 =	sld [smem:$0x3FB4];
	_ =	sdelay $0x3  }
0x34: {  	[smem:$0x3FB4] =	sst s10  }
0x35: {  	s10 =	sld [smem:$0x3FB3];
	_ =	sdelay $0x3  }
0x36: {  	p1 =	seq.s32 s10, $0x1;
	s10 =	sld [smem:$0x3FB4];
	_ =	sdelay $0x3  }
0x37: {  	[smem:$0x3FB4] =	sst s10  }
0x38: {  	s10 =	sld [smem:$0x3FB5]  }
0x39: {  	_ = 	snop;
	(pc) =	sbr.ind lr, $3  }
0x3a: {  	_ = 	snop  }
0x3b: {  	_ = 	snop  }
0x3c: {  	p2 =	seq.s32 s10, $0x1;
	s10 =	sld [smem:$0x3FB4]  }
0x3d: {  	_ =	shalt  }
0x3e: {  	_ =	shalt  }
0x3f: {  	_ =	shalt  }
0x40: {  	_ =	shalt  }
0x41: {  	_ =	shalt  }
0x42: {  	_ =	shalt  }
0x43: {  	_ =	shalt  }
0x44: {  	_ =	shalt  }
0x45: {  	_ =	shalt  }
0x46: {  	_ =	shalt  }
0x47: {  	_ =	shalt  }
0x48: {  	_ =	shalt  }
0x49: {  	_ =	shalt  }
0x4a: {  	_ =	shalt  }
0x4b: {  	_ =	shalt  }
0x4c: {  	_ =	shalt  }
0x4d: {  	_ =	shalt  }
0x4e: {  	_ =	shalt  }
0x4f: {  	_ =	shalt  }
0x50: {  	_ =	shalt  }
0x51: {  	_ =	shalt  }
0x52: {  	_ =	shalt  }
0x53: {  	_ =	shalt  }
0x54: {  	_ =	shalt  }
0x55: {  	_ =	shalt  }
0x56: {  	_ =	shalt  }
0x57: {  	_ =	shalt  }
0x58: {  	_ =	shalt  }
0x59: {  	_ =	shalt  }
0x5a: {  	_ =	shalt  }
0x5b: {  	_ =	shalt  }
0x5c: {  	_ =	shalt  }
0x5d: {  	_ =	shalt  }
0x5e: {  	_ =	shalt  }
0x5f: {  	_ =	shalt  }
0x60: {  	_ =	shalt  }
0x61: {  	_ =	shalt  }
0x62: {  	_ =	shalt  }
0x63: {  	_ =	shalt  }
0x64: {  	_ =	shalt  }
0x65: {  	_ =	shalt  }
0x66: {  	_ =	shalt  }
0x67: {  	_ =	shalt  }
0x68: {  	_ =	shalt  }
0x69: {  	_ =	shalt  }
0x6a: {  	_ =	shalt  }
0x6b: {  	_ =	shalt  }
0x6c: {  	_ =	shalt  }
0x6d: {  	_ =	shalt  }
0x6e: {  	_ =	shalt  }
0x6f: {  	_ =	shalt  }
0x70: {  	_ =	shalt  }
0x71: {  	_ =	shalt  }
0x72: {  	_ =	shalt  }
0x73: {  	_ =	shalt  }
0x74: {  	_ =	shalt  }
0x75: {  	_ =	shalt  }
0x76: {  	_ =	shalt  }
0x77: {  	_ =	shalt  }
0x78: {  	_ =	shalt  }
0x79: {  	_ =	shalt  }
0x7a: {  	_ =	shalt  }
0x7b: {  	_ =	shalt  }
0x7c: {  	_ =	shalt  }
0x7d: {  	_ =	shalt  }
0x7e: {  	_ =	shalt  }
0x7f: {  	_ =	shalt  }
0x80: {  	_ =	shalt  }
0x81: {  	_ =	shalt  }
0x82: {  	_ =	shalt  }
0x83: {  	_ =	shalt  }
0x84: {  	_ =	shalt  }
0x85: {  	_ =	shalt  }
0x86: {  	_ =	shalt  }
0x87: {  	_ =	shalt  }
.Lfunc_end0:
.L_simem_size_0:
called_computation.1_lowered:
.L_overlay_start_0:
0x88: {  	s2 =	sld [smem:$0x3FD9]  }
0x89: {  	s3 =	sld [smem:$0x3FFE];
	_ =	sdelay $0x1  }
0x8a: {  	s1 =	srdreg.scid  }
0x8b: {  	s0 =	sand.u32 $0x1, s1  }
0x8c: {  	s17 =	sshll.u32 s0, $0xA;
	s2 =	sadd.s32 s3, s2  }
0x8d: {  	s2 =	sadd.s32 s2, s17  }
0x8e: {  	[smem:$0x3FC0] =	sst s2  }
0x8f: {  	_ = 	snop  }
0x90: {  	s2 =	sld [smem:$0x3FD0];
	(tm) =	ssettm $0x1  }
0x91: {  	s18 =	sld [smem:$0x3FFB];
	_ =	sdelay $0x3  }
0x92: {  	_ =	strace s18  }
0x93: {  	s3 =	sld [smem:$0x3FFC];
	_ =	sdelay $0x3  }
0x94: {  	_ =	strace s3  }
0x95: {  	s3 =	sld [smem:$0x3FFD];
	_ =	sdelay $0x3  }
0x96: {  	_ =	strace s3  }
0x97: {  	_ =	strace $0x8FFFFFFF  }
0x98: {  	s19 =	sld [smem:$0x3FDB];
	_ =	sdelay $0x1  }
0x99: {  	s4 =	simm.s32 $_scs_section_size  }
0x9a: {  	s5 =	simm.s32 $_size__tile_overlayer_lowered;
	s6 =	simm.s32 $_tile_overlayer_lowered  }
0x9b: {  	s22 =	simm.s32 $0x1BFF;
	s21 =	sshll.u32 s6, $0x1;
	s3 =	sadd.s32 s4, s19  }
0x9c: {  	s7 =	simm.s32 $0x0;
	s20 =	sshll.u32 s5, $0x1;
	s5 =	sadd.s32 s21, s3  }
0x9d: {  	[timem:s7], [sflag:s22] =	dma.local [hbm:s5], s20  }
0x9e: {  	_ =	swait.ge [sflag:s22], s20  }
0x9f: {  	s4 =	ssub.s32 $0x0, s20;
	[sflag:s22] =	ssyncset.done $0x0  }
0xa0: {  	[sflag:s22] =	ssyncadd.s32 s4;
	_ =	sdelay $0x1  }
0xa1: {  	s23 =	simm.s32 $0x1B8B  }
0xa2: {  	_ =	swait.ge [sflag:s23], $0x1  }
0xa3: {  	[sflag:s23] =	ssyncset.done $0x0  }
0xa4: {  	s25 =	simm.s32 $0x1B8E;
	s24 =	sld [smem:$0x3FFE];
	[sflag:s23] =	ssyncadd.s32 $0xFFFFFFFF  }
0xa5: {  	s26 =	simm.s32 $execute0_lowered;
	[smem:$0x3FD2] =	sst s25  }
0xa6: {  	s5 =	sshll.u32 s26, $0x1;
	_ =	strace $0x80000049;
	[dreg:$0x1] =	wrdreg $0xFFFFFFFF  }
0xa7: {  	s28 =	simm.s32 $_size_execute0_lowered;
	s3 =	sadd.s32 s3, s5;
	[dreg:$0x0] =	wrdreg $0x0  }
0xa8: {  	s5 =	sshll.u32 s28, $0x1;
	[dreg:$0x2] =	wrdreg s3  }
0xa9: {  	[dreg:$0x3] =	wrdreg s5  }
0xaa: {  	[dreg:$0x4] =	wrdreg $0xC0  }
0xab: {  	_ =	task [dreg:s7], $0x5FFFF  }
0xac: {  	[dreg:$0x1] =	wrdreg $0xFFFFFFFF  }
0xad: {  	[dreg:$0x0] =	wrdreg $0x60  }
0xae: {  	[dreg:$0x2] =	wrdreg s2  }
0xaf: {  	[dreg:$0x3] =	wrdreg s24  }
0xb0: {  	[dreg:$0x4] =	wrdreg $0x0  }
0xb1: {  	[dreg:$0x5] =	wrdreg $0x9  }
0xb2: {  	_ =	task.clear_ibuf [dreg:s7], $0x6FFFF;
	_ =	strace $0x90000049  }
0xb3: {  	s29 =	simm.s32 $0x9;
	_ =	strace $0x8000004B  }
0xb4: {  	_ =	swait.ge [sflag:s29], $0x1  }
0xb5: {  	[sflag:s29] =	ssyncadd.s32 $0xFFFFFFFF  }
0xb6: {  	_ =	strace $0x9000004B  }
0xb7: {  	_ =	sfence  }
0xb8: {  	s30 =	sld [smem:$0x0];
	_ =	sdelay $0x2  }
0xb9: {  	s31 =	sshll.u32 s1, $0xD;
	s1 =	sshrl.u32 s1, $0x2  }
0xba: {  	s3 =	sand.u32 $0x4000, s31;
	s1 =	sadd.s32 s1, s30  }
0xbb: {  	s0 =	sor.u32 s3, s0;
	s1 =	sshll.u32 s1, $0x11  }
0xbc: {  	s0 =	sor.u32 s1, s0  }
0xbd: {  	s0 =	sadd.s32 $0x8F2B, s0  }
0xbe: {  	[sflag:s0] =	ssyncadd.remote.s32 $0x1  }
0xbf: {  	_ =	sfence.sel $0xFFFF  }
0xc0: {  	[dreg:$0x0] =	wrdreg $0xFFFFFFFF;
	(pc) =	sbr.abs _section_cstart, $3  }
0xc1: {  	[dreg:$0x1] =	wrdreg $0xFFFFFFFF  }
0xc2: {  	_ =	task.clear_ibuf [dreg:s7], $0x2FFFF;
	_ =	strace $0x9FFFFFFF  }
0xc3: {  	(tm) =	ssettm $0x7FFFFFFF  }
tec
execute0_lowered:
.L_overlay_start_1:
0x0: {  	(tag) =	ssettag $0x1  }
0x1: {  	s1 =	rddreg [dreg:$0x0]  }
0x2: {  	s0 =	rddreg [dreg:$0x1];
	s11 =	stileid.u32  }
0x3: {  	s2 =	rddreg [dreg:$0x2];
	s6 =	smul.u32 $0x2710, s11  }
0x4: {  	s4 =	simm.s32 $0x0;
	s3 =	srdreg.scid;
	s9 =	smul.u32 $0x50000, s11  }
0x5: {  	[smem:$0x7FF] =	sst s4;
	s3 =	sand.u32 $0x1, s3;
	s23 =	smul.u32 $0x271, s11  }
0x6: {  	s7 =	sadd.s32 $0x3000, s0;
	s0 =	sadd.s32 $0x95A00, s0;
	s24 =	smul.u32 $0x4E200, s11  }
0x7: {  	s20 =	smul.u32 $0x4E2, s11;
	s11 =	simm.s32 $0x50;
	s5 =	ssub.s32 $0x2, s3  }
0x8: {  	_ =	strace $0x8000004A;
	s13 =	smul.u32 $0x2710, s3;
	s8 =	sshrl.u32 s5, $0x1  }
0x9: {  	s22 =	sshrl.u32 s9, $0x2;
	s6 =	sshrl.u32 s6, $0x3;
	s3 =	sshrl.u32 s24, $0x2  }
0xa: {  	s20 =	sadd.s32 s20, s7;
	s8 =	ssub.s32 s5, s8;
	s5 =	sadd.s32 s22, s2  }
0xb: {  	s6 =	sadd.s32 s7, s6;
	s26 =	sadd.s32 s23, s13;
	s3 =	sadd.s32 s3, s2  }
0xc: {  	s16 =	sadd.s32 $0x4E20, s13;
	s7 =	simm.s32 $0x14000;
	[dreg:$0x9] =	wrdreg s3  }
0xd: {  	s10 =	sadd.s32 $0x4E20, s6;
	s25 =	sadd.s32 $0xA, s6;
	[dreg:$0x4] =	wrdreg s6  }
0xe: {  	s12 =	sadd.s32 $0x4E2A, s6;
	s14 =	sadd.s32 $0x9C40, s6;
	[dreg:$0x5] =	wrdreg s10  }
0xf: {  	s15 =	sadd.s32 $0xEA60, s6;
	s17 =	sadd.s32 $0x9C4A, s6;
	[dreg:$0x6] =	wrdreg s25  }
0x10: {  	s18 =	sadd.s32 $0xEA6A, s6;
	s19 =	sadd.s32 s23, s16;
	[dreg:$0x7] =	wrdreg s12  }
0x11: {  	s21 =	sadd.s32 $0x13880, s6;
	s24 =	sadd.s32 $0x1388A, s6;
	[dreg:$0xa] =	wrdreg s14  }
0x12: {  	s28 =	sadd.s32 $0x8000, s5;
	s29 =	sadd.s32 $0xA000, s5;
	[dreg:$0xb] =	wrdreg s15  }
0x13: {  	s30 =	sadd.s32 $0xC000, s5;
	s31 =	sadd.s32 $0xE000, s5;
	[dreg:$0xc] =	wrdreg s17  }
0x14: {  	v1 =	vmov s16;
	s16 =	simm.s32 $0x1;
	s10 =	sshll.u32 s26, $0x4;
	[dreg:$0xd] =	wrdreg s18  }
0x15: {  	s17 =	sadd.s32 $0x9C40, s13;
	s3 =	sshll.u32 s19, $0x4;
	[dreg:$0xf] =	wrdreg s21  }
0x16: {  	[dreg:$0x12] =	wrdreg s24;
	s25 =	smax.u32 s8, $0x1;
	s26 =	sadd.s32 $0x186AA, s6  }
0x17: {  	s24 =	sadd.s32 $0x2000, s5;
	s8 =	simm.s32 $0x3;
	s12 =	simm.s32 $0x16140  }
0x18: {  	v0 =	vmov s13;
	s13 =	simm.s32 $0x16050;
	s14 =	simm.s32 $0x160F0;
	s15 =	simm.s32 $0x18940  }
0x19: {  	s18 =	simm.s32 $0x0;
	s10 =	sadd.s32 s0, s10;
	[dreg:$0x13] =	wrdreg s25  }
0x1a: {  	s9 =	sadd.s32 s23, s17;
	s3 =	sadd.s32 s0, s3;
	[dreg:$0x14] =	wrdreg s26  }
.Ltmp0:
0x1b: {  	s23 =	sadd.s32 $0x186A0, s6;
	[dreg:$0x8] =	wrdreg s10;
	(pc) =	sbr.rel .LBB2_1-.Ltmp0, $4  }
0x1c: {  	s25 =	sadd.s32 $0x4000, s5;
	s26 =	sadd.s32 $0x6000, s5;
	[dreg:$0xe] =	wrdreg s3  }
0x1d: {  	v2 =	vmov s17;
	s17 =	simm.s32 $0x2;
	s22 =	sshll.u32 s9, $0x4;
	[dreg:$0x11] =	wrdreg s23  }
0x1e: {  	s3 =	sadd.s32 $0x12000, s5;
	s9 =	simm.s32 $0x16000;
	s0 =	sadd.s32 s0, s22  }
0x1f: {  	v3 =	vimm.f32 $0.0e+00;
	s10 =	simm.s32 $0x160A0;
	[dreg:$0x10] =	wrdreg s0;
	s0 =	sadd.s32 $0x10000, s5  }
.LBB2_12:
0x20: {  	_ =	swait.ge [sflag:s16], $0x2800  }
0x21: {  	[sflag:s16] =	ssyncset.done $0x0  }
0x22: {  	[sflag:s16] =	ssyncadd.s32 $0xFFFFD800  }
0x23: {  	[spmem:s2] =	stream.indirect.scatter.add.f32 [tilespmem:s12], [sflag:$0x3], $0x80, s10, s11, $0xb8;
	[tilespmem:$0x1B140] =	vst v63  }
0x24: {  	_ =	swait.ge [sflag:s8], $0x2800  }
0x25: {  	[sflag:s8] =	ssyncset.done $0x0  }
0x26: {  	[sflag:s8] =	ssyncadd.s32 $0xFFFFD800  }
0x27: {  	[bflag:$0x0] =	sbarrier.arrive $0xFFFF  }
0x28: {  	s6 =	rddreg [dreg:$0x10]  }
0x29: {  	[hbm:s6], [sflag:s19] =	dma.local [spmem:s21], $0x2710  }
0x2a: {  	_ =	swait.ge [sflag:s8], $0x2710  }
0x2b: {  	s18 =	sadd.s32 $0x1, s18;
	s23 =	rddreg [dreg:$0x13]  }
0x2c: {  	p0 =	sne.s32 s18, s23  }
.Ltmp1:
0x2d: {  	_ = 	snop;
	(pc) =	sbr.rel @!p0 .LBB2_13-.Ltmp1, $3  }
0x2e: {  	[sflag:s8] =	ssyncset.done $0x0  }
0x2f: {  	[sflag:s8] =	ssyncadd.s32 $0xFFFFD8F0  }
0x30: {  	[bflag:$0x0] =	sbarrier.arrive $0xFFFF;
	_ =	sdelay $0x1  }
.LBB2_1:
0x31: {  	s19 =	simm.s32 $0xFFFFFF80;
	s21 =	simm.s32 $0xFFFFFE40  }
.LBB2_2:
0x32: {  	p0 =	sne.s32 s21, $0xFFFFFFC0;
	[tilespmem:s19+$0x16000] =	vst v3  }
0x33: {  	[tilespmem:s19+$0x14080] =	vst v3  }
0x34: {  	[tilespmem:s19+$0x14100] =	vst v3  }
0x35: {  	[tilespmem:s19+$0x14180] =	vst v3  }
0x36: {  	[tilespmem:s19+$0x14200] =	vst v3  }
0x37: {  	[tilespmem:s19+$0x14280] =	vst v3  }
0x38: {  	[tilespmem:s19+$0x14300] =	vst v3  }
0x39: {  	[tilespmem:s19+$0x14380] =	vst v3  }
0x3a: {  	[tilespmem:s19+$0x14400] =	vst v3  }
0x3b: {  	[tilespmem:s19+$0x14480] =	vst v3  }
0x3c: {  	[tilespmem:s19+$0x14500] =	vst v3  }
0x3d: {  	[tilespmem:s19+$0x14580] =	vst v3  }
0x3e: {  	[tilespmem:s19+$0x14600] =	vst v3  }
0x3f: {  	[tilespmem:s19+$0x14680] =	vst v3  }
0x40: {  	[tilespmem:s19+$0x14700] =	vst v3  }
0x41: {  	[tilespmem:s19+$0x14780] =	vst v3  }
0x42: {  	[tilespmem:s19+$0x14800] =	vst v3  }
0x43: {  	[tilespmem:s19+$0x14880] =	vst v3  }
0x44: {  	[tilespmem:s19+$0x14900] =	vst v3  }
0x45: {  	[tilespmem:s19+$0x14980] =	vst v3  }
0x46: {  	[tilespmem:s19+$0x14A00] =	vst v3  }
0x47: {  	[tilespmem:s19+$0x14A80] =	vst v3  }
0x48: {  	[tilespmem:s19+$0x14B00] =	vst v3  }
0x49: {  	[tilespmem:s19+$0x14B80] =	vst v3  }
0x4a: {  	[tilespmem:s19+$0x14C00] =	vst v3  }
0x4b: {  	[tilespmem:s19+$0x14C80] =	vst v3  }
0x4c: {  	[tilespmem:s19+$0x14D00] =	vst v3  }
0x4d: {  	[tilespmem:s19+$0x14D80] =	vst v3  }
0x4e: {  	[tilespmem:s19+$0x14E00] =	vst v3  }
0x4f: {  	[tilespmem:s19+$0x14E80] =	vst v3  }
0x50: {  	[tilespmem:s19+$0x14F00] =	vst v3  }
0x51: {  	[tilespmem:s19+$0x14F80] =	vst v3  }
0x52: {  	[tilespmem:s19+$0x15000] =	vst v3  }
0x53: {  	[tilespmem:s19+$0x15080] =	vst v3  }
0x54: {  	[tilespmem:s19+$0x15100] =	vst v3  }
0x55: {  	[tilespmem:s19+$0x15180] =	vst v3  }
0x56: {  	[tilespmem:s19+$0x15200] =	vst v3  }
0x57: {  	[tilespmem:s19+$0x15280] =	vst v3  }
0x58: {  	[tilespmem:s19+$0x15300] =	vst v3  }
0x59: {  	[tilespmem:s19+$0x15380] =	vst v3  }
0x5a: {  	[tilespmem:s19+$0x15400] =	vst v3  }
0x5b: {  	[tilespmem:s19+$0x15480] =	vst v3  }
0x5c: {  	[tilespmem:s19+$0x15500] =	vst v3  }
0x5d: {  	[tilespmem:s19+$0x15580] =	vst v3  }
0x5e: {  	[tilespmem:s19+$0x15600] =	vst v3  }
0x5f: {  	[tilespmem:s19+$0x15680] =	vst v3  }
0x60: {  	[tilespmem:s19+$0x15700] =	vst v3  }
0x61: {  	[tilespmem:s19+$0x15780] =	vst v3  }
0x62: {  	[tilespmem:s19+$0x15800] =	vst v3  }
0x63: {  	[tilespmem:s19+$0x15880] =	vst v3  }
0x64: {  	[tilespmem:s19+$0x15900] =	vst v3  }
0x65: {  	[tilespmem:s19+$0x15980] =	vst v3  }
0x66: {  	[tilespmem:s19+$0x15A00] =	vst v3  }
0x67: {  	[tilespmem:s19+$0x15A80] =	vst v3  }
0x68: {  	[tilespmem:s19+$0x15B00] =	vst v3  }
0x69: {  	[tilespmem:s19+$0x15B80] =	vst v3  }
0x6a: {  	[tilespmem:s19+$0x15C00] =	vst v3  }
0x6b: {  	[tilespmem:s19+$0x15C80] =	vst v3  }
0x6c: {  	[tilespmem:s19+$0x15D00] =	vst v3  }
.Ltmp2:
0x6d: {  	[tilespmem:s19+$0x15D80] =	vst v3;
	(pc) =	sbr.rel @p0 .LBB2_2-.Ltmp2, $4  }
0x6e: {  	[tilespmem:s19+$0x15E00] =	vst v3  }
0x6f: {  	[tilespmem:s19+$0x15E80] =	vst v3  }
0x70: {  	[tilespmem:s19+$0x15F00] =	vst v3  }
0x71: {  	[tilespmem:s19+$0x15F80] =	vst v3;
	s19 =	sshra.s32 s21, $0x2;
	s21 =	sadd.s32 $0x40, s21  }
0x72: {  	[tilespmem:s19+$0x16000] =	vst v3  }
0x73: {  	[tilespmem:s19+$0x14080] =	vst v3  }
0x74: {  	[tilespmem:s19+$0x14100] =	vst v3  }
0x75: {  	[tilespmem:s19+$0x14180] =	vst v3  }
0x76: {  	[tilespmem:s19+$0x14200] =	vst v3  }
0x77: {  	[tilespmem:s19+$0x14280] =	vst v3  }
0x78: {  	[tilespmem:s19+$0x14300] =	vst v3  }
0x79: {  	[tilespmem:s19+$0x14380] =	vst v3  }
0x7a: {  	[tilespmem:s19+$0x14400] =	vst v3  }
0x7b: {  	[tilespmem:s19+$0x14480] =	vst v3  }
0x7c: {  	[tilespmem:s19+$0x14500] =	vst v3  }
0x7d: {  	[tilespmem:s19+$0x14580] =	vst v3  }
0x7e: {  	[tilespmem:s19+$0x14600] =	vst v3  }
0x7f: {  	[tilespmem:s19+$0x14680] =	vst v3  }
0x80: {  	[tilespmem:s19+$0x14700] =	vst v3  }
0x81: {  	[tilespmem:s19+$0x14780] =	vst v3  }
0x82: {  	[tilespmem:s19+$0x14800] =	vst v3  }
0x83: {  	[tilespmem:s19+$0x14880] =	vst v3  }
0x84: {  	[tilespmem:s19+$0x14900] =	vst v3  }
0x85: {  	[tilespmem:s19+$0x14980] =	vst v3  }
0x86: {  	[tilespmem:s19+$0x14A00] =	vst v3  }
0x87: {  	[tilespmem:s19+$0x14A80] =	vst v3  }
0x88: {  	[tilespmem:s19+$0x14B00] =	vst v3  }
0x89: {  	[tilespmem:s19+$0x14B80] =	vst v3  }
0x8a: {  	[tilespmem:s19+$0x14C00] =	vst v3  }
0x8b: {  	[tilespmem:s19+$0x14C80] =	vst v3  }
0x8c: {  	[tilespmem:s19+$0x14D00] =	vst v3  }
0x8d: {  	[tilespmem:s19+$0x14D80] =	vst v3  }
0x8e: {  	[tilespmem:s19+$0x14E00] =	vst v3  }
0x8f: {  	[tilespmem:s19+$0x14E80] =	vst v3  }
0x90: {  	[tilespmem:s19+$0x14F00] =	vst v3  }
0x91: {  	[tilespmem:s19+$0x14F80] =	vst v3  }
0x92: {  	[tilespmem:s19+$0x15000] =	vst v3  }
0x93: {  	[tilespmem:s19+$0x15080] =	vst v3  }
0x94: {  	[tilespmem:s19+$0x15100] =	vst v3  }
0x95: {  	[tilespmem:s19+$0x15180] =	vst v3  }
0x96: {  	[tilespmem:s19+$0x15200] =	vst v3  }
0x97: {  	[tilespmem:s19+$0x15280] =	vst v3  }
0x98: {  	[tilespmem:s19+$0x15300] =	vst v3  }
0x99: {  	[tilespmem:s19+$0x15380] =	vst v3  }
0x9a: {  	[tilespmem:s19+$0x15400] =	vst v3  }
0x9b: {  	[tilespmem:s19+$0x15480] =	vst v3  }
0x9c: {  	[tilespmem:s19+$0x15500] =	vst v3  }
0x9d: {  	[tilespmem:s19+$0x15580] =	vst v3  }
0x9e: {  	[tilespmem:s19+$0x15600] =	vst v3  }
0x9f: {  	[tilespmem:s19+$0x15680] =	vst v3  }
0xa0: {  	[tilespmem:s19+$0x15700] =	vst v3  }
0xa1: {  	[tilespmem:s19+$0x15780] =	vst v3  }
0xa2: {  	[tilespmem:s19+$0x15800] =	vst v3  }
0xa3: {  	[tilespmem:s19+$0x15880] =	vst v3  }
0xa4: {  	[tilespmem:s19+$0x15900] =	vst v3  }
0xa5: {  	[tilespmem:s19+$0x15980] =	vst v3  }
0xa6: {  	[tilespmem:s19+$0x15A00] =	vst v3  }
0xa7: {  	[tilespmem:s19+$0x15A80] =	vst v3  }
0xa8: {  	[tilespmem:s19+$0x15B00] =	vst v3  }
0xa9: {  	[tilespmem:s19+$0x15B80] =	vst v3  }
0xaa: {  	[tilespmem:s19+$0x15C00] =	vst v3  }
0xab: {  	[tilespmem:s19+$0x15C80] =	vst v3  }
0xac: {  	[tilespmem:s19+$0x15D00] =	vst v3  }
0xad: {  	[tilespmem:s19+$0x15D80] =	vst v3  }
0xae: {  	[tilespmem:s19+$0x15E00] =	vst v3  }
0xaf: {  	[tilespmem:s19+$0x15E80] =	vst v3  }
0xb0: {  	[tilespmem:s19+$0x15F00] =	vst v3  }
0xb1: {  	[tilespmem:s19+$0x15F80] =	vst v3  }
0xb2: {  	[spmem:s5] =	stream.linear.scatter [tilespmem:s7], [sflag:$0x3], $0x2000, $0x38;
	[tilespmem:$0x1B140] =	vst v63  }
0xb3: {  	_ =	swait.ge [sflag:s8], $0x2000  }
0xb4: {  	[sflag:s8] =	ssyncset.done $0x0  }
0xb5: {  	[sflag:s8] =	ssyncadd.s32 $0xFFFFE000  }
0xb6: {  	[spmem:s24] =	stream.linear.scatter [tilespmem:s7], [sflag:$0x3], $0x2000, $0x38;
	[tilespmem:$0x1B140] =	vst v63  }
0xb7: {  	_ =	swait.ge [sflag:s8], $0x2000  }
0xb8: {  	[sflag:s8] =	ssyncset.done $0x0  }
0xb9: {  	[sflag:s8] =	ssyncadd.s32 $0xFFFFE000  }
0xba: {  	[spmem:s25] =	stream.linear.scatter [tilespmem:s7], [sflag:$0x3], $0x2000, $0x38;
	[tilespmem:$0x1B140] =	vst v63  }
0xbb: {  	_ =	swait.ge [sflag:s8], $0x2000  }
0xbc: {  	[sflag:s8] =	ssyncset.done $0x0  }
0xbd: {  	[sflag:s8] =	ssyncadd.s32 $0xFFFFE000  }
0xbe: {  	[spmem:s26] =	stream.linear.scatter [tilespmem:s7], [sflag:$0x3], $0x2000, $0x38;
	[tilespmem:$0x1B140] =	vst v63  }
0xbf: {  	_ =	swait.ge [sflag:s8], $0x2000  }
0xc0: {  	[sflag:s8] =	ssyncset.done $0x0  }
0xc1: {  	[sflag:s8] =	ssyncadd.s32 $0xFFFFE000  }
0xc2: {  	[spmem:s28] =	stream.linear.scatter [tilespmem:s7], [sflag:$0x3], $0x2000, $0x38;
	[tilespmem:$0x1B140] =	vst v63  }
0xc3: {  	_ =	swait.ge [sflag:s8], $0x2000  }
0xc4: {  	[sflag:s8] =	ssyncset.done $0x0  }
0xc5: {  	[sflag:s8] =	ssyncadd.s32 $0xFFFFE000  }
0xc6: {  	[spmem:s29] =	stream.linear.scatter [tilespmem:s7], [sflag:$0x3], $0x2000, $0x38;
	[tilespmem:$0x1B140] =	vst v63  }
0xc7: {  	_ =	swait.ge [sflag:s8], $0x2000  }
0xc8: {  	[sflag:s8] =	ssyncset.done $0x0  }
0xc9: {  	[sflag:s8] =	ssyncadd.s32 $0xFFFFE000  }
0xca: {  	[spmem:s30] =	stream.linear.scatter [tilespmem:s7], [sflag:$0x3], $0x2000, $0x38;
	[tilespmem:$0x1B140] =	vst v63  }
0xcb: {  	_ =	swait.ge [sflag:s8], $0x2000  }
0xcc: {  	[sflag:s8] =	ssyncset.done $0x0  }
0xcd: {  	[sflag:s8] =	ssyncadd.s32 $0xFFFFE000  }
0xce: {  	[spmem:s31] =	stream.linear.scatter [tilespmem:s7], [sflag:$0x3], $0x2000, $0x38;
	[tilespmem:$0x1B140] =	vst v63  }
0xcf: {  	_ =	swait.ge [sflag:s8], $0x2000  }
0xd0: {  	[sflag:s8] =	ssyncset.done $0x0  }
0xd1: {  	[sflag:s8] =	ssyncadd.s32 $0xFFFFE000  }
0xd2: {  	[spmem:s0] =	stream.linear.scatter [tilespmem:s7], [sflag:$0x3], $0x2000, $0x38;
	[tilespmem:$0x1B140] =	vst v63  }
0xd3: {  	_ =	swait.ge [sflag:s8], $0x2000  }
0xd4: {  	[sflag:s8] =	ssyncset.done $0x0  }
0xd5: {  	[sflag:s8] =	ssyncadd.s32 $0xFFFFE000  }
0xd6: {  	[spmem:s3] =	stream.linear.scatter [tilespmem:s7], [sflag:$0x3], $0x2000, $0x38;
	[tilespmem:$0x1B140] =	vst v63  }
0xd7: {  	_ =	swait.ge [sflag:s8], $0x2000  }
0xd8: {  	[sflag:s8] =	ssyncset.done $0x0  }
0xd9: {  	[sflag:s8] =	ssyncadd.s32 $0xFFFFE000  }
0xda: {  	[bflag:$0x0] =	sbarrier.arrive $0xFFFF  }
0xdb: {  	s6 =	rddreg [dreg:$0x4]  }
0xdc: {  	[tilespmem:s9], [sflag:$0x3] =	stream.linear.gather [hbm4b:s6+s4], $0x50, $0x38;
	[tilespmem:$0x1B140] =	vst v63  }
0xdd: {  	_ =	swait.ge [sflag:s8], $0x50  }
0xde: {  	[sflag:s8] =	ssyncset.done $0x0  }
0xdf: {  	[sflag:s8] =	ssyncadd.s32 $0xFFFFFFB0  }
0xe0: {  	v4 =	vld [tilespmem:$0x16000]  }
0xe1: {  	v5 =	vld [tilespmem:$0x16010]  }
0xe2: {  	v6 =	vld [tilespmem:$0x16020]  }
0xe3: {  	v7 =	vld [tilespmem:$0x16030]  }
0xe4: {  	v8 =	vld [tilespmem:$0x16040]  }
0xe5: {  	v4 =	vadd.s32 v0, v4  }
0xe6: {  	[tilespmem:$0x16000] =	vst v4;
	v4 =	vadd.s32 v0, v5  }
0xe7: {  	[tilespmem:$0x16010] =	vst v4;
	v4 =	vadd.s32 v0, v6  }
0xe8: {  	[tilespmem:$0x16020] =	vst v4;
	v4 =	vadd.s32 v0, v7  }
0xe9: {  	[tilespmem:$0x16030] =	vst v4;
	v4 =	vadd.s32 v0, v8  }
0xea: {  	s21 =	rddreg [dreg:$0x5];
	[tilespmem:$0x16040] =	vst v4  }
0xeb: {  	[tilespmem:s10], [sflag:$0x3] =	stream.linear.gather [hbm4b:s21+s4], $0x50, $0x38;
	[tilespmem:$0x1B140] =	vst v63  }
0xec: {  	_ =	swait.ge [sflag:s8], $0x50  }
0xed: {  	[sflag:s8] =	ssyncset.done $0x0  }
0xee: {  	[sflag:s8] =	ssyncadd.s32 $0xFFFFFFB0  }
0xef: {  	[tilespmem:s12], [sflag:$0x1] =	stream.indirect.gather [hbm4b:s1+s11], $0x80, s9, s11, $0xb8;
	[tilespmem:$0x1B140] =	vst v63  }
0xf0: {  	s22 =	rddreg [dreg:$0x6]  }
0xf1: {  	[tilespmem:s13], [sflag:$0x3] =	stream.linear.gather [hbm4b:s22+s4], $0x50, $0x38;
	[tilespmem:$0x1B140] =	vst v63  }
0xf2: {  	_ =	swait.ge [sflag:s8], $0x50  }
0xf3: {  	[sflag:s8] =	ssyncset.done $0x0  }
0xf4: {  	[sflag:s8] =	ssyncadd.s32 $0xFFFFFFB0  }
0xf5: {  	v4 =	vld [tilespmem:$0x16050]  }
0xf6: {  	v5 =	vld [tilespmem:$0x16060]  }
0xf7: {  	v61 =	vld [tilespmem:$0x16070]  }
0xf8: {  	v62 =	vld [tilespmem:$0x16080]  }
0xf9: {  	v63 =	vld [tilespmem:$0x16090]  }
0xfa: {  	v4 =	vadd.s32 v0, v4  }
0xfb: {  	[tilespmem:$0x16050] =	vst v4;
	v4 =	vadd.s32 v0, v5  }
0xfc: {  	[tilespmem:$0x16060] =	vst v4;
	v4 =	vadd.s32 v0, v61  }
0xfd: {  	[tilespmem:$0x16070] =	vst v4;
	v4 =	vadd.s32 v0, v62  }
0xfe: {  	[tilespmem:$0x16080] =	vst v4;
	v4 =	vadd.s32 v0, v63  }
0xff: {  	s23 =	rddreg [dreg:$0x7];
	[tilespmem:$0x16090] =	vst v4  }
0x100: {  	[tilespmem:s14], [sflag:$0x3] =	stream.linear.gather [hbm4b:s23+s4], $0x50, $0x38;
	[tilespmem:$0x1B140] =	vst v63  }
0x101: {  	_ =	swait.ge [sflag:s8], $0x50  }
0x102: {  	[sflag:s8] =	ssyncset.done $0x0  }
0x103: {  	s19 =	simm.s32 $0xFFFFFB3C;
	[sflag:s8] =	ssyncadd.s32 $0xFFFFFFB0  }
0x104: {  	[tilespmem:s15], [sflag:$0x2] =	stream.indirect.gather [hbm4b:s1+s11], $0x80, s13, s11, $0xb8;
	[tilespmem:$0x1B140] =	vst v63  }
.LBB2_4:
0x105: {  	_ =	swait.ge [sflag:s16], $0x2800  }
0x106: {  	[sflag:s16] =	ssyncset.done $0x0  }
0x107: {  	[sflag:s16] =	ssyncadd.s32 $0xFFFFD800  }
0x108: {  	[spmem:s2] =	stream.indirect.scatter.add.f32 [tilespmem:s12], [sflag:$0x3], $0x80, s10, s11, $0xb8;
	[tilespmem:$0x1B140] =	vst v63  }
0x109: {  	_ =	swait.ge [sflag:s8], $0x2800  }
0x10a: {  	s21 =	sadd.s32 s19, s20;
	[sflag:s8] =	ssyncset.done $0x0  }
0x10b: {  	s22 =	sadd.s32 $0x4D8, s21;
	[sflag:s8] =	ssyncadd.s32 $0xFFFFD800  }
0x10c: {  	[tilespmem:s9], [sflag:$0x3] =	stream.linear.gather [hbm4b:s22+s4], $0x50, $0x38;
	[tilespmem:$0x1B140] =	vst v63  }
0x10d: {  	_ =	swait.ge [sflag:s8], $0x50  }
0x10e: {  	[sflag:s8] =	ssyncset.done $0x0  }
0x10f: {  	[sflag:s8] =	ssyncadd.s32 $0xFFFFFFB0  }
0x110: {  	v4 =	vld [tilespmem:$0x16000]  }
0x111: {  	v5 =	vld [tilespmem:$0x16010]  }
0x112: {  	v6 =	vld [tilespmem:$0x16020]  }
0x113: {  	v7 =	vld [tilespmem:$0x16030]  }
0x114: {  	v8 =	vld [tilespmem:$0x16040]  }
0x115: {  	v4 =	vadd.s32 v0, v4  }
0x116: {  	[tilespmem:$0x16000] =	vst v4;
	v4 =	vadd.s32 v0, v5  }
0x117: {  	[tilespmem:$0x16010] =	vst v4;
	v4 =	vadd.s32 v0, v6  }
0x118: {  	[tilespmem:$0x16020] =	vst v4;
	v4 =	vadd.s32 v0, v7  }
0x119: {  	[tilespmem:$0x16030] =	vst v4;
	v4 =	vadd.s32 v0, v8  }
0x11a: {  	s23 =	sadd.s32 $0x52F8, s21;
	[tilespmem:$0x16040] =	vst v4  }
0x11b: {  	[tilespmem:s10], [sflag:$0x3] =	stream.linear.gather [hbm4b:s23+s4], $0x50, $0x38;
	[tilespmem:$0x1B140] =	vst v63  }
0x11c: {  	_ =	swait.ge [sflag:s8], $0x50  }
0x11d: {  	[sflag:s8] =	ssyncset.done $0x0  }
0x11e: {  	[sflag:s8] =	ssyncadd.s32 $0xFFFFFFB0  }
0x11f: {  	[tilespmem:s12], [sflag:$0x1] =	stream.indirect.gather [hbm4b:s1+s11], $0x80, s9, s11, $0xb8;
	[tilespmem:$0x1B140] =	vst v63  }
0x120: {  	_ =	swait.ge [sflag:s17], $0x2800  }
0x121: {  	p0 =	seq.s32 s19, $0x0;
	[sflag:s17] =	ssyncset.done $0x0  }
.Ltmp3:
0x122: {  	[sflag:s17] =	ssyncadd.s32 $0xFFFFD800;
	(pc) =	sbr.rel @p0 .LBB2_6-.Ltmp3, $4  }
0x123: {  	[spmem:s2] =	stream.indirect.scatter.add.f32 [tilespmem:s15], [sflag:$0x3], $0x80, s14, s11, $0xb8;
	[tilespmem:$0x1B140] =	vst v63  }
0x124: {  	_ =	swait.ge [sflag:s8], $0x2800  }
0x125: {  	[sflag:s8] =	ssyncset.done $0x0  }
0x126: {  	[sflag:s8] =	ssyncadd.s32 $0xFFFFD800  }
0x127: {  	s22 =	sadd.s32 $0x4E2, s21  }
0x128: {  	[tilespmem:s13], [sflag:$0x3] =	stream.linear.gather [hbm4b:s22+s4], $0x50, $0x38;
	[tilespmem:$0x1B140] =	vst v63  }
0x129: {  	_ =	swait.ge [sflag:s8], $0x50  }
0x12a: {  	[sflag:s8] =	ssyncset.done $0x0  }
0x12b: {  	[sflag:s8] =	ssyncadd.s32 $0xFFFFFFB0  }
0x12c: {  	v4 =	vld [tilespmem:$0x16050]  }
0x12d: {  	v5 =	vld [tilespmem:$0x16060]  }
0x12e: {  	v6 =	vld [tilespmem:$0x16070]  }
0x12f: {  	v7 =	vld [tilespmem:$0x16080]  }
0x130: {  	v8 =	vld [tilespmem:$0x16090]  }
0x131: {  	v4 =	vadd.s32 v0, v4  }
0x132: {  	[tilespmem:$0x16050] =	vst v4;
	v4 =	vadd.s32 v0, v5  }
0x133: {  	[tilespmem:$0x16060] =	vst v4;
	v4 =	vadd.s32 v0, v6  }
0x134: {  	[tilespmem:$0x16070] =	vst v4;
	v4 =	vadd.s32 v0, v7  }
0x135: {  	[tilespmem:$0x16080] =	vst v4;
	v4 =	vadd.s32 v0, v8  }
0x136: {  	s23 =	sadd.s32 $0x5302, s21;
	[tilespmem:$0x16090] =	vst v4  }
0x137: {  	[tilespmem:s14], [sflag:$0x3] =	stream.linear.gather [hbm4b:s23+s4], $0x50, $0x38;
	[tilespmem:$0x1B140] =	vst v63  }
.Ltmp4:
0x138: {  	_ = 	snop;
	(pc) =	sbr.rel .LBB2_4-.Ltmp4, $4  }
0x139: {  	_ =	swait.ge [sflag:s8], $0x50  }
0x13a: {  	[sflag:s8] =	ssyncset.done $0x0  }
0x13b: {  	s19 =	sadd.s32 $0x14, s19;
	[sflag:s8] =	ssyncadd.s32 $0xFFFFFFB0  }
0x13c: {  	[tilespmem:s15], [sflag:$0x2] =	stream.indirect.gather [hbm4b:s1+s11], $0x80, s13, s11, $0xb8;
	[tilespmem:$0x1B140] =	vst v63  }
.LBB2_6:
0x13d: {  	_ =	swait.ge [sflag:s16], $0x2800  }
0x13e: {  	[sflag:s16] =	ssyncset.done $0x0  }
0x13f: {  	[sflag:s16] =	ssyncadd.s32 $0xFFFFD800  }
0x140: {  	[spmem:s2] =	stream.indirect.scatter.add.f32 [tilespmem:s12], [sflag:$0x3], $0x80, s10, s11, $0xb8;
	[tilespmem:$0x1B140] =	vst v63  }
0x141: {  	_ =	swait.ge [sflag:s8], $0x2800  }
0x142: {  	[sflag:s8] =	ssyncset.done $0x0  }
0x143: {  	[sflag:s8] =	ssyncadd.s32 $0xFFFFD800  }
0x144: {  	s6 =	stileid.u32;
	[bflag:$0x0] =	sbarrier.arrive $0xFFFF  }
0x145: {  	s19 =	sshll.u32 s6, $0x6;
	s22 =	rddreg [dreg:$0x9]  }
0x146: {  	s19 =	sor.u32 $0x1C03, s19;
	s23 =	rddreg [dreg:$0x8];
	s21 =	sshrl.u32 s22, $0x3  }
0x147: {  	[hbm:s23], [sflag:s19] =	dma.local [spmem:s21], $0x2710  }
0x148: {  	_ =	swait.ge [sflag:s8], $0x2710  }
0x149: {  	[sflag:s8] =	ssyncset.done $0x0  }
0x14a: {  	[sflag:s8] =	ssyncadd.s32 $0xFFFFD8F0  }
0x14b: {  	[bflag:$0x0] =	sbarrier.arrive $0xFFFF  }
0x14c: {  	[spmem:s5] =	stream.linear.scatter [tilespmem:s7], [sflag:$0x3], $0x2000, $0x38;
	[tilespmem:$0x1B140] =	vst v63  }
0x14d: {  	_ =	swait.ge [sflag:s8], $0x2000  }
0x14e: {  	[sflag:s8] =	ssyncset.done $0x0  }
0x14f: {  	[sflag:s8] =	ssyncadd.s32 $0xFFFFE000  }
0x150: {  	[spmem:s24] =	stream.linear.scatter [tilespmem:s7], [sflag:$0x3], $0x2000, $0x38;
	[tilespmem:$0x1B140] =	vst v63  }
0x151: {  	_ =	swait.ge [sflag:s8], $0x2000  }
0x152: {  	[sflag:s8] =	ssyncset.done $0x0  }
0x153: {  	[sflag:s8] =	ssyncadd.s32 $0xFFFFE000  }
0x154: {  	[spmem:s25] =	stream.linear.scatter [tilespmem:s7], [sflag:$0x3], $0x2000, $0x38;
	[tilespmem:$0x1B140] =	vst v63  }
0x155: {  	_ =	swait.ge [sflag:s8], $0x2000  }
0x156: {  	[sflag:s8] =	ssyncset.done $0x0  }
0x157: {  	[sflag:s8] =	ssyncadd.s32 $0xFFFFE000  }
0x158: {  	[spmem:s26] =	stream.linear.scatter [tilespmem:s7], [sflag:$0x3], $0x2000, $0x38;
	[tilespmem:$0x1B140] =	vst v63  }
0x159: {  	_ =	swait.ge [sflag:s8], $0x2000  }
0x15a: {  	[sflag:s8] =	ssyncset.done $0x0  }
0x15b: {  	[sflag:s8] =	ssyncadd.s32 $0xFFFFE000  }
0x15c: {  	[spmem:s28] =	stream.linear.scatter [tilespmem:s7], [sflag:$0x3], $0x2000, $0x38;
	[tilespmem:$0x1B140] =	vst v63  }
0x15d: {  	_ =	swait.ge [sflag:s8], $0x2000  }
0x15e: {  	[sflag:s8] =	ssyncset.done $0x0  }
0x15f: {  	[sflag:s8] =	ssyncadd.s32 $0xFFFFE000  }
0x160: {  	[spmem:s29] =	stream.linear.scatter [tilespmem:s7], [sflag:$0x3], $0x2000, $0x38;
	[tilespmem:$0x1B140] =	vst v63  }
0x161: {  	_ =	swait.ge [sflag:s8], $0x2000  }
0x162: {  	[sflag:s8] =	ssyncset.done $0x0  }
0x163: {  	[sflag:s8] =	ssyncadd.s32 $0xFFFFE000  }
0x164: {  	[spmem:s30] =	stream.linear.scatter [tilespmem:s7], [sflag:$0x3], $0x2000, $0x38;
	[tilespmem:$0x1B140] =	vst v63  }
0x165: {  	_ =	swait.ge [sflag:s8], $0x2000  }
0x166: {  	[sflag:s8] =	ssyncset.done $0x0  }
0x167: {  	[sflag:s8] =	ssyncadd.s32 $0xFFFFE000  }
0x168: {  	[spmem:s31] =	stream.linear.scatter [tilespmem:s7], [sflag:$0x3], $0x2000, $0x38;
	[tilespmem:$0x1B140] =	vst v63  }
0x169: {  	_ =	swait.ge [sflag:s8], $0x2000  }
0x16a: {  	[sflag:s8] =	ssyncset.done $0x0  }
0x16b: {  	[sflag:s8] =	ssyncadd.s32 $0xFFFFE000  }
0x16c: {  	[spmem:s0] =	stream.linear.scatter [tilespmem:s7], [sflag:$0x3], $0x2000, $0x38;
	[tilespmem:$0x1B140] =	vst v63  }
0x16d: {  	_ =	swait.ge [sflag:s8], $0x2000  }
0x16e: {  	[sflag:s8] =	ssyncset.done $0x0  }
0x16f: {  	[sflag:s8] =	ssyncadd.s32 $0xFFFFE000  }
0x170: {  	[spmem:s3] =	stream.linear.scatter [tilespmem:s7], [sflag:$0x3], $0x2000, $0x38;
	[tilespmem:$0x1B140] =	vst v63  }
0x171: {  	_ =	swait.ge [sflag:s8], $0x2000  }
0x172: {  	[sflag:s8] =	ssyncset.done $0x0  }
0x173: {  	[sflag:s8] =	ssyncadd.s32 $0xFFFFE000  }
0x174: {  	[bflag:$0x0] =	sbarrier.arrive $0xFFFF  }
0x175: {  	s22 =	rddreg [dreg:$0xa]  }
0x176: {  	[tilespmem:s9], [sflag:$0x3] =	stream.linear.gather [hbm4b:s22+s4], $0x50, $0x38;
	[tilespmem:$0x1B140] =	vst v63  }
0x177: {  	_ =	swait.ge [sflag:s8], $0x50  }
0x178: {  	[sflag:s8] =	ssyncset.done $0x0  }
0x179: {  	[sflag:s8] =	ssyncadd.s32 $0xFFFFFFB0  }
0x17a: {  	v4 =	vld [tilespmem:$0x16000]  }
0x17b: {  	v5 =	vld [tilespmem:$0x16010]  }
0x17c: {  	v6 =	vld [tilespmem:$0x16020]  }
0x17d: {  	v7 =	vld [tilespmem:$0x16030]  }
0x17e: {  	v8 =	vld [tilespmem:$0x16040]  }
0x17f: {  	v4 =	vadd.s32 v1, v4  }
0x180: {  	[tilespmem:$0x16000] =	vst v4;
	v4 =	vadd.s32 v1, v5  }
0x181: {  	[tilespmem:$0x16010] =	vst v4;
	v4 =	vadd.s32 v1, v6  }
0x182: {  	[tilespmem:$0x16020] =	vst v4;
	v4 =	vadd.s32 v1, v7  }
0x183: {  	[tilespmem:$0x16030] =	vst v4;
	v4 =	vadd.s32 v1, v8  }
0x184: {  	s23 =	rddreg [dreg:$0xb];
	[tilespmem:$0x16040] =	vst v4  }
0x185: {  	[tilespmem:s10], [sflag:$0x3] =	stream.linear.gather [hbm4b:s23+s4], $0x50, $0x38;
	[tilespmem:$0x1B140] =	vst v63  }
0x186: {  	_ =	swait.ge [sflag:s8], $0x50  }
0x187: {  	[sflag:s8] =	ssyncset.done $0x0  }
0x188: {  	[sflag:s8] =	ssyncadd.s32 $0xFFFFFFB0  }
0x189: {  	[tilespmem:s12], [sflag:$0x1] =	stream.indirect.gather [hbm4b:s1+s11], $0x80, s9, s11, $0xb8;
	[tilespmem:$0x1B140] =	vst v63  }
0x18a: {  	s22 =	rddreg [dreg:$0xc]  }
0x18b: {  	[tilespmem:s13], [sflag:$0x3] =	stream.linear.gather [hbm4b:s22+s4], $0x50, $0x38;
	[tilespmem:$0x1B140] =	vst v63  }
0x18c: {  	_ =	swait.ge [sflag:s8], $0x50  }
0x18d: {  	[sflag:s8] =	ssyncset.done $0x0  }
0x18e: {  	[sflag:s8] =	ssyncadd.s32 $0xFFFFFFB0  }
0x18f: {  	v4 =	vld [tilespmem:$0x16050]  }
0x190: {  	v5 =	vld [tilespmem:$0x16060]  }
0x191: {  	v61 =	vld [tilespmem:$0x16070]  }
0x192: {  	v62 =	vld [tilespmem:$0x16080]  }
0x193: {  	v63 =	vld [tilespmem:$0x16090]  }
0x194: {  	v4 =	vadd.s32 v1, v4  }
0x195: {  	[tilespmem:$0x16050] =	vst v4;
	v4 =	vadd.s32 v1, v5  }
0x196: {  	[tilespmem:$0x16060] =	vst v4;
	v4 =	vadd.s32 v1, v61  }
0x197: {  	[tilespmem:$0x16070] =	vst v4;
	v4 =	vadd.s32 v1, v62  }
0x198: {  	[tilespmem:$0x16080] =	vst v4;
	v4 =	vadd.s32 v1, v63  }
0x199: {  	s23 =	rddreg [dreg:$0xd];
	[tilespmem:$0x16090] =	vst v4  }
0x19a: {  	[tilespmem:s14], [sflag:$0x3] =	stream.linear.gather [hbm4b:s23+s4], $0x50, $0x38;
	[tilespmem:$0x1B140] =	vst v63  }
0x19b: {  	_ =	swait.ge [sflag:s8], $0x50  }
0x19c: {  	[sflag:s8] =	ssyncset.done $0x0  }
0x19d: {  	s22 =	simm.s32 $0xFFFFFB3C;
	[sflag:s8] =	ssyncadd.s32 $0xFFFFFFB0  }
0x19e: {  	[tilespmem:s15], [sflag:$0x2] =	stream.indirect.gather [hbm4b:s1+s11], $0x80, s13, s11, $0xb8;
	[tilespmem:$0x1B140] =	vst v63  }
.LBB2_7:
0x19f: {  	_ =	swait.ge [sflag:s16], $0x2800  }
0x1a0: {  	[sflag:s16] =	ssyncset.done $0x0  }
0x1a1: {  	[sflag:s16] =	ssyncadd.s32 $0xFFFFD800  }
0x1a2: {  	[spmem:s2] =	stream.indirect.scatter.add.f32 [tilespmem:s12], [sflag:$0x3], $0x80, s10, s11, $0xb8;
	[tilespmem:$0x1B140] =	vst v63  }
0x1a3: {  	_ =	swait.ge [sflag:s8], $0x2800  }
0x1a4: {  	s23 =	sadd.s32 s22, s20;
	[sflag:s8] =	ssyncset.done $0x0  }
0x1a5: {  	s6 =	sadd.s32 $0xA118, s23;
	[sflag:s8] =	ssyncadd.s32 $0xFFFFD800  }
0x1a6: {  	[tilespmem:s9], [sflag:$0x3] =	stream.linear.gather [hbm4b:s6+s4], $0x50, $0x38;
	[tilespmem:$0x1B140] =	vst v63  }
0x1a7: {  	_ =	swait.ge [sflag:s8], $0x50  }
0x1a8: {  	[sflag:s8] =	ssyncset.done $0x0  }
0x1a9: {  	[sflag:s8] =	ssyncadd.s32 $0xFFFFFFB0  }
0x1aa: {  	v4 =	vld [tilespmem:$0x16000]  }
0x1ab: {  	v5 =	vld [tilespmem:$0x16010]  }
0x1ac: {  	v6 =	vld [tilespmem:$0x16020]  }
0x1ad: {  	v7 =	vld [tilespmem:$0x16030]  }
0x1ae: {  	v8 =	vld [tilespmem:$0x16040]  }
0x1af: {  	v4 =	vadd.s32 v1, v4  }
0x1b0: {  	[tilespmem:$0x16000] =	vst v4;
	v4 =	vadd.s32 v1, v5  }
0x1b1: {  	[tilespmem:$0x16010] =	vst v4;
	v4 =	vadd.s32 v1, v6  }
0x1b2: {  	[tilespmem:$0x16020] =	vst v4;
	v4 =	vadd.s32 v1, v7  }
0x1b3: {  	[tilespmem:$0x16030] =	vst v4;
	v4 =	vadd.s32 v1, v8  }
0x1b4: {  	s6 =	sadd.s32 $0xEF38, s23;
	[tilespmem:$0x16040] =	vst v4  }
0x1b5: {  	[tilespmem:s10], [sflag:$0x3] =	stream.linear.gather [hbm4b:s6+s4], $0x50, $0x38;
	[tilespmem:$0x1B140] =	vst v63  }
0x1b6: {  	_ =	swait.ge [sflag:s8], $0x50  }
0x1b7: {  	[sflag:s8] =	ssyncset.done $0x0  }
0x1b8: {  	[sflag:s8] =	ssyncadd.s32 $0xFFFFFFB0  }
0x1b9: {  	[tilespmem:s12], [sflag:$0x1] =	stream.indirect.gather [hbm4b:s1+s11], $0x80, s9, s11, $0xb8;
	[tilespmem:$0x1B140] =	vst v63  }
0x1ba: {  	_ =	swait.ge [sflag:s17], $0x2800  }
0x1bb: {  	p0 =	seq.s32 s22, $0x0;
	[sflag:s17] =	ssyncset.done $0x0  }
.Ltmp5:
0x1bc: {  	[sflag:s17] =	ssyncadd.s32 $0xFFFFD800;
	(pc) =	sbr.rel @p0 .LBB2_9-.Ltmp5, $4  }
0x1bd: {  	[spmem:s2] =	stream.indirect.scatter.add.f32 [tilespmem:s15], [sflag:$0x3], $0x80, s14, s11, $0xb8;
	[tilespmem:$0x1B140] =	vst v63  }
0x1be: {  	_ =	swait.ge [sflag:s8], $0x2800  }
0x1bf: {  	[sflag:s8] =	ssyncset.done $0x0  }
0x1c0: {  	[sflag:s8] =	ssyncadd.s32 $0xFFFFD800  }
0x1c1: {  	s6 =	sadd.s32 $0xA122, s23  }
0x1c2: {  	[tilespmem:s13], [sflag:$0x3] =	stream.linear.gather [hbm4b:s6+s4], $0x50, $0x38;
	[tilespmem:$0x1B140] =	vst v63  }
0x1c3: {  	_ =	swait.ge [sflag:s8], $0x50  }
0x1c4: {  	[sflag:s8] =	ssyncset.done $0x0  }
0x1c5: {  	[sflag:s8] =	ssyncadd.s32 $0xFFFFFFB0  }
0x1c6: {  	v4 =	vld [tilespmem:$0x16050]  }
0x1c7: {  	v5 =	vld [tilespmem:$0x16060]  }
0x1c8: {  	v6 =	vld [tilespmem:$0x16070]  }
0x1c9: {  	v7 =	vld [tilespmem:$0x16080]  }
0x1ca: {  	v8 =	vld [tilespmem:$0x16090]  }
0x1cb: {  	v4 =	vadd.s32 v1, v4  }
0x1cc: {  	[tilespmem:$0x16050] =	vst v4;
	v4 =	vadd.s32 v1, v5  }
0x1cd: {  	[tilespmem:$0x16060] =	vst v4;
	v4 =	vadd.s32 v1, v6  }
0x1ce: {  	[tilespmem:$0x16070] =	vst v4;
	v4 =	vadd.s32 v1, v7  }
0x1cf: {  	[tilespmem:$0x16080] =	vst v4;
	v4 =	vadd.s32 v1, v8  }
0x1d0: {  	s23 =	sadd.s32 $0xEF42, s23;
	[tilespmem:$0x16090] =	vst v4  }
0x1d1: {  	[tilespmem:s14], [sflag:$0x3] =	stream.linear.gather [hbm4b:s23+s4], $0x50, $0x38;
	[tilespmem:$0x1B140] =	vst v63  }
.Ltmp6:
0x1d2: {  	_ = 	snop;
	(pc) =	sbr.rel .LBB2_7-.Ltmp6, $4  }
0x1d3: {  	_ =	swait.ge [sflag:s8], $0x50  }
0x1d4: {  	[sflag:s8] =	ssyncset.done $0x0  }
0x1d5: {  	s22 =	sadd.s32 $0x14, s22;
	[sflag:s8] =	ssyncadd.s32 $0xFFFFFFB0  }
0x1d6: {  	[tilespmem:s15], [sflag:$0x2] =	stream.indirect.gather [hbm4b:s1+s11], $0x80, s13, s11, $0xb8;
	[tilespmem:$0x1B140] =	vst v63  }
.LBB2_9:
0x1d7: {  	_ =	swait.ge [sflag:s16], $0x2800  }
0x1d8: {  	[sflag:s16] =	ssyncset.done $0x0  }
0x1d9: {  	[sflag:s16] =	ssyncadd.s32 $0xFFFFD800  }
0x1da: {  	[spmem:s2] =	stream.indirect.scatter.add.f32 [tilespmem:s12], [sflag:$0x3], $0x80, s10, s11, $0xb8;
	[tilespmem:$0x1B140] =	vst v63  }
0x1db: {  	_ =	swait.ge [sflag:s8], $0x2800  }
0x1dc: {  	[sflag:s8] =	ssyncset.done $0x0  }
0x1dd: {  	[sflag:s8] =	ssyncadd.s32 $0xFFFFD800  }
0x1de: {  	[bflag:$0x0] =	sbarrier.arrive $0xFFFF  }
0x1df: {  	s6 =	rddreg [dreg:$0xe]  }
0x1e0: {  	[hbm:s6], [sflag:s19] =	dma.local [spmem:s21], $0x2710  }
0x1e1: {  	_ =	swait.ge [sflag:s8], $0x2710  }
0x1e2: {  	[sflag:s8] =	ssyncset.done $0x0  }
0x1e3: {  	[sflag:s8] =	ssyncadd.s32 $0xFFFFD8F0  }
0x1e4: {  	[bflag:$0x0] =	sbarrier.arrive $0xFFFF  }
0x1e5: {  	[spmem:s5] =	stream.linear.scatter [tilespmem:s7], [sflag:$0x3], $0x2000, $0x38;
	[tilespmem:$0x1B140] =	vst v63  }
0x1e6: {  	_ =	swait.ge [sflag:s8], $0x2000  }
0x1e7: {  	[sflag:s8] =	ssyncset.done $0x0  }
0x1e8: {  	[sflag:s8] =	ssyncadd.s32 $0xFFFFE000  }
0x1e9: {  	[spmem:s24] =	stream.linear.scatter [tilespmem:s7], [sflag:$0x3], $0x2000, $0x38;
	[tilespmem:$0x1B140] =	vst v63  }
0x1ea: {  	_ =	swait.ge [sflag:s8], $0x2000  }
0x1eb: {  	[sflag:s8] =	ssyncset.done $0x0  }
0x1ec: {  	[sflag:s8] =	ssyncadd.s32 $0xFFFFE000  }
0x1ed: {  	[spmem:s25] =	stream.linear.scatter [tilespmem:s7], [sflag:$0x3], $0x2000, $0x38;
	[tilespmem:$0x1B140] =	vst v63  }
0x1ee: {  	_ =	swait.ge [sflag:s8], $0x2000  }
0x1ef: {  	[sflag:s8] =	ssyncset.done $0x0  }
0x1f0: {  	[sflag:s8] =	ssyncadd.s32 $0xFFFFE000  }
0x1f1: {  	[spmem:s26] =	stream.linear.scatter [tilespmem:s7], [sflag:$0x3], $0x2000, $0x38;
	[tilespmem:$0x1B140] =	vst v63  }
0x1f2: {  	_ =	swait.ge [sflag:s8], $0x2000  }
0x1f3: {  	[sflag:s8] =	ssyncset.done $0x0  }
0x1f4: {  	[sflag:s8] =	ssyncadd.s32 $0xFFFFE000  }
0x1f5: {  	[spmem:s28] =	stream.linear.scatter [tilespmem:s7], [sflag:$0x3], $0x2000, $0x38;
	[tilespmem:$0x1B140] =	vst v63  }
0x1f6: {  	_ =	swait.ge [sflag:s8], $0x2000  }
0x1f7: {  	[sflag:s8] =	ssyncset.done $0x0  }
0x1f8: {  	[sflag:s8] =	ssyncadd.s32 $0xFFFFE000  }
0x1f9: {  	[spmem:s29] =	stream.linear.scatter [tilespmem:s7], [sflag:$0x3], $0x2000, $0x38;
	[tilespmem:$0x1B140] =	vst v63  }
0x1fa: {  	_ =	swait.ge [sflag:s8], $0x2000  }
0x1fb: {  	[sflag:s8] =	ssyncset.done $0x0  }
0x1fc: {  	[sflag:s8] =	ssyncadd.s32 $0xFFFFE000  }
0x1fd: {  	[spmem:s30] =	stream.linear.scatter [tilespmem:s7], [sflag:$0x3], $0x2000, $0x38;
	[tilespmem:$0x1B140] =	vst v63  }
0x1fe: {  	_ =	swait.ge [sflag:s8], $0x2000  }
0x1ff: {  	[sflag:s8] =	ssyncset.done $0x0  }
0x200: {  	[sflag:s8] =	ssyncadd.s32 $0xFFFFE000  }
0x201: {  	[spmem:s31] =	stream.linear.scatter [tilespmem:s7], [sflag:$0x3], $0x2000, $0x38;
	[tilespmem:$0x1B140] =	vst v63  }
0x202: {  	_ =	swait.ge [sflag:s8], $0x2000  }
0x203: {  	[sflag:s8] =	ssyncset.done $0x0  }
0x204: {  	[sflag:s8] =	ssyncadd.s32 $0xFFFFE000  }
0x205: {  	[spmem:s0] =	stream.linear.scatter [tilespmem:s7], [sflag:$0x3], $0x2000, $0x38;
	[tilespmem:$0x1B140] =	vst v63  }
0x206: {  	_ =	swait.ge [sflag:s8], $0x2000  }
0x207: {  	[sflag:s8] =	ssyncset.done $0x0  }
0x208: {  	[sflag:s8] =	ssyncadd.s32 $0xFFFFE000  }
0x209: {  	[spmem:s3] =	stream.linear.scatter [tilespmem:s7], [sflag:$0x3], $0x2000, $0x38;
	[tilespmem:$0x1B140] =	vst v63  }
0x20a: {  	_ =	swait.ge [sflag:s8], $0x2000  }
0x20b: {  	[sflag:s8] =	ssyncset.done $0x0  }
0x20c: {  	[sflag:s8] =	ssyncadd.s32 $0xFFFFE000  }
0x20d: {  	[bflag:$0x0] =	sbarrier.arrive $0xFFFF  }
0x20e: {  	s22 =	rddreg [dreg:$0xf]  }
0x20f: {  	[tilespmem:s9], [sflag:$0x3] =	stream.linear.gather [hbm4b:s22+s4], $0x50, $0x38;
	[tilespmem:$0x1B140] =	vst v63  }
0x210: {  	_ =	swait.ge [sflag:s8], $0x50  }
0x211: {  	[sflag:s8] =	ssyncset.done $0x0  }
0x212: {  	[sflag:s8] =	ssyncadd.s32 $0xFFFFFFB0  }
0x213: {  	v4 =	vld [tilespmem:$0x16000]  }
0x214: {  	v5 =	vld [tilespmem:$0x16010]  }
0x215: {  	v6 =	vld [tilespmem:$0x16020]  }
0x216: {  	v7 =	vld [tilespmem:$0x16030]  }
0x217: {  	v8 =	vld [tilespmem:$0x16040]  }
0x218: {  	v4 =	vadd.s32 v2, v4  }
0x219: {  	[tilespmem:$0x16000] =	vst v4;
	v4 =	vadd.s32 v2, v5  }
0x21a: {  	[tilespmem:$0x16010] =	vst v4;
	v4 =	vadd.s32 v2, v6  }
0x21b: {  	[tilespmem:$0x16020] =	vst v4;
	v4 =	vadd.s32 v2, v7  }
0x21c: {  	[tilespmem:$0x16030] =	vst v4;
	v4 =	vadd.s32 v2, v8  }
0x21d: {  	s23 =	rddreg [dreg:$0x11];
	[tilespmem:$0x16040] =	vst v4  }
0x21e: {  	[tilespmem:s10], [sflag:$0x3] =	stream.linear.gather [hbm4b:s23+s4], $0x50, $0x38;
	[tilespmem:$0x1B140] =	vst v63  }
0x21f: {  	_ =	swait.ge [sflag:s8], $0x50  }
0x220: {  	[sflag:s8] =	ssyncset.done $0x0  }
0x221: {  	[sflag:s8] =	ssyncadd.s32 $0xFFFFFFB0  }
0x222: {  	[tilespmem:s12], [sflag:$0x1] =	stream.indirect.gather [hbm4b:s1+s11], $0x80, s9, s11, $0xb8;
	[tilespmem:$0x1B140] =	vst v63  }
0x223: {  	s22 =	rddreg [dreg:$0x12]  }
0x224: {  	[tilespmem:s13], [sflag:$0x3] =	stream.linear.gather [hbm4b:s22+s4], $0x50, $0x38;
	[tilespmem:$0x1B140] =	vst v63  }
0x225: {  	_ =	swait.ge [sflag:s8], $0x50  }
0x226: {  	[sflag:s8] =	ssyncset.done $0x0  }
0x227: {  	[sflag:s8] =	ssyncadd.s32 $0xFFFFFFB0  }
0x228: {  	v4 =	vld [tilespmem:$0x16050]  }
0x229: {  	v5 =	vld [tilespmem:$0x16060]  }
0x22a: {  	v61 =	vld [tilespmem:$0x16070]  }
0x22b: {  	v62 =	vld [tilespmem:$0x16080]  }
0x22c: {  	v63 =	vld [tilespmem:$0x16090]  }
0x22d: {  	v4 =	vadd.s32 v2, v4  }
0x22e: {  	[tilespmem:$0x16050] =	vst v4;
	v4 =	vadd.s32 v2, v5  }
0x22f: {  	[tilespmem:$0x16060] =	vst v4;
	v4 =	vadd.s32 v2, v61  }
0x230: {  	[tilespmem:$0x16070] =	vst v4;
	v4 =	vadd.s32 v2, v62  }
0x231: {  	[tilespmem:$0x16080] =	vst v4;
	v4 =	vadd.s32 v2, v63  }
0x232: {  	s23 =	rddreg [dreg:$0x14];
	[tilespmem:$0x16090] =	vst v4  }
0x233: {  	[tilespmem:s14], [sflag:$0x3] =	stream.linear.gather [hbm4b:s23+s4], $0x50, $0x38;
	[tilespmem:$0x1B140] =	vst v63  }
0x234: {  	_ =	swait.ge [sflag:s8], $0x50  }
0x235: {  	[sflag:s8] =	ssyncset.done $0x0  }
0x236: {  	s22 =	simm.s32 $0xFFFFFB3C;
	[sflag:s8] =	ssyncadd.s32 $0xFFFFFFB0  }
0x237: {  	[tilespmem:s15], [sflag:$0x2] =	stream.indirect.gather [hbm4b:s1+s11], $0x80, s13, s11, $0xb8;
	[tilespmem:$0x1B140] =	vst v63  }
.LBB2_10:
0x238: {  	_ =	swait.ge [sflag:s16], $0x2800  }
0x239: {  	[sflag:s16] =	ssyncset.done $0x0  }
0x23a: {  	[sflag:s16] =	ssyncadd.s32 $0xFFFFD800  }
0x23b: {  	[spmem:s2] =	stream.indirect.scatter.add.f32 [tilespmem:s12], [sflag:$0x3], $0x80, s10, s11, $0xb8;
	[tilespmem:$0x1B140] =	vst v63  }
0x23c: {  	_ =	swait.ge [sflag:s8], $0x2800  }
0x23d: {  	s23 =	sadd.s32 s22, s20;
	[sflag:s8] =	ssyncset.done $0x0  }
0x23e: {  	s6 =	sadd.s32 $0x13D58, s23;
	[sflag:s8] =	ssyncadd.s32 $0xFFFFD800  }
0x23f: {  	[tilespmem:s9], [sflag:$0x3] =	stream.linear.gather [hbm4b:s6+s4], $0x50, $0x38;
	[tilespmem:$0x1B140] =	vst v63  }
0x240: {  	_ =	swait.ge [sflag:s8], $0x50  }
0x241: {  	[sflag:s8] =	ssyncset.done $0x0  }
0x242: {  	[sflag:s8] =	ssyncadd.s32 $0xFFFFFFB0  }
0x243: {  	v4 =	vld [tilespmem:$0x16000]  }
0x244: {  	v5 =	vld [tilespmem:$0x16010]  }
0x245: {  	v6 =	vld [tilespmem:$0x16020]  }
0x246: {  	v7 =	vld [tilespmem:$0x16030]  }
0x247: {  	v8 =	vld [tilespmem:$0x16040]  }
0x248: {  	v4 =	vadd.s32 v2, v4  }
0x249: {  	[tilespmem:$0x16000] =	vst v4;
	v4 =	vadd.s32 v2, v5  }
0x24a: {  	[tilespmem:$0x16010] =	vst v4;
	v4 =	vadd.s32 v2, v6  }
0x24b: {  	[tilespmem:$0x16020] =	vst v4;
	v4 =	vadd.s32 v2, v7  }
0x24c: {  	[tilespmem:$0x16030] =	vst v4;
	v4 =	vadd.s32 v2, v8  }
0x24d: {  	s6 =	sadd.s32 $0x18B78, s23;
	[tilespmem:$0x16040] =	vst v4  }
0x24e: {  	[tilespmem:s10], [sflag:$0x3] =	stream.linear.gather [hbm4b:s6+s4], $0x50, $0x38;
	[tilespmem:$0x1B140] =	vst v63  }
0x24f: {  	_ =	swait.ge [sflag:s8], $0x50  }
0x250: {  	[sflag:s8] =	ssyncset.done $0x0  }
0x251: {  	[sflag:s8] =	ssyncadd.s32 $0xFFFFFFB0  }
0x252: {  	[tilespmem:s12], [sflag:$0x1] =	stream.indirect.gather [hbm4b:s1+s11], $0x80, s9, s11, $0xb8;
	[tilespmem:$0x1B140] =	vst v63  }
0x253: {  	_ =	swait.ge [sflag:s17], $0x2800  }
0x254: {  	p0 =	seq.s32 s22, $0x0;
	[sflag:s17] =	ssyncset.done $0x0  }
.Ltmp7:
0x255: {  	[sflag:s17] =	ssyncadd.s32 $0xFFFFD800;
	(pc) =	sbr.rel @p0 .LBB2_12-.Ltmp7, $4  }
0x256: {  	[spmem:s2] =	stream.indirect.scatter.add.f32 [tilespmem:s15], [sflag:$0x3], $0x80, s14, s11, $0xb8;
	[tilespmem:$0x1B140] =	vst v63  }
0x257: {  	_ =	swait.ge [sflag:s8], $0x2800  }
0x258: {  	[sflag:s8] =	ssyncset.done $0x0  }
0x259: {  	[sflag:s8] =	ssyncadd.s32 $0xFFFFD800  }
0x25a: {  	s6 =	sadd.s32 $0x13D62, s23  }
0x25b: {  	[tilespmem:s13], [sflag:$0x3] =	stream.linear.gather [hbm4b:s6+s4], $0x50, $0x38;
	[tilespmem:$0x1B140] =	vst v63  }
0x25c: {  	_ =	swait.ge [sflag:s8], $0x50  }
0x25d: {  	[sflag:s8] =	ssyncset.done $0x0  }
0x25e: {  	[sflag:s8] =	ssyncadd.s32 $0xFFFFFFB0  }
0x25f: {  	v4 =	vld [tilespmem:$0x16050]  }
0x260: {  	v5 =	vld [tilespmem:$0x16060]  }
0x261: {  	v6 =	vld [tilespmem:$0x16070]  }
0x262: {  	v7 =	vld [tilespmem:$0x16080]  }
0x263: {  	v8 =	vld [tilespmem:$0x16090]  }
0x264: {  	v4 =	vadd.s32 v2, v4  }
0x265: {  	[tilespmem:$0x16050] =	vst v4;
	v4 =	vadd.s32 v2, v5  }
0x266: {  	[tilespmem:$0x16060] =	vst v4;
	v4 =	vadd.s32 v2, v6  }
0x267: {  	[tilespmem:$0x16070] =	vst v4;
	v4 =	vadd.s32 v2, v7  }
0x268: {  	[tilespmem:$0x16080] =	vst v4;
	v4 =	vadd.s32 v2, v8  }
0x269: {  	s23 =	sadd.s32 $0x18B82, s23;
	[tilespmem:$0x16090] =	vst v4  }
0x26a: {  	[tilespmem:s14], [sflag:$0x3] =	stream.linear.gather [hbm4b:s23+s4], $0x50, $0x38;
	[tilespmem:$0x1B140] =	vst v63  }
.Ltmp8:
0x26b: {  	_ = 	snop;
	(pc) =	sbr.rel .LBB2_10-.Ltmp8, $4  }
0x26c: {  	_ =	swait.ge [sflag:s8], $0x50  }
0x26d: {  	[sflag:s8] =	ssyncset.done $0x0  }
0x26e: {  	s22 =	sadd.s32 $0x14, s22;
	[sflag:s8] =	ssyncadd.s32 $0xFFFFFFB0  }
0x26f: {  	[tilespmem:s15], [sflag:$0x2] =	stream.indirect.gather [hbm4b:s1+s11], $0x80, s13, s11, $0xb8;
	[tilespmem:$0x1B140] =	vst v63  }
.LBB2_13:
0x270: {  	_ =	sfence.sel $0x180000  }
0x271: {  	[bflag:$0x0] =	sbarrier.arrive $0xFFFF  }
0x272: {  	_ =	strace $0x9000004A  }
0x273: {  	s0 =	stileid.u32;
	[bflag:$0x2] =	sbarrier.arrive $0xFFFF  }
0x274: {  	p0 =	sne.s32 s0, $0x0;
	s0 =	rddreg [dreg:$0x3]  }
0x275: {  	s0 =	sadd.s32 @!p0 $0x100000, s0  }
0x276: {  	[sflag:s0] =	ssyncadd.tile.s32 @!p0 $0x1;
	_ =	shalt  }
.Lfunc_end2:
_tile_overlayer_lowered:
.L_overlay_start_2:
0x277: {  	(tag) =	ssettag $0x2  }
0x278: {  	s0 =	rddreg [dreg:$0x0];
	s2 =	stileid.u32  }
0x279: {  	s1 =	rddreg [dreg:$0x1];
	p0 =	sne.s32 s2, $0x0  }
0x27a: {  	s3 =	rddreg [dreg:$0x2];
	[bflag:$0x3] =	sbarrier.arrive $0xFFFF;
	s2 =	simm.s32 @!p0 $0x1C03  }
0x27b: {  	[timem:s3], [sflag:s2] =	dma.local @!p0 [hbm:s0], s1  }
0x27c: {  	s0 =	simm.s32 @!p0 $0x3  }
0x27d: {  	_ =	swait.ge @!p0 [sflag:s0], s1  }
0x27e: {  	s1 =	ssub.s32 @!p0 $0x0, s1;
	[sflag:s0] =	ssyncset.done @!p0 $0x0  }
0x27f: {  	[sflag:s0] =	ssyncadd.s32 @!p0 s1  }
0x280: {  	[bflag:$0x3] =	sbarrier.arrive $0xFFFF  }
0x281: {  	_ =	shalt  }

// kernel: kernel.15.cloned.1.call-start
scs
__scs_entry_jumppad:
0x0: {  	(pc) =	sbr.rel $0x88, $3  }
0x1: {  	(tag) =	ssettag $0x0;
	lr =	simm.s32 $0x1  }
0x2: {  	[smem:$0x3F99] =	sst lr;
	_ =	strace $0xD0000000  }
0x3: {  	_ = 	snop  }
0x4: {  	_ = 	snop  }
0x5: {  	_ = 	snop  }
0x6: {  	_ = 	snop  }
0x7: {  	_ = 	snop  }
__scs_overlays_trampoline_lowered:
0x8: {  	[smem:$0x3FA8] =	sst s0  }
0x9: {  	[smem:$0x3FA9] =	sst s1  }
0xa: {  	[smem:$0x3FAA] =	sst s2  }
0xb: {  	[smem:$0x3FAB] =	sst s3  }
0xc: {  	[smem:$0x3FAC] =	sst s4  }
0xd: {  	[smem:$0x3FAD] =	sst s5  }
0xe: {  	[smem:$0x3FAE] =	sst s6  }
0xf: {  	[smem:$0x3FAF] =	sst s7  }
0x10: {  	[smem:$0x3FB0] =	sst s8  }
0x11: {  	[smem:$0x3FB1] =	sst s9;
	s0 =	simm.s32 @!p0 $0x0  }
0x12: {  	s1 =	sld [smem:$0x3F97];
	s0 =	simm.s32 @p0 $0x1  }
0x13: {  	[smem:$0x3FB2] =	sst s0;
	s0 =	simm.s32 @!p1 $0x0  }
0x14: {  	s2 =	sld [smem:$0x3F96];
	s0 =	simm.s32 @p1 $0x1  }
0x15: {  	[smem:$0x3FB3] =	sst s0;
	s0 =	simm.s32 @!p2 $0x0  }
0x16: {  	s3 =	sld [smem:$0x3FDB];
	s0 =	simm.s32 @p2 $0x1  }
0x17: {  	s4 =	simm.s32 $0x1BF5;
	[smem:$0x3FB5] =	sst s0  }
0x18: {  	s0 =	sld [smem:$0x3F98];
	_ =	swait.ge [sflag:s4], $0x0  }
0x19: {  	s7 =	sld [smem:$0x3F99]  }
0x1a: {  	s8 =	sadd.s32 $0xFFFFE003, lr  }
0x1b: {  	s9 =	sadd.s32 $0xFFFFFEF7, lr;
	s5 =	simm.s32 $0xFFFFFFFF;
	p2 =	slt.u32 s8, $0xFFFFF086  }
0x1c: {  	p1 =	slt.u32 s9, $0xF7A;
	s5 =	simm.s32 @!p2 $0x0  }
0x1d: {  	s5 =	simm.s32 @p1 $0x1;
	p0 =	seq.s32 s7, s2  }
0x1e: {  	s7 =	smul.u32 @!p0 $0xF7A, s2;
	p2 =	seq.s32 @!p0 s5, $0x0  }
0x1f: {  	s9 =	smul.u32 $0xF7A, s1;
	s8 =	simm.s32 @!p0 $0x1BF5;
	p2 =	por !p2, p0  }
0x20: {  	[sflag:s8] =	ssyncset.s32 @!p0 $0xFFFFF086;
	s6 =	sadd.s32 @!p0 s3, s7;
	s7 =	simm.s32 @!p0 $0x108  }
0x21: {  	s3 =	sadd.s32 s3, s9;
	s6 =	sadd.s32 @!p0 $0x88, s6;
	s7 =	simm.s32 @p2 $0x1082  }
0x22: {  	[simem:s7], [sflag:s8] =	dma.local @!p0 [hbm:s6], $0xF7A  }
0x23: {  	s9 =	sor.u32 $0xD0000000, s2;
	s6 =	simm.s32 $0x108;
	_ =	swait.ge @!p0 [sflag:s8], $0x0  }
0x24: {  	s3 =	sadd.s32 $0x88, s3;
	s6 =	simm.s32 @!p1 $0x1082;
	[sflag:s4] =	ssyncset.s32 $0xFFFFF086  }
0x25: {  	[simem:s6], [sflag:s4] =	dma.local [hbm:s3], $0xF7A  }
0x26: {  	[smem:$0x3F99] =	sst s1;
	(tag) =	ssettag s2;
	_ =	strace s9  }
0x27: {  	s1 =	sld [smem:$0x3FA9]  }
0x28: {  	s2 =	sld [smem:$0x3FAA]  }
0x29: {  	s4 =	sld [smem:$0x3FAC]  }
0x2a: {  	p0 =	seq.s32 s5, $0x0;
	s5 =	sld [smem:$0x3FAD]  }
0x2b: {  	s6 =	sld [smem:$0x3FAE]  }
0x2c: {  	s7 =	sld [smem:$0x3FAF]  }
0x2d: {  	s3 =	simm.s32 $0x108;
	s8 =	sld [smem:$0x3FB0]  }
0x2e: {  	s3 =	simm.s32 @!p0 $0x1082;
	s9 =	sld [smem:$0x3FB1]  }
0x2f: {  	lr =	sadd.s32 s0, s3;
	s0 =	sld [smem:$0x3FA8]  }
0x30: {  	s3 =	sld [smem:$0x3FAB]  }
0x31: {  	[smem:$0x3FB4] =	sst s10  }
0x32: {  	s10 =	sld [smem:$0x3FB2];
	_ =	sdelay $0x3  }
0x33: {  	p0 =	seq.s32 s10, $0x1;
	s10 =	sld [smem:$0x3FB4];
	_ =	sdelay $0x3  }
0x34: {  	[smem:$0x3FB4] =	sst s10  }
0x35: {  	s10 =	sld [smem:$0x3FB3];
	_ =	sdelay $0x3  }
0x36: {  	p1 =	seq.s32 s10, $0x1;
	s10 =	sld [smem:$0x3FB4];
	_ =	sdelay $0x3  }
0x37: {  	[smem:$0x3FB4] =	sst s10  }
0x38: {  	s10 =	sld [smem:$0x3FB5]  }
0x39: {  	_ = 	snop;
	(pc) =	sbr.ind lr, $3  }
0x3a: {  	_ = 	snop  }
0x3b: {  	_ = 	snop  }
0x3c: {  	p2 =	seq.s32 s10, $0x1;
	s10 =	sld [smem:$0x3FB4]  }
0x3d: {  	_ =	shalt  }
0x3e: {  	_ =	shalt  }
0x3f: {  	_ =	shalt  }
0x40: {  	_ =	shalt  }
0x41: {  	_ =	shalt  }
0x42: {  	_ =	shalt  }
0x43: {  	_ =	shalt  }
0x44: {  	_ =	shalt  }
0x45: {  	_ =	shalt  }
0x46: {  	_ =	shalt  }
0x47: {  	_ =	shalt  }
0x48: {  	_ =	shalt  }
0x49: {  	_ =	shalt  }
0x4a: {  	_ =	shalt  }
0x4b: {  	_ =	shalt  }
0x4c: {  	_ =	shalt  }
0x4d: {  	_ =	shalt  }
0x4e: {  	_ =	shalt  }
0x4f: {  	_ =	shalt  }
0x50: {  	_ =	shalt  }
0x51: {  	_ =	shalt  }
0x52: {  	_ =	shalt  }
0x53: {  	_ =	shalt  }
0x54: {  	_ =	shalt  }
0x55: {  	_ =	shalt  }
0x56: {  	_ =	shalt  }
0x57: {  	_ =	shalt  }
0x58: {  	_ =	shalt  }
0x59: {  	_ =	shalt  }
0x5a: {  	_ =	shalt  }
0x5b: {  	_ =	shalt  }
0x5c: {  	_ =	shalt  }
0x5d: {  	_ =	shalt  }
0x5e: {  	_ =	shalt  }
0x5f: {  	_ =	shalt  }
0x60: {  	_ =	shalt  }
0x61: {  	_ =	shalt  }
0x62: {  	_ =	shalt  }
0x63: {  	_ =	shalt  }
0x64: {  	_ =	shalt  }
0x65: {  	_ =	shalt  }
0x66: {  	_ =	shalt  }
0x67: {  	_ =	shalt  }
0x68: {  	_ =	shalt  }
0x69: {  	_ =	shalt  }
0x6a: {  	_ =	shalt  }
0x6b: {  	_ =	shalt  }
0x6c: {  	_ =	shalt  }
0x6d: {  	_ =	shalt  }
0x6e: {  	_ =	shalt  }
0x6f: {  	_ =	shalt  }
0x70: {  	_ =	shalt  }
0x71: {  	_ =	shalt  }
0x72: {  	_ =	shalt  }
0x73: {  	_ =	shalt  }
0x74: {  	_ =	shalt  }
0x75: {  	_ =	shalt  }
0x76: {  	_ =	shalt  }
0x77: {  	_ =	shalt  }
0x78: {  	_ =	shalt  }
0x79: {  	_ =	shalt  }
0x7a: {  	_ =	shalt  }
0x7b: {  	_ =	shalt  }
0x7c: {  	_ =	shalt  }
0x7d: {  	_ =	shalt  }
0x7e: {  	_ =	shalt  }
0x7f: {  	_ =	shalt  }
0x80: {  	_ =	shalt  }
0x81: {  	_ =	shalt  }
0x82: {  	_ =	shalt  }
0x83: {  	_ =	shalt  }
0x84: {  	_ =	shalt  }
0x85: {  	_ =	shalt  }
0x86: {  	_ =	shalt  }
0x87: {  	_ =	shalt  }
.Lfunc_end0:
.L_simem_size_0:
called_computation.2_lowered:
.L_overlay_start_0:
0x88: {  	s2 =	sld [smem:$0x3FD9]  }
0x89: {  	s3 =	sld [smem:$0x3FFE];
	_ =	sdelay $0x1  }
0x8a: {  	s1 =	srdreg.scid  }
0x8b: {  	s0 =	sand.u32 $0x1, s1  }
0x8c: {  	s17 =	sshll.u32 s0, $0xA;
	s2 =	sadd.s32 s3, s2  }
0x8d: {  	s2 =	sadd.s32 s2, s17  }
0x8e: {  	[smem:$0x3FC0] =	sst s2  }
0x8f: {  	_ = 	snop  }
0x90: {  	s2 =	sld [smem:$0x3FD0];
	(tm) =	ssettm $0x1  }
0x91: {  	s18 =	sld [smem:$0x3FFB];
	_ =	sdelay $0x3  }
0x92: {  	_ =	strace s18  }
0x93: {  	s3 =	sld [smem:$0x3FFC];
	_ =	sdelay $0x3  }
0x94: {  	_ =	strace s3  }
0x95: {  	s3 =	sld [smem:$0x3FFD];
	_ =	sdelay $0x3  }
0x96: {  	_ =	strace s3  }
0x97: {  	_ =	strace $0x8FFFFFFF  }
0x98: {  	s19 =	sld [smem:$0x3FDB];
	_ =	sdelay $0x1  }
0x99: {  	s4 =	simm.s32 $_scs_section_size  }
0x9a: {  	s5 =	simm.s32 $_size__tile_overlayer_lowered;
	s6 =	simm.s32 $_tile_overlayer_lowered  }
0x9b: {  	s22 =	simm.s32 $0x1BFF;
	s21 =	sshll.u32 s6, $0x1;
	s3 =	sadd.s32 s4, s19  }
0x9c: {  	s7 =	simm.s32 $0x0;
	s20 =	sshll.u32 s5, $0x1;
	s5 =	sadd.s32 s21, s3  }
0x9d: {  	[timem:s7], [sflag:s22] =	dma.local [hbm:s5], s20  }
0x9e: {  	_ =	swait.ge [sflag:s22], s20  }
0x9f: {  	s4 =	ssub.s32 $0x0, s20;
	[sflag:s22] =	ssyncset.done $0x0  }
0xa0: {  	[sflag:s22] =	ssyncadd.s32 s4;
	_ =	sdelay $0x1  }
0xa1: {  	s23 =	simm.s32 $0x1B8B  }
0xa2: {  	_ =	swait.ge [sflag:s23], $0x1  }
0xa3: {  	[sflag:s23] =	ssyncset.done $0x0  }
0xa4: {  	s25 =	simm.s32 $0x1B8E;
	s24 =	sld [smem:$0x3FFE];
	[sflag:s23] =	ssyncadd.s32 $0xFFFFFFFF  }
0xa5: {  	s26 =	simm.s32 $execute0_lowered;
	[smem:$0x3FD2] =	sst s25  }
0xa6: {  	s5 =	sshll.u32 s26, $0x1;
	_ =	strace $0x8000004C;
	[dreg:$0x1] =	wrdreg $0xFFFFFFFF  }
0xa7: {  	s28 =	simm.s32 $_size_execute0_lowered;
	s3 =	sadd.s32 s3, s5;
	[dreg:$0x0] =	wrdreg $0x0  }
0xa8: {  	s5 =	sshll.u32 s28, $0x1;
	[dreg:$0x2] =	wrdreg s3  }
0xa9: {  	[dreg:$0x3] =	wrdreg s5  }
0xaa: {  	[dreg:$0x4] =	wrdreg $0xC0  }
0xab: {  	_ =	task [dreg:s7], $0x5FFFF  }
0xac: {  	[dreg:$0x1] =	wrdreg $0xFFFFFFFF  }
0xad: {  	[dreg:$0x0] =	wrdreg $0x60  }
0xae: {  	[dreg:$0x2] =	wrdreg s2  }
0xaf: {  	[dreg:$0x3] =	wrdreg s24  }
0xb0: {  	[dreg:$0x4] =	wrdreg $0x0  }
0xb1: {  	[dreg:$0x5] =	wrdreg $0x9  }
0xb2: {  	_ =	task.clear_ibuf [dreg:s7], $0x6FFFF;
	_ =	strace $0x9000004C  }
0xb3: {  	s29 =	simm.s32 $0x9;
	_ =	strace $0x8000004E  }
0xb4: {  	_ =	swait.ge [sflag:s29], $0x1  }
0xb5: {  	[sflag:s29] =	ssyncadd.s32 $0xFFFFFFFF  }
0xb6: {  	_ =	strace $0x9000004E  }
0xb7: {  	_ =	sfence  }
0xb8: {  	s30 =	sld [smem:$0x0];
	_ =	sdelay $0x2  }
0xb9: {  	s31 =	sshll.u32 s1, $0xD;
	s1 =	sshrl.u32 s1, $0x2  }
0xba: {  	s3 =	sand.u32 $0x4000, s31;
	s1 =	sadd.s32 s1, s30  }
0xbb: {  	s0 =	sor.u32 s3, s0;
	s1 =	sshll.u32 s1, $0x11  }
0xbc: {  	s0 =	sor.u32 s1, s0  }
0xbd: {  	s0 =	sadd.s32 $0x8F2B, s0  }
0xbe: {  	[sflag:s0] =	ssyncadd.remote.s32 $0x1  }
0xbf: {  	_ =	sfence.sel $0xFFFF  }
0xc0: {  	[dreg:$0x0] =	wrdreg $0xFFFFFFFF;
	(pc) =	sbr.abs _section_cstart, $3  }
0xc1: {  	[dreg:$0x1] =	wrdreg $0xFFFFFFFF  }
0xc2: {  	_ =	task.clear_ibuf [dreg:s7], $0x2FFFF;
	_ =	strace $0x9FFFFFFF  }
0xc3: {  	(tm) =	ssettm $0x7FFFFFFF  }
tec
execute0_lowered:
.L_overlay_start_1:
0x0: {  	(tag) =	ssettag $0x1  }
0x1: {  	s1 =	rddreg [dreg:$0x0]  }
0x2: {  	s0 =	rddreg [dreg:$0x1];
	s11 =	stileid.u32  }
0x3: {  	s2 =	rddreg [dreg:$0x2];
	s6 =	smul.u32 $0x2710, s11  }
0x4: {  	s4 =	simm.s32 $0x0;
	s3 =	srdreg.scid;
	s9 =	smul.u32 $0x50000, s11  }
0x5: {  	[smem:$0x7FF] =	sst s4;
	s3 =	sand.u32 $0x1, s3;
	s23 =	smul.u32 $0x271, s11  }
0x6: {  	s7 =	sadd.s32 $0x3000, s0;
	s0 =	sadd.s32 $0x20600, s0;
	s24 =	smul.u32 $0x4E200, s11  }
0x7: {  	s20 =	smul.u32 $0x4E2, s11;
	s11 =	simm.s32 $0x50;
	s5 =	ssub.s32 $0x2, s3  }
0x8: {  	_ =	strace $0x8000004D;
	s13 =	smul.u32 $0x2710, s3;
	s8 =	sshrl.u32 s5, $0x1  }
0x9: {  	s22 =	sshrl.u32 s9, $0x2;
	s6 =	sshrl.u32 s6, $0x3;
	s3 =	sshrl.u32 s24, $0x2  }
0xa: {  	s20 =	sadd.s32 s20, s7;
	s8 =	ssub.s32 s5, s8;
	s5 =	sadd.s32 s22, s2  }
0xb: {  	s6 =	sadd.s32 s7, s6;
	s26 =	sadd.s32 s23, s13;
	s3 =	sadd.s32 s3, s2  }
0xc: {  	s16 =	sadd.s32 $0x4E20, s13;
	s7 =	simm.s32 $0x14000;
	[dreg:$0x9] =	wrdreg s3  }
0xd: {  	s10 =	sadd.s32 $0x4E20, s6;
	s25 =	sadd.s32 $0xA, s6;
	[dreg:$0x4] =	wrdreg s6  }
0xe: {  	s12 =	sadd.s32 $0x4E2A, s6;
	s14 =	sadd.s32 $0x9C40, s6;
	[dreg:$0x5] =	wrdreg s10  }
0xf: {  	s15 =	sadd.s32 $0xEA60, s6;
	s17 =	sadd.s32 $0x9C4A, s6;
	[dreg:$0x6] =	wrdreg s25  }
0x10: {  	s18 =	sadd.s32 $0xEA6A, s6;
	s19 =	sadd.s32 s23, s16;
	[dreg:$0x7] =	wrdreg s12  }
0x11: {  	s21 =	sadd.s32 $0x13880, s6;
	s24 =	sadd.s32 $0x1388A, s6;
	[dreg:$0xa] =	wrdreg s14  }
0x12: {  	s28 =	sadd.s32 $0x8000, s5;
	s29 =	sadd.s32 $0xA000, s5;
	[dreg:$0xb] =	wrdreg s15  }
0x13: {  	s30 =	sadd.s32 $0xC000, s5;
	s31 =	sadd.s32 $0xE000, s5;
	[dreg:$0xc] =	wrdreg s17  }
0x14: {  	v1 =	vmov s16;
	s16 =	simm.s32 $0x1;
	s10 =	sshll.u32 s26, $0x4;
	[dreg:$0xd] =	wrdreg s18  }
0x15: {  	s17 =	sadd.s32 $0x9C40, s13;
	s3 =	sshll.u32 s19, $0x4;
	[dreg:$0xf] =	wrdreg s21  }
0x16: {  	[dreg:$0x12] =	wrdreg s24;
	s25 =	smax.u32 s8, $0x1;
	s26 =	sadd.s32 $0x186AA, s6  }
0x17: {  	s24 =	sadd.s32 $0x2000, s5;
	s8 =	simm.s32 $0x3;
	s12 =	simm.s32 $0x16140  }
0x18: {  	v0 =	vmov s13;
	s13 =	simm.s32 $0x16050;
	s14 =	simm.s32 $0x160F0;
	s15 =	simm.s32 $0x18940  }
0x19: {  	s18 =	simm.s32 $0x0;
	s10 =	sadd.s32 s0, s10;
	[dreg:$0x13] =	wrdreg s25  }
0x1a: {  	s9 =	sadd.s32 s23, s17;
	s3 =	sadd.s32 s0, s3;
	[dreg:$0x14] =	wrdreg s26  }
.Ltmp0:
0x1b: {  	s23 =	sadd.s32 $0x186A0, s6;
	[dreg:$0x8] =	wrdreg s10;
	(pc) =	sbr.rel .LBB2_1-.Ltmp0, $4  }
0x1c: {  	s25 =	sadd.s32 $0x4000, s5;
	s26 =	sadd.s32 $0x6000, s5;
	[dreg:$0xe] =	wrdreg s3  }
0x1d: {  	v2 =	vmov s17;
	s17 =	simm.s32 $0x2;
	s22 =	sshll.u32 s9, $0x4;
	[dreg:$0x11] =	wrdreg s23  }
0x1e: {  	s3 =	sadd.s32 $0x12000, s5;
	s9 =	simm.s32 $0x16000;
	s0 =	sadd.s32 s0, s22  }
0x1f: {  	v3 =	vimm.f32 $0.0e+00;
	s10 =	simm.s32 $0x160A0;
	[dreg:$0x10] =	wrdreg s0;
	s0 =	sadd.s32 $0x10000, s5  }
.LBB2_12:
0x20: {  	_ =	swait.ge [sflag:s16], $0x2800  }
0x21: {  	[sflag:s16] =	ssyncset.done $0x0  }
0x22: {  	[sflag:s16] =	ssyncadd.s32 $0xFFFFD800  }
0x23: {  	[spmem:s2] =	stream.indirect.scatter.add.f32 [tilespmem:s12], [sflag:$0x3], $0x80, s10, s11, $0xb8;
	[tilespmem:$0x1B140] =	vst v63  }
0x24: {  	_ =	swait.ge [sflag:s8], $0x2800  }
0x25: {  	[sflag:s8] =	ssyncset.done $0x0  }
0x26: {  	[sflag:s8] =	ssyncadd.s32 $0xFFFFD800  }
0x27: {  	[bflag:$0x0] =	sbarrier.arrive $0xFFFF  }
0x28: {  	s6 =	rddreg [dreg:$0x10]  }
0x29: {  	[hbm:s6], [sflag:s19] =	dma.local [spmem:s21], $0x2710  }
0x2a: {  	_ =	swait.ge [sflag:s8], $0x2710  }
0x2b: {  	s18 =	sadd.s32 $0x1, s18;
	s23 =	rddreg [dreg:$0x13]  }
0x2c: {  	p0 =	sne.s32 s18, s23  }
.Ltmp1:
0x2d: {  	_ = 	snop;
	(pc) =	sbr.rel @!p0 .LBB2_13-.Ltmp1, $3  }
0x2e: {  	[sflag:s8] =	ssyncset.done $0x0  }
0x2f: {  	[sflag:s8] =	ssyncadd.s32 $0xFFFFD8F0  }
0x30: {  	[bflag:$0x0] =	sbarrier.arrive $0xFFFF;
	_ =	sdelay $0x1  }
.LBB2_1:
0x31: {  	s19 =	simm.s32 $0xFFFFFF80;
	s21 =	simm.s32 $0xFFFFFE40  }
.LBB2_2:
0x32: {  	p0 =	sne.s32 s21, $0xFFFFFFC0;
	[tilespmem:s19+$0x16000] =	vst v3  }
0x33: {  	[tilespmem:s19+$0x14080] =	vst v3  }
0x34: {  	[tilespmem:s19+$0x14100] =	vst v3  }
0x35: {  	[tilespmem:s19+$0x14180] =	vst v3  }
0x36: {  	[tilespmem:s19+$0x14200] =	vst v3  }
0x37: {  	[tilespmem:s19+$0x14280] =	vst v3  }
0x38: {  	[tilespmem:s19+$0x14300] =	vst v3  }
0x39: {  	[tilespmem:s19+$0x14380] =	vst v3  }
0x3a: {  	[tilespmem:s19+$0x14400] =	vst v3  }
0x3b: {  	[tilespmem:s19+$0x14480] =	vst v3  }
0x3c: {  	[tilespmem:s19+$0x14500] =	vst v3  }
0x3d: {  	[tilespmem:s19+$0x14580] =	vst v3  }
0x3e: {  	[tilespmem:s19+$0x14600] =	vst v3  }
0x3f: {  	[tilespmem:s19+$0x14680] =	vst v3  }
0x40: {  	[tilespmem:s19+$0x14700] =	vst v3  }
0x41: {  	[tilespmem:s19+$0x14780] =	vst v3  }
0x42: {  	[tilespmem:s19+$0x14800] =	vst v3  }
0x43: {  	[tilespmem:s19+$0x14880] =	vst v3  }
0x44: {  	[tilespmem:s19+$0x14900] =	vst v3  }
0x45: {  	[tilespmem:s19+$0x14980] =	vst v3  }
0x46: {  	[tilespmem:s19+$0x14A00] =	vst v3  }
0x47: {  	[tilespmem:s19+$0x14A80] =	vst v3  }
0x48: {  	[tilespmem:s19+$0x14B00] =	vst v3  }
0x49: {  	[tilespmem:s19+$0x14B80] =	vst v3  }
0x4a: {  	[tilespmem:s19+$0x14C00] =	vst v3  }
0x4b: {  	[tilespmem:s19+$0x14C80] =	vst v3  }
0x4c: {  	[tilespmem:s19+$0x14D00] =	vst v3  }
0x4d: {  	[tilespmem:s19+$0x14D80] =	vst v3  }
0x4e: {  	[tilespmem:s19+$0x14E00] =	vst v3  }
0x4f: {  	[tilespmem:s19+$0x14E80] =	vst v3  }
0x50: {  	[tilespmem:s19+$0x14F00] =	vst v3  }
0x51: {  	[tilespmem:s19+$0x14F80] =	vst v3  }
0x52: {  	[tilespmem:s19+$0x15000] =	vst v3  }
0x53: {  	[tilespmem:s19+$0x15080] =	vst v3  }
0x54: {  	[tilespmem:s19+$0x15100] =	vst v3  }
0x55: {  	[tilespmem:s19+$0x15180] =	vst v3  }
0x56: {  	[tilespmem:s19+$0x15200] =	vst v3  }
0x57: {  	[tilespmem:s19+$0x15280] =	vst v3  }
0x58: {  	[tilespmem:s19+$0x15300] =	vst v3  }
0x59: {  	[tilespmem:s19+$0x15380] =	vst v3  }
0x5a: {  	[tilespmem:s19+$0x15400] =	vst v3  }
0x5b: {  	[tilespmem:s19+$0x15480] =	vst v3  }
0x5c: {  	[tilespmem:s19+$0x15500] =	vst v3  }
0x5d: {  	[tilespmem:s19+$0x15580] =	vst v3  }
0x5e: {  	[tilespmem:s19+$0x15600] =	vst v3  }
0x5f: {  	[tilespmem:s19+$0x15680] =	vst v3  }
0x60: {  	[tilespmem:s19+$0x15700] =	vst v3  }
0x61: {  	[tilespmem:s19+$0x15780] =	vst v3  }
0x62: {  	[tilespmem:s19+$0x15800] =	vst v3  }
0x63: {  	[tilespmem:s19+$0x15880] =	vst v3  }
0x64: {  	[tilespmem:s19+$0x15900] =	vst v3  }
0x65: {  	[tilespmem:s19+$0x15980] =	vst v3  }
0x66: {  	[tilespmem:s19+$0x15A00] =	vst v3  }
0x67: {  	[tilespmem:s19+$0x15A80] =	vst v3  }
0x68: {  	[tilespmem:s19+$0x15B00] =	vst v3  }
0x69: {  	[tilespmem:s19+$0x15B80] =	vst v3  }
0x6a: {  	[tilespmem:s19+$0x15C00] =	vst v3  }
0x6b: {  	[tilespmem:s19+$0x15C80] =	vst v3  }
0x6c: {  	[tilespmem:s19+$0x15D00] =	vst v3  }
.Ltmp2:
0x6d: {  	[tilespmem:s19+$0x15D80] =	vst v3;
	(pc) =	sbr.rel @p0 .LBB2_2-.Ltmp2, $4  }
0x6e: {  	[tilespmem:s19+$0x15E00] =	vst v3  }
0x6f: {  	[tilespmem:s19+$0x15E80] =	vst v3  }
0x70: {  	[tilespmem:s19+$0x15F00] =	vst v3  }
0x71: {  	[tilespmem:s19+$0x15F80] =	vst v3;
	s19 =	sshra.s32 s21, $0x2;
	s21 =	sadd.s32 $0x40, s21  }
0x72: {  	[tilespmem:s19+$0x16000] =	vst v3  }
0x73: {  	[tilespmem:s19+$0x14080] =	vst v3  }
0x74: {  	[tilespmem:s19+$0x14100] =	vst v3  }
0x75: {  	[tilespmem:s19+$0x14180] =	vst v3  }
0x76: {  	[tilespmem:s19+$0x14200] =	vst v3  }
0x77: {  	[tilespmem:s19+$0x14280] =	vst v3  }
0x78: {  	[tilespmem:s19+$0x14300] =	vst v3  }
0x79: {  	[tilespmem:s19+$0x14380] =	vst v3  }
0x7a: {  	[tilespmem:s19+$0x14400] =	vst v3  }
0x7b: {  	[tilespmem:s19+$0x14480] =	vst v3  }
0x7c: {  	[tilespmem:s19+$0x14500] =	vst v3  }
0x7d: {  	[tilespmem:s19+$0x14580] =	vst v3  }
0x7e: {  	[tilespmem:s19+$0x14600] =	vst v3  }
0x7f: {  	[tilespmem:s19+$0x14680] =	vst v3  }
0x80: {  	[tilespmem:s19+$0x14700] =	vst v3  }
0x81: {  	[tilespmem:s19+$0x14780] =	vst v3  }
0x82: {  	[tilespmem:s19+$0x14800] =	vst v3  }
0x83: {  	[tilespmem:s19+$0x14880] =	vst v3  }
0x84: {  	[tilespmem:s19+$0x14900] =	vst v3  }
0x85: {  	[tilespmem:s19+$0x14980] =	vst v3  }
0x86: {  	[tilespmem:s19+$0x14A00] =	vst v3  }
0x87: {  	[tilespmem:s19+$0x14A80] =	vst v3  }
0x88: {  	[tilespmem:s19+$0x14B00] =	vst v3  }
0x89: {  	[tilespmem:s19+$0x14B80] =	vst v3  }
0x8a: {  	[tilespmem:s19+$0x14C00] =	vst v3  }
0x8b: {  	[tilespmem:s19+$0x14C80] =	vst v3  }
0x8c: {  	[tilespmem:s19+$0x14D00] =	vst v3  }
0x8d: {  	[tilespmem:s19+$0x14D80] =	vst v3  }
0x8e: {  	[tilespmem:s19+$0x14E00] =	vst v3  }
0x8f: {  	[tilespmem:s19+$0x14E80] =	vst v3  }
0x90: {  	[tilespmem:s19+$0x14F00] =	vst v3  }
0x91: {  	[tilespmem:s19+$0x14F80] =	vst v3  }
0x92: {  	[tilespmem:s19+$0x15000] =	vst v3  }
0x93: {  	[tilespmem:s19+$0x15080] =	vst v3  }
0x94: {  	[tilespmem:s19+$0x15100] =	vst v3  }
0x95: {  	[tilespmem:s19+$0x15180] =	vst v3  }
0x96: {  	[tilespmem:s19+$0x15200] =	vst v3  }
0x97: {  	[tilespmem:s19+$0x15280] =	vst v3  }
0x98: {  	[tilespmem:s19+$0x15300] =	vst v3  }
0x99: {  	[tilespmem:s19+$0x15380] =	vst v3  }
0x9a: {  	[tilespmem:s19+$0x15400] =	vst v3  }
0x9b: {  	[tilespmem:s19+$0x15480] =	vst v3  }
0x9c: {  	[tilespmem:s19+$0x15500] =	vst v3  }
0x9d: {  	[tilespmem:s19+$0x15580] =	vst v3  }
0x9e: {  	[tilespmem:s19+$0x15600] =	vst v3  }
0x9f: {  	[tilespmem:s19+$0x15680] =	vst v3  }
0xa0: {  	[tilespmem:s19+$0x15700] =	vst v3  }
0xa1: {  	[tilespmem:s19+$0x15780] =	vst v3  }
0xa2: {  	[tilespmem:s19+$0x15800] =	vst v3  }
0xa3: {  	[tilespmem:s19+$0x15880] =	vst v3  }
0xa4: {  	[tilespmem:s19+$0x15900] =	vst v3  }
0xa5: {  	[tilespmem:s19+$0x15980] =	vst v3  }
0xa6: {  	[tilespmem:s19+$0x15A00] =	vst v3  }
0xa7: {  	[tilespmem:s19+$0x15A80] =	vst v3  }
0xa8: {  	[tilespmem:s19+$0x15B00] =	vst v3  }
0xa9: {  	[tilespmem:s19+$0x15B80] =	vst v3  }
0xaa: {  	[tilespmem:s19+$0x15C00] =	vst v3  }
0xab: {  	[tilespmem:s19+$0x15C80] =	vst v3  }
0xac: {  	[tilespmem:s19+$0x15D00] =	vst v3  }
0xad: {  	[tilespmem:s19+$0x15D80] =	vst v3  }
0xae: {  	[tilespmem:s19+$0x15E00] =	vst v3  }
0xaf: {  	[tilespmem:s19+$0x15E80] =	vst v3  }
0xb0: {  	[tilespmem:s19+$0x15F00] =	vst v3  }
0xb1: {  	[tilespmem:s19+$0x15F80] =	vst v3  }
0xb2: {  	[spmem:s5] =	stream.linear.scatter [tilespmem:s7], [sflag:$0x3], $0x2000, $0x38;
	[tilespmem:$0x1B140] =	vst v63  }
0xb3: {  	_ =	swait.ge [sflag:s8], $0x2000  }
0xb4: {  	[sflag:s8] =	ssyncset.done $0x0  }
0xb5: {  	[sflag:s8] =	ssyncadd.s32 $0xFFFFE000  }
0xb6: {  	[spmem:s24] =	stream.linear.scatter [tilespmem:s7], [sflag:$0x3], $0x2000, $0x38;
	[tilespmem:$0x1B140] =	vst v63  }
0xb7: {  	_ =	swait.ge [sflag:s8], $0x2000  }
0xb8: {  	[sflag:s8] =	ssyncset.done $0x0  }
0xb9: {  	[sflag:s8] =	ssyncadd.s32 $0xFFFFE000  }
0xba: {  	[spmem:s25] =	stream.linear.scatter [tilespmem:s7], [sflag:$0x3], $0x2000, $0x38;
	[tilespmem:$0x1B140] =	vst v63  }
0xbb: {  	_ =	swait.ge [sflag:s8], $0x2000  }
0xbc: {  	[sflag:s8] =	ssyncset.done $0x0  }
0xbd: {  	[sflag:s8] =	ssyncadd.s32 $0xFFFFE000  }
0xbe: {  	[spmem:s26] =	stream.linear.scatter [tilespmem:s7], [sflag:$0x3], $0x2000, $0x38;
	[tilespmem:$0x1B140] =	vst v63  }
0xbf: {  	_ =	swait.ge [sflag:s8], $0x2000  }
0xc0: {  	[sflag:s8] =	ssyncset.done $0x0  }
0xc1: {  	[sflag:s8] =	ssyncadd.s32 $0xFFFFE000  }
0xc2: {  	[spmem:s28] =	stream.linear.scatter [tilespmem:s7], [sflag:$0x3], $0x2000, $0x38;
	[tilespmem:$0x1B140] =	vst v63  }
0xc3: {  	_ =	swait.ge [sflag:s8], $0x2000  }
0xc4: {  	[sflag:s8] =	ssyncset.done $0x0  }
0xc5: {  	[sflag:s8] =	ssyncadd.s32 $0xFFFFE000  }
0xc6: {  	[spmem:s29] =	stream.linear.scatter [tilespmem:s7], [sflag:$0x3], $0x2000, $0x38;
	[tilespmem:$0x1B140] =	vst v63  }
0xc7: {  	_ =	swait.ge [sflag:s8], $0x2000  }
0xc8: {  	[sflag:s8] =	ssyncset.done $0x0  }
0xc9: {  	[sflag:s8] =	ssyncadd.s32 $0xFFFFE000  }
0xca: {  	[spmem:s30] =	stream.linear.scatter [tilespmem:s7], [sflag:$0x3], $0x2000, $0x38;
	[tilespmem:$0x1B140] =	vst v63  }
0xcb: {  	_ =	swait.ge [sflag:s8], $0x2000  }
0xcc: {  	[sflag:s8] =	ssyncset.done $0x0  }
0xcd: {  	[sflag:s8] =	ssyncadd.s32 $0xFFFFE000  }
0xce: {  	[spmem:s31] =	stream.linear.scatter [tilespmem:s7], [sflag:$0x3], $0x2000, $0x38;
	[tilespmem:$0x1B140] =	vst v63  }
0xcf: {  	_ =	swait.ge [sflag:s8], $0x2000  }
0xd0: {  	[sflag:s8] =	ssyncset.done $0x0  }
0xd1: {  	[sflag:s8] =	ssyncadd.s32 $0xFFFFE000  }
0xd2: {  	[spmem:s0] =	stream.linear.scatter [tilespmem:s7], [sflag:$0x3], $0x2000, $0x38;
	[tilespmem:$0x1B140] =	vst v63  }
0xd3: {  	_ =	swait.ge [sflag:s8], $0x2000  }
0xd4: {  	[sflag:s8] =	ssyncset.done $0x0  }
0xd5: {  	[sflag:s8] =	ssyncadd.s32 $0xFFFFE000  }
0xd6: {  	[spmem:s3] =	stream.linear.scatter [tilespmem:s7], [sflag:$0x3], $0x2000, $0x38;
	[tilespmem:$0x1B140] =	vst v63  }
0xd7: {  	_ =	swait.ge [sflag:s8], $0x2000  }
0xd8: {  	[sflag:s8] =	ssyncset.done $0x0  }
0xd9: {  	[sflag:s8] =	ssyncadd.s32 $0xFFFFE000  }
0xda: {  	[bflag:$0x0] =	sbarrier.arrive $0xFFFF  }
0xdb: {  	s6 =	rddreg [dreg:$0x4]  }
0xdc: {  	[tilespmem:s9], [sflag:$0x3] =	stream.linear.gather [hbm4b:s6+s4], $0x50, $0x38;
	[tilespmem:$0x1B140] =	vst v63  }
0xdd: {  	_ =	swait.ge [sflag:s8], $0x50  }
0xde: {  	[sflag:s8] =	ssyncset.done $0x0  }
0xdf: {  	[sflag:s8] =	ssyncadd.s32 $0xFFFFFFB0  }
0xe0: {  	v4 =	vld [tilespmem:$0x16000]  }
0xe1: {  	v5 =	vld [tilespmem:$0x16010]  }
0xe2: {  	v6 =	vld [tilespmem:$0x16020]  }
0xe3: {  	v7 =	vld [tilespmem:$0x16030]  }
0xe4: {  	v8 =	vld [tilespmem:$0x16040]  }
0xe5: {  	v4 =	vadd.s32 v0, v4  }
0xe6: {  	[tilespmem:$0x16000] =	vst v4;
	v4 =	vadd.s32 v0, v5  }
0xe7: {  	[tilespmem:$0x16010] =	vst v4;
	v4 =	vadd.s32 v0, v6  }
0xe8: {  	[tilespmem:$0x16020] =	vst v4;
	v4 =	vadd.s32 v0, v7  }
0xe9: {  	[tilespmem:$0x16030] =	vst v4;
	v4 =	vadd.s32 v0, v8  }
0xea: {  	s21 =	rddreg [dreg:$0x5];
	[tilespmem:$0x16040] =	vst v4  }
0xeb: {  	[tilespmem:s10], [sflag:$0x3] =	stream.linear.gather [hbm4b:s21+s4], $0x50, $0x38;
	[tilespmem:$0x1B140] =	vst v63  }
0xec: {  	_ =	swait.ge [sflag:s8], $0x50  }
0xed: {  	[sflag:s8] =	ssyncset.done $0x0  }
0xee: {  	[sflag:s8] =	ssyncadd.s32 $0xFFFFFFB0  }
0xef: {  	[tilespmem:s12], [sflag:$0x1] =	stream.indirect.gather [hbm4b:s1+s11], $0x80, s9, s11, $0xb8;
	[tilespmem:$0x1B140] =	vst v63  }
0xf0: {  	s22 =	rddreg [dreg:$0x6]  }
0xf1: {  	[tilespmem:s13], [sflag:$0x3] =	stream.linear.gather [hbm4b:s22+s4], $0x50, $0x38;
	[tilespmem:$0x1B140] =	vst v63  }
0xf2: {  	_ =	swait.ge [sflag:s8], $0x50  }
0xf3: {  	[sflag:s8] =	ssyncset.done $0x0  }
0xf4: {  	[sflag:s8] =	ssyncadd.s32 $0xFFFFFFB0  }
0xf5: {  	v4 =	vld [tilespmem:$0x16050]  }
0xf6: {  	v5 =	vld [tilespmem:$0x16060]  }
0xf7: {  	v61 =	vld [tilespmem:$0x16070]  }
0xf8: {  	v62 =	vld [tilespmem:$0x16080]  }
0xf9: {  	v63 =	vld [tilespmem:$0x16090]  }
0xfa: {  	v4 =	vadd.s32 v0, v4  }
0xfb: {  	[tilespmem:$0x16050] =	vst v4;
	v4 =	vadd.s32 v0, v5  }
0xfc: {  	[tilespmem:$0x16060] =	vst v4;
	v4 =	vadd.s32 v0, v61  }
0xfd: {  	[tilespmem:$0x16070] =	vst v4;
	v4 =	vadd.s32 v0, v62  }
0xfe: {  	[tilespmem:$0x16080] =	vst v4;
	v4 =	vadd.s32 v0, v63  }
0xff: {  	s23 =	rddreg [dreg:$0x7];
	[tilespmem:$0x16090] =	vst v4  }
0x100: {  	[tilespmem:s14], [sflag:$0x3] =	stream.linear.gather [hbm4b:s23+s4], $0x50, $0x38;
	[tilespmem:$0x1B140] =	vst v63  }
0x101: {  	_ =	swait.ge [sflag:s8], $0x50  }
0x102: {  	[sflag:s8] =	ssyncset.done $0x0  }
0x103: {  	s19 =	simm.s32 $0xFFFFFB3C;
	[sflag:s8] =	ssyncadd.s32 $0xFFFFFFB0  }
0x104: {  	[tilespmem:s15], [sflag:$0x2] =	stream.indirect.gather [hbm4b:s1+s11], $0x80, s13, s11, $0xb8;
	[tilespmem:$0x1B140] =	vst v63  }
.LBB2_4:
0x105: {  	_ =	swait.ge [sflag:s16], $0x2800  }
0x106: {  	[sflag:s16] =	ssyncset.done $0x0  }
0x107: {  	[sflag:s16] =	ssyncadd.s32 $0xFFFFD800  }
0x108: {  	[spmem:s2] =	stream.indirect.scatter.add.f32 [tilespmem:s12], [sflag:$0x3], $0x80, s10, s11, $0xb8;
	[tilespmem:$0x1B140] =	vst v63  }
0x109: {  	_ =	swait.ge [sflag:s8], $0x2800  }
0x10a: {  	s21 =	sadd.s32 s19, s20;
	[sflag:s8] =	ssyncset.done $0x0  }
0x10b: {  	s22 =	sadd.s32 $0x4D8, s21;
	[sflag:s8] =	ssyncadd.s32 $0xFFFFD800  }
0x10c: {  	[tilespmem:s9], [sflag:$0x3] =	stream.linear.gather [hbm4b:s22+s4], $0x50, $0x38;
	[tilespmem:$0x1B140] =	vst v63  }
0x10d: {  	_ =	swait.ge [sflag:s8], $0x50  }
0x10e: {  	[sflag:s8] =	ssyncset.done $0x0  }
0x10f: {  	[sflag:s8] =	ssyncadd.s32 $0xFFFFFFB0  }
0x110: {  	v4 =	vld [tilespmem:$0x16000]  }
0x111: {  	v5 =	vld [tilespmem:$0x16010]  }
0x112: {  	v6 =	vld [tilespmem:$0x16020]  }
0x113: {  	v7 =	vld [tilespmem:$0x16030]  }
0x114: {  	v8 =	vld [tilespmem:$0x16040]  }
0x115: {  	v4 =	vadd.s32 v0, v4  }
0x116: {  	[tilespmem:$0x16000] =	vst v4;
	v4 =	vadd.s32 v0, v5  }
0x117: {  	[tilespmem:$0x16010] =	vst v4;
	v4 =	vadd.s32 v0, v6  }
0x118: {  	[tilespmem:$0x16020] =	vst v4;
	v4 =	vadd.s32 v0, v7  }
0x119: {  	[tilespmem:$0x16030] =	vst v4;
	v4 =	vadd.s32 v0, v8  }
0x11a: {  	s23 =	sadd.s32 $0x52F8, s21;
	[tilespmem:$0x16040] =	vst v4  }
0x11b: {  	[tilespmem:s10], [sflag:$0x3] =	stream.linear.gather [hbm4b:s23+s4], $0x50, $0x38;
	[tilespmem:$0x1B140] =	vst v63  }
0x11c: {  	_ =	swait.ge [sflag:s8], $0x50  }
0x11d: {  	[sflag:s8] =	ssyncset.done $0x0  }
0x11e: {  	[sflag:s8] =	ssyncadd.s32 $0xFFFFFFB0  }
0x11f: {  	[tilespmem:s12], [sflag:$0x1] =	stream.indirect.gather [hbm4b:s1+s11], $0x80, s9, s11, $0xb8;
	[tilespmem:$0x1B140] =	vst v63  }
0x120: {  	_ =	swait.ge [sflag:s17], $0x2800  }
0x121: {  	p0 =	seq.s32 s19, $0x0;
	[sflag:s17] =	ssyncset.done $0x0  }
.Ltmp3:
0x122: {  	[sflag:s17] =	ssyncadd.s32 $0xFFFFD800;
	(pc) =	sbr.rel @p0 .LBB2_6-.Ltmp3, $4  }
0x123: {  	[spmem:s2] =	stream.indirect.scatter.add.f32 [tilespmem:s15], [sflag:$0x3], $0x80, s14, s11, $0xb8;
	[tilespmem:$0x1B140] =	vst v63  }
0x124: {  	_ =	swait.ge [sflag:s8], $0x2800  }
0x125: {  	[sflag:s8] =	ssyncset.done $0x0  }
0x126: {  	[sflag:s8] =	ssyncadd.s32 $0xFFFFD800  }
0x127: {  	s22 =	sadd.s32 $0x4E2, s21  }
0x128: {  	[tilespmem:s13], [sflag:$0x3] =	stream.linear.gather [hbm4b:s22+s4], $0x50, $0x38;
	[tilespmem:$0x1B140] =	vst v63  }
0x129: {  	_ =	swait.ge [sflag:s8], $0x50  }
0x12a: {  	[sflag:s8] =	ssyncset.done $0x0  }
0x12b: {  	[sflag:s8] =	ssyncadd.s32 $0xFFFFFFB0  }
0x12c: {  	v4 =	vld [tilespmem:$0x16050]  }
0x12d: {  	v5 =	vld [tilespmem:$0x16060]  }
0x12e: {  	v6 =	vld [tilespmem:$0x16070]  }
0x12f: {  	v7 =	vld [tilespmem:$0x16080]  }
0x130: {  	v8 =	vld [tilespmem:$0x16090]  }
0x131: {  	v4 =	vadd.s32 v0, v4  }
0x132: {  	[tilespmem:$0x16050] =	vst v4;
	v4 =	vadd.s32 v0, v5  }
0x133: {  	[tilespmem:$0x16060] =	vst v4;
	v4 =	vadd.s32 v0, v6  }
0x134: {  	[tilespmem:$0x16070] =	vst v4;
	v4 =	vadd.s32 v0, v7  }
0x135: {  	[tilespmem:$0x16080] =	vst v4;
	v4 =	vadd.s32 v0, v8  }
0x136: {  	s23 =	sadd.s32 $0x5302, s21;
	[tilespmem:$0x16090] =	vst v4  }
0x137: {  	[tilespmem:s14], [sflag:$0x3] =	stream.linear.gather [hbm4b:s23+s4], $0x50, $0x38;
	[tilespmem:$0x1B140] =	vst v63  }
.Ltmp4:
0x138: {  	_ = 	snop;
	(pc) =	sbr.rel .LBB2_4-.Ltmp4, $4  }
0x139: {  	_ =	swait.ge [sflag:s8], $0x50  }
0x13a: {  	[sflag:s8] =	ssyncset.done $0x0  }
0x13b: {  	s19 =	sadd.s32 $0x14, s19;
	[sflag:s8] =	ssyncadd.s32 $0xFFFFFFB0  }
0x13c: {  	[tilespmem:s15], [sflag:$0x2] =	stream.indirect.gather [hbm4b:s1+s11], $0x80, s13, s11, $0xb8;
	[tilespmem:$0x1B140] =	vst v63  }
.LBB2_6:
0x13d: {  	_ =	swait.ge [sflag:s16], $0x2800  }
0x13e: {  	[sflag:s16] =	ssyncset.done $0x0  }
0x13f: {  	[sflag:s16] =	ssyncadd.s32 $0xFFFFD800  }
0x140: {  	[spmem:s2] =	stream.indirect.scatter.add.f32 [tilespmem:s12], [sflag:$0x3], $0x80, s10, s11, $0xb8;
	[tilespmem:$0x1B140] =	vst v63  }
0x141: {  	_ =	swait.ge [sflag:s8], $0x2800  }
0x142: {  	[sflag:s8] =	ssyncset.done $0x0  }
0x143: {  	[sflag:s8] =	ssyncadd.s32 $0xFFFFD800  }
0x144: {  	s6 =	stileid.u32;
	[bflag:$0x0] =	sbarrier.arrive $0xFFFF  }
0x145: {  	s19 =	sshll.u32 s6, $0x6;
	s22 =	rddreg [dreg:$0x9]  }
0x146: {  	s19 =	sor.u32 $0x1C03, s19;
	s23 =	rddreg [dreg:$0x8];
	s21 =	sshrl.u32 s22, $0x3  }
0x147: {  	[hbm:s23], [sflag:s19] =	dma.local [spmem:s21], $0x2710  }
0x148: {  	_ =	swait.ge [sflag:s8], $0x2710  }
0x149: {  	[sflag:s8] =	ssyncset.done $0x0  }
0x14a: {  	[sflag:s8] =	ssyncadd.s32 $0xFFFFD8F0  }
0x14b: {  	[bflag:$0x0] =	sbarrier.arrive $0xFFFF  }
0x14c: {  	[spmem:s5] =	stream.linear.scatter [tilespmem:s7], [sflag:$0x3], $0x2000, $0x38;
	[tilespmem:$0x1B140] =	vst v63  }
0x14d: {  	_ =	swait.ge [sflag:s8], $0x2000  }
0x14e: {  	[sflag:s8] =	ssyncset.done $0x0  }
0x14f: {  	[sflag:s8] =	ssyncadd.s32 $0xFFFFE000  }
0x150: {  	[spmem:s24] =	stream.linear.scatter [tilespmem:s7], [sflag:$0x3], $0x2000, $0x38;
	[tilespmem:$0x1B140] =	vst v63  }
0x151: {  	_ =	swait.ge [sflag:s8], $0x2000  }
0x152: {  	[sflag:s8] =	ssyncset.done $0x0  }
0x153: {  	[sflag:s8] =	ssyncadd.s32 $0xFFFFE000  }
0x154: {  	[spmem:s25] =	stream.linear.scatter [tilespmem:s7], [sflag:$0x3], $0x2000, $0x38;
	[tilespmem:$0x1B140] =	vst v63  }
0x155: {  	_ =	swait.ge [sflag:s8], $0x2000  }
0x156: {  	[sflag:s8] =	ssyncset.done $0x0  }
0x157: {  	[sflag:s8] =	ssyncadd.s32 $0xFFFFE000  }
0x158: {  	[spmem:s26] =	stream.linear.scatter [tilespmem:s7], [sflag:$0x3], $0x2000, $0x38;
	[tilespmem:$0x1B140] =	vst v63  }
0x159: {  	_ =	swait.ge [sflag:s8], $0x2000  }
0x15a: {  	[sflag:s8] =	ssyncset.done $0x0  }
0x15b: {  	[sflag:s8] =	ssyncadd.s32 $0xFFFFE000  }
0x15c: {  	[spmem:s28] =	stream.linear.scatter [tilespmem:s7], [sflag:$0x3], $0x2000, $0x38;
	[tilespmem:$0x1B140] =	vst v63  }
0x15d: {  	_ =	swait.ge [sflag:s8], $0x2000  }
0x15e: {  	[sflag:s8] =	ssyncset.done $0x0  }
0x15f: {  	[sflag:s8] =	ssyncadd.s32 $0xFFFFE000  }
0x160: {  	[spmem:s29] =	stream.linear.scatter [tilespmem:s7], [sflag:$0x3], $0x2000, $0x38;
	[tilespmem:$0x1B140] =	vst v63  }
0x161: {  	_ =	swait.ge [sflag:s8], $0x2000  }
0x162: {  	[sflag:s8] =	ssyncset.done $0x0  }
0x163: {  	[sflag:s8] =	ssyncadd.s32 $0xFFFFE000  }
0x164: {  	[spmem:s30] =	stream.linear.scatter [tilespmem:s7], [sflag:$0x3], $0x2000, $0x38;
	[tilespmem:$0x1B140] =	vst v63  }
0x165: {  	_ =	swait.ge [sflag:s8], $0x2000  }
0x166: {  	[sflag:s8] =	ssyncset.done $0x0  }
0x167: {  	[sflag:s8] =	ssyncadd.s32 $0xFFFFE000  }
0x168: {  	[spmem:s31] =	stream.linear.scatter [tilespmem:s7], [sflag:$0x3], $0x2000, $0x38;
	[tilespmem:$0x1B140] =	vst v63  }
0x169: {  	_ =	swait.ge [sflag:s8], $0x2000  }
0x16a: {  	[sflag:s8] =	ssyncset.done $0x0  }
0x16b: {  	[sflag:s8] =	ssyncadd.s32 $0xFFFFE000  }
0x16c: {  	[spmem:s0] =	stream.linear.scatter [tilespmem:s7], [sflag:$0x3], $0x2000, $0x38;
	[tilespmem:$0x1B140] =	vst v63  }
0x16d: {  	_ =	swait.ge [sflag:s8], $0x2000  }
0x16e: {  	[sflag:s8] =	ssyncset.done $0x0  }
0x16f: {  	[sflag:s8] =	ssyncadd.s32 $0xFFFFE000  }
0x170: {  	[spmem:s3] =	stream.linear.scatter [tilespmem:s7], [sflag:$0x3], $0x2000, $0x38;
	[tilespmem:$0x1B140] =	vst v63  }
0x171: {  	_ =	swait.ge [sflag:s8], $0x2000  }
0x172: {  	[sflag:s8] =	ssyncset.done $0x0  }
0x173: {  	[sflag:s8] =	ssyncadd.s32 $0xFFFFE000  }
0x174: {  	[bflag:$0x0] =	sbarrier.arrive $0xFFFF  }
0x175: {  	s22 =	rddreg [dreg:$0xa]  }
0x176: {  	[tilespmem:s9], [sflag:$0x3] =	stream.linear.gather [hbm4b:s22+s4], $0x50, $0x38;
	[tilespmem:$0x1B140] =	vst v63  }
0x177: {  	_ =	swait.ge [sflag:s8], $0x50  }
0x178: {  	[sflag:s8] =	ssyncset.done $0x0  }
0x179: {  	[sflag:s8] =	ssyncadd.s32 $0xFFFFFFB0  }
0x17a: {  	v4 =	vld [tilespmem:$0x16000]  }
0x17b: {  	v5 =	vld [tilespmem:$0x16010]  }
0x17c: {  	v6 =	vld [tilespmem:$0x16020]  }
0x17d: {  	v7 =	vld [tilespmem:$0x16030]  }
0x17e: {  	v8 =	vld [tilespmem:$0x16040]  }
0x17f: {  	v4 =	vadd.s32 v1, v4  }
0x180: {  	[tilespmem:$0x16000] =	vst v4;
	v4 =	vadd.s32 v1, v5  }
0x181: {  	[tilespmem:$0x16010] =	vst v4;
	v4 =	vadd.s32 v1, v6  }
0x182: {  	[tilespmem:$0x16020] =	vst v4;
	v4 =	vadd.s32 v1, v7  }
0x183: {  	[tilespmem:$0x16030] =	vst v4;
	v4 =	vadd.s32 v1, v8  }
0x184: {  	s23 =	rddreg [dreg:$0xb];
	[tilespmem:$0x16040] =	vst v4  }
0x185: {  	[tilespmem:s10], [sflag:$0x3] =	stream.linear.gather [hbm4b:s23+s4], $0x50, $0x38;
	[tilespmem:$0x1B140] =	vst v63  }
0x186: {  	_ =	swait.ge [sflag:s8], $0x50  }
0x187: {  	[sflag:s8] =	ssyncset.done $0x0  }
0x188: {  	[sflag:s8] =	ssyncadd.s32 $0xFFFFFFB0  }
0x189: {  	[tilespmem:s12], [sflag:$0x1] =	stream.indirect.gather [hbm4b:s1+s11], $0x80, s9, s11, $0xb8;
	[tilespmem:$0x1B140] =	vst v63  }
0x18a: {  	s22 =	rddreg [dreg:$0xc]  }
0x18b: {  	[tilespmem:s13], [sflag:$0x3] =	stream.linear.gather [hbm4b:s22+s4], $0x50, $0x38;
	[tilespmem:$0x1B140] =	vst v63  }
0x18c: {  	_ =	swait.ge [sflag:s8], $0x50  }
0x18d: {  	[sflag:s8] =	ssyncset.done $0x0  }
0x18e: {  	[sflag:s8] =	ssyncadd.s32 $0xFFFFFFB0  }
0x18f: {  	v4 =	vld [tilespmem:$0x16050]  }
0x190: {  	v5 =	vld [tilespmem:$0x16060]  }
0x191: {  	v61 =	vld [tilespmem:$0x16070]  }
0x192: {  	v62 =	vld [tilespmem:$0x16080]  }
0x193: {  	v63 =	vld [tilespmem:$0x16090]  }
0x194: {  	v4 =	vadd.s32 v1, v4  }
0x195: {  	[tilespmem:$0x16050] =	vst v4;
	v4 =	vadd.s32 v1, v5  }
0x196: {  	[tilespmem:$0x16060] =	vst v4;
	v4 =	vadd.s32 v1, v61  }
0x197: {  	[tilespmem:$0x16070] =	vst v4;
	v4 =	vadd.s32 v1, v62  }
0x198: {  	[tilespmem:$0x16080] =	vst v4;
	v4 =	vadd.s32 v1, v63  }
0x199: {  	s23 =	rddreg [dreg:$0xd];
	[tilespmem:$0x16090] =	vst v4  }
0x19a: {  	[tilespmem:s14], [sflag:$0x3] =	stream.linear.gather [hbm4b:s23+s4], $0x50, $0x38;
	[tilespmem:$0x1B140] =	vst v63  }
0x19b: {  	_ =	swait.ge [sflag:s8], $0x50  }
0x19c: {  	[sflag:s8] =	ssyncset.done $0x0  }
0x19d: {  	s22 =	simm.s32 $0xFFFFFB3C;
	[sflag:s8] =	ssyncadd.s32 $0xFFFFFFB0  }
0x19e: {  	[tilespmem:s15], [sflag:$0x2] =	stream.indirect.gather [hbm4b:s1+s11], $0x80, s13, s11, $0xb8;
	[tilespmem:$0x1B140] =	vst v63  }
.LBB2_7:
0x19f: {  	_ =	swait.ge [sflag:s16], $0x2800  }
0x1a0: {  	[sflag:s16] =	ssyncset.done $0x0  }
0x1a1: {  	[sflag:s16] =	ssyncadd.s32 $0xFFFFD800  }
0x1a2: {  	[spmem:s2] =	stream.indirect.scatter.add.f32 [tilespmem:s12], [sflag:$0x3], $0x80, s10, s11, $0xb8;
	[tilespmem:$0x1B140] =	vst v63  }
0x1a3: {  	_ =	swait.ge [sflag:s8], $0x2800  }
0x1a4: {  	s23 =	sadd.s32 s22, s20;
	[sflag:s8] =	ssyncset.done $0x0  }
0x1a5: {  	s6 =	sadd.s32 $0xA118, s23;
	[sflag:s8] =	ssyncadd.s32 $0xFFFFD800  }
0x1a6: {  	[tilespmem:s9], [sflag:$0x3] =	stream.linear.gather [hbm4b:s6+s4], $0x50, $0x38;
	[tilespmem:$0x1B140] =	vst v63  }
0x1a7: {  	_ =	swait.ge [sflag:s8], $0x50  }
0x1a8: {  	[sflag:s8] =	ssyncset.done $0x0  }
0x1a9: {  	[sflag:s8] =	ssyncadd.s32 $0xFFFFFFB0  }
0x1aa: {  	v4 =	vld [tilespmem:$0x16000]  }
0x1ab: {  	v5 =	vld [tilespmem:$0x16010]  }
0x1ac: {  	v6 =	vld [tilespmem:$0x16020]  }
0x1ad: {  	v7 =	vld [tilespmem:$0x16030]  }
0x1ae: {  	v8 =	vld [tilespmem:$0x16040]  }
0x1af: {  	v4 =	vadd.s32 v1, v4  }
0x1b0: {  	[tilespmem:$0x16000] =	vst v4;
	v4 =	vadd.s32 v1, v5  }
0x1b1: {  	[tilespmem:$0x16010] =	vst v4;
	v4 =	vadd.s32 v1, v6  }
0x1b2: {  	[tilespmem:$0x16020] =	vst v4;
	v4 =	vadd.s32 v1, v7  }
0x1b3: {  	[tilespmem:$0x16030] =	vst v4;
	v4 =	vadd.s32 v1, v8  }
0x1b4: {  	s6 =	sadd.s32 $0xEF38, s23;
	[tilespmem:$0x16040] =	vst v4  }
0x1b5: {  	[tilespmem:s10], [sflag:$0x3] =	stream.linear.gather [hbm4b:s6+s4], $0x50, $0x38;
	[tilespmem:$0x1B140] =	vst v63  }
0x1b6: {  	_ =	swait.ge [sflag:s8], $0x50  }
0x1b7: {  	[sflag:s8] =	ssyncset.done $0x0  }
0x1b8: {  	[sflag:s8] =	ssyncadd.s32 $0xFFFFFFB0  }
0x1b9: {  	[tilespmem:s12], [sflag:$0x1] =	stream.indirect.gather [hbm4b:s1+s11], $0x80, s9, s11, $0xb8;
	[tilespmem:$0x1B140] =	vst v63  }
0x1ba: {  	_ =	swait.ge [sflag:s17], $0x2800  }
0x1bb: {  	p0 =	seq.s32 s22, $0x0;
	[sflag:s17] =	ssyncset.done $0x0  }
.Ltmp5:
0x1bc: {  	[sflag:s17] =	ssyncadd.s32 $0xFFFFD800;
	(pc) =	sbr.rel @p0 .LBB2_9-.Ltmp5, $4  }
0x1bd: {  	[spmem:s2] =	stream.indirect.scatter.add.f32 [tilespmem:s15], [sflag:$0x3], $0x80, s14, s11, $0xb8;
	[tilespmem:$0x1B140] =	vst v63  }
0x1be: {  	_ =	swait.ge [sflag:s8], $0x2800  }
0x1bf: {  	[sflag:s8] =	ssyncset.done $0x0  }
0x1c0: {  	[sflag:s8] =	ssyncadd.s32 $0xFFFFD800  }
0x1c1: {  	s6 =	sadd.s32 $0xA122, s23  }
0x1c2: {  	[tilespmem:s13], [sflag:$0x3] =	stream.linear.gather [hbm4b:s6+s4], $0x50, $0x38;
	[tilespmem:$0x1B140] =	vst v63  }
0x1c3: {  	_ =	swait.ge [sflag:s8], $0x50  }
0x1c4: {  	[sflag:s8] =	ssyncset.done $0x0  }
0x1c5: {  	[sflag:s8] =	ssyncadd.s32 $0xFFFFFFB0  }
0x1c6: {  	v4 =	vld [tilespmem:$0x16050]  }
0x1c7: {  	v5 =	vld [tilespmem:$0x16060]  }
0x1c8: {  	v6 =	vld [tilespmem:$0x16070]  }
0x1c9: {  	v7 =	vld [tilespmem:$0x16080]  }
0x1ca: {  	v8 =	vld [tilespmem:$0x16090]  }
0x1cb: {  	v4 =	vadd.s32 v1, v4  }
0x1cc: {  	[tilespmem:$0x16050] =	vst v4;
	v4 =	vadd.s32 v1, v5  }
0x1cd: {  	[tilespmem:$0x16060] =	vst v4;
	v4 =	vadd.s32 v1, v6  }
0x1ce: {  	[tilespmem:$0x16070] =	vst v4;
	v4 =	vadd.s32 v1, v7  }
0x1cf: {  	[tilespmem:$0x16080] =	vst v4;
	v4 =	vadd.s32 v1, v8  }
0x1d0: {  	s23 =	sadd.s32 $0xEF42, s23;
	[tilespmem:$0x16090] =	vst v4  }
0x1d1: {  	[tilespmem:s14], [sflag:$0x3] =	stream.linear.gather [hbm4b:s23+s4], $0x50, $0x38;
	[tilespmem:$0x1B140] =	vst v63  }
.Ltmp6:
0x1d2: {  	_ = 	snop;
	(pc) =	sbr.rel .LBB2_7-.Ltmp6, $4  }
0x1d3: {  	_ =	swait.ge [sflag:s8], $0x50  }
0x1d4: {  	[sflag:s8] =	ssyncset.done $0x0  }
0x1d5: {  	s22 =	sadd.s32 $0x14, s22;
	[sflag:s8] =	ssyncadd.s32 $0xFFFFFFB0  }
0x1d6: {  	[tilespmem:s15], [sflag:$0x2] =	stream.indirect.gather [hbm4b:s1+s11], $0x80, s13, s11, $0xb8;
	[tilespmem:$0x1B140] =	vst v63  }
.LBB2_9:
0x1d7: {  	_ =	swait.ge [sflag:s16], $0x2800  }
0x1d8: {  	[sflag:s16] =	ssyncset.done $0x0  }
0x1d9: {  	[sflag:s16] =	ssyncadd.s32 $0xFFFFD800  }
0x1da: {  	[spmem:s2] =	stream.indirect.scatter.add.f32 [tilespmem:s12], [sflag:$0x3], $0x80, s10, s11, $0xb8;
	[tilespmem:$0x1B140] =	vst v63  }
0x1db: {  	_ =	swait.ge [sflag:s8], $0x2800  }
0x1dc: {  	[sflag:s8] =	ssyncset.done $0x0  }
0x1dd: {  	[sflag:s8] =	ssyncadd.s32 $0xFFFFD800  }
0x1de: {  	[bflag:$0x0] =	sbarrier.arrive $0xFFFF  }
0x1df: {  	s6 =	rddreg [dreg:$0xe]  }
0x1e0: {  	[hbm:s6], [sflag:s19] =	dma.local [spmem:s21], $0x2710  }
0x1e1: {  	_ =	swait.ge [sflag:s8], $0x2710  }
0x1e2: {  	[sflag:s8] =	ssyncset.done $0x0  }
0x1e3: {  	[sflag:s8] =	ssyncadd.s32 $0xFFFFD8F0  }
0x1e4: {  	[bflag:$0x0] =	sbarrier.arrive $0xFFFF  }
0x1e5: {  	[spmem:s5] =	stream.linear.scatter [tilespmem:s7], [sflag:$0x3], $0x2000, $0x38;
	[tilespmem:$0x1B140] =	vst v63  }
0x1e6: {  	_ =	swait.ge [sflag:s8], $0x2000  }
0x1e7: {  	[sflag:s8] =	ssyncset.done $0x0  }
0x1e8: {  	[sflag:s8] =	ssyncadd.s32 $0xFFFFE000  }
0x1e9: {  	[spmem:s24] =	stream.linear.scatter [tilespmem:s7], [sflag:$0x3], $0x2000, $0x38;
	[tilespmem:$0x1B140] =	vst v63  }
0x1ea: {  	_ =	swait.ge [sflag:s8], $0x2000  }
0x1eb: {  	[sflag:s8] =	ssyncset.done $0x0  }
0x1ec: {  	[sflag:s8] =	ssyncadd.s32 $0xFFFFE000  }
0x1ed: {  	[spmem:s25] =	stream.linear.scatter [tilespmem:s7], [sflag:$0x3], $0x2000, $0x38;
	[tilespmem:$0x1B140] =	vst v63  }
0x1ee: {  	_ =	swait.ge [sflag:s8], $0x2000  }
0x1ef: {  	[sflag:s8] =	ssyncset.done $0x0  }
0x1f0: {  	[sflag:s8] =	ssyncadd.s32 $0xFFFFE000  }
0x1f1: {  	[spmem:s26] =	stream.linear.scatter [tilespmem:s7], [sflag:$0x3], $0x2000, $0x38;
	[tilespmem:$0x1B140] =	vst v63  }
0x1f2: {  	_ =	swait.ge [sflag:s8], $0x2000  }
0x1f3: {  	[sflag:s8] =	ssyncset.done $0x0  }
0x1f4: {  	[sflag:s8] =	ssyncadd.s32 $0xFFFFE000  }
0x1f5: {  	[spmem:s28] =	stream.linear.scatter [tilespmem:s7], [sflag:$0x3], $0x2000, $0x38;
	[tilespmem:$0x1B140] =	vst v63  }
0x1f6: {  	_ =	swait.ge [sflag:s8], $0x2000  }
0x1f7: {  	[sflag:s8] =	ssyncset.done $0x0  }
0x1f8: {  	[sflag:s8] =	ssyncadd.s32 $0xFFFFE000  }
0x1f9: {  	[spmem:s29] =	stream.linear.scatter [tilespmem:s7], [sflag:$0x3], $0x2000, $0x38;
	[tilespmem:$0x1B140] =	vst v63  }
0x1fa: {  	_ =	swait.ge [sflag:s8], $0x2000  }
0x1fb: {  	[sflag:s8] =	ssyncset.done $0x0  }
0x1fc: {  	[sflag:s8] =	ssyncadd.s32 $0xFFFFE000  }
0x1fd: {  	[spmem:s30] =	stream.linear.scatter [tilespmem:s7], [sflag:$0x3], $0x2000, $0x38;
	[tilespmem:$0x1B140] =	vst v63  }
0x1fe: {  	_ =	swait.ge [sflag:s8], $0x2000  }
0x1ff: {  	[sflag:s8] =	ssyncset.done $0x0  }
0x200: {  	[sflag:s8] =	ssyncadd.s32 $0xFFFFE000  }
0x201: {  	[spmem:s31] =	stream.linear.scatter [tilespmem:s7], [sflag:$0x3], $0x2000, $0x38;
	[tilespmem:$0x1B140] =	vst v63  }
0x202: {  	_ =	swait.ge [sflag:s8], $0x2000  }
0x203: {  	[sflag:s8] =	ssyncset.done $0x0  }
0x204: {  	[sflag:s8] =	ssyncadd.s32 $0xFFFFE000  }
0x205: {  	[spmem:s0] =	stream.linear.scatter [tilespmem:s7], [sflag:$0x3], $0x2000, $0x38;
	[tilespmem:$0x1B140] =	vst v63  }
0x206: {  	_ =	swait.ge [sflag:s8], $0x2000  }
0x207: {  	[sflag:s8] =	ssyncset.done $0x0  }
0x208: {  	[sflag:s8] =	ssyncadd.s32 $0xFFFFE000  }
0x209: {  	[spmem:s3] =	stream.linear.scatter [tilespmem:s7], [sflag:$0x3], $0x2000, $0x38;
	[tilespmem:$0x1B140] =	vst v63  }
0x20a: {  	_ =	swait.ge [sflag:s8], $0x2000  }
0x20b: {  	[sflag:s8] =	ssyncset.done $0x0  }
0x20c: {  	[sflag:s8] =	ssyncadd.s32 $0xFFFFE000  }
0x20d: {  	[bflag:$0x0] =	sbarrier.arrive $0xFFFF  }
0x20e: {  	s22 =	rddreg [dreg:$0xf]  }
0x20f: {  	[tilespmem:s9], [sflag:$0x3] =	stream.linear.gather [hbm4b:s22+s4], $0x50, $0x38;
	[tilespmem:$0x1B140] =	vst v63  }
0x210: {  	_ =	swait.ge [sflag:s8], $0x50  }
0x211: {  	[sflag:s8] =	ssyncset.done $0x0  }
0x212: {  	[sflag:s8] =	ssyncadd.s32 $0xFFFFFFB0  }
0x213: {  	v4 =	vld [tilespmem:$0x16000]  }
0x214: {  	v5 =	vld [tilespmem:$0x16010]  }
0x215: {  	v6 =	vld [tilespmem:$0x16020]  }
0x216: {  	v7 =	vld [tilespmem:$0x16030]  }
0x217: {  	v8 =	vld [tilespmem:$0x16040]  }
0x218: {  	v4 =	vadd.s32 v2, v4  }
0x219: {  	[tilespmem:$0x16000] =	vst v4;
	v4 =	vadd.s32 v2, v5  }
0x21a: {  	[tilespmem:$0x16010] =	vst v4;
	v4 =	vadd.s32 v2, v6  }
0x21b: {  	[tilespmem:$0x16020] =	vst v4;
	v4 =	vadd.s32 v2, v7  }
0x21c: {  	[tilespmem:$0x16030] =	vst v4;
	v4 =	vadd.s32 v2, v8  }
0x21d: {  	s23 =	rddreg [dreg:$0x11];
	[tilespmem:$0x16040] =	vst v4  }
0x21e: {  	[tilespmem:s10], [sflag:$0x3] =	stream.linear.gather [hbm4b:s23+s4], $0x50, $0x38;
	[tilespmem:$0x1B140] =	vst v63  }
0x21f: {  	_ =	swait.ge [sflag:s8], $0x50  }
0x220: {  	[sflag:s8] =	ssyncset.done $0x0  }
0x221: {  	[sflag:s8] =	ssyncadd.s32 $0xFFFFFFB0  }
0x222: {  	[tilespmem:s12], [sflag:$0x1] =	stream.indirect.gather [hbm4b:s1+s11], $0x80, s9, s11, $0xb8;
	[tilespmem:$0x1B140] =	vst v63  }
0x223: {  	s22 =	rddreg [dreg:$0x12]  }
0x224: {  	[tilespmem:s13], [sflag:$0x3] =	stream.linear.gather [hbm4b:s22+s4], $0x50, $0x38;
	[tilespmem:$0x1B140] =	vst v63  }
0x225: {  	_ =	swait.ge [sflag:s8], $0x50  }
0x226: {  	[sflag:s8] =	ssyncset.done $0x0  }
0x227: {  	[sflag:s8] =	ssyncadd.s32 $0xFFFFFFB0  }
0x228: {  	v4 =	vld [tilespmem:$0x16050]  }
0x229: {  	v5 =	vld [tilespmem:$0x16060]  }
0x22a: {  	v61 =	vld [tilespmem:$0x16070]  }
0x22b: {  	v62 =	vld [tilespmem:$0x16080]  }
0x22c: {  	v63 =	vld [tilespmem:$0x16090]  }
0x22d: {  	v4 =	vadd.s32 v2, v4  }
0x22e: {  	[tilespmem:$0x16050] =	vst v4;
	v4 =	vadd.s32 v2, v5  }
0x22f: {  	[tilespmem:$0x16060] =	vst v4;
	v4 =	vadd.s32 v2, v61  }
0x230: {  	[tilespmem:$0x16070] =	vst v4;
	v4 =	vadd.s32 v2, v62  }
0x231: {  	[tilespmem:$0x16080] =	vst v4;
	v4 =	vadd.s32 v2, v63  }
0x232: {  	s23 =	rddreg [dreg:$0x14];
	[tilespmem:$0x16090] =	vst v4  }
0x233: {  	[tilespmem:s14], [sflag:$0x3] =	stream.linear.gather [hbm4b:s23+s4], $0x50, $0x38;
	[tilespmem:$0x1B140] =	vst v63  }
0x234: {  	_ =	swait.ge [sflag:s8], $0x50  }
0x235: {  	[sflag:s8] =	ssyncset.done $0x0  }
0x236: {  	s22 =	simm.s32 $0xFFFFFB3C;
	[sflag:s8] =	ssyncadd.s32 $0xFFFFFFB0  }
0x237: {  	[tilespmem:s15], [sflag:$0x2] =	stream.indirect.gather [hbm4b:s1+s11], $0x80, s13, s11, $0xb8;
	[tilespmem:$0x1B140] =	vst v63  }
.LBB2_10:
0x238: {  	_ =	swait.ge [sflag:s16], $0x2800  }
0x239: {  	[sflag:s16] =	ssyncset.done $0x0  }
0x23a: {  	[sflag:s16] =	ssyncadd.s32 $0xFFFFD800  }
0x23b: {  	[spmem:s2] =	stream.indirect.scatter.add.f32 [tilespmem:s12], [sflag:$0x3], $0x80, s10, s11, $0xb8;
	[tilespmem:$0x1B140] =	vst v63  }
0x23c: {  	_ =	swait.ge [sflag:s8], $0x2800  }
0x23d: {  	s23 =	sadd.s32 s22, s20;
	[sflag:s8] =	ssyncset.done $0x0  }
0x23e: {  	s6 =	sadd.s32 $0x13D58, s23;
	[sflag:s8] =	ssyncadd.s32 $0xFFFFD800  }
0x23f: {  	[tilespmem:s9], [sflag:$0x3] =	stream.linear.gather [hbm4b:s6+s4], $0x50, $0x38;
	[tilespmem:$0x1B140] =	vst v63  }
0x240: {  	_ =	swait.ge [sflag:s8], $0x50  }
0x241: {  	[sflag:s8] =	ssyncset.done $0x0  }
0x242: {  	[sflag:s8] =	ssyncadd.s32 $0xFFFFFFB0  }
0x243: {  	v4 =	vld [tilespmem:$0x16000]  }
0x244: {  	v5 =	vld [tilespmem:$0x16010]  }
0x245: {  	v6 =	vld [tilespmem:$0x16020]  }
0x246: {  	v7 =	vld [tilespmem:$0x16030]  }
0x247: {  	v8 =	vld [tilespmem:$0x16040]  }
0x248: {  	v4 =	vadd.s32 v2, v4  }
0x249: {  	[tilespmem:$0x16000] =	vst v4;
	v4 =	vadd.s32 v2, v5  }
0x24a: {  	[tilespmem:$0x16010] =	vst v4;
	v4 =	vadd.s32 v2, v6  }
0x24b: {  	[tilespmem:$0x16020] =	vst v4;
	v4 =	vadd.s32 v2, v7  }
0x24c: {  	[tilespmem:$0x16030] =	vst v4;
	v4 =	vadd.s32 v2, v8  }
0x24d: {  	s6 =	sadd.s32 $0x18B78, s23;
	[tilespmem:$0x16040] =	vst v4  }
0x24e: {  	[tilespmem:s10], [sflag:$0x3] =	stream.linear.gather [hbm4b:s6+s4], $0x50, $0x38;
	[tilespmem:$0x1B140] =	vst v63  }
0x24f: {  	_ =	swait.ge [sflag:s8], $0x50  }
0x250: {  	[sflag:s8] =	ssyncset.done $0x0  }
0x251: {  	[sflag:s8] =	ssyncadd.s32 $0xFFFFFFB0  }
0x252: {  	[tilespmem:s12], [sflag:$0x1] =	stream.indirect.gather [hbm4b:s1+s11], $0x80, s9, s11, $0xb8;
	[tilespmem:$0x1B140] =	vst v63  }
0x253: {  	_ =	swait.ge [sflag:s17], $0x2800  }
0x254: {  	p0 =	seq.s32 s22, $0x0;
	[sflag:s17] =	ssyncset.done $0x0  }
.Ltmp7:
0x255: {  	[sflag:s17] =	ssyncadd.s32 $0xFFFFD800;
	(pc) =	sbr.rel @p0 .LBB2_12-.Ltmp7, $4  }
0x256: {  	[spmem:s2] =	stream.indirect.scatter.add.f32 [tilespmem:s15], [sflag:$0x3], $0x80, s14, s11, $0xb8;
	[tilespmem:$0x1B140] =	vst v63  }
0x257: {  	_ =	swait.ge [sflag:s8], $0x2800  }
0x258: {  	[sflag:s8] =	ssyncset.done $0x0  }
0x259: {  	[sflag:s8] =	ssyncadd.s32 $0xFFFFD800  }
0x25a: {  	s6 =	sadd.s32 $0x13D62, s23  }
0x25b: {  	[tilespmem:s13], [sflag:$0x3] =	stream.linear.gather [hbm4b:s6+s4], $0x50, $0x38;
	[tilespmem:$0x1B140] =	vst v63  }
0x25c: {  	_ =	swait.ge [sflag:s8], $0x50  }
0x25d: {  	[sflag:s8] =	ssyncset.done $0x0  }
0x25e: {  	[sflag:s8] =	ssyncadd.s32 $0xFFFFFFB0  }
0x25f: {  	v4 =	vld [tilespmem:$0x16050]  }
0x260: {  	v5 =	vld [tilespmem:$0x16060]  }
0x261: {  	v6 =	vld [tilespmem:$0x16070]  }
0x262: {  	v7 =	vld [tilespmem:$0x16080]  }
0x263: {  	v8 =	vld [tilespmem:$0x16090]  }
0x264: {  	v4 =	vadd.s32 v2, v4  }
0x265: {  	[tilespmem:$0x16050] =	vst v4;
	v4 =	vadd.s32 v2, v5  }
0x266: {  	[tilespmem:$0x16060] =	vst v4;
	v4 =	vadd.s32 v2, v6  }
0x267: {  	[tilespmem:$0x16070] =	vst v4;
	v4 =	vadd.s32 v2, v7  }
0x268: {  	[tilespmem:$0x16080] =	vst v4;
	v4 =	vadd.s32 v2, v8  }
0x269: {  	s23 =	sadd.s32 $0x18B82, s23;
	[tilespmem:$0x16090] =	vst v4  }
0x26a: {  	[tilespmem:s14], [sflag:$0x3] =	stream.linear.gather [hbm4b:s23+s4], $0x50, $0x38;
	[tilespmem:$0x1B140] =	vst v63  }
.Ltmp8:
0x26b: {  	_ = 	snop;
	(pc) =	sbr.rel .LBB2_10-.Ltmp8, $4  }
0x26c: {  	_ =	swait.ge [sflag:s8], $0x50  }
0x26d: {  	[sflag:s8] =	ssyncset.done $0x0  }
0x26e: {  	s22 =	sadd.s32 $0x14, s22;
	[sflag:s8] =	ssyncadd.s32 $0xFFFFFFB0  }
0x26f: {  	[tilespmem:s15], [sflag:$0x2] =	stream.indirect.gather [hbm4b:s1+s11], $0x80, s13, s11, $0xb8;
	[tilespmem:$0x1B140] =	vst v63  }
.LBB2_13:
0x270: {  	_ =	sfence.sel $0x180000  }
0x271: {  	[bflag:$0x0] =	sbarrier.arrive $0xFFFF  }
0x272: {  	_ =	strace $0x9000004D  }
0x273: {  	s0 =	stileid.u32;
	[bflag:$0x2] =	sbarrier.arrive $0xFFFF  }
0x274: {  	p0 =	sne.s32 s0, $0x0;
	s0 =	rddreg [dreg:$0x3]  }
0x275: {  	s0 =	sadd.s32 @!p0 $0x100000, s0  }
0x276: {  	[sflag:s0] =	ssyncadd.tile.s32 @!p0 $0x1;
	_ =	shalt  }
.Lfunc_end2:
_tile_overlayer_lowered:
.L_overlay_start_2:
0x277: {  	(tag) =	ssettag $0x2  }
0x278: {  	s0 =	rddreg [dreg:$0x0];
	s2 =	stileid.u32  }
0x279: {  	s1 =	rddreg [dreg:$0x1];
	p0 =	sne.s32 s2, $0x0  }
0x27a: {  	s3 =	rddreg [dreg:$0x2];
	[bflag:$0x3] =	sbarrier.arrive $0xFFFF;
	s2 =	simm.s32 @!p0 $0x1C03  }
0x27b: {  	[timem:s3], [sflag:s2] =	dma.local @!p0 [hbm:s0], s1  }
0x27c: {  	s0 =	simm.s32 @!p0 $0x3  }
0x27d: {  	_ =	swait.ge @!p0 [sflag:s0], s1  }
0x27e: {  	s1 =	ssub.s32 @!p0 $0x0, s1;
	[sflag:s0] =	ssyncset.done @!p0 $0x0  }
0x27f: {  	[sflag:s0] =	ssyncadd.s32 @!p0 s1  }
0x280: {  	[bflag:$0x3] =	sbarrier.arrive $0xFFFF  }
0x281: {  	_ =	shalt  }

// kernel: kernel.9.cloned.1.call-start
scs
__scs_entry_jumppad:
0x0: {  	(pc) =	sbr.rel $0x88, $3  }
0x1: {  	(tag) =	ssettag $0x0;
	lr =	simm.s32 $0x1  }
0x2: {  	[smem:$0x3F99] =	sst lr;
	_ =	strace $0xD0000000  }
0x3: {  	_ = 	snop  }
0x4: {  	_ = 	snop  }
0x5: {  	_ = 	snop  }
0x6: {  	_ = 	snop  }
0x7: {  	_ = 	snop  }
__scs_overlays_trampoline_lowered:
0x8: {  	[smem:$0x3FA8] =	sst s0  }
0x9: {  	[smem:$0x3FA9] =	sst s1  }
0xa: {  	[smem:$0x3FAA] =	sst s2  }
0xb: {  	[smem:$0x3FAB] =	sst s3  }
0xc: {  	[smem:$0x3FAC] =	sst s4  }
0xd: {  	[smem:$0x3FAD] =	sst s5  }
0xe: {  	[smem:$0x3FAE] =	sst s6  }
0xf: {  	[smem:$0x3FAF] =	sst s7  }
0x10: {  	[smem:$0x3FB0] =	sst s8  }
0x11: {  	[smem:$0x3FB1] =	sst s9;
	s0 =	simm.s32 @!p0 $0x0  }
0x12: {  	s1 =	sld [smem:$0x3F97];
	s0 =	simm.s32 @p0 $0x1  }
0x13: {  	[smem:$0x3FB2] =	sst s0;
	s0 =	simm.s32 @!p1 $0x0  }
0x14: {  	s2 =	sld [smem:$0x3F96];
	s0 =	simm.s32 @p1 $0x1  }
0x15: {  	[smem:$0x3FB3] =	sst s0;
	s0 =	simm.s32 @!p2 $0x0  }
0x16: {  	s3 =	sld [smem:$0x3FDB];
	s0 =	simm.s32 @p2 $0x1  }
0x17: {  	s4 =	simm.s32 $0x1BF5;
	[smem:$0x3FB5] =	sst s0  }
0x18: {  	s0 =	sld [smem:$0x3F98];
	_ =	swait.ge [sflag:s4], $0x0  }
0x19: {  	s7 =	sld [smem:$0x3F99]  }
0x1a: {  	s8 =	sadd.s32 $0xFFFFE003, lr  }
0x1b: {  	s9 =	sadd.s32 $0xFFFFFEF7, lr;
	s5 =	simm.s32 $0xFFFFFFFF;
	p2 =	slt.u32 s8, $0xFFFFF086  }
0x1c: {  	p1 =	slt.u32 s9, $0xF7A;
	s5 =	simm.s32 @!p2 $0x0  }
0x1d: {  	s5 =	simm.s32 @p1 $0x1;
	p0 =	seq.s32 s7, s2  }
0x1e: {  	s7 =	smul.u32 @!p0 $0xF7A, s2;
	p2 =	seq.s32 @!p0 s5, $0x0  }
0x1f: {  	s9 =	smul.u32 $0xF7A, s1;
	s8 =	simm.s32 @!p0 $0x1BF5;
	p2 =	por !p2, p0  }
0x20: {  	[sflag:s8] =	ssyncset.s32 @!p0 $0xFFFFF086;
	s6 =	sadd.s32 @!p0 s3, s7;
	s7 =	simm.s32 @!p0 $0x108  }
0x21: {  	s3 =	sadd.s32 s3, s9;
	s6 =	sadd.s32 @!p0 $0x88, s6;
	s7 =	simm.s32 @p2 $0x1082  }
0x22: {  	[simem:s7], [sflag:s8] =	dma.local @!p0 [hbm:s6], $0xF7A  }
0x23: {  	s9 =	sor.u32 $0xD0000000, s2;
	s6 =	simm.s32 $0x108;
	_ =	swait.ge @!p0 [sflag:s8], $0x0  }
0x24: {  	s3 =	sadd.s32 $0x88, s3;
	s6 =	simm.s32 @!p1 $0x1082;
	[sflag:s4] =	ssyncset.s32 $0xFFFFF086  }
0x25: {  	[simem:s6], [sflag:s4] =	dma.local [hbm:s3], $0xF7A  }
0x26: {  	[smem:$0x3F99] =	sst s1;
	(tag) =	ssettag s2;
	_ =	strace s9  }
0x27: {  	s1 =	sld [smem:$0x3FA9]  }
0x28: {  	s2 =	sld [smem:$0x3FAA]  }
0x29: {  	s4 =	sld [smem:$0x3FAC]  }
0x2a: {  	p0 =	seq.s32 s5, $0x0;
	s5 =	sld [smem:$0x3FAD]  }
0x2b: {  	s6 =	sld [smem:$0x3FAE]  }
0x2c: {  	s7 =	sld [smem:$0x3FAF]  }
0x2d: {  	s3 =	simm.s32 $0x108;
	s8 =	sld [smem:$0x3FB0]  }
0x2e: {  	s3 =	simm.s32 @!p0 $0x1082;
	s9 =	sld [smem:$0x3FB1]  }
0x2f: {  	lr =	sadd.s32 s0, s3;
	s0 =	sld [smem:$0x3FA8]  }
0x30: {  	s3 =	sld [smem:$0x3FAB]  }
0x31: {  	[smem:$0x3FB4] =	sst s10  }
0x32: {  	s10 =	sld [smem:$0x3FB2];
	_ =	sdelay $0x3  }
0x33: {  	p0 =	seq.s32 s10, $0x1;
	s10 =	sld [smem:$0x3FB4];
	_ =	sdelay $0x3  }
0x34: {  	[smem:$0x3FB4] =	sst s10  }
0x35: {  	s10 =	sld [smem:$0x3FB3];
	_ =	sdelay $0x3  }
0x36: {  	p1 =	seq.s32 s10, $0x1;
	s10 =	sld [smem:$0x3FB4];
	_ =	sdelay $0x3  }
0x37: {  	[smem:$0x3FB4] =	sst s10  }
0x38: {  	s10 =	sld [smem:$0x3FB5]  }
0x39: {  	_ = 	snop;
	(pc) =	sbr.ind lr, $3  }
0x3a: {  	_ = 	snop  }
0x3b: {  	_ = 	snop  }
0x3c: {  	p2 =	seq.s32 s10, $0x1;
	s10 =	sld [smem:$0x3FB4]  }
0x3d: {  	_ =	shalt  }
0x3e: {  	_ =	shalt  }
0x3f: {  	_ =	shalt  }
0x40: {  	_ =	shalt  }
0x41: {  	_ =	shalt  }
0x42: {  	_ =	shalt  }
0x43: {  	_ =	shalt  }
0x44: {  	_ =	shalt  }
0x45: {  	_ =	shalt  }
0x46: {  	_ =	shalt  }
0x47: {  	_ =	shalt  }
0x48: {  	_ =	shalt  }
0x49: {  	_ =	shalt  }
0x4a: {  	_ =	shalt  }
0x4b: {  	_ =	shalt  }
0x4c: {  	_ =	shalt  }
0x4d: {  	_ =	shalt  }
0x4e: {  	_ =	shalt  }
0x4f: {  	_ =	shalt  }
0x50: {  	_ =	shalt  }
0x51: {  	_ =	shalt  }
0x52: {  	_ =	shalt  }
0x53: {  	_ =	shalt  }
0x54: {  	_ =	shalt  }
0x55: {  	_ =	shalt  }
0x56: {  	_ =	shalt  }
0x57: {  	_ =	shalt  }
0x58: {  	_ =	shalt  }
0x59: {  	_ =	shalt  }
0x5a: {  	_ =	shalt  }
0x5b: {  	_ =	shalt  }
0x5c: {  	_ =	shalt  }
0x5d: {  	_ =	shalt  }
0x5e: {  	_ =	shalt  }
0x5f: {  	_ =	shalt  }
0x60: {  	_ =	shalt  }
0x61: {  	_ =	shalt  }
0x62: {  	_ =	shalt  }
0x63: {  	_ =	shalt  }
0x64: {  	_ =	shalt  }
0x65: {  	_ =	shalt  }
0x66: {  	_ =	shalt  }
0x67: {  	_ =	shalt  }
0x68: {  	_ =	shalt  }
0x69: {  	_ =	shalt  }
0x6a: {  	_ =	shalt  }
0x6b: {  	_ =	shalt  }
0x6c: {  	_ =	shalt  }
0x6d: {  	_ =	shalt  }
0x6e: {  	_ =	shalt  }
0x6f: {  	_ =	shalt  }
0x70: {  	_ =	shalt  }
0x71: {  	_ =	shalt  }
0x72: {  	_ =	shalt  }
0x73: {  	_ =	shalt  }
0x74: {  	_ =	shalt  }
0x75: {  	_ =	shalt  }
0x76: {  	_ =	shalt  }
0x77: {  	_ =	shalt  }
0x78: {  	_ =	shalt  }
0x79: {  	_ =	shalt  }
0x7a: {  	_ =	shalt  }
0x7b: {  	_ =	shalt  }
0x7c: {  	_ =	shalt  }
0x7d: {  	_ =	shalt  }
0x7e: {  	_ =	shalt  }
0x7f: {  	_ =	shalt  }
0x80: {  	_ =	shalt  }
0x81: {  	_ =	shalt  }
0x82: {  	_ =	shalt  }
0x83: {  	_ =	shalt  }
0x84: {  	_ =	shalt  }
0x85: {  	_ =	shalt  }
0x86: {  	_ =	shalt  }
0x87: {  	_ =	shalt  }
.Lfunc_end0:
.L_simem_size_0:
called_computation_lowered:
.L_overlay_start_0:
0x88: {  	s2 =	sld [smem:$0x3FD9]  }
0x89: {  	s3 =	sld [smem:$0x3FFE];
	_ =	sdelay $0x1  }
0x8a: {  	s1 =	srdreg.scid  }
0x8b: {  	s0 =	sand.u32 $0x1, s1  }
0x8c: {  	s17 =	sshll.u32 s0, $0xA;
	s2 =	sadd.s32 s3, s2  }
0x8d: {  	s2 =	sadd.s32 s2, s17  }
0x8e: {  	[smem:$0x3FC0] =	sst s2  }
0x8f: {  	_ = 	snop  }
0x90: {  	s2 =	sld [smem:$0x3FD0];
	(tm) =	ssettm $0x1  }
0x91: {  	s18 =	sld [smem:$0x3FFB];
	_ =	sdelay $0x3  }
0x92: {  	_ =	strace s18  }
0x93: {  	s3 =	sld [smem:$0x3FFC];
	_ =	sdelay $0x3  }
0x94: {  	_ =	strace s3  }
0x95: {  	s3 =	sld [smem:$0x3FFD];
	_ =	sdelay $0x3  }
0x96: {  	_ =	strace s3  }
0x97: {  	_ =	strace $0x8FFFFFFF  }
0x98: {  	s19 =	sld [smem:$0x3FDB];
	_ =	sdelay $0x1  }
0x99: {  	s4 =	simm.s32 $_scs_section_size  }
0x9a: {  	s5 =	simm.s32 $_size__tile_overlayer_lowered;
	s6 =	simm.s32 $_tile_overlayer_lowered  }
0x9b: {  	s22 =	simm.s32 $0x1BFF;
	s21 =	sshll.u32 s6, $0x1;
	s3 =	sadd.s32 s4, s19  }
0x9c: {  	s7 =	simm.s32 $0x0;
	s20 =	sshll.u32 s5, $0x1;
	s5 =	sadd.s32 s21, s3  }
0x9d: {  	[timem:s7], [sflag:s22] =	dma.local [hbm:s5], s20  }
0x9e: {  	_ =	swait.ge [sflag:s22], s20  }
0x9f: {  	s4 =	ssub.s32 $0x0, s20;
	[sflag:s22] =	ssyncset.done $0x0  }
0xa0: {  	[sflag:s22] =	ssyncadd.s32 s4;
	_ =	sdelay $0x1  }
0xa1: {  	s23 =	simm.s32 $0x1B8B  }
0xa2: {  	_ =	swait.ge [sflag:s23], $0x1  }
0xa3: {  	[sflag:s23] =	ssyncset.done $0x0  }
0xa4: {  	s25 =	simm.s32 $0x1B8E;
	s24 =	sld [smem:$0x3FFE];
	[sflag:s23] =	ssyncadd.s32 $0xFFFFFFFF  }
0xa5: {  	s26 =	simm.s32 $execute0_lowered;
	[smem:$0x3FD2] =	sst s25  }
0xa6: {  	s5 =	sshll.u32 s26, $0x1;
	_ =	strace $0x80000046;
	[dreg:$0x1] =	wrdreg $0xFFFFFFFF  }
0xa7: {  	s28 =	simm.s32 $_size_execute0_lowered;
	s3 =	sadd.s32 s3, s5;
	[dreg:$0x0] =	wrdreg $0x0  }
0xa8: {  	s5 =	sshll.u32 s28, $0x1;
	[dreg:$0x2] =	wrdreg s3  }
0xa9: {  	[dreg:$0x3] =	wrdreg s5  }
0xaa: {  	[dreg:$0x4] =	wrdreg $0xC0  }
0xab: {  	_ =	task [dreg:s7], $0x5FFFF  }
0xac: {  	[dreg:$0x1] =	wrdreg $0xFFFFFFFF  }
0xad: {  	[dreg:$0x0] =	wrdreg $0x60  }
0xae: {  	[dreg:$0x2] =	wrdreg s24  }
0xaf: {  	[dreg:$0x3] =	wrdreg s2  }
0xb0: {  	[dreg:$0x4] =	wrdreg $0x9  }
0xb1: {  	_ =	task.clear_ibuf [dreg:s7], $0x5FFFF;
	_ =	strace $0x90000046  }
0xb2: {  	s29 =	simm.s32 $0x9;
	_ =	strace $0x80000048  }
0xb3: {  	_ =	swait.ge [sflag:s29], $0x1  }
0xb4: {  	[sflag:s29] =	ssyncadd.s32 $0xFFFFFFFF  }
0xb5: {  	_ =	strace $0x90000048  }
0xb6: {  	_ =	sfence  }
0xb7: {  	s30 =	sld [smem:$0x0];
	_ =	sdelay $0x2  }
0xb8: {  	s31 =	sshll.u32 s1, $0xD;
	s1 =	sshrl.u32 s1, $0x2  }
0xb9: {  	s3 =	sand.u32 $0x4000, s31;
	s1 =	sadd.s32 s1, s30  }
0xba: {  	s0 =	sor.u32 s3, s0;
	s1 =	sshll.u32 s1, $0x11  }
0xbb: {  	s0 =	sor.u32 s1, s0  }
0xbc: {  	s0 =	sadd.s32 $0x8F2B, s0  }
0xbd: {  	[sflag:s0] =	ssyncadd.remote.s32 $0x1  }
0xbe: {  	_ =	sfence.sel $0xFFFF  }
0xbf: {  	[dreg:$0x0] =	wrdreg $0xFFFFFFFF;
	(pc) =	sbr.abs _section_cstart, $3  }
0xc0: {  	[dreg:$0x1] =	wrdreg $0xFFFFFFFF  }
0xc1: {  	_ =	task.clear_ibuf [dreg:s7], $0x2FFFF;
	_ =	strace $0x9FFFFFFF  }
0xc2: {  	(tm) =	ssettm $0x7FFFFFFF  }
0xc3: {  	_ =	shalt  }
tec
execute0_lowered:
.L_overlay_start_1:
0x0: {  	(tag) =	ssettag $0x1  }
0x1: {  	s4 =	rddreg [dreg:$0x0]  }
0x2: {  	s5 =	rddreg [dreg:$0x1];
	s2 =	srdreg.scid  }
0x3: {  	s1 =	stileid.u32;
	s0 =	rddreg [dreg:$0x2]  }
0x4: {  	s9 =	simm.s32 $0x0;
	s13 =	simm.s32 $0x0;
	s3 =	sand.u32 $0x1, s2  }
.Ltmp0:
0x5: {  	s6 =	sshll.u32 s1, $0x1;
	s2 =	simm.s32 $0x0;
	(pc) =	sbr.rel .LBB2_1-.Ltmp0, $4  }
0x6: {  	s4 =	sadd.s32 $0x3000, s4;
	s7 =	ssub.s32 $0x2, s3;
	s3 =	sor.u32 s3, s6  }
0x7: {  	[smem:$0x7FF] =	sst s2;
	s31 =	sshrl.u32 s7, $0x1;
	s8 =	smul.u32 $0x1D58, s3  }
0x8: {  	_ =	strace $0x80000047;
	s6 =	ssub.s32 s7, s31;
	s7 =	simm.s32 $0xEAC0  }
0x9: {  	v0 =	vimm.f32 $0.0e+00;
	v1 =	vimm.f32 $1.000000000e+00;
	s5 =	sadd.s32 s5, s8;
	s6 =	smax.u32 s6, $0x1;
	s8 =	simm.s32 $0x1  }
.LBB2_9:
0xa: {  	s9 =	sadd.s32 $0x1, s9  }
0xb: {  	p0 =	sne.s32 s9, s6  }
.Ltmp1:
0xc: {  	_ = 	snop;
	(pc) =	sbr.rel @!p0 .LBB2_10-.Ltmp1, $4  }
0xd: {  	[hbm4b:s5+s2] =	stream.linear.scatter [tilespmem:s2], [sflag:$0x1], $0xEAC0, $0x38;
	[tilespmem:$0xED40] =	vst v63  }
0xe: {  	_ =	swait.ge [sflag:s8], $0xEAC0  }
0xf: {  	[sflag:s8] =	ssyncset.done $0x0  }
0x10: {  	[sflag:s8] =	ssyncadd.s32 $0xFFFF1540  }
.LBB2_1:
0x11: {  	s10 =	simm.s32 $0x0  }
.LBB2_2:
0x12: {  	p0 =	sne.s32 s10, $0x3AAC0  }
.Ltmp2:
0x13: {  	_ = 	snop;
	(pc) =	sbr.rel @p0 .LBB2_2-.Ltmp2, $3  }
0x14: {  	_ =	sdelay $0x1  }
0x15: {  	s11 =	sshra.s32 s10, $0x2  }
0x16: {  	s10 =	sadd.s32 $0x40, s10;
	[tilespmem:s11+$0x0] =	vst v0  }
.Ltmp3:
0x17: {  	(pc) =	sbr.rel .LBB2_4-.Ltmp3, $2  }
0x18: {  	_ =	sdelay $0x2  }
0x19: {  	s10 =	simm.s32 $0x0  }
.LBB2_8:
0x1a: {  	s10 =	sadd.s32 $0x1, s10  }
0x1b: {  	p0 =	sne.s32 s10, $0x2F  }
.Ltmp4:
0x1c: {  	_ = 	snop;
	(pc) =	sbr.rel @!p0 .LBB2_9-.Ltmp4, $1  }
0x1d: {  	_ =	sdelay $0x3  }
.LBB2_4:
0x1e: {  	s11 =	sshll.u32 s10, $0x5  }
0x1f: {  	s11 =	sor.u32 s3, s11  }
0x20: {  	p0 =	sgt.u32 s11, $0x5DB  }
.Ltmp5:
0x21: {  	_ = 	snop;
	(pc) =	sbr.rel @p0 .LBB2_8-.Ltmp5, $1  }
0x22: {  	_ =	sdelay $0x3  }
0x23: {  	s12 =	sand.u32 $0xFFFE, s11;
	s30 =	smul.u32 $0x50, s11  }
0x24: {  	s12 =	sshrl.u32 s12, $0x1  }
0x25: {  	s12 =	smul.u32 $0x8313, s12;
	s11 =	sadd.s32 s4, s30  }
0x26: {  	[tilespmem:s7], [sflag:$0x1] =	stream.linear.gather [hbm4b:s11+s13], $0x280, $0x38;
	[tilespmem:$0xED40] =	vst v63  }
0x27: {  	s12 =	sshrl.u32 s12, $0x16  }
0x28: {  	_ =	swait.ge [sflag:s8], $0x280;
	s31 =	smul.u32 $0x2720, s12  }
0x29: {  	[sflag:s8] =	ssyncset.done $0x0  }
0x2a: {  	s11 =	simm.s32 $0x40;
	s12 =	simm.s32 $0x0;
	[sflag:s8] =	ssyncadd.s32 $0xFFFFFD80;
	v2 =	vmov s31  }
.LBB2_6:
0x2b: {  	p0 =	sne.s32 s11, $0x9C0;
	v3 =	vld [tilespmem:s12+$0xEAC0];
	_ =	sdelay $0x4  }
0x2c: {  	v3 =	vadd.s32 v2, v3  }
.Ltmp6:
0x2d: {  	(pc) =	sbr.rel @p0 .LBB2_6-.Ltmp6, $2  }
0x2e: {  	_ =	sdelay $0x2  }
0x2f: {  	s12 =	sshra.s32 s11, $0x2;
	s11 =	sadd.s32 $0x40, s11;
	[tilespmem:v3+s2+$0x0] =	vst.idx.add.f32.msk $0xffff, v1  }
0x30: {  	v3 =	vld [tilespmem:s12+$0xEAC0];
	_ =	sdelay $0x4  }
0x31: {  	v2 =	vadd.s32 v2, v3  }
.Ltmp7:
0x32: {  	_ = 	snop;
	(pc) =	sbr.rel .LBB2_8-.Ltmp7, $2  }
0x33: {  	_ =	sdelay $0x2  }
0x34: {  	[tilespmem:v2+s2+$0x0] =	vst.idx.add.f32.msk $0xffff, v1  }
.LBB2_10:
0x35: {  	_ =	sfence.sel $0x180000  }
0x36: {  	[bflag:$0x0] =	sbarrier.arrive $0xFFFF  }
0x37: {  	p0 =	sne.s32 s1, $0x0;
	_ =	strace $0x90000047  }
0x38: {  	s0 =	sadd.s32 @!p0 $0x100000, s0;
	[bflag:$0x2] =	sbarrier.arrive $0xFFFF  }
0x39: {  	[sflag:s0] =	ssyncadd.tile.s32 @!p0 $0x1;
	_ =	shalt  }
.Lfunc_end2:
_tile_overlayer_lowered:
.L_overlay_start_2:
0x3a: {  	(tag) =	ssettag $0x2  }
0x3b: {  	s0 =	rddreg [dreg:$0x0];
	s2 =	stileid.u32  }
0x3c: {  	s1 =	rddreg [dreg:$0x1];
	p0 =	sne.s32 s2, $0x0  }
0x3d: {  	s3 =	rddreg [dreg:$0x2];
	[bflag:$0x3] =	sbarrier.arrive $0xFFFF;
	s2 =	simm.s32 @!p0 $0x1C01  }
0x3e: {  	[timem:s3], [sflag:s2] =	dma.local @!p0 [hbm:s0], s1  }
0x3f: {  	s0 =	simm.s32 @!p0 $0x1  }
0x40: {  	_ =	swait.ge @!p0 [sflag:s0], s1  }
0x41: {  	s1 =	ssub.s32 @!p0 $0x0, s1;
	[sflag:s0] =	ssyncset.done @!p0 $0x0  }
0x42: {  	[sflag:s0] =	ssyncadd.s32 @!p0 s1  }
0x43: {  	[bflag:$0x3] =	sbarrier.arrive $0xFFFF  }
0x44: {  	_ =	shalt  }

</sc_bundles>
